<compile_context>
chip_gen: v7x
topology: tpu7x:2x2x1
jax: 0.10.2.dev20260603
libtpu: 0.0.44.dev20260713+nightly
codegen_flags: <defaults>
</compile_context>

<pallas_src>
import functools

import jax
import jax.numpy as jnp
from jax import lax
from jax.experimental import pallas as pl
from jax.experimental.pallas import tpu as pltpu
from jax.experimental.pallas import tpu_sc as plsc

N = 50000
F = 50000
K = 16
D_IN = 128
D = 64
NE = 4

NW = 32
FP = 51200
RPAIR = FP // 16
RF = 2240
RS = RPAIR - RF
FAST_C = 1
CROWS = 32
CH = CROWS * K
CPF = RF // CROWS
CPS = RS // CROWS
IDXW = 128
DROW = 64
GRP = CH // IDXW
SB = 320
FBROWS = RF * K // IDXW

BLK = 2000
GRID = F // BLK


def _k1_body(node_ref, hop_ref,
             wnm_ref, bnm_ref, wfm_ref, bfm_ref, wff_ref, bff_ref, wcat_ref,
             t_ref, nff0_ref):
    nnode = jnp.maximum(
        jnp.dot(node_ref[...], wnm_ref[...],
                preferred_element_type=jnp.float32) + bnm_ref[...], 0.0)
    t_ref[...] = jnp.dot(nnode, wcat_ref[...],
                         preferred_element_type=jnp.float32
                         ).astype(jnp.bfloat16)
    nhop = jnp.maximum(
        jnp.dot(hop_ref[...], wfm_ref[...],
                preferred_element_type=jnp.float32) + bfm_ref[...], 0.0)
    nff0_ref[...] = jnp.dot(nhop, wff_ref[...],
                            preferred_element_type=jnp.float32) + bff_ref[...]


def _k1(node, hop, W_nm, b_nm, W_fm, b_fm, W_f2f, b_f2f, Wcat):
    full = lambda arr: pl.BlockSpec(arr.shape, lambda i: (0, 0))
    return pl.pallas_call(
        _k1_body,
        grid=(GRID,),
        in_specs=[
            pl.BlockSpec((BLK, D_IN), lambda i: (i, 0)),
            pl.BlockSpec((BLK, D_IN), lambda i: (i, 0)),
            full(W_nm), full(b_nm), full(W_fm), full(b_fm),
            full(W_f2f), full(b_f2f), full(Wcat),
        ],
        out_specs=[
            pl.BlockSpec((BLK, NE * D), lambda i: (i, 0)),
            pl.BlockSpec((BLK, D), lambda i: (i, 0)),
        ],
        out_shape=[
            jax.ShapeDtypeStruct((N, NE * D), jnp.bfloat16),
            jax.ShapeDtypeStruct((F, D), jnp.float32),
        ],
    )(node, hop, W_nm, b_nm, W_fm, b_fm, W_f2f, b_f2f, Wcat)


def _sc_gather_mean(table, nn_idx, etype):
    mesh = plsc.VectorSubcoreMesh(core_axis_name="c", subcore_axis_name="s")

    @functools.partial(
        pl.kernel, mesh=mesh,
        out_type=jax.ShapeDtypeStruct((FP, D), jnp.float32),
        compiler_params=pltpu.CompilerParams(use_tc_tiling_on_sc=False,
                                             needs_layout_passes=False),
        scratch_types=[
            pltpu.VMEM((SB, K), jnp.int32),
            pltpu.VMEM((SB, K), jnp.int32),
            pltpu.VMEM((FBROWS, IDXW), jnp.int32),
            pltpu.VMEM((2, CH, DROW), jnp.bfloat16),
            pltpu.VMEM((2, CROWS, D), jnp.float32),
            pltpu.SemaphoreType.DMA,
            pltpu.SemaphoreType.DMA,
            pltpu.SemaphoreType.DMA,
            pltpu.SemaphoreType.DMA,
        ],
    )
    def k(table_hbm, nn_idx_hbm, et_hbm, out_hbm, idx_st, et_st, fidx_v,
          rows_v, acc_v, sg0, sg1, sw0, sw1):
        cax = lax.axis_index("c")
        s = lax.axis_index("s")
        is_fast = cax == FAST_C
        row0 = s * RPAIR + jnp.where(is_fast, 0, RF)
        nch = jnp.where(is_fast, CPF, CPS)

        def build(nrows):
            for b in range(nrows // SB):
                base = b * SB
                cb = jnp.clip(row0 + base, 0, F - SB)
                shift = row0 + base - cb
                pltpu.sync_copy(nn_idx_hbm.at[pl.ds(cb, SB)], idx_st)
                pltpu.sync_copy(et_hbm.at[pl.ds(cb, SB)], et_st)

                def fuse(r, _):
                    ri = jnp.minimum(r + shift, SB - 1)
                    f = idx_st[ri] * NE + et_st[ri]
                    f = jnp.where(row0 + base + r < F, f, 0)
                    rr = base + r
                    fidx_v[rr // 8, pl.ds((rr % 8) * K, K)] = f
                    return 0

                lax.fori_loop(0, SB, fuse, 0, unroll=False)

        @pl.when(is_fast)
        def _():
            build(RF)

        @pl.when(jnp.logical_not(is_fast))
        def _():
            build(RS)

        sgs = (sg0, sg1)
        sws = (sw0, sw1)

        def fire(c, slot):
            for g in range(GRP):
                pltpu.async_copy(
                    table_hbm.at[fidx_v.at[c * GRP + g]],
                    rows_v.at[slot].at[pl.ds(g * IDXW, IDXW)], sgs[slot])

        def drain(slot):
            for g in range(GRP):
                pltpu.make_async_copy(
                    table_hbm.at[fidx_v.at[0]],
                    rows_v.at[slot].at[pl.ds(g * IDXW, IDXW)],
                    sgs[slot]).wait()

        def wait_wb(slot):
            pltpu.make_async_copy(
                acc_v.at[slot], out_hbm.at[pl.ds(row0, CROWS)],
                sws[slot]).wait()

        def reduce_fire(c, slot):
            buf = rows_v.at[slot]

            def row(r, _):
                for half in range(2):
                    v0 = buf[r * K, pl.ds(half * 32, 32)]
                    a, b = plsc.unpack(v0,
                                       format=plsc.PackFormat.INTERLEAVED)
                    for kk in range(1, K):
                        vk = buf[r * K + kk, pl.ds(half * 32, 32)]
                        ak, bk = plsc.unpack(vk,
                                             format=plsc.PackFormat.INTERLEAVED)
                        a = a + ak
                        b = b + bk
                    acc_v[slot, r, pl.ds(half * 32, 16)] = a * (1.0 / K)
                    acc_v[slot, r, pl.ds(half * 32 + 16, 16)] = b * (1.0 / K)
                return 0

            lax.fori_loop(0, CROWS, row, 0, unroll=False)
            pltpu.async_copy(acc_v.at[slot],
                             out_hbm.at[pl.ds(row0 + c * CROWS, CROWS)],
                             sws[slot])

        fire(0, 0)
        fire(1, 1)

        def body(c2, _):
            c = c2 * 2
            for slot in range(2):
                drain(slot)

                @pl.when(c2 > 0)
                def _():
                    wait_wb(slot)

                reduce_fire(c + slot, slot)

                @pl.when(c + slot + 2 < nch)
                def _():
                    fire(c + slot + 2, slot)
            return 0

        lax.fori_loop(0, nch // 2, body, 0, unroll=False)
        wait_wb(0)
        wait_wb(1)

    return k(table, nn_idx, etype)


def _k3_body(agg_ref, nff0_ref, w1_ref, b1_ref, w2_ref, b2_ref,
             nff_ref, s1_ref, s2_ref):
    agg = agg_ref[...]
    h = jnp.maximum(jnp.dot(agg, w1_ref[...],
                            preferred_element_type=jnp.float32) + b1_ref[...],
                    0.0)
    nf = agg + jnp.dot(h, w2_ref[...],
                       preferred_element_type=jnp.float32) + b2_ref[...]
    nff = nff0_ref[...] + nf
    nff_ref[...] = nff
    s1c = jnp.sum(nff, axis=0, keepdims=True)
    s2c = lax.dot_general(nff, nff, (((0,), (0,)), ((), ())),
                          preferred_element_type=jnp.float32)
    i = pl.program_id(0)

    @pl.when(i == 0)
    def _():
        s1_ref[...] = s1c
        s2_ref[...] = s2c

    @pl.when(i > 0)
    def _():
        s1_ref[...] += s1c
        s2_ref[...] += s2c


def _k3(agg_pad, nff0, W1, b1, W2, b2):
    full = lambda arr: pl.BlockSpec(arr.shape, lambda i: (0, 0))
    return pl.pallas_call(
        _k3_body,
        grid=(GRID,),
        in_specs=[
            pl.BlockSpec((BLK, D), lambda i: (i, 0)),
            pl.BlockSpec((BLK, D), lambda i: (i, 0)),
            full(W1), full(b1), full(W2), full(b2),
        ],
        out_specs=[
            pl.BlockSpec((BLK, D), lambda i: (i, 0)),
            pl.BlockSpec((1, D), lambda i: (0, 0)),
            pl.BlockSpec((D, D), lambda i: (0, 0)),
        ],
        out_shape=[
            jax.ShapeDtypeStruct((F, D), jnp.float32),
            jax.ShapeDtypeStruct((1, D), jnp.float32),
            jax.ShapeDtypeStruct((D, D), jnp.float32),
        ],
    )(agg_pad, nff0, W1, b1, W2, b2)


def _k4_body(nff_ref, s1_ref, s2_ref, wc1_ref, bc1_ref, wc2_ref, bc2_ref,
             out_ref):
    wc1 = wc1_ref[...]
    m = s1_ref[...] * (1.0 / F)
    q = jnp.dot(m, wc1, preferred_element_type=jnp.float32)
    mu = q + bc1_ref[...]
    m2w = jnp.dot(s2_ref[...] * (1.0 / F), wc1,
                  preferred_element_type=jnp.float32)
    ex2 = jnp.sum(wc1 * m2w, axis=0, keepdims=True)
    var = ex2 - q * q
    a = lax.rsqrt(var + 1e-5)
    h = jnp.dot(nff_ref[...], wc1,
                preferred_element_type=jnp.float32) + bc1_ref[...]
    hn = jnp.maximum((h - mu) * a, 0.0)
    out_ref[...] = (jnp.dot(hn, wc2_ref[...],
                            preferred_element_type=jnp.float32)
                    + bc2_ref[0, 0])


def _k4(nff, s1, s2, Wc1, bc1, Wc2p, bc2r):
    full = lambda arr: pl.BlockSpec(arr.shape, lambda i: (0, 0))
    return pl.pallas_call(
        _k4_body,
        grid=(GRID,),
        in_specs=[
            pl.BlockSpec((BLK, D), lambda i: (i, 0)),
            full(s1), full(s2), full(Wc1), full(bc1), full(Wc2p),
            pl.BlockSpec(memory_space=pltpu.SMEM),
        ],
        out_specs=pl.BlockSpec((BLK, 1), lambda i: (i, 0)),
        out_shape=jax.ShapeDtypeStruct((F, 1), jnp.float32),
    )(nff, s1, s2, Wc1, bc1, Wc2p, bc2r)


def kernel(node_feature, hop_features_0, nn_idx_f2v_0, nn_idx_v2f_0,
           etype_f2v_0, etype_v2f_0,
           W_nm, b_nm, W_fm, b_fm, W_v2v, b_v2v, W_f2f, b_f2f,
           We_f2v, W1_f2v, b1_f2v, W2_f2v, b2_f2v,
           We_v2f, W1_v2f, b1_v2f, W2_v2f, b2_v2f,
           Wc1, bc1, Wc2, bc2):
    p = [0] * D
    for h in range(2):
        for i in range(16):
            p[32 * h + 2 * i] = 32 * h + i
            p[32 * h + 2 * i + 1] = 32 * h + 16 + i
    perm = jnp.asarray([64 * e + p[j] for e in range(NE) for j in range(D)])
    Wcat = jnp.transpose(We_v2f, (1, 0, 2)).reshape(D, NE * D)[:, perm]

    t2, nff0 = _k1(
        node_feature, hop_features_0,
        W_nm, b_nm.reshape(1, D), W_fm, b_fm.reshape(1, D),
        W_f2f, b_f2f.reshape(1, D), Wcat)

    agg = _sc_gather_mean(t2.reshape(NE * N, D),
                          nn_idx_v2f_0.astype(jnp.int32),
                          etype_v2f_0.astype(jnp.int32))

    nff, s1, s2 = _k3(agg, nff0, W1_v2f, b1_v2f.reshape(1, D),
                      W2_v2f, b2_v2f.reshape(1, D))

    return _k4(nff, s1, s2, Wc1, bc1.reshape(1, 128),
               Wc2, bc2.reshape(1, 1))

# --- scband reference (transcript-rebuilt; emitter-appended) ---
"""Pipeline reference for scband-factor-nn-16561393893933 (READ-ONLY COPY).

The authoritative reference and input builder live on the scoring server;
editing this copy changes nothing except your own understanding.
"""

import jax, jax.numpy as jnp
import numpy as np

N = 50000   # variable nodes
F = 50000   # factor nodes
K = 16      # neighbors per destination (avg_degree)
D_IN = 128  # raw feature dim
D = 64      # mapped dim (dim_mapping_list)
NE = 4      # number of edge types (netype)


def _mp_conv_residual(x_src, nn_idx, etype, We, W1, b1, W2, b2):
    # gather source features per destination neighbor list: [Nd, K, D]
    g = jnp.take(x_src, nn_idx, axis=0)
    # per-edge-type linear transform, selected by etype
    msg = jnp.zeros(g.shape[:2] + (We.shape[2],), dtype=g.dtype)
    for e in range(We.shape[0]):
        msg = msg + jnp.where((etype == e)[..., None], g @ We[e], 0.0)
    agg = jnp.mean(msg, axis=1)  # [Nd, D]
    h = jax.nn.relu(agg @ W1 + b1)
    return agg + h @ W2 + b2  # residual


def _instance_norm(x, eps=1e-5):
    mu = jnp.mean(x, axis=0, keepdims=True)
    var = jnp.var(x, axis=0, keepdims=True)
    return (x - mu) / jnp.sqrt(var + eps)


def setup_inputs(seed: int = 0) -> dict:
    key = jax.random.key(seed)
    ks = jax.random.split(key, 32)
    s = 0.05
    inp = {}
    inp['node_feature'] = jax.random.normal(ks[0], (N, D_IN), jnp.float32)
    inp['hop_features_0'] = jax.random.normal(ks[1], (F, D_IN), jnp.float32)
    inp['nn_idx_f2v_0'] = jax.random.randint(ks[2], (N, K), 0, F)
    inp['nn_idx_v2f_0'] = jax.random.randint(ks[3], (F, K), 0, N)
    inp['etype_f2v_0'] = jax.random.randint(ks[4], (N, K), 0, NE)
    inp['etype_v2f_0'] = jax.random.randint(ks[5], (F, K), 0, NE)
    # iid_mapping (node / factor input projections)
    inp['W_nm'] = jax.random.normal(ks[6], (D_IN, D), jnp.float32) * s
    inp['b_nm'] = jnp.zeros((D,), jnp.float32)
    inp['W_fm'] = jax.random.normal(ks[7], (D_IN, D), jnp.float32) * s
    inp['b_fm'] = jnp.zeros((D,), jnp.float32)
    # v2v / f2f iid_mapping_in layers
    inp['W_v2v'] = jax.random.normal(ks[8], (D, D), jnp.float32) * s
    inp['b_v2v'] = jnp.zeros((D,), jnp.float32)
    inp['W_f2f'] = jax.random.normal(ks[9], (D, D), jnp.float32) * s
    inp['b_f2f'] = jnp.zeros((D,), jnp.float32)
    # mp_conv_residual f2v (per-etype weights + residual MLP, hidden=gnn_immediate_dim=64)
    inp['We_f2v'] = jax.random.normal(ks[10], (NE, D, D), jnp.float32) * s
    inp['W1_f2v'] = jax.random.normal(ks[11], (D, D), jnp.float32) * s
    inp['b1_f2v'] = jnp.zeros((D,), jnp.float32)
    inp['W2_f2v'] = jax.random.normal(ks[12], (D, D), jnp.float32) * s
    inp['b2_f2v'] = jnp.zeros((D,), jnp.float32)
    # mp_conv_residual v2f
    inp['We_v2f'] = jax.random.normal(ks[13], (NE, D, D), jnp.float32) * s
    inp['W1_v2f'] = jax.random.normal(ks[14], (D, D), jnp.float32) * s
    inp['b1_v2f'] = jnp.zeros((D,), jnp.float32)
    inp['W2_v2f'] = jax.random.normal(ks[15], (D, D), jnp.float32) * s
    inp['b2_v2f'] = jnp.zeros((D,), jnp.float32)
    # final classifier: Conv2d(64,128,1) -> InstanceNorm -> ReLU -> Conv2d(128,1,1)
    inp['Wc1'] = jax.random.normal(ks[16], (D, 128), jnp.float32) * s
    inp['bc1'] = jnp.zeros((128,), jnp.float32)
    inp['Wc2'] = jax.random.normal(ks[17], (128, 1), jnp.float32) * s
    inp['bc2'] = jnp.zeros((1,), jnp.float32)
    return inp


def reference(node_feature, hop_features_0, nn_idx_f2v_0, nn_idx_v2f_0,
              etype_f2v_0, etype_v2f_0,
              W_nm, b_nm, W_fm, b_fm, W_v2v, b_v2v, W_f2f, b_f2f,
              We_f2v, W1_f2v, b1_f2v, W2_f2v, b2_f2v,
              We_v2f, W1_v2f, b1_v2f, W2_v2f, b2_v2f,
              Wc1, bc1, Wc2, bc2):
    # input projections (iid_mapping = 1x1 conv + relu)
    nnode = jax.nn.relu(node_feature @ W_nm + b_nm)
    nhop = jax.nn.relu(hop_features_0 @ W_fm + b_fm)
    # single message-passing layer (dim_mapping_list=[64,64])
    nfeature = nnode @ W_v2v + b_v2v
    nff = nhop @ W_f2f + b_f2f
    nv = _mp_conv_residual(nhop, nn_idx_f2v_0, etype_f2v_0,
                           We_f2v, W1_f2v, b1_f2v, W2_f2v, b2_f2v)
    nfeature = nfeature + nv
    nf = _mp_conv_residual(nnode, nn_idx_v2f_0, etype_v2f_0,
                           We_v2f, W1_v2f, b1_v2f, W2_v2f, b2_v2f)
    nff = nff + nf
    # final classifier on factor features
    h = nff @ Wc1 + bc1
    h = jax.nn.relu(_instance_norm(h))
    out = h @ Wc2 + bc2
    return out

if __name__ == "__main__":
    import jax
    _d = setup_inputs()
    print(jax.jit(kernel)(*tuple(_d.values())))

</pallas_src>

<mosaic_0001>
#map = affine_map<(d0, d1) -> (0, 0)>
module attributes {stable_mosaic.version = 14 : i64} {
  func.func @k(%arg0: i32, %arg1: i32, %arg2: memref<200000x64xbf16, #tpu.memory_space<hbm>>, %arg3: memref<50000x16xi32, #tpu.memory_space<hbm>>, %arg4: memref<50000x16xi32, #tpu.memory_space<hbm>>, %arg5: memref<51200x64xf32, #tpu.memory_space<hbm>>, %arg6: memref<320x16xi32, #tpu.memory_space<vmem>>, %arg7: memref<320x16xi32, #tpu.memory_space<vmem>>, %arg8: memref<280x128xi32, #tpu.memory_space<vmem>>, %arg9: memref<2x512x64xbf16, #tpu.memory_space<vmem>>, %arg10: memref<2x32x64xf32, #tpu.memory_space<vmem>>, %arg11: memref<!tpu.dma_semaphore, #tpu.memory_space<semaphore_mem>>, %arg12: memref<!tpu.dma_semaphore, #tpu.memory_space<semaphore_mem>>, %arg13: memref<!tpu.dma_semaphore, #tpu.memory_space<semaphore_mem>>, %arg14: memref<!tpu.dma_semaphore, #tpu.memory_space<semaphore_mem>>) attributes {dimension_semantics = [#tpu.dimension_semantics<core_parallel>, #tpu.dimension_semantics<subcore_parallel>], iteration_bounds = array<i64: 2, 16>, scalar_prefetch = 0 : i64, scratch_operands = 9 : i64, tpu.core_type = #tpu.core_type<sc_vector_subcore>, window_params = [{transform_indices = #map}, {transform_indices = #map}, {transform_indices = #map}, {transform_indices = #map}]} {
    %eq3A = arith.constant 1 : i32
    %eq3A_0 = arith.cmpi eq, %arg0, %eq3A : i32
    %mul3A = arith.constant 3200 : i32
    %mul3A_1 = arith.muli %arg1, %mul3A : i32
    %jit3A = arith.constant 0 : i32
    %jit3A_2 = arith.constant 2240 : i32
    %select_n3A = arith.select %eq3A_0, %jit3A, %jit3A_2 : i32
    %add3A = arith.addi %mul3A_1, %select_n3A : i32
    %jit3A_3 = arith.constant 70 : i32
    %jit3A_4 = arith.constant 30 : i32
    %select_n3A_5 = arith.select %eq3A_0, %jit3A_3, %jit3A_4 : i32
    %convert_element_type3A = arith.extui %eq3A_0 : i1 to i32
    %cond3A = arith.constant 0 : i32
    %cond3A_6 = arith.cmpi ne, %convert_element_type3A, %cond3A : i32
    scf.if %cond3A_6 {
      %add3A_184 = arith.constant 0 : i32
      %add3A_185 = arith.addi %add3A, %add3A_184 : i32
      %jit3A_186 = arith.constant 0 : i32
      %jit3A_187 = arith.constant 49680 : i32
      %max3A = arith.maxsi %jit3A_186, %add3A_185 : i32
      %min3A = arith.minsi %jit3A_187, %max3A : i32
      %add3A_188 = arith.constant 0 : i32
      %add3A_189 = arith.addi %add3A, %add3A_188 : i32
      %sub3A_190 = arith.subi %add3A_189, %min3A : i32
      "tpu.region"() ({
        %run_scoped3A = tpu.sem_alloc : memref<!tpu.dma_semaphore, #tpu.memory_space<semaphore_mem>>
        %dma_start3A_293 = arith.constant 0 : i32
        %dma_start3A_294 = tpu.memref_slice %arg3[%min3A, %dma_start3A_293] : memref<50000x16xi32, #tpu.memory_space<hbm>> -> memref<320x16xi32, #tpu.memory_space<hbm>>
        %dma_start3A_295 = arith.constant 0 : i32
        %dma_start3A_296 = tpu.memref_slice %arg3[%min3A, %dma_start3A_295] : memref<50000x16xi32, #tpu.memory_space<hbm>> -> memref<320x16xi32, #tpu.memory_space<hbm>>
        tpu.enqueue_dma source(%dma_start3A_296 : memref<320x16xi32, #tpu.memory_space<hbm>>) target(%arg6 : memref<320x16xi32, #tpu.memory_space<vmem>>) target_semaphore(%run_scoped3A : memref<!tpu.dma_semaphore, #tpu.memory_space<semaphore_mem>>)
        %dma_wait3A_297 = arith.constant 0 : i32
        %dma_wait3A_298 = tpu.memref_slice %arg3[%min3A, %dma_wait3A_297] : memref<50000x16xi32, #tpu.memory_space<hbm>> -> memref<320x16xi32, #tpu.memory_space<hbm>>
        %dma_wait3A_299 = arith.constant 0 : i32
        %dma_wait3A_300 = tpu.memref_slice %arg3[%min3A, %dma_wait3A_299] : memref<50000x16xi32, #tpu.memory_space<hbm>> -> memref<320x16xi32, #tpu.memory_space<hbm>>
        tpu.wait_dma2 semaphore(%run_scoped3A : memref<!tpu.dma_semaphore, #tpu.memory_space<semaphore_mem>>) src(%dma_wait3A_300 : memref<320x16xi32, #tpu.memory_space<hbm>>) dst(%arg6 : memref<320x16xi32, #tpu.memory_space<vmem>>)
        tpu.yield
      }) : () -> ()
      "tpu.region"() ({
        %run_scoped3A = tpu.sem_alloc : memref<!tpu.dma_semaphore, #tpu.memory_space<semaphore_mem>>
        %dma_start3A_293 = arith.constant 0 : i32
        %dma_start3A_294 = tpu.memref_slice %arg4[%min3A, %dma_start3A_293] : memref<50000x16xi32, #tpu.memory_space<hbm>> -> memref<320x16xi32, #tpu.memory_space<hbm>>
        %dma_start3A_295 = arith.constant 0 : i32
        %dma_start3A_296 = tpu.memref_slice %arg4[%min3A, %dma_start3A_295] : memref<50000x16xi32, #tpu.memory_space<hbm>> -> memref<320x16xi32, #tpu.memory_space<hbm>>
        tpu.enqueue_dma source(%dma_start3A_296 : memref<320x16xi32, #tpu.memory_space<hbm>>) target(%arg7 : memref<320x16xi32, #tpu.memory_space<vmem>>) target_semaphore(%run_scoped3A : memref<!tpu.dma_semaphore, #tpu.memory_space<semaphore_mem>>)
        %dma_wait3A_297 = arith.constant 0 : i32
        %dma_wait3A_298 = tpu.memref_slice %arg4[%min3A, %dma_wait3A_297] : memref<50000x16xi32, #tpu.memory_space<hbm>> -> memref<320x16xi32, #tpu.memory_space<hbm>>
        %dma_wait3A_299 = arith.constant 0 : i32
        %dma_wait3A_300 = tpu.memref_slice %arg4[%min3A, %dma_wait3A_299] : memref<50000x16xi32, #tpu.memory_space<hbm>> -> memref<320x16xi32, #tpu.memory_space<hbm>>
        tpu.wait_dma2 semaphore(%run_scoped3A : memref<!tpu.dma_semaphore, #tpu.memory_space<semaphore_mem>>) src(%dma_wait3A_300 : memref<320x16xi32, #tpu.memory_space<hbm>>) dst(%arg7 : memref<320x16xi32, #tpu.memory_space<vmem>>)
        tpu.yield
      }) : () -> ()
      %scan3A = arith.constant 0 : i32
      %scan3A_191 = arith.constant 0 : i32
      %scan3A_192 = arith.constant 320 : i32
      %scan3A_193 = arith.addi %scan3A_191, %scan3A_192 : i32
      %scan3A_194 = arith.constant 1 : i32
      %scan3A_195 = scf.for %scan3A_293 = %scan3A_191 to %scan3A_193 step %scan3A_194 iter_args(%scan3A_294 = %scan3A) -> (i32)  : i32 {
        %add3A_295 = arith.addi %scan3A_293, %sub3A_190 : i32
        %min3A_296 = arith.constant 319 : i32
        %min3A_297 = arith.minsi %add3A_295, %min3A_296 : i32
        %get3A = arith.index_cast %min3A_297 : i32 to index
        %get3A_298 = arith.constant 0 : index
        %get3A_299 = tpu.vector_load %arg6[%get3A, %get3A_298] {strides = array<i32>} : memref<320x16xi32, #tpu.memory_space<vmem>>, vector<16xi32>,
        %mul3A_300 = arith.constant 4 : i32
        %mul3A_301 = vector.broadcast %mul3A_300 : i32 to vector<16xi32>
        %mul3A_302 = arith.muli %get3A_299, %mul3A_301 : vector<16xi32>
        %get3A_303 = arith.index_cast %min3A_297 : i32 to index
        %get3A_304 = arith.constant 0 : index
        %get3A_305 = tpu.vector_load %arg7[%get3A_303, %get3A_304] {strides = array<i32>} : memref<320x16xi32, #tpu.memory_space<vmem>>, vector<16xi32>,
        %add3A_306 = arith.addi %mul3A_302, %get3A_305 : vector<16xi32>
        %add3A_307 = arith.constant 0 : i32
        %add3A_308 = arith.addi %add3A, %add3A_307 : i32
        %add3A_309 = arith.addi %add3A_308, %scan3A_293 : i32
        %lt3A = arith.constant 50000 : i32
        %lt3A_310 = arith.cmpi slt, %add3A_309, %lt3A : i32
        %jit3A_311 = arith.constant 0 : i32
        %broadcast_in_dim3A = vector.broadcast %jit3A_311 : i32 to vector<16xi32>
        %select_n3A_312 = arith.select %lt3A_310, %add3A_306, %broadcast_in_dim3A : vector<16xi32>
        %add3A_313 = arith.constant 0 : i32
        %add3A_314 = arith.addi %add3A_313, %scan3A_293 : i32
        %jit3A_315 = arith.constant 8 : i32
        %div3A_316 = arith.divsi %add3A_314, %jit3A_315 : i32
        %sign3A_317 = arith.constant 0 : i32
        %sign3A_318 = arith.cmpi sgt, %add3A_314, %sign3A_317 : i32
        %sign3A_319 = arith.extui %sign3A_318 : i1 to i32
        %sign3A_320 = arith.constant 0 : i32
        %sign3A_321 = arith.cmpi slt, %add3A_314, %sign3A_320 : i32
        %sign3A_322 = arith.extui %sign3A_321 : i1 to i32
        %sign3A_323 = arith.subi %sign3A_319, %sign3A_322 : i32
        %sign3A_324 = arith.constant 0 : i32
        %sign3A_325 = arith.cmpi sgt, %jit3A_315, %sign3A_324 : i32
        %sign3A_326 = arith.extui %sign3A_325 : i1 to i32
        %sign3A_327 = arith.constant 0 : i32
        %sign3A_328 = arith.cmpi slt, %jit3A_315, %sign3A_327 : i32
        %sign3A_329 = arith.extui %sign3A_328 : i1 to i32
        %sign3A_330 = arith.subi %sign3A_326, %sign3A_329 : i32
        %ne3A_331 = arith.cmpi ne, %sign3A_323, %sign3A_330 : i32
        %rem3A_332 = arith.remsi %add3A_314, %jit3A_315 : i32
        %ne3A_333 = arith.constant 0 : i32
        %ne3A_334 = arith.cmpi ne, %rem3A_332, %ne3A_333 : i32
        %and3A_335 = arith.andi %ne3A_331, %ne3A_334 : i1
        %sub3A_336 = arith.constant 1 : i32
        %sub3A_337 = arith.subi %div3A_316, %sub3A_336 : i32
        %select_n3A_338 = arith.select %and3A_335, %sub3A_337, %div3A_316 : i32
        %jit3A_339 = arith.constant 8 : i32
        %eq3A_340 = arith.constant 0 : i32
        %eq3A_341 = arith.cmpi eq, %jit3A_339, %eq3A_340 : i32
        %jit3A_342 = arith.constant 1 : i32
        %select_n3A_343 = arith.select %eq3A_341, %jit3A_342, %jit3A_339 : i32
        %rem3A_344 = arith.remsi %add3A_314, %select_n3A_343 : i32
        %ne3A_345 = arith.constant 0 : i32
        %ne3A_346 = arith.cmpi ne, %rem3A_344, %ne3A_345 : i32
        %lt3A_347 = arith.constant 0 : i32
        %lt3A_348 = arith.cmpi slt, %rem3A_344, %lt3A_347 : i32
        %lt3A_349 = arith.constant 0 : i32
        %lt3A_350 = arith.cmpi slt, %select_n3A_343, %lt3A_349 : i32
        %ne3A_351 = arith.xori %lt3A_348, %lt3A_350 : i1
        %and3A_352 = arith.andi %ne3A_351, %ne3A_346 : i1
        %add3A_353 = arith.addi %rem3A_344, %select_n3A_343 : i32
        %select_n3A_354 = arith.select %and3A_352, %add3A_353, %rem3A_344 : i32
        %mul3A_355 = arith.constant 16 : i32
        %mul3A_356 = arith.muli %select_n3A_354, %mul3A_355 : i32
        %swap3A = arith.index_cast %select_n3A_338 : i32 to index
        %swap3A_357 = arith.index_cast %mul3A_356 : i32 to index
        %swap3A_358 = tpu.vector_load %arg8[%swap3A, %swap3A_357] {strides = array<i32>} : memref<280x128xi32, #tpu.memory_space<vmem>>, vector<16xi32>,
        tpu.vector_store %arg8[%swap3A, %swap3A_357], %select_n3A_312 {strides = array<i32>} : memref<280x128xi32, #tpu.memory_space<vmem>>, vector<16xi32>,
        %scan3A_359 = arith.constant 0 : i32
        scf.yield %scan3A_359 : i32
      }
      %scan3A_196 = arith.constant 320 : i32
      %add3A_197 = arith.constant 320 : i32
      %add3A_198 = arith.addi %add3A, %add3A_197 : i32
      %jit3A_199 = arith.constant 0 : i32
      %jit3A_200 = arith.constant 49680 : i32
      %max3A_201 = arith.maxsi %jit3A_199, %add3A_198 : i32
      %min3A_202 = arith.minsi %jit3A_200, %max3A_201 : i32
      %add3A_203 = arith.constant 320 : i32
      %add3A_204 = arith.addi %add3A, %add3A_203 : i32
      %sub3A_205 = arith.subi %add3A_204, %min3A_202 : i32
      "tpu.region"() ({
        %run_scoped3A = tpu.sem_alloc : memref<!tpu.dma_semaphore, #tpu.memory_space<semaphore_mem>>
        %dma_start3A_293 = arith.constant 0 : i32
        %dma_start3A_294 = tpu.memref_slice %arg3[%min3A_202, %dma_start3A_293] : memref<50000x16xi32, #tpu.memory_space<hbm>> -> memref<320x16xi32, #tpu.memory_space<hbm>>
        %dma_start3A_295 = arith.constant 0 : i32
        %dma_start3A_296 = tpu.memref_slice %arg3[%min3A_202, %dma_start3A_295] : memref<50000x16xi32, #tpu.memory_space<hbm>> -> memref<320x16xi32, #tpu.memory_space<hbm>>
        tpu.enqueue_dma source(%dma_start3A_296 : memref<320x16xi32, #tpu.memory_space<hbm>>) target(%arg6 : memref<320x16xi32, #tpu.memory_space<vmem>>) target_semaphore(%run_scoped3A : memref<!tpu.dma_semaphore, #tpu.memory_space<semaphore_mem>>)
        %dma_wait3A_297 = arith.constant 0 : i32
        %dma_wait3A_298 = tpu.memref_slice %arg3[%min3A_202, %dma_wait3A_297] : memref<50000x16xi32, #tpu.memory_space<hbm>> -> memref<320x16xi32, #tpu.memory_space<hbm>>
        %dma_wait3A_299 = arith.constant 0 : i32
        %dma_wait3A_300 = tpu.memref_slice %arg3[%min3A_202, %dma_wait3A_299] : memref<50000x16xi32, #tpu.memory_space<hbm>> -> memref<320x16xi32, #tpu.memory_space<hbm>>
        tpu.wait_dma2 semaphore(%run_scoped3A : memref<!tpu.dma_semaphore, #tpu.memory_space<semaphore_mem>>) src(%dma_wait3A_300 : memref<320x16xi32, #tpu.memory_space<hbm>>) dst(%arg6 : memref<320x16xi32, #tpu.memory_space<vmem>>)
        tpu.yield
      }) : () -> ()
      "tpu.region"() ({
        %run_scoped3A = tpu.sem_alloc : memref<!tpu.dma_semaphore, #tpu.memory_space<semaphore_mem>>
        %dma_start3A_293 = arith.constant 0 : i32
        %dma_start3A_294 = tpu.memref_slice %arg4[%min3A_202, %dma_start3A_293] : memref<50000x16xi32, #tpu.memory_space<hbm>> -> memref<320x16xi32, #tpu.memory_space<hbm>>
        %dma_start3A_295 = arith.constant 0 : i32
        %dma_start3A_296 = tpu.memref_slice %arg4[%min3A_202, %dma_start3A_295] : memref<50000x16xi32, #tpu.memory_space<hbm>> -> memref<320x16xi32, #tpu.memory_space<hbm>>
        tpu.enqueue_dma source(%dma_start3A_296 : memref<320x16xi32, #tpu.memory_space<hbm>>) target(%arg7 : memref<320x16xi32, #tpu.memory_space<vmem>>) target_semaphore(%run_scoped3A : memref<!tpu.dma_semaphore, #tpu.memory_space<semaphore_mem>>)
        %dma_wait3A_297 = arith.constant 0 : i32
        %dma_wait3A_298 = tpu.memref_slice %arg4[%min3A_202, %dma_wait3A_297] : memref<50000x16xi32, #tpu.memory_space<hbm>> -> memref<320x16xi32, #tpu.memory_space<hbm>>
        %dma_wait3A_299 = arith.constant 0 : i32
        %dma_wait3A_300 = tpu.memref_slice %arg4[%min3A_202, %dma_wait3A_299] : memref<50000x16xi32, #tpu.memory_space<hbm>> -> memref<320x16xi32, #tpu.memory_space<hbm>>
        tpu.wait_dma2 semaphore(%run_scoped3A : memref<!tpu.dma_semaphore, #tpu.memory_space<semaphore_mem>>) src(%dma_wait3A_300 : memref<320x16xi32, #tpu.memory_space<hbm>>) dst(%arg7 : memref<320x16xi32, #tpu.memory_space<vmem>>)
        tpu.yield
      }) : () -> ()
      %scan3A_206 = arith.constant 0 : i32
      %scan3A_207 = arith.constant 0 : i32
      %scan3A_208 = arith.constant 320 : i32
      %scan3A_209 = arith.addi %scan3A_207, %scan3A_208 : i32
      %scan3A_210 = arith.constant 1 : i32
      %scan3A_211 = scf.for %scan3A_293 = %scan3A_207 to %scan3A_209 step %scan3A_210 iter_args(%scan3A_294 = %scan3A_206) -> (i32)  : i32 {
        %add3A_295 = arith.addi %scan3A_293, %sub3A_205 : i32
        %min3A_296 = arith.constant 319 : i32
        %min3A_297 = arith.minsi %add3A_295, %min3A_296 : i32
        %get3A = arith.index_cast %min3A_297 : i32 to index
        %get3A_298 = arith.constant 0 : index
        %get3A_299 = tpu.vector_load %arg6[%get3A, %get3A_298] {strides = array<i32>} : memref<320x16xi32, #tpu.memory_space<vmem>>, vector<16xi32>,
        %mul3A_300 = arith.constant 4 : i32
        %mul3A_301 = vector.broadcast %mul3A_300 : i32 to vector<16xi32>
        %mul3A_302 = arith.muli %get3A_299, %mul3A_301 : vector<16xi32>
        %get3A_303 = arith.index_cast %min3A_297 : i32 to index
        %get3A_304 = arith.constant 0 : index
        %get3A_305 = tpu.vector_load %arg7[%get3A_303, %get3A_304] {strides = array<i32>} : memref<320x16xi32, #tpu.memory_space<vmem>>, vector<16xi32>,
        %add3A_306 = arith.addi %mul3A_302, %get3A_305 : vector<16xi32>
        %add3A_307 = arith.constant 320 : i32
        %add3A_308 = arith.addi %add3A, %add3A_307 : i32
        %add3A_309 = arith.addi %add3A_308, %scan3A_293 : i32
        %lt3A = arith.constant 50000 : i32
        %lt3A_310 = arith.cmpi slt, %add3A_309, %lt3A : i32
        %jit3A_311 = arith.constant 0 : i32
        %broadcast_in_dim3A = vector.broadcast %jit3A_311 : i32 to vector<16xi32>
        %select_n3A_312 = arith.select %lt3A_310, %add3A_306, %broadcast_in_dim3A : vector<16xi32>
        %add3A_313 = arith.constant 320 : i32
        %add3A_314 = arith.addi %add3A_313, %scan3A_293 : i32
        %jit3A_315 = arith.constant 8 : i32
        %div3A_316 = arith.divsi %add3A_314, %jit3A_315 : i32
        %sign3A_317 = arith.constant 0 : i32
        %sign3A_318 = arith.cmpi sgt, %add3A_314, %sign3A_317 : i32
        %sign3A_319 = arith.extui %sign3A_318 : i1 to i32
        %sign3A_320 = arith.constant 0 : i32
        %sign3A_321 = arith.cmpi slt, %add3A_314, %sign3A_320 : i32
        %sign3A_322 = arith.extui %sign3A_321 : i1 to i32
        %sign3A_323 = arith.subi %sign3A_319, %sign3A_322 : i32
        %sign3A_324 = arith.constant 0 : i32
        %sign3A_325 = arith.cmpi sgt, %jit3A_315, %sign3A_324 : i32
        %sign3A_326 = arith.extui %sign3A_325 : i1 to i32
        %sign3A_327 = arith.constant 0 : i32
        %sign3A_328 = arith.cmpi slt, %jit3A_315, %sign3A_327 : i32
        %sign3A_329 = arith.extui %sign3A_328 : i1 to i32
        %sign3A_330 = arith.subi %sign3A_326, %sign3A_329 : i32
        %ne3A_331 = arith.cmpi ne, %sign3A_323, %sign3A_330 : i32
        %rem3A_332 = arith.remsi %add3A_314, %jit3A_315 : i32
        %ne3A_333 = arith.constant 0 : i32
        %ne3A_334 = arith.cmpi ne, %rem3A_332, %ne3A_333 : i32
        %and3A_335 = arith.andi %ne3A_331, %ne3A_334 : i1
        %sub3A_336 = arith.constant 1 : i32
        %sub3A_337 = arith.subi %div3A_316, %sub3A_336 : i32
        %select_n3A_338 = arith.select %and3A_335, %sub3A_337, %div3A_316 : i32
        %jit3A_339 = arith.constant 8 : i32
        %eq3A_340 = arith.constant 0 : i32
        %eq3A_341 = arith.cmpi eq, %jit3A_339, %eq3A_340 : i32
        %jit3A_342 = arith.constant 1 : i32
        %select_n3A_343 = arith.select %eq3A_341, %jit3A_342, %jit3A_339 : i32
        %rem3A_344 = arith.remsi %add3A_314, %select_n3A_343 : i32
        %ne3A_345 = arith.constant 0 : i32
        %ne3A_346 = arith.cmpi ne, %rem3A_344, %ne3A_345 : i32
        %lt3A_347 = arith.constant 0 : i32
        %lt3A_348 = arith.cmpi slt, %rem3A_344, %lt3A_347 : i32
        %lt3A_349 = arith.constant 0 : i32
        %lt3A_350 = arith.cmpi slt, %select_n3A_343, %lt3A_349 : i32
        %ne3A_351 = arith.xori %lt3A_348, %lt3A_350 : i1
        %and3A_352 = arith.andi %ne3A_351, %ne3A_346 : i1
        %add3A_353 = arith.addi %rem3A_344, %select_n3A_343 : i32
        %select_n3A_354 = arith.select %and3A_352, %add3A_353, %rem3A_344 : i32
        %mul3A_355 = arith.constant 16 : i32
        %mul3A_356 = arith.muli %select_n3A_354, %mul3A_355 : i32
        %swap3A = arith.index_cast %select_n3A_338 : i32 to index
        %swap3A_357 = arith.index_cast %mul3A_356 : i32 to index
        %swap3A_358 = tpu.vector_load %arg8[%swap3A, %swap3A_357] {strides = array<i32>} : memref<280x128xi32, #tpu.memory_space<vmem>>, vector<16xi32>,
        tpu.vector_store %arg8[%swap3A, %swap3A_357], %select_n3A_312 {strides = array<i32>} : memref<280x128xi32, #tpu.memory_space<vmem>>, vector<16xi32>,
        %scan3A_359 = arith.constant 0 : i32
        scf.yield %scan3A_359 : i32
      }
      %scan3A_212 = arith.constant 320 : i32
      %add3A_213 = arith.constant 640 : i32
      %add3A_214 = arith.addi %add3A, %add3A_213 : i32
      %jit3A_215 = arith.constant 0 : i32
      %jit3A_216 = arith.constant 49680 : i32
      %max3A_217 = arith.maxsi %jit3A_215, %add3A_214 : i32
      %min3A_218 = arith.minsi %jit3A_216, %max3A_217 : i32
      %add3A_219 = arith.constant 640 : i32
      %add3A_220 = arith.addi %add3A, %add3A_219 : i32
      %sub3A_221 = arith.subi %add3A_220, %min3A_218 : i32
      "tpu.region"() ({
        %run_scoped3A = tpu.sem_alloc : memref<!tpu.dma_semaphore, #tpu.memory_space<semaphore_mem>>
        %dma_start3A_293 = arith.constant 0 : i32
        %dma_start3A_294 = tpu.memref_slice %arg3[%min3A_218, %dma_start3A_293] : memref<50000x16xi32, #tpu.memory_space<hbm>> -> memref<320x16xi32, #tpu.memory_space<hbm>>
        %dma_start3A_295 = arith.constant 0 : i32
        %dma_start3A_296 = tpu.memref_slice %arg3[%min3A_218, %dma_start3A_295] : memref<50000x16xi32, #tpu.memory_space<hbm>> -> memref<320x16xi32, #tpu.memory_space<hbm>>
        tpu.enqueue_dma source(%dma_start3A_296 : memref<320x16xi32, #tpu.memory_space<hbm>>) target(%arg6 : memref<320x16xi32, #tpu.memory_space<vmem>>) target_semaphore(%run_scoped3A : memref<!tpu.dma_semaphore, #tpu.memory_space<semaphore_mem>>)
        %dma_wait3A_297 = arith.constant 0 : i32
        %dma_wait3A_298 = tpu.memref_slice %arg3[%min3A_218, %dma_wait3A_297] : memref<50000x16xi32, #tpu.memory_space<hbm>> -> memref<320x16xi32, #tpu.memory_space<hbm>>
        %dma_wait3A_299 = arith.constant 0 : i32
        %dma_wait3A_300 = tpu.memref_slice %arg3[%min3A_218, %dma_wait3A_299] : memref<50000x16xi32, #tpu.memory_space<hbm>> -> memref<320x16xi32, #tpu.memory_space<hbm>>
        tpu.wait_dma2 semaphore(%run_scoped3A : memref<!tpu.dma_semaphore, #tpu.memory_space<semaphore_mem>>) src(%dma_wait3A_300 : memref<320x16xi32, #tpu.memory_space<hbm>>) dst(%arg6 : memref<320x16xi32, #tpu.memory_space<vmem>>)
        tpu.yield
      }) : () -> ()
      "tpu.region"() ({
        %run_scoped3A = tpu.sem_alloc : memref<!tpu.dma_semaphore, #tpu.memory_space<semaphore_mem>>
        %dma_start3A_293 = arith.constant 0 : i32
        %dma_start3A_294 = tpu.memref_slice %arg4[%min3A_218, %dma_start3A_293] : memref<50000x16xi32, #tpu.memory_space<hbm>> -> memref<320x16xi32, #tpu.memory_space<hbm>>
        %dma_start3A_295 = arith.constant 0 : i32
        %dma_start3A_296 = tpu.memref_slice %arg4[%min3A_218, %dma_start3A_295] : memref<50000x16xi32, #tpu.memory_space<hbm>> -> memref<320x16xi32, #tpu.memory_space<hbm>>
        tpu.enqueue_dma source(%dma_start3A_296 : memref<320x16xi32, #tpu.memory_space<hbm>>) target(%arg7 : memref<320x16xi32, #tpu.memory_space<vmem>>) target_semaphore(%run_scoped3A : memref<!tpu.dma_semaphore, #tpu.memory_space<semaphore_mem>>)
        %dma_wait3A_297 = arith.constant 0 : i32
        %dma_wait3A_298 = tpu.memref_slice %arg4[%min3A_218, %dma_wait3A_297] : memref<50000x16xi32, #tpu.memory_space<hbm>> -> memref<320x16xi32, #tpu.memory_space<hbm>>
        %dma_wait3A_299 = arith.constant 0 : i32
        %dma_wait3A_300 = tpu.memref_slice %arg4[%min3A_218, %dma_wait3A_299] : memref<50000x16xi32, #tpu.memory_space<hbm>> -> memref<320x16xi32, #tpu.memory_space<hbm>>
        tpu.wait_dma2 semaphore(%run_scoped3A : memref<!tpu.dma_semaphore, #tpu.memory_space<semaphore_mem>>) src(%dma_wait3A_300 : memref<320x16xi32, #tpu.memory_space<hbm>>) dst(%arg7 : memref<320x16xi32, #tpu.memory_space<vmem>>)
        tpu.yield
      }) : () -> ()
      %scan3A_222 = arith.constant 0 : i32
      %scan3A_223 = arith.constant 0 : i32
      %scan3A_224 = arith.constant 320 : i32
      %scan3A_225 = arith.addi %scan3A_223, %scan3A_224 : i32
      %scan3A_226 = arith.constant 1 : i32
      %scan3A_227 = scf.for %scan3A_293 = %scan3A_223 to %scan3A_225 step %scan3A_226 iter_args(%scan3A_294 = %scan3A_222) -> (i32)  : i32 {
        %add3A_295 = arith.addi %scan3A_293, %sub3A_221 : i32
        %min3A_296 = arith.constant 319 : i32
        %min3A_297 = arith.minsi %add3A_295, %min3A_296 : i32
        %get3A = arith.index_cast %min3A_297 : i32 to index
        %get3A_298 = arith.constant 0 : index
        %get3A_299 = tpu.vector_load %arg6[%get3A, %get3A_298] {strides = array<i32>} : memref<320x16xi32, #tpu.memory_space<vmem>>, vector<16xi32>,
        %mul3A_300 = arith.constant 4 : i32
        %mul3A_301 = vector.broadcast %mul3A_300 : i32 to vector<16xi32>
        %mul3A_302 = arith.muli %get3A_299, %mul3A_301 : vector<16xi32>
        %get3A_303 = arith.index_cast %min3A_297 : i32 to index
        %get3A_304 = arith.constant 0 : index
        %get3A_305 = tpu.vector_load %arg7[%get3A_303, %get3A_304] {strides = array<i32>} : memref<320x16xi32, #tpu.memory_space<vmem>>, vector<16xi32>,
        %add3A_306 = arith.addi %mul3A_302, %get3A_305 : vector<16xi32>
        %add3A_307 = arith.constant 640 : i32
        %add3A_308 = arith.addi %add3A, %add3A_307 : i32
        %add3A_309 = arith.addi %add3A_308, %scan3A_293 : i32
        %lt3A = arith.constant 50000 : i32
        %lt3A_310 = arith.cmpi slt, %add3A_309, %lt3A : i32
        %jit3A_311 = arith.constant 0 : i32
        %broadcast_in_dim3A = vector.broadcast %jit3A_311 : i32 to vector<16xi32>
        %select_n3A_312 = arith.select %lt3A_310, %add3A_306, %broadcast_in_dim3A : vector<16xi32>
        %add3A_313 = arith.constant 640 : i32
        %add3A_314 = arith.addi %add3A_313, %scan3A_293 : i32
        %jit3A_315 = arith.constant 8 : i32
        %div3A_316 = arith.divsi %add3A_314, %jit3A_315 : i32
        %sign3A_317 = arith.constant 0 : i32
        %sign3A_318 = arith.cmpi sgt, %add3A_314, %sign3A_317 : i32
        %sign3A_319 = arith.extui %sign3A_318 : i1 to i32
        %sign3A_320 = arith.constant 0 : i32
        %sign3A_321 = arith.cmpi slt, %add3A_314, %sign3A_320 : i32
        %sign3A_322 = arith.extui %sign3A_321 : i1 to i32
        %sign3A_323 = arith.subi %sign3A_319, %sign3A_322 : i32
        %sign3A_324 = arith.constant 0 : i32
        %sign3A_325 = arith.cmpi sgt, %jit3A_315, %sign3A_324 : i32
        %sign3A_326 = arith.extui %sign3A_325 : i1 to i32
        %sign3A_327 = arith.constant 0 : i32
        %sign3A_328 = arith.cmpi slt, %jit3A_315, %sign3A_327 : i32
        %sign3A_329 = arith.extui %sign3A_328 : i1 to i32
        %sign3A_330 = arith.subi %sign3A_326, %sign3A_329 : i32
        %ne3A_331 = arith.cmpi ne, %sign3A_323, %sign3A_330 : i32
        %rem3A_332 = arith.remsi %add3A_314, %jit3A_315 : i32
        %ne3A_333 = arith.constant 0 : i32
        %ne3A_334 = arith.cmpi ne, %rem3A_332, %ne3A_333 : i32
        %and3A_335 = arith.andi %ne3A_331, %ne3A_334 : i1
        %sub3A_336 = arith.constant 1 : i32
        %sub3A_337 = arith.subi %div3A_316, %sub3A_336 : i32
        %select_n3A_338 = arith.select %and3A_335, %sub3A_337, %div3A_316 : i32
        %jit3A_339 = arith.constant 8 : i32
        %eq3A_340 = arith.constant 0 : i32
        %eq3A_341 = arith.cmpi eq, %jit3A_339, %eq3A_340 : i32
        %jit3A_342 = arith.constant 1 : i32
        %select_n3A_343 = arith.select %eq3A_341, %jit3A_342, %jit3A_339 : i32
        %rem3A_344 = arith.remsi %add3A_314, %select_n3A_343 : i32
        %ne3A_345 = arith.constant 0 : i32
        %ne3A_346 = arith.cmpi ne, %rem3A_344, %ne3A_345 : i32
        %lt3A_347 = arith.constant 0 : i32
        %lt3A_348 = arith.cmpi slt, %rem3A_344, %lt3A_347 : i32
        %lt3A_349 = arith.constant 0 : i32
        %lt3A_350 = arith.cmpi slt, %select_n3A_343, %lt3A_349 : i32
        %ne3A_351 = arith.xori %lt3A_348, %lt3A_350 : i1
        %and3A_352 = arith.andi %ne3A_351, %ne3A_346 : i1
        %add3A_353 = arith.addi %rem3A_344, %select_n3A_343 : i32
        %select_n3A_354 = arith.select %and3A_352, %add3A_353, %rem3A_344 : i32
        %mul3A_355 = arith.constant 16 : i32
        %mul3A_356 = arith.muli %select_n3A_354, %mul3A_355 : i32
        %swap3A = arith.index_cast %select_n3A_338 : i32 to index
        %swap3A_357 = arith.index_cast %mul3A_356 : i32 to index
        %swap3A_358 = tpu.vector_load %arg8[%swap3A, %swap3A_357] {strides = array<i32>} : memref<280x128xi32, #tpu.memory_space<vmem>>, vector<16xi32>,
        tpu.vector_store %arg8[%swap3A, %swap3A_357], %select_n3A_312 {strides = array<i32>} : memref<280x128xi32, #tpu.memory_space<vmem>>, vector<16xi32>,
        %scan3A_359 = arith.constant 0 : i32
        scf.yield %scan3A_359 : i32
      }
      %scan3A_228 = arith.constant 320 : i32
      %add3A_229 = arith.constant 960 : i32
      %add3A_230 = arith.addi %add3A, %add3A_229 : i32
      %jit3A_231 = arith.constant 0 : i32
      %jit3A_232 = arith.constant 49680 : i32
      %max3A_233 = arith.maxsi %jit3A_231, %add3A_230 : i32
      %min3A_234 = arith.minsi %jit3A_232, %max3A_233 : i32
      %add3A_235 = arith.constant 960 : i32
      %add3A_236 = arith.addi %add3A, %add3A_235 : i32
      %sub3A_237 = arith.subi %add3A_236, %min3A_234 : i32
      "tpu.region"() ({
        %run_scoped3A = tpu.sem_alloc : memref<!tpu.dma_semaphore, #tpu.memory_space<semaphore_mem>>
        %dma_start3A_293 = arith.constant 0 : i32
        %dma_start3A_294 = tpu.memref_slice %arg3[%min3A_234, %dma_start3A_293] : memref<50000x16xi32, #tpu.memory_space<hbm>> -> memref<320x16xi32, #tpu.memory_space<hbm>>
        %dma_start3A_295 = arith.constant 0 : i32
        %dma_start3A_296 = tpu.memref_slice %arg3[%min3A_234, %dma_start3A_295] : memref<50000x16xi32, #tpu.memory_space<hbm>> -> memref<320x16xi32, #tpu.memory_space<hbm>>
        tpu.enqueue_dma source(%dma_start3A_296 : memref<320x16xi32, #tpu.memory_space<hbm>>) target(%arg6 : memref<320x16xi32, #tpu.memory_space<vmem>>) target_semaphore(%run_scoped3A : memref<!tpu.dma_semaphore, #tpu.memory_space<semaphore_mem>>)
        %dma_wait3A_297 = arith.constant 0 : i32
        %dma_wait3A_298 = tpu.memref_slice %arg3[%min3A_234, %dma_wait3A_297] : memref<50000x16xi32, #tpu.memory_space<hbm>> -> memref<320x16xi32, #tpu.memory_space<hbm>>
        %dma_wait3A_299 = arith.constant 0 : i32
        %dma_wait3A_300 = tpu.memref_slice %arg3[%min3A_234, %dma_wait3A_299] : memref<50000x16xi32, #tpu.memory_space<hbm>> -> memref<320x16xi32, #tpu.memory_space<hbm>>
        tpu.wait_dma2 semaphore(%run_scoped3A : memref<!tpu.dma_semaphore, #tpu.memory_space<semaphore_mem>>) src(%dma_wait3A_300 : memref<320x16xi32, #tpu.memory_space<hbm>>) dst(%arg6 : memref<320x16xi32, #tpu.memory_space<vmem>>)
        tpu.yield
      }) : () -> ()
      "tpu.region"() ({
        %run_scoped3A = tpu.sem_alloc : memref<!tpu.dma_semaphore, #tpu.memory_space<semaphore_mem>>
        %dma_start3A_293 = arith.constant 0 : i32
        %dma_start3A_294 = tpu.memref_slice %arg4[%min3A_234, %dma_start3A_293] : memref<50000x16xi32, #tpu.memory_space<hbm>> -> memref<320x16xi32, #tpu.memory_space<hbm>>
        %dma_start3A_295 = arith.constant 0 : i32
        %dma_start3A_296 = tpu.memref_slice %arg4[%min3A_234, %dma_start3A_295] : memref<50000x16xi32, #tpu.memory_space<hbm>> -> memref<320x16xi32, #tpu.memory_space<hbm>>
        tpu.enqueue_dma source(%dma_start3A_296 : memref<320x16xi32, #tpu.memory_space<hbm>>) target(%arg7 : memref<320x16xi32, #tpu.memory_space<vmem>>) target_semaphore(%run_scoped3A : memref<!tpu.dma_semaphore, #tpu.memory_space<semaphore_mem>>)
        %dma_wait3A_297 = arith.constant 0 : i32
        %dma_wait3A_298 = tpu.memref_slice %arg4[%min3A_234, %dma_wait3A_297] : memref<50000x16xi32, #tpu.memory_space<hbm>> -> memref<320x16xi32, #tpu.memory_space<hbm>>
        %dma_wait3A_299 = arith.constant 0 : i32
        %dma_wait3A_300 = tpu.memref_slice %arg4[%min3A_234, %dma_wait3A_299] : memref<50000x16xi32, #tpu.memory_space<hbm>> -> memref<320x16xi32, #tpu.memory_space<hbm>>
        tpu.wait_dma2 semaphore(%run_scoped3A : memref<!tpu.dma_semaphore, #tpu.memory_space<semaphore_mem>>) src(%dma_wait3A_300 : memref<320x16xi32, #tpu.memory_space<hbm>>) dst(%arg7 : memref<320x16xi32, #tpu.memory_space<vmem>>)
        tpu.yield
      }) : () -> ()
      %scan3A_238 = arith.constant 0 : i32
      %scan3A_239 = arith.constant 0 : i32
      %scan3A_240 = arith.constant 320 : i32
      %scan3A_241 = arith.addi %scan3A_239, %scan3A_240 : i32
      %scan3A_242 = arith.constant 1 : i32
      %scan3A_243 = scf.for %scan3A_293 = %scan3A_239 to %scan3A_241 step %scan3A_242 iter_args(%scan3A_294 = %scan3A_238) -> (i32)  : i32 {
        %add3A_295 = arith.addi %scan3A_293, %sub3A_237 : i32
        %min3A_296 = arith.constant 319 : i32
        %min3A_297 = arith.minsi %add3A_295, %min3A_296 : i32
        %get3A = arith.index_cast %min3A_297 : i32 to index
        %get3A_298 = arith.constant 0 : index
        %get3A_299 = tpu.vector_load %arg6[%get3A, %get3A_298] {strides = array<i32>} : memref<320x16xi32, #tpu.memory_space<vmem>>, vector<16xi32>,
        %mul3A_300 = arith.constant 4 : i32
        %mul3A_301 = vector.broadcast %mul3A_300 : i32 to vector<16xi32>
        %mul3A_302 = arith.muli %get3A_299, %mul3A_301 : vector<16xi32>
        %get3A_303 = arith.index_cast %min3A_297 : i32 to index
        %get3A_304 = arith.constant 0 : index
        %get3A_305 = tpu.vector_load %arg7[%get3A_303, %get3A_304] {strides = array<i32>} : memref<320x16xi32, #tpu.memory_space<vmem>>, vector<16xi32>,
        %add3A_306 = arith.addi %mul3A_302, %get3A_305 : vector<16xi32>
        %add3A_307 = arith.constant 960 : i32
        %add3A_308 = arith.addi %add3A, %add3A_307 : i32
        %add3A_309 = arith.addi %add3A_308, %scan3A_293 : i32
        %lt3A = arith.constant 50000 : i32
        %lt3A_310 = arith.cmpi slt, %add3A_309, %lt3A : i32
        %jit3A_311 = arith.constant 0 : i32
        %broadcast_in_dim3A = vector.broadcast %jit3A_311 : i32 to vector<16xi32>
        %select_n3A_312 = arith.select %lt3A_310, %add3A_306, %broadcast_in_dim3A : vector<16xi32>
        %add3A_313 = arith.constant 960 : i32
        %add3A_314 = arith.addi %add3A_313, %scan3A_293 : i32
        %jit3A_315 = arith.constant 8 : i32
        %div3A_316 = arith.divsi %add3A_314, %jit3A_315 : i32
        %sign3A_317 = arith.constant 0 : i32
        %sign3A_318 = arith.cmpi sgt, %add3A_314, %sign3A_317 : i32
        %sign3A_319 = arith.extui %sign3A_318 : i1 to i32
        %sign3A_320 = arith.constant 0 : i32
        %sign3A_321 = arith.cmpi slt, %add3A_314, %sign3A_320 : i32
        %sign3A_322 = arith.extui %sign3A_321 : i1 to i32
        %sign3A_323 = arith.subi %sign3A_319, %sign3A_322 : i32
        %sign3A_324 = arith.constant 0 : i32
        %sign3A_325 = arith.cmpi sgt, %jit3A_315, %sign3A_324 : i32
        %sign3A_326 = arith.extui %sign3A_325 : i1 to i32
        %sign3A_327 = arith.constant 0 : i32
        %sign3A_328 = arith.cmpi slt, %jit3A_315, %sign3A_327 : i32
        %sign3A_329 = arith.extui %sign3A_328 : i1 to i32
        %sign3A_330 = arith.subi %sign3A_326, %sign3A_329 : i32
        %ne3A_331 = arith.cmpi ne, %sign3A_323, %sign3A_330 : i32
        %rem3A_332 = arith.remsi %add3A_314, %jit3A_315 : i32
        %ne3A_333 = arith.constant 0 : i32
        %ne3A_334 = arith.cmpi ne, %rem3A_332, %ne3A_333 : i32
        %and3A_335 = arith.andi %ne3A_331, %ne3A_334 : i1
        %sub3A_336 = arith.constant 1 : i32
        %sub3A_337 = arith.subi %div3A_316, %sub3A_336 : i32
        %select_n3A_338 = arith.select %and3A_335, %sub3A_337, %div3A_316 : i32
        %jit3A_339 = arith.constant 8 : i32
        %eq3A_340 = arith.constant 0 : i32
        %eq3A_341 = arith.cmpi eq, %jit3A_339, %eq3A_340 : i32
        %jit3A_342 = arith.constant 1 : i32
        %select_n3A_343 = arith.select %eq3A_341, %jit3A_342, %jit3A_339 : i32
        %rem3A_344 = arith.remsi %add3A_314, %select_n3A_343 : i32
        %ne3A_345 = arith.constant 0 : i32
        %ne3A_346 = arith.cmpi ne, %rem3A_344, %ne3A_345 : i32
        %lt3A_347 = arith.constant 0 : i32
        %lt3A_348 = arith.cmpi slt, %rem3A_344, %lt3A_347 : i32
        %lt3A_349 = arith.constant 0 : i32
        %lt3A_350 = arith.cmpi slt, %select_n3A_343, %lt3A_349 : i32
        %ne3A_351 = arith.xori %lt3A_348, %lt3A_350 : i1
        %and3A_352 = arith.andi %ne3A_351, %ne3A_346 : i1
        %add3A_353 = arith.addi %rem3A_344, %select_n3A_343 : i32
        %select_n3A_354 = arith.select %and3A_352, %add3A_353, %rem3A_344 : i32
        %mul3A_355 = arith.constant 16 : i32
        %mul3A_356 = arith.muli %select_n3A_354, %mul3A_355 : i32
        %swap3A = arith.index_cast %select_n3A_338 : i32 to index
        %swap3A_357 = arith.index_cast %mul3A_356 : i32 to index
        %swap3A_358 = tpu.vector_load %arg8[%swap3A, %swap3A_357] {strides = array<i32>} : memref<280x128xi32, #tpu.memory_space<vmem>>, vector<16xi32>,
        tpu.vector_store %arg8[%swap3A, %swap3A_357], %select_n3A_312 {strides = array<i32>} : memref<280x128xi32, #tpu.memory_space<vmem>>, vector<16xi32>,
        %scan3A_359 = arith.constant 0 : i32
        scf.yield %scan3A_359 : i32
      }
      %scan3A_244 = arith.constant 320 : i32
      %add3A_245 = arith.constant 1280 : i32
      %add3A_246 = arith.addi %add3A, %add3A_245 : i32
      %jit3A_247 = arith.constant 0 : i32
      %jit3A_248 = arith.constant 49680 : i32
      %max3A_249 = arith.maxsi %jit3A_247, %add3A_246 : i32
      %min3A_250 = arith.minsi %jit3A_248, %max3A_249 : i32
      %add3A_251 = arith.constant 1280 : i32
      %add3A_252 = arith.addi %add3A, %add3A_251 : i32
      %sub3A_253 = arith.subi %add3A_252, %min3A_250 : i32
      "tpu.region"() ({
        %run_scoped3A = tpu.sem_alloc : memref<!tpu.dma_semaphore, #tpu.memory_space<semaphore_mem>>
        %dma_start3A_293 = arith.constant 0 : i32
        %dma_start3A_294 = tpu.memref_slice %arg3[%min3A_250, %dma_start3A_293] : memref<50000x16xi32, #tpu.memory_space<hbm>> -> memref<320x16xi32, #tpu.memory_space<hbm>>
        %dma_start3A_295 = arith.constant 0 : i32
        %dma_start3A_296 = tpu.memref_slice %arg3[%min3A_250, %dma_start3A_295] : memref<50000x16xi32, #tpu.memory_space<hbm>> -> memref<320x16xi32, #tpu.memory_space<hbm>>
        tpu.enqueue_dma source(%dma_start3A_296 : memref<320x16xi32, #tpu.memory_space<hbm>>) target(%arg6 : memref<320x16xi32, #tpu.memory_space<vmem>>) target_semaphore(%run_scoped3A : memref<!tpu.dma_semaphore, #tpu.memory_space<semaphore_mem>>)
        %dma_wait3A_297 = arith.constant 0 : i32
        %dma_wait3A_298 = tpu.memref_slice %arg3[%min3A_250, %dma_wait3A_297] : memref<50000x16xi32, #tpu.memory_space<hbm>> -> memref<320x16xi32, #tpu.memory_space<hbm>>
        %dma_wait3A_299 = arith.constant 0 : i32
        %dma_wait3A_300 = tpu.memref_slice %arg3[%min3A_250, %dma_wait3A_299] : memref<50000x16xi32, #tpu.memory_space<hbm>> -> memref<320x16xi32, #tpu.memory_space<hbm>>
        tpu.wait_dma2 semaphore(%run_scoped3A : memref<!tpu.dma_semaphore, #tpu.memory_space<semaphore_mem>>) src(%dma_wait3A_300 : memref<320x16xi32, #tpu.memory_space<hbm>>) dst(%arg6 : memref<320x16xi32, #tpu.memory_space<vmem>>)
        tpu.yield
      }) : () -> ()
      "tpu.region"() ({
        %run_scoped3A = tpu.sem_alloc : memref<!tpu.dma_semaphore, #tpu.memory_space<semaphore_mem>>
        %dma_start3A_293 = arith.constant 0 : i32
        %dma_start3A_294 = tpu.memref_slice %arg4[%min3A_250, %dma_start3A_293] : memref<50000x16xi32, #tpu.memory_space<hbm>> -> memref<320x16xi32, #tpu.memory_space<hbm>>
        %dma_start3A_295 = arith.constant 0 : i32
        %dma_start3A_296 = tpu.memref_slice %arg4[%min3A_250, %dma_start3A_295] : memref<50000x16xi32, #tpu.memory_space<hbm>> -> memref<320x16xi32, #tpu.memory_space<hbm>>
        tpu.enqueue_dma source(%dma_start3A_296 : memref<320x16xi32, #tpu.memory_space<hbm>>) target(%arg7 : memref<320x16xi32, #tpu.memory_space<vmem>>) target_semaphore(%run_scoped3A : memref<!tpu.dma_semaphore, #tpu.memory_space<semaphore_mem>>)
        %dma_wait3A_297 = arith.constant 0 : i32
        %dma_wait3A_298 = tpu.memref_slice %arg4[%min3A_250, %dma_wait3A_297] : memref<50000x16xi32, #tpu.memory_space<hbm>> -> memref<320x16xi32, #tpu.memory_space<hbm>>
        %dma_wait3A_299 = arith.constant 0 : i32
        %dma_wait3A_300 = tpu.memref_slice %arg4[%min3A_250, %dma_wait3A_299] : memref<50000x16xi32, #tpu.memory_space<hbm>> -> memref<320x16xi32, #tpu.memory_space<hbm>>
        tpu.wait_dma2 semaphore(%run_scoped3A : memref<!tpu.dma_semaphore, #tpu.memory_space<semaphore_mem>>) src(%dma_wait3A_300 : memref<320x16xi32, #tpu.memory_space<hbm>>) dst(%arg7 : memref<320x16xi32, #tpu.memory_space<vmem>>)
        tpu.yield
      }) : () -> ()
      %scan3A_254 = arith.constant 0 : i32
      %scan3A_255 = arith.constant 0 : i32
      %scan3A_256 = arith.constant 320 : i32
      %scan3A_257 = arith.addi %scan3A_255, %scan3A_256 : i32
      %scan3A_258 = arith.constant 1 : i32
      %scan3A_259 = scf.for %scan3A_293 = %scan3A_255 to %scan3A_257 step %scan3A_258 iter_args(%scan3A_294 = %scan3A_254) -> (i32)  : i32 {
        %add3A_295 = arith.addi %scan3A_293, %sub3A_253 : i32
        %min3A_296 = arith.constant 319 : i32
        %min3A_297 = arith.minsi %add3A_295, %min3A_296 : i32
        %get3A = arith.index_cast %min3A_297 : i32 to index
        %get3A_298 = arith.constant 0 : index
        %get3A_299 = tpu.vector_load %arg6[%get3A, %get3A_298] {strides = array<i32>} : memref<320x16xi32, #tpu.memory_space<vmem>>, vector<16xi32>,
        %mul3A_300 = arith.constant 4 : i32
        %mul3A_301 = vector.broadcast %mul3A_300 : i32 to vector<16xi32>
        %mul3A_302 = arith.muli %get3A_299, %mul3A_301 : vector<16xi32>
        %get3A_303 = arith.index_cast %min3A_297 : i32 to index
        %get3A_304 = arith.constant 0 : index
        %get3A_305 = tpu.vector_load %arg7[%get3A_303, %get3A_304] {strides = array<i32>} : memref<320x16xi32, #tpu.memory_space<vmem>>, vector<16xi32>,
        %add3A_306 = arith.addi %mul3A_302, %get3A_305 : vector<16xi32>
        %add3A_307 = arith.constant 1280 : i32
        %add3A_308 = arith.addi %add3A, %add3A_307 : i32
        %add3A_309 = arith.addi %add3A_308, %scan3A_293 : i32
        %lt3A = arith.constant 50000 : i32
        %lt3A_310 = arith.cmpi slt, %add3A_309, %lt3A : i32
        %jit3A_311 = arith.constant 0 : i32
        %broadcast_in_dim3A = vector.broadcast %jit3A_311 : i32 to vector<16xi32>
        %select_n3A_312 = arith.select %lt3A_310, %add3A_306, %broadcast_in_dim3A : vector<16xi32>
        %add3A_313 = arith.constant 1280 : i32
        %add3A_314 = arith.addi %add3A_313, %scan3A_293 : i32
        %jit3A_315 = arith.constant 8 : i32
        %div3A_316 = arith.divsi %add3A_314, %jit3A_315 : i32
        %sign3A_317 = arith.constant 0 : i32
        %sign3A_318 = arith.cmpi sgt, %add3A_314, %sign3A_317 : i32
        %sign3A_319 = arith.extui %sign3A_318 : i1 to i32
        %sign3A_320 = arith.constant 0 : i32
        %sign3A_321 = arith.cmpi slt, %add3A_314, %sign3A_320 : i32
        %sign3A_322 = arith.extui %sign3A_321 : i1 to i32
        %sign3A_323 = arith.subi %sign3A_319, %sign3A_322 : i32
        %sign3A_324 = arith.constant 0 : i32
        %sign3A_325 = arith.cmpi sgt, %jit3A_315, %sign3A_324 : i32
        %sign3A_326 = arith.extui %sign3A_325 : i1 to i32
        %sign3A_327 = arith.constant 0 : i32
        %sign3A_328 = arith.cmpi slt, %jit3A_315, %sign3A_327 : i32
        %sign3A_329 = arith.extui %sign3A_328 : i1 to i32
        %sign3A_330 = arith.subi %sign3A_326, %sign3A_329 : i32
        %ne3A_331 = arith.cmpi ne, %sign3A_323, %sign3A_330 : i32
        %rem3A_332 = arith.remsi %add3A_314, %jit3A_315 : i32
        %ne3A_333 = arith.constant 0 : i32
        %ne3A_334 = arith.cmpi ne, %rem3A_332, %ne3A_333 : i32
        %and3A_335 = arith.andi %ne3A_331, %ne3A_334 : i1
        %sub3A_336 = arith.constant 1 : i32
        %sub3A_337 = arith.subi %div3A_316, %sub3A_336 : i32
        %select_n3A_338 = arith.select %and3A_335, %sub3A_337, %div3A_316 : i32
        %jit3A_339 = arith.constant 8 : i32
        %eq3A_340 = arith.constant 0 : i32
        %eq3A_341 = arith.cmpi eq, %jit3A_339, %eq3A_340 : i32
        %jit3A_342 = arith.constant 1 : i32
        %select_n3A_343 = arith.select %eq3A_341, %jit3A_342, %jit3A_339 : i32
        %rem3A_344 = arith.remsi %add3A_314, %select_n3A_343 : i32
        %ne3A_345 = arith.constant 0 : i32
        %ne3A_346 = arith.cmpi ne, %rem3A_344, %ne3A_345 : i32
        %lt3A_347 = arith.constant 0 : i32
        %lt3A_348 = arith.cmpi slt, %rem3A_344, %lt3A_347 : i32
        %lt3A_349 = arith.constant 0 : i32
        %lt3A_350 = arith.cmpi slt, %select_n3A_343, %lt3A_349 : i32
        %ne3A_351 = arith.xori %lt3A_348, %lt3A_350 : i1
        %and3A_352 = arith.andi %ne3A_351, %ne3A_346 : i1
        %add3A_353 = arith.addi %rem3A_344, %select_n3A_343 : i32
        %select_n3A_354 = arith.select %and3A_352, %add3A_353, %rem3A_344 : i32
        %mul3A_355 = arith.constant 16 : i32
        %mul3A_356 = arith.muli %select_n3A_354, %mul3A_355 : i32
        %swap3A = arith.index_cast %select_n3A_338 : i32 to index
        %swap3A_357 = arith.index_cast %mul3A_356 : i32 to index
        %swap3A_358 = tpu.vector_load %arg8[%swap3A, %swap3A_357] {strides = array<i32>} : memref<280x128xi32, #tpu.memory_space<vmem>>, vector<16xi32>,
        tpu.vector_store %arg8[%swap3A, %swap3A_357], %select_n3A_312 {strides = array<i32>} : memref<280x128xi32, #tpu.memory_space<vmem>>, vector<16xi32>,
        %scan3A_359 = arith.constant 0 : i32
        scf.yield %scan3A_359 : i32
      }
      %scan3A_260 = arith.constant 320 : i32
      %add3A_261 = arith.constant 1600 : i32
      %add3A_262 = arith.addi %add3A, %add3A_261 : i32
      %jit3A_263 = arith.constant 0 : i32
      %jit3A_264 = arith.constant 49680 : i32
      %max3A_265 = arith.maxsi %jit3A_263, %add3A_262 : i32
      %min3A_266 = arith.minsi %jit3A_264, %max3A_265 : i32
      %add3A_267 = arith.constant 1600 : i32
      %add3A_268 = arith.addi %add3A, %add3A_267 : i32
      %sub3A_269 = arith.subi %add3A_268, %min3A_266 : i32
      "tpu.region"() ({
        %run_scoped3A = tpu.sem_alloc : memref<!tpu.dma_semaphore, #tpu.memory_space<semaphore_mem>>
        %dma_start3A_293 = arith.constant 0 : i32
        %dma_start3A_294 = tpu.memref_slice %arg3[%min3A_266, %dma_start3A_293] : memref<50000x16xi32, #tpu.memory_space<hbm>> -> memref<320x16xi32, #tpu.memory_space<hbm>>
        %dma_start3A_295 = arith.constant 0 : i32
        %dma_start3A_296 = tpu.memref_slice %arg3[%min3A_266, %dma_start3A_295] : memref<50000x16xi32, #tpu.memory_space<hbm>> -> memref<320x16xi32, #tpu.memory_space<hbm>>
        tpu.enqueue_dma source(%dma_start3A_296 : memref<320x16xi32, #tpu.memory_space<hbm>>) target(%arg6 : memref<320x16xi32, #tpu.memory_space<vmem>>) target_semaphore(%run_scoped3A : memref<!tpu.dma_semaphore, #tpu.memory_space<semaphore_mem>>)
        %dma_wait3A_297 = arith.constant 0 : i32
        %dma_wait3A_298 = tpu.memref_slice %arg3[%min3A_266, %dma_wait3A_297] : memref<50000x16xi32, #tpu.memory_space<hbm>> -> memref<320x16xi32, #tpu.memory_space<hbm>>
        %dma_wait3A_299 = arith.constant 0 : i32
        %dma_wait3A_300 = tpu.memref_slice %arg3[%min3A_266, %dma_wait3A_299] : memref<50000x16xi32, #tpu.memory_space<hbm>> -> memref<320x16xi32, #tpu.memory_space<hbm>>
        tpu.wait_dma2 semaphore(%run_scoped3A : memref<!tpu.dma_semaphore, #tpu.memory_space<semaphore_mem>>) src(%dma_wait3A_300 : memref<320x16xi32, #tpu.memory_space<hbm>>) dst(%arg6 : memref<320x16xi32, #tpu.memory_space<vmem>>)
        tpu.yield
      }) : () -> ()
      "tpu.region"() ({
        %run_scoped3A = tpu.sem_alloc : memref<!tpu.dma_semaphore, #tpu.memory_space<semaphore_mem>>
        %dma_start3A_293 = arith.constant 0 : i32
        %dma_start3A_294 = tpu.memref_slice %arg4[%min3A_266, %dma_start3A_293] : memref<50000x16xi32, #tpu.memory_space<hbm>> -> memref<320x16xi32, #tpu.memory_space<hbm>>
        %dma_start3A_295 = arith.constant 0 : i32
        %dma_start3A_296 = tpu.memref_slice %arg4[%min3A_266, %dma_start3A_295] : memref<50000x16xi32, #tpu.memory_space<hbm>> -> memref<320x16xi32, #tpu.memory_space<hbm>>
        tpu.enqueue_dma source(%dma_start3A_296 : memref<320x16xi32, #tpu.memory_space<hbm>>) target(%arg7 : memref<320x16xi32, #tpu.memory_space<vmem>>) target_semaphore(%run_scoped3A : memref<!tpu.dma_semaphore, #tpu.memory_space<semaphore_mem>>)
        %dma_wait3A_297 = arith.constant 0 : i32
        %dma_wait3A_298 = tpu.memref_slice %arg4[%min3A_266, %dma_wait3A_297] : memref<50000x16xi32, #tpu.memory_space<hbm>> -> memref<320x16xi32, #tpu.memory_space<hbm>>
        %dma_wait3A_299 = arith.constant 0 : i32
        %dma_wait3A_300 = tpu.memref_slice %arg4[%min3A_266, %dma_wait3A_299] : memref<50000x16xi32, #tpu.memory_space<hbm>> -> memref<320x16xi32, #tpu.memory_space<hbm>>
        tpu.wait_dma2 semaphore(%run_scoped3A : memref<!tpu.dma_semaphore, #tpu.memory_space<semaphore_mem>>) src(%dma_wait3A_300 : memref<320x16xi32, #tpu.memory_space<hbm>>) dst(%arg7 : memref<320x16xi32, #tpu.memory_space<vmem>>)
        tpu.yield
      }) : () -> ()
      %scan3A_270 = arith.constant 0 : i32
      %scan3A_271 = arith.constant 0 : i32
      %scan3A_272 = arith.constant 320 : i32
      %scan3A_273 = arith.addi %scan3A_271, %scan3A_272 : i32
      %scan3A_274 = arith.constant 1 : i32
      %scan3A_275 = scf.for %scan3A_293 = %scan3A_271 to %scan3A_273 step %scan3A_274 iter_args(%scan3A_294 = %scan3A_270) -> (i32)  : i32 {
        %add3A_295 = arith.addi %scan3A_293, %sub3A_269 : i32
        %min3A_296 = arith.constant 319 : i32
        %min3A_297 = arith.minsi %add3A_295, %min3A_296 : i32
        %get3A = arith.index_cast %min3A_297 : i32 to index
        %get3A_298 = arith.constant 0 : index
        %get3A_299 = tpu.vector_load %arg6[%get3A, %get3A_298] {strides = array<i32>} : memref<320x16xi32, #tpu.memory_space<vmem>>, vector<16xi32>,
        %mul3A_300 = arith.constant 4 : i32
        %mul3A_301 = vector.broadcast %mul3A_300 : i32 to vector<16xi32>
        %mul3A_302 = arith.muli %get3A_299, %mul3A_301 : vector<16xi32>
        %get3A_303 = arith.index_cast %min3A_297 : i32 to index
        %get3A_304 = arith.constant 0 : index
        %get3A_305 = tpu.vector_load %arg7[%get3A_303, %get3A_304] {strides = array<i32>} : memref<320x16xi32, #tpu.memory_space<vmem>>, vector<16xi32>,
        %add3A_306 = arith.addi %mul3A_302, %get3A_305 : vector<16xi32>
        %add3A_307 = arith.constant 1600 : i32
        %add3A_308 = arith.addi %add3A, %add3A_307 : i32
        %add3A_309 = arith.addi %add3A_308, %scan3A_293 : i32
        %lt3A = arith.constant 50000 : i32
        %lt3A_310 = arith.cmpi slt, %add3A_309, %lt3A : i32
        %jit3A_311 = arith.constant 0 : i32
        %broadcast_in_dim3A = vector.broadcast %jit3A_311 : i32 to vector<16xi32>
        %select_n3A_312 = arith.select %lt3A_310, %add3A_306, %broadcast_in_dim3A : vector<16xi32>
        %add3A_313 = arith.constant 1600 : i32
        %add3A_314 = arith.addi %add3A_313, %scan3A_293 : i32
        %jit3A_315 = arith.constant 8 : i32
        %div3A_316 = arith.divsi %add3A_314, %jit3A_315 : i32
        %sign3A_317 = arith.constant 0 : i32
        %sign3A_318 = arith.cmpi sgt, %add3A_314, %sign3A_317 : i32
        %sign3A_319 = arith.extui %sign3A_318 : i1 to i32
        %sign3A_320 = arith.constant 0 : i32
        %sign3A_321 = arith.cmpi slt, %add3A_314, %sign3A_320 : i32
        %sign3A_322 = arith.extui %sign3A_321 : i1 to i32
        %sign3A_323 = arith.subi %sign3A_319, %sign3A_322 : i32
        %sign3A_324 = arith.constant 0 : i32
        %sign3A_325 = arith.cmpi sgt, %jit3A_315, %sign3A_324 : i32
        %sign3A_326 = arith.extui %sign3A_325 : i1 to i32
        %sign3A_327 = arith.constant 0 : i32
        %sign3A_328 = arith.cmpi slt, %jit3A_315, %sign3A_327 : i32
        %sign3A_329 = arith.extui %sign3A_328 : i1 to i32
        %sign3A_330 = arith.subi %sign3A_326, %sign3A_329 : i32
        %ne3A_331 = arith.cmpi ne, %sign3A_323, %sign3A_330 : i32
        %rem3A_332 = arith.remsi %add3A_314, %jit3A_315 : i32
        %ne3A_333 = arith.constant 0 : i32
        %ne3A_334 = arith.cmpi ne, %rem3A_332, %ne3A_333 : i32
        %and3A_335 = arith.andi %ne3A_331, %ne3A_334 : i1
        %sub3A_336 = arith.constant 1 : i32
        %sub3A_337 = arith.subi %div3A_316, %sub3A_336 : i32
        %select_n3A_338 = arith.select %and3A_335, %sub3A_337, %div3A_316 : i32
        %jit3A_339 = arith.constant 8 : i32
        %eq3A_340 = arith.constant 0 : i32
        %eq3A_341 = arith.cmpi eq, %jit3A_339, %eq3A_340 : i32
        %jit3A_342 = arith.constant 1 : i32
        %select_n3A_343 = arith.select %eq3A_341, %jit3A_342, %jit3A_339 : i32
        %rem3A_344 = arith.remsi %add3A_314, %select_n3A_343 : i32
        %ne3A_345 = arith.constant 0 : i32
        %ne3A_346 = arith.cmpi ne, %rem3A_344, %ne3A_345 : i32
        %lt3A_347 = arith.constant 0 : i32
        %lt3A_348 = arith.cmpi slt, %rem3A_344, %lt3A_347 : i32
        %lt3A_349 = arith.constant 0 : i32
        %lt3A_350 = arith.cmpi slt, %select_n3A_343, %lt3A_349 : i32
        %ne3A_351 = arith.xori %lt3A_348, %lt3A_350 : i1
        %and3A_352 = arith.andi %ne3A_351, %ne3A_346 : i1
        %add3A_353 = arith.addi %rem3A_344, %select_n3A_343 : i32
        %select_n3A_354 = arith.select %and3A_352, %add3A_353, %rem3A_344 : i32
        %mul3A_355 = arith.constant 16 : i32
        %mul3A_356 = arith.muli %select_n3A_354, %mul3A_355 : i32
        %swap3A = arith.index_cast %select_n3A_338 : i32 to index
        %swap3A_357 = arith.index_cast %mul3A_356 : i32 to index
        %swap3A_358 = tpu.vector_load %arg8[%swap3A, %swap3A_357] {strides = array<i32>} : memref<280x128xi32, #tpu.memory_space<vmem>>, vector<16xi32>,
        tpu.vector_store %arg8[%swap3A, %swap3A_357], %select_n3A_312 {strides = array<i32>} : memref<280x128xi32, #tpu.memory_space<vmem>>, vector<16xi32>,
        %scan3A_359 = arith.constant 0 : i32
        scf.yield %scan3A_359 : i32
      }
      %scan3A_276 = arith.constant 320 : i32
      %add3A_277 = arith.constant 1920 : i32
      %add3A_278 = arith.addi %add3A, %add3A_277 : i32
      %jit3A_279 = arith.constant 0 : i32
      %jit3A_280 = arith.constant 49680 : i32
      %max3A_281 = arith.maxsi %jit3A_279, %add3A_278 : i32
      %min3A_282 = arith.minsi %jit3A_280, %max3A_281 : i32
      %add3A_283 = arith.constant 1920 : i32
      %add3A_284 = arith.addi %add3A, %add3A_283 : i32
      %sub3A_285 = arith.subi %add3A_284, %min3A_282 : i32
      "tpu.region"() ({
        %run_scoped3A = tpu.sem_alloc : memref<!tpu.dma_semaphore, #tpu.memory_space<semaphore_mem>>
        %dma_start3A_293 = arith.constant 0 : i32
        %dma_start3A_294 = tpu.memref_slice %arg3[%min3A_282, %dma_start3A_293] : memref<50000x16xi32, #tpu.memory_space<hbm>> -> memref<320x16xi32, #tpu.memory_space<hbm>>
        %dma_start3A_295 = arith.constant 0 : i32
        %dma_start3A_296 = tpu.memref_slice %arg3[%min3A_282, %dma_start3A_295] : memref<50000x16xi32, #tpu.memory_space<hbm>> -> memref<320x16xi32, #tpu.memory_space<hbm>>
        tpu.enqueue_dma source(%dma_start3A_296 : memref<320x16xi32, #tpu.memory_space<hbm>>) target(%arg6 : memref<320x16xi32, #tpu.memory_space<vmem>>) target_semaphore(%run_scoped3A : memref<!tpu.dma_semaphore, #tpu.memory_space<semaphore_mem>>)
        %dma_wait3A_297 = arith.constant 0 : i32
        %dma_wait3A_298 = tpu.memref_slice %arg3[%min3A_282, %dma_wait3A_297] : memref<50000x16xi32, #tpu.memory_space<hbm>> -> memref<320x16xi32, #tpu.memory_space<hbm>>
        %dma_wait3A_299 = arith.constant 0 : i32
        %dma_wait3A_300 = tpu.memref_slice %arg3[%min3A_282, %dma_wait3A_299] : memref<50000x16xi32, #tpu.memory_space<hbm>> -> memref<320x16xi32, #tpu.memory_space<hbm>>
        tpu.wait_dma2 semaphore(%run_scoped3A : memref<!tpu.dma_semaphore, #tpu.memory_space<semaphore_mem>>) src(%dma_wait3A_300 : memref<320x16xi32, #tpu.memory_space<hbm>>) dst(%arg6 : memref<320x16xi32, #tpu.memory_space<vmem>>)
        tpu.yield
      }) : () -> ()
      "tpu.region"() ({
        %run_scoped3A = tpu.sem_alloc : memref<!tpu.dma_semaphore, #tpu.memory_space<semaphore_mem>>
        %dma_start3A_293 = arith.constant 0 : i32
        %dma_start3A_294 = tpu.memref_slice %arg4[%min3A_282, %dma_start3A_293] : memref<50000x16xi32, #tpu.memory_space<hbm>> -> memref<320x16xi32, #tpu.memory_space<hbm>>
        %dma_start3A_295 = arith.constant 0 : i32
        %dma_start3A_296 = tpu.memref_slice %arg4[%min3A_282, %dma_start3A_295] : memref<50000x16xi32, #tpu.memory_space<hbm>> -> memref<320x16xi32, #tpu.memory_space<hbm>>
        tpu.enqueue_dma source(%dma_start3A_296 : memref<320x16xi32, #tpu.memory_space<hbm>>) target(%arg7 : memref<320x16xi32, #tpu.memory_space<vmem>>) target_semaphore(%run_scoped3A : memref<!tpu.dma_semaphore, #tpu.memory_space<semaphore_mem>>)
        %dma_wait3A_297 = arith.constant 0 : i32
        %dma_wait3A_298 = tpu.memref_slice %arg4[%min3A_282, %dma_wait3A_297] : memref<50000x16xi32, #tpu.memory_space<hbm>> -> memref<320x16xi32, #tpu.memory_space<hbm>>
        %dma_wait3A_299 = arith.constant 0 : i32
        %dma_wait3A_300 = tpu.memref_slice %arg4[%min3A_282, %dma_wait3A_299] : memref<50000x16xi32, #tpu.memory_space<hbm>> -> memref<320x16xi32, #tpu.memory_space<hbm>>
        tpu.wait_dma2 semaphore(%run_scoped3A : memref<!tpu.dma_semaphore, #tpu.memory_space<semaphore_mem>>) src(%dma_wait3A_300 : memref<320x16xi32, #tpu.memory_space<hbm>>) dst(%arg7 : memref<320x16xi32, #tpu.memory_space<vmem>>)
        tpu.yield
      }) : () -> ()
      %scan3A_286 = arith.constant 0 : i32
      %scan3A_287 = arith.constant 0 : i32
      %scan3A_288 = arith.constant 320 : i32
      %scan3A_289 = arith.addi %scan3A_287, %scan3A_288 : i32
      %scan3A_290 = arith.constant 1 : i32
      %scan3A_291 = scf.for %scan3A_293 = %scan3A_287 to %scan3A_289 step %scan3A_290 iter_args(%scan3A_294 = %scan3A_286) -> (i32)  : i32 {
        %add3A_295 = arith.addi %scan3A_293, %sub3A_285 : i32
        %min3A_296 = arith.constant 319 : i32
        %min3A_297 = arith.minsi %add3A_295, %min3A_296 : i32
        %get3A = arith.index_cast %min3A_297 : i32 to index
        %get3A_298 = arith.constant 0 : index
        %get3A_299 = tpu.vector_load %arg6[%get3A, %get3A_298] {strides = array<i32>} : memref<320x16xi32, #tpu.memory_space<vmem>>, vector<16xi32>,
        %mul3A_300 = arith.constant 4 : i32
        %mul3A_301 = vector.broadcast %mul3A_300 : i32 to vector<16xi32>
        %mul3A_302 = arith.muli %get3A_299, %mul3A_301 : vector<16xi32>
        %get3A_303 = arith.index_cast %min3A_297 : i32 to index
        %get3A_304 = arith.constant 0 : index
        %get3A_305 = tpu.vector_load %arg7[%get3A_303, %get3A_304] {strides = array<i32>} : memref<320x16xi32, #tpu.memory_space<vmem>>, vector<16xi32>,
        %add3A_306 = arith.addi %mul3A_302, %get3A_305 : vector<16xi32>
        %add3A_307 = arith.constant 1920 : i32
        %add3A_308 = arith.addi %add3A, %add3A_307 : i32
        %add3A_309 = arith.addi %add3A_308, %scan3A_293 : i32
        %lt3A = arith.constant 50000 : i32
        %lt3A_310 = arith.cmpi slt, %add3A_309, %lt3A : i32
        %jit3A_311 = arith.constant 0 : i32
        %broadcast_in_dim3A = vector.broadcast %jit3A_311 : i32 to vector<16xi32>
        %select_n3A_312 = arith.select %lt3A_310, %add3A_306, %broadcast_in_dim3A : vector<16xi32>
        %add3A_313 = arith.constant 1920 : i32
        %add3A_314 = arith.addi %add3A_313, %scan3A_293 : i32
        %jit3A_315 = arith.constant 8 : i32
        %div3A_316 = arith.divsi %add3A_314, %jit3A_315 : i32
        %sign3A_317 = arith.constant 0 : i32
        %sign3A_318 = arith.cmpi sgt, %add3A_314, %sign3A_317 : i32
        %sign3A_319 = arith.extui %sign3A_318 : i1 to i32
        %sign3A_320 = arith.constant 0 : i32
        %sign3A_321 = arith.cmpi slt, %add3A_314, %sign3A_320 : i32
        %sign3A_322 = arith.extui %sign3A_321 : i1 to i32
        %sign3A_323 = arith.subi %sign3A_319, %sign3A_322 : i32
        %sign3A_324 = arith.constant 0 : i32
        %sign3A_325 = arith.cmpi sgt, %jit3A_315, %sign3A_324 : i32
        %sign3A_326 = arith.extui %sign3A_325 : i1 to i32
        %sign3A_327 = arith.constant 0 : i32
        %sign3A_328 = arith.cmpi slt, %jit3A_315, %sign3A_327 : i32
        %sign3A_329 = arith.extui %sign3A_328 : i1 to i32
        %sign3A_330 = arith.subi %sign3A_326, %sign3A_329 : i32
        %ne3A_331 = arith.cmpi ne, %sign3A_323, %sign3A_330 : i32
        %rem3A_332 = arith.remsi %add3A_314, %jit3A_315 : i32
        %ne3A_333 = arith.constant 0 : i32
        %ne3A_334 = arith.cmpi ne, %rem3A_332, %ne3A_333 : i32
        %and3A_335 = arith.andi %ne3A_331, %ne3A_334 : i1
        %sub3A_336 = arith.constant 1 : i32
        %sub3A_337 = arith.subi %div3A_316, %sub3A_336 : i32
        %select_n3A_338 = arith.select %and3A_335, %sub3A_337, %div3A_316 : i32
        %jit3A_339 = arith.constant 8 : i32
        %eq3A_340 = arith.constant 0 : i32
        %eq3A_341 = arith.cmpi eq, %jit3A_339, %eq3A_340 : i32
        %jit3A_342 = arith.constant 1 : i32
        %select_n3A_343 = arith.select %eq3A_341, %jit3A_342, %jit3A_339 : i32
        %rem3A_344 = arith.remsi %add3A_314, %select_n3A_343 : i32
        %ne3A_345 = arith.constant 0 : i32
        %ne3A_346 = arith.cmpi ne, %rem3A_344, %ne3A_345 : i32
        %lt3A_347 = arith.constant 0 : i32
        %lt3A_348 = arith.cmpi slt, %rem3A_344, %lt3A_347 : i32
        %lt3A_349 = arith.constant 0 : i32
        %lt3A_350 = arith.cmpi slt, %select_n3A_343, %lt3A_349 : i32
        %ne3A_351 = arith.xori %lt3A_348, %lt3A_350 : i1
        %and3A_352 = arith.andi %ne3A_351, %ne3A_346 : i1
        %add3A_353 = arith.addi %rem3A_344, %select_n3A_343 : i32
        %select_n3A_354 = arith.select %and3A_352, %add3A_353, %rem3A_344 : i32
        %mul3A_355 = arith.constant 16 : i32
        %mul3A_356 = arith.muli %select_n3A_354, %mul3A_355 : i32
        %swap3A = arith.index_cast %select_n3A_338 : i32 to index
        %swap3A_357 = arith.index_cast %mul3A_356 : i32 to index
        %swap3A_358 = tpu.vector_load %arg8[%swap3A, %swap3A_357] {strides = array<i32>} : memref<280x128xi32, #tpu.memory_space<vmem>>, vector<16xi32>,
        tpu.vector_store %arg8[%swap3A, %swap3A_357], %select_n3A_312 {strides = array<i32>} : memref<280x128xi32, #tpu.memory_space<vmem>>, vector<16xi32>,
        %scan3A_359 = arith.constant 0 : i32
        scf.yield %scan3A_359 : i32
      }
      %scan3A_292 = arith.constant 320 : i32
    } else {
    }
    %not3A = arith.constant true
    %not3A_7 = arith.xori %eq3A_0, %not3A : i1
    %convert_element_type3A_8 = arith.extui %not3A_7 : i1 to i32
    %cond3A_9 = arith.constant 0 : i32
    %cond3A_10 = arith.cmpi ne, %convert_element_type3A_8, %cond3A_9 : i32
    scf.if %cond3A_10 {
      %add3A_184 = arith.constant 0 : i32
      %add3A_185 = arith.addi %add3A, %add3A_184 : i32
      %jit3A_186 = arith.constant 0 : i32
      %jit3A_187 = arith.constant 49680 : i32
      %max3A = arith.maxsi %jit3A_186, %add3A_185 : i32
      %min3A = arith.minsi %jit3A_187, %max3A : i32
      %add3A_188 = arith.constant 0 : i32
      %add3A_189 = arith.addi %add3A, %add3A_188 : i32
      %sub3A_190 = arith.subi %add3A_189, %min3A : i32
      "tpu.region"() ({
        %run_scoped3A = tpu.sem_alloc : memref<!tpu.dma_semaphore, #tpu.memory_space<semaphore_mem>>
        %dma_start3A_229 = arith.constant 0 : i32
        %dma_start3A_230 = tpu.memref_slice %arg3[%min3A, %dma_start3A_229] : memref<50000x16xi32, #tpu.memory_space<hbm>> -> memref<320x16xi32, #tpu.memory_space<hbm>>
        %dma_start3A_231 = arith.constant 0 : i32
        %dma_start3A_232 = tpu.memref_slice %arg3[%min3A, %dma_start3A_231] : memref<50000x16xi32, #tpu.memory_space<hbm>> -> memref<320x16xi32, #tpu.memory_space<hbm>>
        tpu.enqueue_dma source(%dma_start3A_232 : memref<320x16xi32, #tpu.memory_space<hbm>>) target(%arg6 : memref<320x16xi32, #tpu.memory_space<vmem>>) target_semaphore(%run_scoped3A : memref<!tpu.dma_semaphore, #tpu.memory_space<semaphore_mem>>)
        %dma_wait3A_233 = arith.constant 0 : i32
        %dma_wait3A_234 = tpu.memref_slice %arg3[%min3A, %dma_wait3A_233] : memref<50000x16xi32, #tpu.memory_space<hbm>> -> memref<320x16xi32, #tpu.memory_space<hbm>>
        %dma_wait3A_235 = arith.constant 0 : i32
        %dma_wait3A_236 = tpu.memref_slice %arg3[%min3A, %dma_wait3A_235] : memref<50000x16xi32, #tpu.memory_space<hbm>> -> memref<320x16xi32, #tpu.memory_space<hbm>>
        tpu.wait_dma2 semaphore(%run_scoped3A : memref<!tpu.dma_semaphore, #tpu.memory_space<semaphore_mem>>) src(%dma_wait3A_236 : memref<320x16xi32, #tpu.memory_space<hbm>>) dst(%arg6 : memref<320x16xi32, #tpu.memory_space<vmem>>)
        tpu.yield
      }) : () -> ()
      "tpu.region"() ({
        %run_scoped3A = tpu.sem_alloc : memref<!tpu.dma_semaphore, #tpu.memory_space<semaphore_mem>>
        %dma_start3A_229 = arith.constant 0 : i32
        %dma_start3A_230 = tpu.memref_slice %arg4[%min3A, %dma_start3A_229] : memref<50000x16xi32, #tpu.memory_space<hbm>> -> memref<320x16xi32, #tpu.memory_space<hbm>>
        %dma_start3A_231 = arith.constant 0 : i32
        %dma_start3A_232 = tpu.memref_slice %arg4[%min3A, %dma_start3A_231] : memref<50000x16xi32, #tpu.memory_space<hbm>> -> memref<320x16xi32, #tpu.memory_space<hbm>>
        tpu.enqueue_dma source(%dma_start3A_232 : memref<320x16xi32, #tpu.memory_space<hbm>>) target(%arg7 : memref<320x16xi32, #tpu.memory_space<vmem>>) target_semaphore(%run_scoped3A : memref<!tpu.dma_semaphore, #tpu.memory_space<semaphore_mem>>)
        %dma_wait3A_233 = arith.constant 0 : i32
        %dma_wait3A_234 = tpu.memref_slice %arg4[%min3A, %dma_wait3A_233] : memref<50000x16xi32, #tpu.memory_space<hbm>> -> memref<320x16xi32, #tpu.memory_space<hbm>>
        %dma_wait3A_235 = arith.constant 0 : i32
        %dma_wait3A_236 = tpu.memref_slice %arg4[%min3A, %dma_wait3A_235] : memref<50000x16xi32, #tpu.memory_space<hbm>> -> memref<320x16xi32, #tpu.memory_space<hbm>>
        tpu.wait_dma2 semaphore(%run_scoped3A : memref<!tpu.dma_semaphore, #tpu.memory_space<semaphore_mem>>) src(%dma_wait3A_236 : memref<320x16xi32, #tpu.memory_space<hbm>>) dst(%arg7 : memref<320x16xi32, #tpu.memory_space<vmem>>)
        tpu.yield
      }) : () -> ()
      %scan3A = arith.constant 0 : i32
      %scan3A_191 = arith.constant 0 : i32
      %scan3A_192 = arith.constant 320 : i32
      %scan3A_193 = arith.addi %scan3A_191, %scan3A_192 : i32
      %scan3A_194 = arith.constant 1 : i32
      %scan3A_195 = scf.for %scan3A_229 = %scan3A_191 to %scan3A_193 step %scan3A_194 iter_args(%scan3A_230 = %scan3A) -> (i32)  : i32 {
        %add3A_231 = arith.addi %scan3A_229, %sub3A_190 : i32
        %min3A_232 = arith.constant 319 : i32
        %min3A_233 = arith.minsi %add3A_231, %min3A_232 : i32
        %get3A = arith.index_cast %min3A_233 : i32 to index
        %get3A_234 = arith.constant 0 : index
        %get3A_235 = tpu.vector_load %arg6[%get3A, %get3A_234] {strides = array<i32>} : memref<320x16xi32, #tpu.memory_space<vmem>>, vector<16xi32>,
        %mul3A_236 = arith.constant 4 : i32
        %mul3A_237 = vector.broadcast %mul3A_236 : i32 to vector<16xi32>
        %mul3A_238 = arith.muli %get3A_235, %mul3A_237 : vector<16xi32>
        %get3A_239 = arith.index_cast %min3A_233 : i32 to index
        %get3A_240 = arith.constant 0 : index
        %get3A_241 = tpu.vector_load %arg7[%get3A_239, %get3A_240] {strides = array<i32>} : memref<320x16xi32, #tpu.memory_space<vmem>>, vector<16xi32>,
        %add3A_242 = arith.addi %mul3A_238, %get3A_241 : vector<16xi32>
        %add3A_243 = arith.constant 0 : i32
        %add3A_244 = arith.addi %add3A, %add3A_243 : i32
        %add3A_245 = arith.addi %add3A_244, %scan3A_229 : i32
        %lt3A = arith.constant 50000 : i32
        %lt3A_246 = arith.cmpi slt, %add3A_245, %lt3A : i32
        %jit3A_247 = arith.constant 0 : i32
        %broadcast_in_dim3A = vector.broadcast %jit3A_247 : i32 to vector<16xi32>
        %select_n3A_248 = arith.select %lt3A_246, %add3A_242, %broadcast_in_dim3A : vector<16xi32>
        %add3A_249 = arith.constant 0 : i32
        %add3A_250 = arith.addi %add3A_249, %scan3A_229 : i32
        %jit3A_251 = arith.constant 8 : i32
        %div3A_252 = arith.divsi %add3A_250, %jit3A_251 : i32
        %sign3A_253 = arith.constant 0 : i32
        %sign3A_254 = arith.cmpi sgt, %add3A_250, %sign3A_253 : i32
        %sign3A_255 = arith.extui %sign3A_254 : i1 to i32
        %sign3A_256 = arith.constant 0 : i32
        %sign3A_257 = arith.cmpi slt, %add3A_250, %sign3A_256 : i32
        %sign3A_258 = arith.extui %sign3A_257 : i1 to i32
        %sign3A_259 = arith.subi %sign3A_255, %sign3A_258 : i32
        %sign3A_260 = arith.constant 0 : i32
        %sign3A_261 = arith.cmpi sgt, %jit3A_251, %sign3A_260 : i32
        %sign3A_262 = arith.extui %sign3A_261 : i1 to i32
        %sign3A_263 = arith.constant 0 : i32
        %sign3A_264 = arith.cmpi slt, %jit3A_251, %sign3A_263 : i32
        %sign3A_265 = arith.extui %sign3A_264 : i1 to i32
        %sign3A_266 = arith.subi %sign3A_262, %sign3A_265 : i32
        %ne3A_267 = arith.cmpi ne, %sign3A_259, %sign3A_266 : i32
        %rem3A_268 = arith.remsi %add3A_250, %jit3A_251 : i32
        %ne3A_269 = arith.constant 0 : i32
        %ne3A_270 = arith.cmpi ne, %rem3A_268, %ne3A_269 : i32
        %and3A_271 = arith.andi %ne3A_267, %ne3A_270 : i1
        %sub3A_272 = arith.constant 1 : i32
        %sub3A_273 = arith.subi %div3A_252, %sub3A_272 : i32
        %select_n3A_274 = arith.select %and3A_271, %sub3A_273, %div3A_252 : i32
        %jit3A_275 = arith.constant 8 : i32
        %eq3A_276 = arith.constant 0 : i32
        %eq3A_277 = arith.cmpi eq, %jit3A_275, %eq3A_276 : i32
        %jit3A_278 = arith.constant 1 : i32
        %select_n3A_279 = arith.select %eq3A_277, %jit3A_278, %jit3A_275 : i32
        %rem3A_280 = arith.remsi %add3A_250, %select_n3A_279 : i32
        %ne3A_281 = arith.constant 0 : i32
        %ne3A_282 = arith.cmpi ne, %rem3A_280, %ne3A_281 : i32
        %lt3A_283 = arith.constant 0 : i32
        %lt3A_284 = arith.cmpi slt, %rem3A_280, %lt3A_283 : i32
        %lt3A_285 = arith.constant 0 : i32
        %lt3A_286 = arith.cmpi slt, %select_n3A_279, %lt3A_285 : i32
        %ne3A_287 = arith.xori %lt3A_284, %lt3A_286 : i1
        %and3A_288 = arith.andi %ne3A_287, %ne3A_282 : i1
        %add3A_289 = arith.addi %rem3A_280, %select_n3A_279 : i32
        %select_n3A_290 = arith.select %and3A_288, %add3A_289, %rem3A_280 : i32
        %mul3A_291 = arith.constant 16 : i32
        %mul3A_292 = arith.muli %select_n3A_290, %mul3A_291 : i32
        %swap3A = arith.index_cast %select_n3A_274 : i32 to index
        %swap3A_293 = arith.index_cast %mul3A_292 : i32 to index
        %swap3A_294 = tpu.vector_load %arg8[%swap3A, %swap3A_293] {strides = array<i32>} : memref<280x128xi32, #tpu.memory_space<vmem>>, vector<16xi32>,
        tpu.vector_store %arg8[%swap3A, %swap3A_293], %select_n3A_248 {strides = array<i32>} : memref<280x128xi32, #tpu.memory_space<vmem>>, vector<16xi32>,
        %scan3A_295 = arith.constant 0 : i32
        scf.yield %scan3A_295 : i32
      }
      %scan3A_196 = arith.constant 320 : i32
      %add3A_197 = arith.constant 320 : i32
      %add3A_198 = arith.addi %add3A, %add3A_197 : i32
      %jit3A_199 = arith.constant 0 : i32
      %jit3A_200 = arith.constant 49680 : i32
      %max3A_201 = arith.maxsi %jit3A_199, %add3A_198 : i32
      %min3A_202 = arith.minsi %jit3A_200, %max3A_201 : i32
      %add3A_203 = arith.constant 320 : i32
      %add3A_204 = arith.addi %add3A, %add3A_203 : i32
      %sub3A_205 = arith.subi %add3A_204, %min3A_202 : i32
      "tpu.region"() ({
        %run_scoped3A = tpu.sem_alloc : memref<!tpu.dma_semaphore, #tpu.memory_space<semaphore_mem>>
        %dma_start3A_229 = arith.constant 0 : i32
        %dma_start3A_230 = tpu.memref_slice %arg3[%min3A_202, %dma_start3A_229] : memref<50000x16xi32, #tpu.memory_space<hbm>> -> memref<320x16xi32, #tpu.memory_space<hbm>>
        %dma_start3A_231 = arith.constant 0 : i32
        %dma_start3A_232 = tpu.memref_slice %arg3[%min3A_202, %dma_start3A_231] : memref<50000x16xi32, #tpu.memory_space<hbm>> -> memref<320x16xi32, #tpu.memory_space<hbm>>
        tpu.enqueue_dma source(%dma_start3A_232 : memref<320x16xi32, #tpu.memory_space<hbm>>) target(%arg6 : memref<320x16xi32, #tpu.memory_space<vmem>>) target_semaphore(%run_scoped3A : memref<!tpu.dma_semaphore, #tpu.memory_space<semaphore_mem>>)
        %dma_wait3A_233 = arith.constant 0 : i32
        %dma_wait3A_234 = tpu.memref_slice %arg3[%min3A_202, %dma_wait3A_233] : memref<50000x16xi32, #tpu.memory_space<hbm>> -> memref<320x16xi32, #tpu.memory_space<hbm>>
        %dma_wait3A_235 = arith.constant 0 : i32
        %dma_wait3A_236 = tpu.memref_slice %arg3[%min3A_202, %dma_wait3A_235] : memref<50000x16xi32, #tpu.memory_space<hbm>> -> memref<320x16xi32, #tpu.memory_space<hbm>>
        tpu.wait_dma2 semaphore(%run_scoped3A : memref<!tpu.dma_semaphore, #tpu.memory_space<semaphore_mem>>) src(%dma_wait3A_236 : memref<320x16xi32, #tpu.memory_space<hbm>>) dst(%arg6 : memref<320x16xi32, #tpu.memory_space<vmem>>)
        tpu.yield
      }) : () -> ()
      "tpu.region"() ({
        %run_scoped3A = tpu.sem_alloc : memref<!tpu.dma_semaphore, #tpu.memory_space<semaphore_mem>>
        %dma_start3A_229 = arith.constant 0 : i32
        %dma_start3A_230 = tpu.memref_slice %arg4[%min3A_202, %dma_start3A_229] : memref<50000x16xi32, #tpu.memory_space<hbm>> -> memref<320x16xi32, #tpu.memory_space<hbm>>
        %dma_start3A_231 = arith.constant 0 : i32
        %dma_start3A_232 = tpu.memref_slice %arg4[%min3A_202, %dma_start3A_231] : memref<50000x16xi32, #tpu.memory_space<hbm>> -> memref<320x16xi32, #tpu.memory_space<hbm>>
        tpu.enqueue_dma source(%dma_start3A_232 : memref<320x16xi32, #tpu.memory_space<hbm>>) target(%arg7 : memref<320x16xi32, #tpu.memory_space<vmem>>) target_semaphore(%run_scoped3A : memref<!tpu.dma_semaphore, #tpu.memory_space<semaphore_mem>>)
        %dma_wait3A_233 = arith.constant 0 : i32
        %dma_wait3A_234 = tpu.memref_slice %arg4[%min3A_202, %dma_wait3A_233] : memref<50000x16xi32, #tpu.memory_space<hbm>> -> memref<320x16xi32, #tpu.memory_space<hbm>>
        %dma_wait3A_235 = arith.constant 0 : i32
        %dma_wait3A_236 = tpu.memref_slice %arg4[%min3A_202, %dma_wait3A_235] : memref<50000x16xi32, #tpu.memory_space<hbm>> -> memref<320x16xi32, #tpu.memory_space<hbm>>
        tpu.wait_dma2 semaphore(%run_scoped3A : memref<!tpu.dma_semaphore, #tpu.memory_space<semaphore_mem>>) src(%dma_wait3A_236 : memref<320x16xi32, #tpu.memory_space<hbm>>) dst(%arg7 : memref<320x16xi32, #tpu.memory_space<vmem>>)
        tpu.yield
      }) : () -> ()
      %scan3A_206 = arith.constant 0 : i32
      %scan3A_207 = arith.constant 0 : i32
      %scan3A_208 = arith.constant 320 : i32
      %scan3A_209 = arith.addi %scan3A_207, %scan3A_208 : i32
      %scan3A_210 = arith.constant 1 : i32
      %scan3A_211 = scf.for %scan3A_229 = %scan3A_207 to %scan3A_209 step %scan3A_210 iter_args(%scan3A_230 = %scan3A_206) -> (i32)  : i32 {
        %add3A_231 = arith.addi %scan3A_229, %sub3A_205 : i32
        %min3A_232 = arith.constant 319 : i32
        %min3A_233 = arith.minsi %add3A_231, %min3A_232 : i32
        %get3A = arith.index_cast %min3A_233 : i32 to index
        %get3A_234 = arith.constant 0 : index
        %get3A_235 = tpu.vector_load %arg6[%get3A, %get3A_234] {strides = array<i32>} : memref<320x16xi32, #tpu.memory_space<vmem>>, vector<16xi32>,
        %mul3A_236 = arith.constant 4 : i32
        %mul3A_237 = vector.broadcast %mul3A_236 : i32 to vector<16xi32>
        %mul3A_238 = arith.muli %get3A_235, %mul3A_237 : vector<16xi32>
        %get3A_239 = arith.index_cast %min3A_233 : i32 to index
        %get3A_240 = arith.constant 0 : index
        %get3A_241 = tpu.vector_load %arg7[%get3A_239, %get3A_240] {strides = array<i32>} : memref<320x16xi32, #tpu.memory_space<vmem>>, vector<16xi32>,
        %add3A_242 = arith.addi %mul3A_238, %get3A_241 : vector<16xi32>
        %add3A_243 = arith.constant 320 : i32
        %add3A_244 = arith.addi %add3A, %add3A_243 : i32
        %add3A_245 = arith.addi %add3A_244, %scan3A_229 : i32
        %lt3A = arith.constant 50000 : i32
        %lt3A_246 = arith.cmpi slt, %add3A_245, %lt3A : i32
        %jit3A_247 = arith.constant 0 : i32
        %broadcast_in_dim3A = vector.broadcast %jit3A_247 : i32 to vector<16xi32>
        %select_n3A_248 = arith.select %lt3A_246, %add3A_242, %broadcast_in_dim3A : vector<16xi32>
        %add3A_249 = arith.constant 320 : i32
        %add3A_250 = arith.addi %add3A_249, %scan3A_229 : i32
        %jit3A_251 = arith.constant 8 : i32
        %div3A_252 = arith.divsi %add3A_250, %jit3A_251 : i32
        %sign3A_253 = arith.constant 0 : i32
        %sign3A_254 = arith.cmpi sgt, %add3A_250, %sign3A_253 : i32
        %sign3A_255 = arith.extui %sign3A_254 : i1 to i32
        %sign3A_256 = arith.constant 0 : i32
        %sign3A_257 = arith.cmpi slt, %add3A_250, %sign3A_256 : i32
        %sign3A_258 = arith.extui %sign3A_257 : i1 to i32
        %sign3A_259 = arith.subi %sign3A_255, %sign3A_258 : i32
        %sign3A_260 = arith.constant 0 : i32
        %sign3A_261 = arith.cmpi sgt, %jit3A_251, %sign3A_260 : i32
        %sign3A_262 = arith.extui %sign3A_261 : i1 to i32
        %sign3A_263 = arith.constant 0 : i32
        %sign3A_264 = arith.cmpi slt, %jit3A_251, %sign3A_263 : i32
        %sign3A_265 = arith.extui %sign3A_264 : i1 to i32
        %sign3A_266 = arith.subi %sign3A_262, %sign3A_265 : i32
        %ne3A_267 = arith.cmpi ne, %sign3A_259, %sign3A_266 : i32
        %rem3A_268 = arith.remsi %add3A_250, %jit3A_251 : i32
        %ne3A_269 = arith.constant 0 : i32
        %ne3A_270 = arith.cmpi ne, %rem3A_268, %ne3A_269 : i32
        %and3A_271 = arith.andi %ne3A_267, %ne3A_270 : i1
        %sub3A_272 = arith.constant 1 : i32
        %sub3A_273 = arith.subi %div3A_252, %sub3A_272 : i32
        %select_n3A_274 = arith.select %and3A_271, %sub3A_273, %div3A_252 : i32
        %jit3A_275 = arith.constant 8 : i32
        %eq3A_276 = arith.constant 0 : i32
        %eq3A_277 = arith.cmpi eq, %jit3A_275, %eq3A_276 : i32
        %jit3A_278 = arith.constant 1 : i32
        %select_n3A_279 = arith.select %eq3A_277, %jit3A_278, %jit3A_275 : i32
        %rem3A_280 = arith.remsi %add3A_250, %select_n3A_279 : i32
        %ne3A_281 = arith.constant 0 : i32
        %ne3A_282 = arith.cmpi ne, %rem3A_280, %ne3A_281 : i32
        %lt3A_283 = arith.constant 0 : i32
        %lt3A_284 = arith.cmpi slt, %rem3A_280, %lt3A_283 : i32
        %lt3A_285 = arith.constant 0 : i32
        %lt3A_286 = arith.cmpi slt, %select_n3A_279, %lt3A_285 : i32
        %ne3A_287 = arith.xori %lt3A_284, %lt3A_286 : i1
        %and3A_288 = arith.andi %ne3A_287, %ne3A_282 : i1
        %add3A_289 = arith.addi %rem3A_280, %select_n3A_279 : i32
        %select_n3A_290 = arith.select %and3A_288, %add3A_289, %rem3A_280 : i32
        %mul3A_291 = arith.constant 16 : i32
        %mul3A_292 = arith.muli %select_n3A_290, %mul3A_291 : i32
        %swap3A = arith.index_cast %select_n3A_274 : i32 to index
        %swap3A_293 = arith.index_cast %mul3A_292 : i32 to index
        %swap3A_294 = tpu.vector_load %arg8[%swap3A, %swap3A_293] {strides = array<i32>} : memref<280x128xi32, #tpu.memory_space<vmem>>, vector<16xi32>,
        tpu.vector_store %arg8[%swap3A, %swap3A_293], %select_n3A_248 {strides = array<i32>} : memref<280x128xi32, #tpu.memory_space<vmem>>, vector<16xi32>,
        %scan3A_295 = arith.constant 0 : i32
        scf.yield %scan3A_295 : i32
      }
      %scan3A_212 = arith.constant 320 : i32
      %add3A_213 = arith.constant 640 : i32
      %add3A_214 = arith.addi %add3A, %add3A_213 : i32
      %jit3A_215 = arith.constant 0 : i32
      %jit3A_216 = arith.constant 49680 : i32
      %max3A_217 = arith.maxsi %jit3A_215, %add3A_214 : i32
      %min3A_218 = arith.minsi %jit3A_216, %max3A_217 : i32
      %add3A_219 = arith.constant 640 : i32
      %add3A_220 = arith.addi %add3A, %add3A_219 : i32
      %sub3A_221 = arith.subi %add3A_220, %min3A_218 : i32
      "tpu.region"() ({
        %run_scoped3A = tpu.sem_alloc : memref<!tpu.dma_semaphore, #tpu.memory_space<semaphore_mem>>
        %dma_start3A_229 = arith.constant 0 : i32
        %dma_start3A_230 = tpu.memref_slice %arg3[%min3A_218, %dma_start3A_229] : memref<50000x16xi32, #tpu.memory_space<hbm>> -> memref<320x16xi32, #tpu.memory_space<hbm>>
        %dma_start3A_231 = arith.constant 0 : i32
        %dma_start3A_232 = tpu.memref_slice %arg3[%min3A_218, %dma_start3A_231] : memref<50000x16xi32, #tpu.memory_space<hbm>> -> memref<320x16xi32, #tpu.memory_space<hbm>>
        tpu.enqueue_dma source(%dma_start3A_232 : memref<320x16xi32, #tpu.memory_space<hbm>>) target(%arg6 : memref<320x16xi32, #tpu.memory_space<vmem>>) target_semaphore(%run_scoped3A : memref<!tpu.dma_semaphore, #tpu.memory_space<semaphore_mem>>)
        %dma_wait3A_233 = arith.constant 0 : i32
        %dma_wait3A_234 = tpu.memref_slice %arg3[%min3A_218, %dma_wait3A_233] : memref<50000x16xi32, #tpu.memory_space<hbm>> -> memref<320x16xi32, #tpu.memory_space<hbm>>
        %dma_wait3A_235 = arith.constant 0 : i32
        %dma_wait3A_236 = tpu.memref_slice %arg3[%min3A_218, %dma_wait3A_235] : memref<50000x16xi32, #tpu.memory_space<hbm>> -> memref<320x16xi32, #tpu.memory_space<hbm>>
        tpu.wait_dma2 semaphore(%run_scoped3A : memref<!tpu.dma_semaphore, #tpu.memory_space<semaphore_mem>>) src(%dma_wait3A_236 : memref<320x16xi32, #tpu.memory_space<hbm>>) dst(%arg6 : memref<320x16xi32, #tpu.memory_space<vmem>>)
        tpu.yield
      }) : () -> ()
      "tpu.region"() ({
        %run_scoped3A = tpu.sem_alloc : memref<!tpu.dma_semaphore, #tpu.memory_space<semaphore_mem>>
        %dma_start3A_229 = arith.constant 0 : i32
        %dma_start3A_230 = tpu.memref_slice %arg4[%min3A_218, %dma_start3A_229] : memref<50000x16xi32, #tpu.memory_space<hbm>> -> memref<320x16xi32, #tpu.memory_space<hbm>>
        %dma_start3A_231 = arith.constant 0 : i32
        %dma_start3A_232 = tpu.memref_slice %arg4[%min3A_218, %dma_start3A_231] : memref<50000x16xi32, #tpu.memory_space<hbm>> -> memref<320x16xi32, #tpu.memory_space<hbm>>
        tpu.enqueue_dma source(%dma_start3A_232 : memref<320x16xi32, #tpu.memory_space<hbm>>) target(%arg7 : memref<320x16xi32, #tpu.memory_space<vmem>>) target_semaphore(%run_scoped3A : memref<!tpu.dma_semaphore, #tpu.memory_space<semaphore_mem>>)
        %dma_wait3A_233 = arith.constant 0 : i32
        %dma_wait3A_234 = tpu.memref_slice %arg4[%min3A_218, %dma_wait3A_233] : memref<50000x16xi32, #tpu.memory_space<hbm>> -> memref<320x16xi32, #tpu.memory_space<hbm>>
        %dma_wait3A_235 = arith.constant 0 : i32
        %dma_wait3A_236 = tpu.memref_slice %arg4[%min3A_218, %dma_wait3A_235] : memref<50000x16xi32, #tpu.memory_space<hbm>> -> memref<320x16xi32, #tpu.memory_space<hbm>>
        tpu.wait_dma2 semaphore(%run_scoped3A : memref<!tpu.dma_semaphore, #tpu.memory_space<semaphore_mem>>) src(%dma_wait3A_236 : memref<320x16xi32, #tpu.memory_space<hbm>>) dst(%arg7 : memref<320x16xi32, #tpu.memory_space<vmem>>)
        tpu.yield
      }) : () -> ()
      %scan3A_222 = arith.constant 0 : i32
      %scan3A_223 = arith.constant 0 : i32
      %scan3A_224 = arith.constant 320 : i32
      %scan3A_225 = arith.addi %scan3A_223, %scan3A_224 : i32
      %scan3A_226 = arith.constant 1 : i32
      %scan3A_227 = scf.for %scan3A_229 = %scan3A_223 to %scan3A_225 step %scan3A_226 iter_args(%scan3A_230 = %scan3A_222) -> (i32)  : i32 {
        %add3A_231 = arith.addi %scan3A_229, %sub3A_221 : i32
        %min3A_232 = arith.constant 319 : i32
        %min3A_233 = arith.minsi %add3A_231, %min3A_232 : i32
        %get3A = arith.index_cast %min3A_233 : i32 to index
        %get3A_234 = arith.constant 0 : index
        %get3A_235 = tpu.vector_load %arg6[%get3A, %get3A_234] {strides = array<i32>} : memref<320x16xi32, #tpu.memory_space<vmem>>, vector<16xi32>,
        %mul3A_236 = arith.constant 4 : i32
        %mul3A_237 = vector.broadcast %mul3A_236 : i32 to vector<16xi32>
        %mul3A_238 = arith.muli %get3A_235, %mul3A_237 : vector<16xi32>
        %get3A_239 = arith.index_cast %min3A_233 : i32 to index
        %get3A_240 = arith.constant 0 : index
        %get3A_241 = tpu.vector_load %arg7[%get3A_239, %get3A_240] {strides = array<i32>} : memref<320x16xi32, #tpu.memory_space<vmem>>, vector<16xi32>,
        %add3A_242 = arith.addi %mul3A_238, %get3A_241 : vector<16xi32>
        %add3A_243 = arith.constant 640 : i32
        %add3A_244 = arith.addi %add3A, %add3A_243 : i32
        %add3A_245 = arith.addi %add3A_244, %scan3A_229 : i32
        %lt3A = arith.constant 50000 : i32
        %lt3A_246 = arith.cmpi slt, %add3A_245, %lt3A : i32
        %jit3A_247 = arith.constant 0 : i32
        %broadcast_in_dim3A = vector.broadcast %jit3A_247 : i32 to vector<16xi32>
        %select_n3A_248 = arith.select %lt3A_246, %add3A_242, %broadcast_in_dim3A : vector<16xi32>
        %add3A_249 = arith.constant 640 : i32
        %add3A_250 = arith.addi %add3A_249, %scan3A_229 : i32
        %jit3A_251 = arith.constant 8 : i32
        %div3A_252 = arith.divsi %add3A_250, %jit3A_251 : i32
        %sign3A_253 = arith.constant 0 : i32
        %sign3A_254 = arith.cmpi sgt, %add3A_250, %sign3A_253 : i32
        %sign3A_255 = arith.extui %sign3A_254 : i1 to i32
        %sign3A_256 = arith.constant 0 : i32
        %sign3A_257 = arith.cmpi slt, %add3A_250, %sign3A_256 : i32
        %sign3A_258 = arith.extui %sign3A_257 : i1 to i32
        %sign3A_259 = arith.subi %sign3A_255, %sign3A_258 : i32
        %sign3A_260 = arith.constant 0 : i32
        %sign3A_261 = arith.cmpi sgt, %jit3A_251, %sign3A_260 : i32
        %sign3A_262 = arith.extui %sign3A_261 : i1 to i32
        %sign3A_263 = arith.constant 0 : i32
        %sign3A_264 = arith.cmpi slt, %jit3A_251, %sign3A_263 : i32
        %sign3A_265 = arith.extui %sign3A_264 : i1 to i32
        %sign3A_266 = arith.subi %sign3A_262, %sign3A_265 : i32
        %ne3A_267 = arith.cmpi ne, %sign3A_259, %sign3A_266 : i32
        %rem3A_268 = arith.remsi %add3A_250, %jit3A_251 : i32
        %ne3A_269 = arith.constant 0 : i32
        %ne3A_270 = arith.cmpi ne, %rem3A_268, %ne3A_269 : i32
        %and3A_271 = arith.andi %ne3A_267, %ne3A_270 : i1
        %sub3A_272 = arith.constant 1 : i32
        %sub3A_273 = arith.subi %div3A_252, %sub3A_272 : i32
        %select_n3A_274 = arith.select %and3A_271, %sub3A_273, %div3A_252 : i32
        %jit3A_275 = arith.constant 8 : i32
        %eq3A_276 = arith.constant 0 : i32
        %eq3A_277 = arith.cmpi eq, %jit3A_275, %eq3A_276 : i32
        %jit3A_278 = arith.constant 1 : i32
        %select_n3A_279 = arith.select %eq3A_277, %jit3A_278, %jit3A_275 : i32
        %rem3A_280 = arith.remsi %add3A_250, %select_n3A_279 : i32
        %ne3A_281 = arith.constant 0 : i32
        %ne3A_282 = arith.cmpi ne, %rem3A_280, %ne3A_281 : i32
        %lt3A_283 = arith.constant 0 : i32
        %lt3A_284 = arith.cmpi slt, %rem3A_280, %lt3A_283 : i32
        %lt3A_285 = arith.constant 0 : i32
        %lt3A_286 = arith.cmpi slt, %select_n3A_279, %lt3A_285 : i32
        %ne3A_287 = arith.xori %lt3A_284, %lt3A_286 : i1
        %and3A_288 = arith.andi %ne3A_287, %ne3A_282 : i1
        %add3A_289 = arith.addi %rem3A_280, %select_n3A_279 : i32
        %select_n3A_290 = arith.select %and3A_288, %add3A_289, %rem3A_280 : i32
        %mul3A_291 = arith.constant 16 : i32
        %mul3A_292 = arith.muli %select_n3A_290, %mul3A_291 : i32
        %swap3A = arith.index_cast %select_n3A_274 : i32 to index
        %swap3A_293 = arith.index_cast %mul3A_292 : i32 to index
        %swap3A_294 = tpu.vector_load %arg8[%swap3A, %swap3A_293] {strides = array<i32>} : memref<280x128xi32, #tpu.memory_space<vmem>>, vector<16xi32>,
        tpu.vector_store %arg8[%swap3A, %swap3A_293], %select_n3A_248 {strides = array<i32>} : memref<280x128xi32, #tpu.memory_space<vmem>>, vector<16xi32>,
        %scan3A_295 = arith.constant 0 : i32
        scf.yield %scan3A_295 : i32
      }
      %scan3A_228 = arith.constant 320 : i32
    } else {
    }
    %dma_start3A = arith.constant 0 : i32
    %dma_start3A_11 = arith.constant 0 : i32
    %dma_start3A_12 = arith.constant 0 : i32
    %dma_start3A_13 = arith.constant 0 : i32
    %dma_start3A_14 = tpu.memref_slice %arg9[%dma_start3A_11, %dma_start3A_12, %dma_start3A_13] : memref<2x512x64xbf16, #tpu.memory_space<vmem>> -> memref<1x512x64xbf16, #tpu.memory_space<vmem>>
    %dma_start3A_15 = tpu.memref_squeeze %dma_start3A_14 : memref<1x512x64xbf16, #tpu.memory_space<vmem>> -> memref<512x64xbf16, #tpu.memory_space<vmem>>
    %dma_start3A_16 = arith.constant 0 : i32
    %dma_start3A_17 = arith.constant 0 : i32
    %dma_start3A_18 = tpu.memref_slice %dma_start3A_15[%dma_start3A_16, %dma_start3A_17] : memref<512x64xbf16, #tpu.memory_space<vmem>> -> memref<128x64xbf16, #tpu.memory_space<vmem>>
    %dma_start3A_19 = arith.constant 0 : i32
    %dma_start3A_20 = tpu.memref_slice %arg8[%dma_start3A, %dma_start3A_19] : memref<280x128xi32, #tpu.memory_space<vmem>> -> memref<1x128xi32, #tpu.memory_space<vmem>>
    %dma_start3A_21 = tpu.memref_squeeze %dma_start3A_20 : memref<1x128xi32, #tpu.memory_space<vmem>> -> memref<128xi32, #tpu.memory_space<vmem>>
    %dma_start3A_22 = arith.constant 0 : i32
    %dma_start3A_23 = arith.constant 0 : i32
    %dma_start3A_24 = tpu.memref_slice %arg2[%dma_start3A_22, %dma_start3A_23] : memref<200000x64xbf16, #tpu.memory_space<hbm>> -> memref<200000x64xbf16, #tpu.memory_space<hbm>>
    tpu.enqueue_indirect_dma source(%dma_start3A_24 : memref<200000x64xbf16, #tpu.memory_space<hbm>>) target(%dma_start3A_18 : memref<128x64xbf16, #tpu.memory_space<vmem>>) offsets(%dma_start3A_21 : memref<128xi32, #tpu.memory_space<vmem>>) semaphore(%arg11 : memref<!tpu.dma_semaphore, #tpu.memory_space<semaphore_mem>>)
    %dma_start3A_25 = arith.constant 1 : i32
    %dma_start3A_26 = arith.constant 0 : i32
    %dma_start3A_27 = arith.constant 0 : i32
    %dma_start3A_28 = arith.constant 0 : i32
    %dma_start3A_29 = tpu.memref_slice %arg9[%dma_start3A_26, %dma_start3A_27, %dma_start3A_28] : memref<2x512x64xbf16, #tpu.memory_space<vmem>> -> memref<1x512x64xbf16, #tpu.memory_space<vmem>>
    %dma_start3A_30 = tpu.memref_squeeze %dma_start3A_29 : memref<1x512x64xbf16, #tpu.memory_space<vmem>> -> memref<512x64xbf16, #tpu.memory_space<vmem>>
    %dma_start3A_31 = arith.constant 128 : i32
    %dma_start3A_32 = arith.constant 0 : i32
    %dma_start3A_33 = tpu.memref_slice %dma_start3A_30[%dma_start3A_31, %dma_start3A_32] : memref<512x64xbf16, #tpu.memory_space<vmem>> -> memref<128x64xbf16, #tpu.memory_space<vmem>>
    %dma_start3A_34 = arith.constant 0 : i32
    %dma_start3A_35 = tpu.memref_slice %arg8[%dma_start3A_25, %dma_start3A_34] : memref<280x128xi32, #tpu.memory_space<vmem>> -> memref<1x128xi32, #tpu.memory_space<vmem>>
    %dma_start3A_36 = tpu.memref_squeeze %dma_start3A_35 : memref<1x128xi32, #tpu.memory_space<vmem>> -> memref<128xi32, #tpu.memory_space<vmem>>
    %dma_start3A_37 = arith.constant 0 : i32
    %dma_start3A_38 = arith.constant 0 : i32
    %dma_start3A_39 = tpu.memref_slice %arg2[%dma_start3A_37, %dma_start3A_38] : memref<200000x64xbf16, #tpu.memory_space<hbm>> -> memref<200000x64xbf16, #tpu.memory_space<hbm>>
    tpu.enqueue_indirect_dma source(%dma_start3A_39 : memref<200000x64xbf16, #tpu.memory_space<hbm>>) target(%dma_start3A_33 : memref<128x64xbf16, #tpu.memory_space<vmem>>) offsets(%dma_start3A_36 : memref<128xi32, #tpu.memory_space<vmem>>) semaphore(%arg11 : memref<!tpu.dma_semaphore, #tpu.memory_space<semaphore_mem>>)
    %dma_start3A_40 = arith.constant 2 : i32
    %dma_start3A_41 = arith.constant 0 : i32
    %dma_start3A_42 = arith.constant 0 : i32
    %dma_start3A_43 = arith.constant 0 : i32
    %dma_start3A_44 = tpu.memref_slice %arg9[%dma_start3A_41, %dma_start3A_42, %dma_start3A_43] : memref<2x512x64xbf16, #tpu.memory_space<vmem>> -> memref<1x512x64xbf16, #tpu.memory_space<vmem>>
    %dma_start3A_45 = tpu.memref_squeeze %dma_start3A_44 : memref<1x512x64xbf16, #tpu.memory_space<vmem>> -> memref<512x64xbf16, #tpu.memory_space<vmem>>
    %dma_start3A_46 = arith.constant 256 : i32
    %dma_start3A_47 = arith.constant 0 : i32
    %dma_start3A_48 = tpu.memref_slice %dma_start3A_45[%dma_start3A_46, %dma_start3A_47] : memref<512x64xbf16, #tpu.memory_space<vmem>> -> memref<128x64xbf16, #tpu.memory_space<vmem>>
    %dma_start3A_49 = arith.constant 0 : i32
    %dma_start3A_50 = tpu.memref_slice %arg8[%dma_start3A_40, %dma_start3A_49] : memref<280x128xi32, #tpu.memory_space<vmem>> -> memref<1x128xi32, #tpu.memory_space<vmem>>
    %dma_start3A_51 = tpu.memref_squeeze %dma_start3A_50 : memref<1x128xi32, #tpu.memory_space<vmem>> -> memref<128xi32, #tpu.memory_space<vmem>>
    %dma_start3A_52 = arith.constant 0 : i32
    %dma_start3A_53 = arith.constant 0 : i32
    %dma_start3A_54 = tpu.memref_slice %arg2[%dma_start3A_52, %dma_start3A_53] : memref<200000x64xbf16, #tpu.memory_space<hbm>> -> memref<200000x64xbf16, #tpu.memory_space<hbm>>
    tpu.enqueue_indirect_dma source(%dma_start3A_54 : memref<200000x64xbf16, #tpu.memory_space<hbm>>) target(%dma_start3A_48 : memref<128x64xbf16, #tpu.memory_space<vmem>>) offsets(%dma_start3A_51 : memref<128xi32, #tpu.memory_space<vmem>>) semaphore(%arg11 : memref<!tpu.dma_semaphore, #tpu.memory_space<semaphore_mem>>)
    %dma_start3A_55 = arith.constant 3 : i32
    %dma_start3A_56 = arith.constant 0 : i32
    %dma_start3A_57 = arith.constant 0 : i32
    %dma_start3A_58 = arith.constant 0 : i32
    %dma_start3A_59 = tpu.memref_slice %arg9[%dma_start3A_56, %dma_start3A_57, %dma_start3A_58] : memref<2x512x64xbf16, #tpu.memory_space<vmem>> -> memref<1x512x64xbf16, #tpu.memory_space<vmem>>
    %dma_start3A_60 = tpu.memref_squeeze %dma_start3A_59 : memref<1x512x64xbf16, #tpu.memory_space<vmem>> -> memref<512x64xbf16, #tpu.memory_space<vmem>>
    %dma_start3A_61 = arith.constant 384 : i32
    %dma_start3A_62 = arith.constant 0 : i32
    %dma_start3A_63 = tpu.memref_slice %dma_start3A_60[%dma_start3A_61, %dma_start3A_62] : memref<512x64xbf16, #tpu.memory_space<vmem>> -> memref<128x64xbf16, #tpu.memory_space<vmem>>
    %dma_start3A_64 = arith.constant 0 : i32
    %dma_start3A_65 = tpu.memref_slice %arg8[%dma_start3A_55, %dma_start3A_64] : memref<280x128xi32, #tpu.memory_space<vmem>> -> memref<1x128xi32, #tpu.memory_space<vmem>>
    %dma_start3A_66 = tpu.memref_squeeze %dma_start3A_65 : memref<1x128xi32, #tpu.memory_space<vmem>> -> memref<128xi32, #tpu.memory_space<vmem>>
    %dma_start3A_67 = arith.constant 0 : i32
    %dma_start3A_68 = arith.constant 0 : i32
    %dma_start3A_69 = tpu.memref_slice %arg2[%dma_start3A_67, %dma_start3A_68] : memref<200000x64xbf16, #tpu.memory_space<hbm>> -> memref<200000x64xbf16, #tpu.memory_space<hbm>>
    tpu.enqueue_indirect_dma source(%dma_start3A_69 : memref<200000x64xbf16, #tpu.memory_space<hbm>>) target(%dma_start3A_63 : memref<128x64xbf16, #tpu.memory_space<vmem>>) offsets(%dma_start3A_66 : memref<128xi32, #tpu.memory_space<vmem>>) semaphore(%arg11 : memref<!tpu.dma_semaphore, #tpu.memory_space<semaphore_mem>>)
    %dma_start3A_70 = arith.constant 4 : i32
    %dma_start3A_71 = arith.constant 1 : i32
    %dma_start3A_72 = arith.constant 0 : i32
    %dma_start3A_73 = arith.constant 0 : i32
    %dma_start3A_74 = tpu.memref_slice %arg9[%dma_start3A_71, %dma_start3A_72, %dma_start3A_73] : memref<2x512x64xbf16, #tpu.memory_space<vmem>> -> memref<1x512x64xbf16, #tpu.memory_space<vmem>>
    %dma_start3A_75 = tpu.memref_squeeze %dma_start3A_74 : memref<1x512x64xbf16, #tpu.memory_space<vmem>> -> memref<512x64xbf16, #tpu.memory_space<vmem>>
    %dma_start3A_76 = arith.constant 0 : i32
    %dma_start3A_77 = arith.constant 0 : i32
    %dma_start3A_78 = tpu.memref_slice %dma_start3A_75[%dma_start3A_76, %dma_start3A_77] : memref<512x64xbf16, #tpu.memory_space<vmem>> -> memref<128x64xbf16, #tpu.memory_space<vmem>>
    %dma_start3A_79 = arith.constant 0 : i32
    %dma_start3A_80 = tpu.memref_slice %arg8[%dma_start3A_70, %dma_start3A_79] : memref<280x128xi32, #tpu.memory_space<vmem>> -> memref<1x128xi32, #tpu.memory_space<vmem>>
    %dma_start3A_81 = tpu.memref_squeeze %dma_start3A_80 : memref<1x128xi32, #tpu.memory_space<vmem>> -> memref<128xi32, #tpu.memory_space<vmem>>
    %dma_start3A_82 = arith.constant 0 : i32
    %dma_start3A_83 = arith.constant 0 : i32
    %dma_start3A_84 = tpu.memref_slice %arg2[%dma_start3A_82, %dma_start3A_83] : memref<200000x64xbf16, #tpu.memory_space<hbm>> -> memref<200000x64xbf16, #tpu.memory_space<hbm>>
    tpu.enqueue_indirect_dma source(%dma_start3A_84 : memref<200000x64xbf16, #tpu.memory_space<hbm>>) target(%dma_start3A_78 : memref<128x64xbf16, #tpu.memory_space<vmem>>) offsets(%dma_start3A_81 : memref<128xi32, #tpu.memory_space<vmem>>) semaphore(%arg12 : memref<!tpu.dma_semaphore, #tpu.memory_space<semaphore_mem>>)
    %dma_start3A_85 = arith.constant 5 : i32
    %dma_start3A_86 = arith.constant 1 : i32
    %dma_start3A_87 = arith.constant 0 : i32
    %dma_start3A_88 = arith.constant 0 : i32
    %dma_start3A_89 = tpu.memref_slice %arg9[%dma_start3A_86, %dma_start3A_87, %dma_start3A_88] : memref<2x512x64xbf16, #tpu.memory_space<vmem>> -> memref<1x512x64xbf16, #tpu.memory_space<vmem>>
    %dma_start3A_90 = tpu.memref_squeeze %dma_start3A_89 : memref<1x512x64xbf16, #tpu.memory_space<vmem>> -> memref<512x64xbf16, #tpu.memory_space<vmem>>
    %dma_start3A_91 = arith.constant 128 : i32
    %dma_start3A_92 = arith.constant 0 : i32
    %dma_start3A_93 = tpu.memref_slice %dma_start3A_90[%dma_start3A_91, %dma_start3A_92] : memref<512x64xbf16, #tpu.memory_space<vmem>> -> memref<128x64xbf16, #tpu.memory_space<vmem>>
    %dma_start3A_94 = arith.constant 0 : i32
    %dma_start3A_95 = tpu.memref_slice %arg8[%dma_start3A_85, %dma_start3A_94] : memref<280x128xi32, #tpu.memory_space<vmem>> -> memref<1x128xi32, #tpu.memory_space<vmem>>
    %dma_start3A_96 = tpu.memref_squeeze %dma_start3A_95 : memref<1x128xi32, #tpu.memory_space<vmem>> -> memref<128xi32, #tpu.memory_space<vmem>>
    %dma_start3A_97 = arith.constant 0 : i32
    %dma_start3A_98 = arith.constant 0 : i32
    %dma_start3A_99 = tpu.memref_slice %arg2[%dma_start3A_97, %dma_start3A_98] : memref<200000x64xbf16, #tpu.memory_space<hbm>> -> memref<200000x64xbf16, #tpu.memory_space<hbm>>
    tpu.enqueue_indirect_dma source(%dma_start3A_99 : memref<200000x64xbf16, #tpu.memory_space<hbm>>) target(%dma_start3A_93 : memref<128x64xbf16, #tpu.memory_space<vmem>>) offsets(%dma_start3A_96 : memref<128xi32, #tpu.memory_space<vmem>>) semaphore(%arg12 : memref<!tpu.dma_semaphore, #tpu.memory_space<semaphore_mem>>)
    %dma_start3A_100 = arith.constant 6 : i32
    %dma_start3A_101 = arith.constant 1 : i32
    %dma_start3A_102 = arith.constant 0 : i32
    %dma_start3A_103 = arith.constant 0 : i32
    %dma_start3A_104 = tpu.memref_slice %arg9[%dma_start3A_101, %dma_start3A_102, %dma_start3A_103] : memref<2x512x64xbf16, #tpu.memory_space<vmem>> -> memref<1x512x64xbf16, #tpu.memory_space<vmem>>
    %dma_start3A_105 = tpu.memref_squeeze %dma_start3A_104 : memref<1x512x64xbf16, #tpu.memory_space<vmem>> -> memref<512x64xbf16, #tpu.memory_space<vmem>>
    %dma_start3A_106 = arith.constant 256 : i32
    %dma_start3A_107 = arith.constant 0 : i32
    %dma_start3A_108 = tpu.memref_slice %dma_start3A_105[%dma_start3A_106, %dma_start3A_107] : memref<512x64xbf16, #tpu.memory_space<vmem>> -> memref<128x64xbf16, #tpu.memory_space<vmem>>
    %dma_start3A_109 = arith.constant 0 : i32
    %dma_start3A_110 = tpu.memref_slice %arg8[%dma_start3A_100, %dma_start3A_109] : memref<280x128xi32, #tpu.memory_space<vmem>> -> memref<1x128xi32, #tpu.memory_space<vmem>>
    %dma_start3A_111 = tpu.memref_squeeze %dma_start3A_110 : memref<1x128xi32, #tpu.memory_space<vmem>> -> memref<128xi32, #tpu.memory_space<vmem>>
    %dma_start3A_112 = arith.constant 0 : i32
    %dma_start3A_113 = arith.constant 0 : i32
    %dma_start3A_114 = tpu.memref_slice %arg2[%dma_start3A_112, %dma_start3A_113] : memref<200000x64xbf16, #tpu.memory_space<hbm>> -> memref<200000x64xbf16, #tpu.memory_space<hbm>>
    tpu.enqueue_indirect_dma source(%dma_start3A_114 : memref<200000x64xbf16, #tpu.memory_space<hbm>>) target(%dma_start3A_108 : memref<128x64xbf16, #tpu.memory_space<vmem>>) offsets(%dma_start3A_111 : memref<128xi32, #tpu.memory_space<vmem>>) semaphore(%arg12 : memref<!tpu.dma_semaphore, #tpu.memory_space<semaphore_mem>>)
    %dma_start3A_115 = arith.constant 7 : i32
    %dma_start3A_116 = arith.constant 1 : i32
    %dma_start3A_117 = arith.constant 0 : i32
    %dma_start3A_118 = arith.constant 0 : i32
    %dma_start3A_119 = tpu.memref_slice %arg9[%dma_start3A_116, %dma_start3A_117, %dma_start3A_118] : memref<2x512x64xbf16, #tpu.memory_space<vmem>> -> memref<1x512x64xbf16, #tpu.memory_space<vmem>>
    %dma_start3A_120 = tpu.memref_squeeze %dma_start3A_119 : memref<1x512x64xbf16, #tpu.memory_space<vmem>> -> memref<512x64xbf16, #tpu.memory_space<vmem>>
    %dma_start3A_121 = arith.constant 384 : i32
    %dma_start3A_122 = arith.constant 0 : i32
    %dma_start3A_123 = tpu.memref_slice %dma_start3A_120[%dma_start3A_121, %dma_start3A_122] : memref<512x64xbf16, #tpu.memory_space<vmem>> -> memref<128x64xbf16, #tpu.memory_space<vmem>>
    %dma_start3A_124 = arith.constant 0 : i32
    %dma_start3A_125 = tpu.memref_slice %arg8[%dma_start3A_115, %dma_start3A_124] : memref<280x128xi32, #tpu.memory_space<vmem>> -> memref<1x128xi32, #tpu.memory_space<vmem>>
    %dma_start3A_126 = tpu.memref_squeeze %dma_start3A_125 : memref<1x128xi32, #tpu.memory_space<vmem>> -> memref<128xi32, #tpu.memory_space<vmem>>
    %dma_start3A_127 = arith.constant 0 : i32
    %dma_start3A_128 = arith.constant 0 : i32
    %dma_start3A_129 = tpu.memref_slice %arg2[%dma_start3A_127, %dma_start3A_128] : memref<200000x64xbf16, #tpu.memory_space<hbm>> -> memref<200000x64xbf16, #tpu.memory_space<hbm>>
    tpu.enqueue_indirect_dma source(%dma_start3A_129 : memref<200000x64xbf16, #tpu.memory_space<hbm>>) target(%dma_start3A_123 : memref<128x64xbf16, #tpu.memory_space<vmem>>) offsets(%dma_start3A_126 : memref<128xi32, #tpu.memory_space<vmem>>) semaphore(%arg12 : memref<!tpu.dma_semaphore, #tpu.memory_space<semaphore_mem>>)
    %jit3A_130 = arith.constant 2 : i32
    %div3A = arith.divsi %select_n3A_5, %jit3A_130 : i32
    %sign3A = arith.constant 0 : i32
    %sign3A_131 = arith.cmpi sgt, %select_n3A_5, %sign3A : i32
    %sign3A_132 = arith.extui %sign3A_131 : i1 to i32
    %sign3A_133 = arith.constant 0 : i32
    %sign3A_134 = arith.cmpi slt, %select_n3A_5, %sign3A_133 : i32
    %sign3A_135 = arith.extui %sign3A_134 : i1 to i32
    %sign3A_136 = arith.subi %sign3A_132, %sign3A_135 : i32
    %sign3A_137 = arith.constant 0 : i32
    %sign3A_138 = arith.cmpi sgt, %jit3A_130, %sign3A_137 : i32
    %sign3A_139 = arith.extui %sign3A_138 : i1 to i32
    %sign3A_140 = arith.constant 0 : i32
    %sign3A_141 = arith.cmpi slt, %jit3A_130, %sign3A_140 : i32
    %sign3A_142 = arith.extui %sign3A_141 : i1 to i32
    %sign3A_143 = arith.subi %sign3A_139, %sign3A_142 : i32
    %ne3A = arith.cmpi ne, %sign3A_136, %sign3A_143 : i32
    %rem3A = arith.remsi %select_n3A_5, %jit3A_130 : i32
    %ne3A_144 = arith.constant 0 : i32
    %ne3A_145 = arith.cmpi ne, %rem3A, %ne3A_144 : i32
    %and3A = arith.andi %ne3A, %ne3A_145 : i1
    %sub3A = arith.constant 1 : i32
    %sub3A_146 = arith.subi %div3A, %sub3A : i32
    %select_n3A_147 = arith.select %and3A, %sub3A_146, %div3A : i32
    %while3A = arith.constant 0 : i32
    %while3A_148 = arith.constant 0 : i32
    %while3A_149 = arith.subi %select_n3A_147, %while3A : i32
    %while3A_150 = arith.addi %while3A, %while3A_149 : i32
    %while3A_151 = arith.constant 1 : i32
    %while3A_152 = arith.divsi %while3A_149, %while3A_151 : i32
    %while3A_153 = arith.muli %while3A_152, %while3A_151 : i32
    %while3A_154 = arith.addi %while3A, %while3A_153 : i32
    %while3A_155 = arith.constant 1 : i32
    %while3A_156 = scf.for %while3A_184 = %while3A to %while3A_154 step %while3A_155 iter_args(%while3A_185 = %while3A_148) -> (i32)  : i32 {
      %mul3A_186 = arith.constant 2 : i32
      %mul3A_187 = arith.muli %while3A_184, %mul3A_186 : i32
      %dma_wait3A_188 = arith.constant 0 : i32
      %dma_wait3A_189 = arith.constant 0 : i32
      %dma_wait3A_190 = arith.constant 0 : i32
      %dma_wait3A_191 = arith.constant 0 : i32
      %dma_wait3A_192 = tpu.memref_slice %arg9[%dma_wait3A_189, %dma_wait3A_190, %dma_wait3A_191] : memref<2x512x64xbf16, #tpu.memory_space<vmem>> -> memref<1x512x64xbf16, #tpu.memory_space<vmem>>
      %dma_wait3A_193 = tpu.memref_squeeze %dma_wait3A_192 : memref<1x512x64xbf16, #tpu.memory_space<vmem>> -> memref<512x64xbf16, #tpu.memory_space<vmem>>
      %dma_wait3A_194 = arith.constant 0 : i32
      %dma_wait3A_195 = arith.constant 0 : i32
      %dma_wait3A_196 = tpu.memref_slice %dma_wait3A_193[%dma_wait3A_194, %dma_wait3A_195] : memref<512x64xbf16, #tpu.memory_space<vmem>> -> memref<128x64xbf16, #tpu.memory_space<vmem>>
      %dma_wait3A_197 = arith.constant 0 : i32
      %dma_wait3A_198 = tpu.memref_slice %arg8[%dma_wait3A_188, %dma_wait3A_197] : memref<280x128xi32, #tpu.memory_space<vmem>> -> memref<1x128xi32, #tpu.memory_space<vmem>>
      %dma_wait3A_199 = tpu.memref_squeeze %dma_wait3A_198 : memref<1x128xi32, #tpu.memory_space<vmem>> -> memref<128xi32, #tpu.memory_space<vmem>>
      %dma_wait3A_200 = arith.constant 0 : i32
      %dma_wait3A_201 = arith.constant 0 : i32
      %dma_wait3A_202 = tpu.memref_slice %arg2[%dma_wait3A_200, %dma_wait3A_201] : memref<200000x64xbf16, #tpu.memory_space<hbm>> -> memref<200000x64xbf16, #tpu.memory_space<hbm>>
      tpu.wait_indirect_dma semaphore(%arg11 : memref<!tpu.dma_semaphore, #tpu.memory_space<semaphore_mem>>) src(%dma_wait3A_202 : memref<200000x64xbf16, #tpu.memory_space<hbm>>) dst(%dma_wait3A_196 : memref<128x64xbf16, #tpu.memory_space<vmem>>)
      %dma_wait3A_203 = arith.constant 0 : i32
      %dma_wait3A_204 = arith.constant 0 : i32
      %dma_wait3A_205 = arith.constant 0 : i32
      %dma_wait3A_206 = arith.constant 0 : i32
      %dma_wait3A_207 = tpu.memref_slice %arg9[%dma_wait3A_204, %dma_wait3A_205, %dma_wait3A_206] : memref<2x512x64xbf16, #tpu.memory_space<vmem>> -> memref<1x512x64xbf16, #tpu.memory_space<vmem>>
      %dma_wait3A_208 = tpu.memref_squeeze %dma_wait3A_207 : memref<1x512x64xbf16, #tpu.memory_space<vmem>> -> memref<512x64xbf16, #tpu.memory_space<vmem>>
      %dma_wait3A_209 = arith.constant 128 : i32
      %dma_wait3A_210 = arith.constant 0 : i32
      %dma_wait3A_211 = tpu.memref_slice %dma_wait3A_208[%dma_wait3A_209, %dma_wait3A_210] : memref<512x64xbf16, #tpu.memory_space<vmem>> -> memref<128x64xbf16, #tpu.memory_space<vmem>>
      %dma_wait3A_212 = arith.constant 0 : i32
      %dma_wait3A_213 = tpu.memref_slice %arg8[%dma_wait3A_203, %dma_wait3A_212] : memref<280x128xi32, #tpu.memory_space<vmem>> -> memref<1x128xi32, #tpu.memory_space<vmem>>
      %dma_wait3A_214 = tpu.memref_squeeze %dma_wait3A_213 : memref<1x128xi32, #tpu.memory_space<vmem>> -> memref<128xi32, #tpu.memory_space<vmem>>
      %dma_wait3A_215 = arith.constant 0 : i32
      %dma_wait3A_216 = arith.constant 0 : i32
      %dma_wait3A_217 = tpu.memref_slice %arg2[%dma_wait3A_215, %dma_wait3A_216] : memref<200000x64xbf16, #tpu.memory_space<hbm>> -> memref<200000x64xbf16, #tpu.memory_space<hbm>>
      tpu.wait_indirect_dma semaphore(%arg11 : memref<!tpu.dma_semaphore, #tpu.memory_space<semaphore_mem>>) src(%dma_wait3A_217 : memref<200000x64xbf16, #tpu.memory_space<hbm>>) dst(%dma_wait3A_211 : memref<128x64xbf16, #tpu.memory_space<vmem>>)
      %dma_wait3A_218 = arith.constant 0 : i32
      %dma_wait3A_219 = arith.constant 0 : i32
      %dma_wait3A_220 = arith.constant 0 : i32
      %dma_wait3A_221 = arith.constant 0 : i32
      %dma_wait3A_222 = tpu.memref_slice %arg9[%dma_wait3A_219, %dma_wait3A_220, %dma_wait3A_221] : memref<2x512x64xbf16, #tpu.memory_space<vmem>> -> memref<1x512x64xbf16, #tpu.memory_space<vmem>>
      %dma_wait3A_223 = tpu.memref_squeeze %dma_wait3A_222 : memref<1x512x64xbf16, #tpu.memory_space<vmem>> -> memref<512x64xbf16, #tpu.memory_space<vmem>>
      %dma_wait3A_224 = arith.constant 256 : i32
      %dma_wait3A_225 = arith.constant 0 : i32
      %dma_wait3A_226 = tpu.memref_slice %dma_wait3A_223[%dma_wait3A_224, %dma_wait3A_225] : memref<512x64xbf16, #tpu.memory_space<vmem>> -> memref<128x64xbf16, #tpu.memory_space<vmem>>
      %dma_wait3A_227 = arith.constant 0 : i32
      %dma_wait3A_228 = tpu.memref_slice %arg8[%dma_wait3A_218, %dma_wait3A_227] : memref<280x128xi32, #tpu.memory_space<vmem>> -> memref<1x128xi32, #tpu.memory_space<vmem>>
      %dma_wait3A_229 = tpu.memref_squeeze %dma_wait3A_228 : memref<1x128xi32, #tpu.memory_space<vmem>> -> memref<128xi32, #tpu.memory_space<vmem>>
      %dma_wait3A_230 = arith.constant 0 : i32
      %dma_wait3A_231 = arith.constant 0 : i32
      %dma_wait3A_232 = tpu.memref_slice %arg2[%dma_wait3A_230, %dma_wait3A_231] : memref<200000x64xbf16, #tpu.memory_space<hbm>> -> memref<200000x64xbf16, #tpu.memory_space<hbm>>
      tpu.wait_indirect_dma semaphore(%arg11 : memref<!tpu.dma_semaphore, #tpu.memory_space<semaphore_mem>>) src(%dma_wait3A_232 : memref<200000x64xbf16, #tpu.memory_space<hbm>>) dst(%dma_wait3A_226 : memref<128x64xbf16, #tpu.memory_space<vmem>>)
      %dma_wait3A_233 = arith.constant 0 : i32
      %dma_wait3A_234 = arith.constant 0 : i32
      %dma_wait3A_235 = arith.constant 0 : i32
      %dma_wait3A_236 = arith.constant 0 : i32
      %dma_wait3A_237 = tpu.memref_slice %arg9[%dma_wait3A_234, %dma_wait3A_235, %dma_wait3A_236] : memref<2x512x64xbf16, #tpu.memory_space<vmem>> -> memref<1x512x64xbf16, #tpu.memory_space<vmem>>
      %dma_wait3A_238 = tpu.memref_squeeze %dma_wait3A_237 : memref<1x512x64xbf16, #tpu.memory_space<vmem>> -> memref<512x64xbf16, #tpu.memory_space<vmem>>
      %dma_wait3A_239 = arith.constant 384 : i32
      %dma_wait3A_240 = arith.constant 0 : i32
      %dma_wait3A_241 = tpu.memref_slice %dma_wait3A_238[%dma_wait3A_239, %dma_wait3A_240] : memref<512x64xbf16, #tpu.memory_space<vmem>> -> memref<128x64xbf16, #tpu.memory_space<vmem>>
      %dma_wait3A_242 = arith.constant 0 : i32
      %dma_wait3A_243 = tpu.memref_slice %arg8[%dma_wait3A_233, %dma_wait3A_242] : memref<280x128xi32, #tpu.memory_space<vmem>> -> memref<1x128xi32, #tpu.memory_space<vmem>>
      %dma_wait3A_244 = tpu.memref_squeeze %dma_wait3A_243 : memref<1x128xi32, #tpu.memory_space<vmem>> -> memref<128xi32, #tpu.memory_space<vmem>>
      %dma_wait3A_245 = arith.constant 0 : i32
      %dma_wait3A_246 = arith.constant 0 : i32
      %dma_wait3A_247 = tpu.memref_slice %arg2[%dma_wait3A_245, %dma_wait3A_246] : memref<200000x64xbf16, #tpu.memory_space<hbm>> -> memref<200000x64xbf16, #tpu.memory_space<hbm>>
      tpu.wait_indirect_dma semaphore(%arg11 : memref<!tpu.dma_semaphore, #tpu.memory_space<semaphore_mem>>) src(%dma_wait3A_247 : memref<200000x64xbf16, #tpu.memory_space<hbm>>) dst(%dma_wait3A_241 : memref<128x64xbf16, #tpu.memory_space<vmem>>)
      %gt3A = arith.constant 0 : i32
      %gt3A_248 = arith.cmpi sgt, %while3A_184, %gt3A : i32
      %convert_element_type3A_249 = arith.extui %gt3A_248 : i1 to i32
      %cond3A_250 = arith.constant 0 : i32
      %cond3A_251 = arith.cmpi ne, %convert_element_type3A_249, %cond3A_250 : i32
      scf.if %cond3A_251 {
        %dma_wait3A_384 = arith.constant 0 : i32
        %dma_wait3A_385 = arith.constant 0 : i32
        %dma_wait3A_386 = arith.constant 0 : i32
        %dma_wait3A_387 = tpu.memref_slice %arg10[%dma_wait3A_384, %dma_wait3A_385, %dma_wait3A_386] : memref<2x32x64xf32, #tpu.memory_space<vmem>> -> memref<1x32x64xf32, #tpu.memory_space<vmem>>
        %dma_wait3A_388 = tpu.memref_squeeze %dma_wait3A_387 : memref<1x32x64xf32, #tpu.memory_space<vmem>> -> memref<32x64xf32, #tpu.memory_space<vmem>>
        %dma_wait3A_389 = arith.constant 0 : i32
        %dma_wait3A_390 = tpu.memref_slice %arg5[%add3A, %dma_wait3A_389] : memref<51200x64xf32, #tpu.memory_space<hbm>> -> memref<32x64xf32, #tpu.memory_space<hbm>>
        %dma_wait3A_391 = arith.constant 0 : i32
        %dma_wait3A_392 = tpu.memref_slice %arg5[%add3A, %dma_wait3A_391] : memref<51200x64xf32, #tpu.memory_space<hbm>> -> memref<32x64xf32, #tpu.memory_space<hbm>>
        %dma_wait3A_393 = arith.constant 0 : i32
        %dma_wait3A_394 = arith.constant 0 : i32
        %dma_wait3A_395 = tpu.memref_slice %arg10[%dma_wait3A_384, %dma_wait3A_393, %dma_wait3A_394] : memref<2x32x64xf32, #tpu.memory_space<vmem>> -> memref<1x32x64xf32, #tpu.memory_space<vmem>>
        %dma_wait3A_396 = tpu.memref_squeeze %dma_wait3A_395 : memref<1x32x64xf32, #tpu.memory_space<vmem>> -> memref<32x64xf32, #tpu.memory_space<vmem>>
        tpu.wait_dma2 semaphore(%arg13 : memref<!tpu.dma_semaphore, #tpu.memory_space<semaphore_mem>>) src(%dma_wait3A_396 : memref<32x64xf32, #tpu.memory_space<vmem>>) dst(%dma_wait3A_392 : memref<32x64xf32, #tpu.memory_space<hbm>>)
      } else {
      }
      %add3A_252 = arith.constant 0 : i32
      %add3A_253 = arith.addi %mul3A_187, %add3A_252 : i32
      %scan3A = arith.constant 0 : i32
      %scan3A_254 = arith.constant 0 : i32
      %scan3A_255 = arith.constant 0 : i32
      %scan3A_256 = arith.constant 32 : i32
      %scan3A_257 = arith.addi %scan3A_255, %scan3A_256 : i32
      %scan3A_258 = arith.constant 1 : i32
      %scan3A_259 = scf.for %scan3A_384 = %scan3A_255 to %scan3A_257 step %scan3A_258 iter_args(%scan3A_385 = %scan3A_254) -> (i32)  : i32 {
        %mul3A_386 = arith.constant 16 : i32
        %mul3A_387 = arith.muli %scan3A_384, %mul3A_386 : i32
        %get3A = arith.constant 0 : i32
        %get3A_388 = arith.constant 0 : i32
        %get3A_389 = tpu.memref_slice %arg9[%scan3A, %get3A, %get3A_388] : memref<2x512x64xbf16, #tpu.memory_space<vmem>> -> memref<1x512x64xbf16, #tpu.memory_space<vmem>>
        %get3A_390 = tpu.memref_squeeze %get3A_389 : memref<1x512x64xbf16, #tpu.memory_space<vmem>> -> memref<512x64xbf16, #tpu.memory_space<vmem>>
        %get3A_391 = arith.index_cast %mul3A_387 : i32 to index
        %get3A_392 = arith.constant 0 : index
        %get3A_393 = tpu.vector_load %get3A_390[%get3A_391, %get3A_392] {strides = array<i32>} : memref<512x64xbf16, #tpu.memory_space<vmem>>, vector<32xbf16>,
        %unpack3A = tpu.unpack_subelements %get3A_393, 0 {pack_format = #tpu.pack_format<interleaved>} : vector<32xbf16> -> vector<16xf32>
        %unpack3A_394 = tpu.unpack_subelements %get3A_393, 1 {pack_format = #tpu.pack_format<interleaved>} : vector<32xbf16> -> vector<16xf32>
        %mul3A_395 = arith.constant 16 : i32
        %mul3A_396 = arith.muli %scan3A_384, %mul3A_395 : i32
        %add3A_397 = arith.constant 1 : i32
        %add3A_398 = arith.addi %mul3A_396, %add3A_397 : i32
        %get3A_399 = arith.constant 0 : i32
        %get3A_400 = arith.constant 0 : i32
        %get3A_401 = tpu.memref_slice %arg9[%scan3A, %get3A_399, %get3A_400] : memref<2x512x64xbf16, #tpu.memory_space<vmem>> -> memref<1x512x64xbf16, #tpu.memory_space<vmem>>
        %get3A_402 = tpu.memref_squeeze %get3A_401 : memref<1x512x64xbf16, #tpu.memory_space<vmem>> -> memref<512x64xbf16, #tpu.memory_space<vmem>>
        %get3A_403 = arith.index_cast %add3A_398 : i32 to index
        %get3A_404 = arith.constant 0 : index
        %get3A_405 = tpu.vector_load %get3A_402[%get3A_403, %get3A_404] {strides = array<i32>} : memref<512x64xbf16, #tpu.memory_space<vmem>>, vector<32xbf16>,
        %unpack3A_406 = tpu.unpack_subelements %get3A_405, 0 {pack_format = #tpu.pack_format<interleaved>} : vector<32xbf16> -> vector<16xf32>
        %unpack3A_407 = tpu.unpack_subelements %get3A_405, 1 {pack_format = #tpu.pack_format<interleaved>} : vector<32xbf16> -> vector<16xf32>
        %add3A_408 = arith.addf %unpack3A, %unpack3A_406 : vector<16xf32>
        %add3A_409 = arith.addf %unpack3A_394, %unpack3A_407 : vector<16xf32>
        %mul3A_410 = arith.constant 16 : i32
        %mul3A_411 = arith.muli %scan3A_384, %mul3A_410 : i32
        %add3A_412 = arith.constant 2 : i32
        %add3A_413 = arith.addi %mul3A_411, %add3A_412 : i32
        %get3A_414 = arith.constant 0 : i32
        %get3A_415 = arith.constant 0 : i32
        %get3A_416 = tpu.memref_slice %arg9[%scan3A, %get3A_414, %get3A_415] : memref<2x512x64xbf16, #tpu.memory_space<vmem>> -> memref<1x512x64xbf16, #tpu.memory_space<vmem>>
        %get3A_417 = tpu.memref_squeeze %get3A_416 : memref<1x512x64xbf16, #tpu.memory_space<vmem>> -> memref<512x64xbf16, #tpu.memory_space<vmem>>
        %get3A_418 = arith.index_cast %add3A_413 : i32 to index
        %get3A_419 = arith.constant 0 : index
        %get3A_420 = tpu.vector_load %get3A_417[%get3A_418, %get3A_419] {strides = array<i32>} : memref<512x64xbf16, #tpu.memory_space<vmem>>, vector<32xbf16>,
        %unpack3A_421 = tpu.unpack_subelements %get3A_420, 0 {pack_format = #tpu.pack_format<interleaved>} : vector<32xbf16> -> vector<16xf32>
        %unpack3A_422 = tpu.unpack_subelements %get3A_420, 1 {pack_format = #tpu.pack_format<interleaved>} : vector<32xbf16> -> vector<16xf32>
        %add3A_423 = arith.addf %add3A_408, %unpack3A_421 : vector<16xf32>
        %add3A_424 = arith.addf %add3A_409, %unpack3A_422 : vector<16xf32>
        %mul3A_425 = arith.constant 16 : i32
        %mul3A_426 = arith.muli %scan3A_384, %mul3A_425 : i32
        %add3A_427 = arith.constant 3 : i32
        %add3A_428 = arith.addi %mul3A_426, %add3A_427 : i32
        %get3A_429 = arith.constant 0 : i32
        %get3A_430 = arith.constant 0 : i32
        %get3A_431 = tpu.memref_slice %arg9[%scan3A, %get3A_429, %get3A_430] : memref<2x512x64xbf16, #tpu.memory_space<vmem>> -> memref<1x512x64xbf16, #tpu.memory_space<vmem>>
        %get3A_432 = tpu.memref_squeeze %get3A_431 : memref<1x512x64xbf16, #tpu.memory_space<vmem>> -> memref<512x64xbf16, #tpu.memory_space<vmem>>
        %get3A_433 = arith.index_cast %add3A_428 : i32 to index
        %get3A_434 = arith.constant 0 : index
        %get3A_435 = tpu.vector_load %get3A_432[%get3A_433, %get3A_434] {strides = array<i32>} : memref<512x64xbf16, #tpu.memory_space<vmem>>, vector<32xbf16>,
        %unpack3A_436 = tpu.unpack_subelements %get3A_435, 0 {pack_format = #tpu.pack_format<interleaved>} : vector<32xbf16> -> vector<16xf32>
        %unpack3A_437 = tpu.unpack_subelements %get3A_435, 1 {pack_format = #tpu.pack_format<interleaved>} : vector<32xbf16> -> vector<16xf32>
        %add3A_438 = arith.addf %add3A_423, %unpack3A_436 : vector<16xf32>
        %add3A_439 = arith.addf %add3A_424, %unpack3A_437 : vector<16xf32>
        %mul3A_440 = arith.constant 16 : i32
        %mul3A_441 = arith.muli %scan3A_384, %mul3A_440 : i32
        %add3A_442 = arith.constant 4 : i32
        %add3A_443 = arith.addi %mul3A_441, %add3A_442 : i32
        %get3A_444 = arith.constant 0 : i32
        %get3A_445 = arith.constant 0 : i32
        %get3A_446 = tpu.memref_slice %arg9[%scan3A, %get3A_444, %get3A_445] : memref<2x512x64xbf16, #tpu.memory_space<vmem>> -> memref<1x512x64xbf16, #tpu.memory_space<vmem>>
        %get3A_447 = tpu.memref_squeeze %get3A_446 : memref<1x512x64xbf16, #tpu.memory_space<vmem>> -> memref<512x64xbf16, #tpu.memory_space<vmem>>
        %get3A_448 = arith.index_cast %add3A_443 : i32 to index
        %get3A_449 = arith.constant 0 : index
        %get3A_450 = tpu.vector_load %get3A_447[%get3A_448, %get3A_449] {strides = array<i32>} : memref<512x64xbf16, #tpu.memory_space<vmem>>, vector<32xbf16>,
        %unpack3A_451 = tpu.unpack_subelements %get3A_450, 0 {pack_format = #tpu.pack_format<interleaved>} : vector<32xbf16> -> vector<16xf32>
        %unpack3A_452 = tpu.unpack_subelements %get3A_450, 1 {pack_format = #tpu.pack_format<interleaved>} : vector<32xbf16> -> vector<16xf32>
        %add3A_453 = arith.addf %add3A_438, %unpack3A_451 : vector<16xf32>
        %add3A_454 = arith.addf %add3A_439, %unpack3A_452 : vector<16xf32>
        %mul3A_455 = arith.constant 16 : i32
        %mul3A_456 = arith.muli %scan3A_384, %mul3A_455 : i32
        %add3A_457 = arith.constant 5 : i32
        %add3A_458 = arith.addi %mul3A_456, %add3A_457 : i32
        %get3A_459 = arith.constant 0 : i32
        %get3A_460 = arith.constant 0 : i32
        %get3A_461 = tpu.memref_slice %arg9[%scan3A, %get3A_459, %get3A_460] : memref<2x512x64xbf16, #tpu.memory_space<vmem>> -> memref<1x512x64xbf16, #tpu.memory_space<vmem>>
        %get3A_462 = tpu.memref_squeeze %get3A_461 : memref<1x512x64xbf16, #tpu.memory_space<vmem>> -> memref<512x64xbf16, #tpu.memory_space<vmem>>
        %get3A_463 = arith.index_cast %add3A_458 : i32 to index
        %get3A_464 = arith.constant 0 : index
        %get3A_465 = tpu.vector_load %get3A_462[%get3A_463, %get3A_464] {strides = array<i32>} : memref<512x64xbf16, #tpu.memory_space<vmem>>, vector<32xbf16>,
        %unpack3A_466 = tpu.unpack_subelements %get3A_465, 0 {pack_format = #tpu.pack_format<interleaved>} : vector<32xbf16> -> vector<16xf32>
        %unpack3A_467 = tpu.unpack_subelements %get3A_465, 1 {pack_format = #tpu.pack_format<interleaved>} : vector<32xbf16> -> vector<16xf32>
        %add3A_468 = arith.addf %add3A_453, %unpack3A_466 : vector<16xf32>
        %add3A_469 = arith.addf %add3A_454, %unpack3A_467 : vector<16xf32>
        %mul3A_470 = arith.constant 16 : i32
        %mul3A_471 = arith.muli %scan3A_384, %mul3A_470 : i32
        %add3A_472 = arith.constant 6 : i32
        %add3A_473 = arith.addi %mul3A_471, %add3A_472 : i32
        %get3A_474 = arith.constant 0 : i32
        %get3A_475 = arith.constant 0 : i32
        %get3A_476 = tpu.memref_slice %arg9[%scan3A, %get3A_474, %get3A_475] : memref<2x512x64xbf16, #tpu.memory_space<vmem>> -> memref<1x512x64xbf16, #tpu.memory_space<vmem>>
        %get3A_477 = tpu.memref_squeeze %get3A_476 : memref<1x512x64xbf16, #tpu.memory_space<vmem>> -> memref<512x64xbf16, #tpu.memory_space<vmem>>
        %get3A_478 = arith.index_cast %add3A_473 : i32 to index
        %get3A_479 = arith.constant 0 : index
        %get3A_480 = tpu.vector_load %get3A_477[%get3A_478, %get3A_479] {strides = array<i32>} : memref<512x64xbf16, #tpu.memory_space<vmem>>, vector<32xbf16>,
        %unpack3A_481 = tpu.unpack_subelements %get3A_480, 0 {pack_format = #tpu.pack_format<interleaved>} : vector<32xbf16> -> vector<16xf32>
        %unpack3A_482 = tpu.unpack_subelements %get3A_480, 1 {pack_format = #tpu.pack_format<interleaved>} : vector<32xbf16> -> vector<16xf32>
        %add3A_483 = arith.addf %add3A_468, %unpack3A_481 : vector<16xf32>
        %add3A_484 = arith.addf %add3A_469, %unpack3A_482 : vector<16xf32>
        %mul3A_485 = arith.constant 16 : i32
        %mul3A_486 = arith.muli %scan3A_384, %mul3A_485 : i32
        %add3A_487 = arith.constant 7 : i32
        %add3A_488 = arith.addi %mul3A_486, %add3A_487 : i32
        %get3A_489 = arith.constant 0 : i32
        %get3A_490 = arith.constant 0 : i32
        %get3A_491 = tpu.memref_slice %arg9[%scan3A, %get3A_489, %get3A_490] : memref<2x512x64xbf16, #tpu.memory_space<vmem>> -> memref<1x512x64xbf16, #tpu.memory_space<vmem>>
        %get3A_492 = tpu.memref_squeeze %get3A_491 : memref<1x512x64xbf16, #tpu.memory_space<vmem>> -> memref<512x64xbf16, #tpu.memory_space<vmem>>
        %get3A_493 = arith.index_cast %add3A_488 : i32 to index
        %get3A_494 = arith.constant 0 : index
        %get3A_495 = tpu.vector_load %get3A_492[%get3A_493, %get3A_494] {strides = array<i32>} : memref<512x64xbf16, #tpu.memory_space<vmem>>, vector<32xbf16>,
        %unpack3A_496 = tpu.unpack_subelements %get3A_495, 0 {pack_format = #tpu.pack_format<interleaved>} : vector<32xbf16> -> vector<16xf32>
        %unpack3A_497 = tpu.unpack_subelements %get3A_495, 1 {pack_format = #tpu.pack_format<interleaved>} : vector<32xbf16> -> vector<16xf32>
        %add3A_498 = arith.addf %add3A_483, %unpack3A_496 : vector<16xf32>
        %add3A_499 = arith.addf %add3A_484, %unpack3A_497 : vector<16xf32>
        %mul3A_500 = arith.constant 16 : i32
        %mul3A_501 = arith.muli %scan3A_384, %mul3A_500 : i32
        %add3A_502 = arith.constant 8 : i32
        %add3A_503 = arith.addi %mul3A_501, %add3A_502 : i32
        %get3A_504 = arith.constant 0 : i32
        %get3A_505 = arith.constant 0 : i32
        %get3A_506 = tpu.memref_slice %arg9[%scan3A, %get3A_504, %get3A_505] : memref<2x512x64xbf16, #tpu.memory_space<vmem>> -> memref<1x512x64xbf16, #tpu.memory_space<vmem>>
        %get3A_507 = tpu.memref_squeeze %get3A_506 : memref<1x512x64xbf16, #tpu.memory_space<vmem>> -> memref<512x64xbf16, #tpu.memory_space<vmem>>
        %get3A_508 = arith.index_cast %add3A_503 : i32 to index
        %get3A_509 = arith.constant 0 : index
        %get3A_510 = tpu.vector_load %get3A_507[%get3A_508, %get3A_509] {strides = array<i32>} : memref<512x64xbf16, #tpu.memory_space<vmem>>, vector<32xbf16>,
        %unpack3A_511 = tpu.unpack_subelements %get3A_510, 0 {pack_format = #tpu.pack_format<interleaved>} : vector<32xbf16> -> vector<16xf32>
        %unpack3A_512 = tpu.unpack_subelements %get3A_510, 1 {pack_format = #tpu.pack_format<interleaved>} : vector<32xbf16> -> vector<16xf32>
        %add3A_513 = arith.addf %add3A_498, %unpack3A_511 : vector<16xf32>
        %add3A_514 = arith.addf %add3A_499, %unpack3A_512 : vector<16xf32>
        %mul3A_515 = arith.constant 16 : i32
        %mul3A_516 = arith.muli %scan3A_384, %mul3A_515 : i32
        %add3A_517 = arith.constant 9 : i32
        %add3A_518 = arith.addi %mul3A_516, %add3A_517 : i32
        %get3A_519 = arith.constant 0 : i32
        %get3A_520 = arith.constant 0 : i32
        %get3A_521 = tpu.memref_slice %arg9[%scan3A, %get3A_519, %get3A_520] : memref<2x512x64xbf16, #tpu.memory_space<vmem>> -> memref<1x512x64xbf16, #tpu.memory_space<vmem>>
        %get3A_522 = tpu.memref_squeeze %get3A_521 : memref<1x512x64xbf16, #tpu.memory_space<vmem>> -> memref<512x64xbf16, #tpu.memory_space<vmem>>
        %get3A_523 = arith.index_cast %add3A_518 : i32 to index
        %get3A_524 = arith.constant 0 : index
        %get3A_525 = tpu.vector_load %get3A_522[%get3A_523, %get3A_524] {strides = array<i32>} : memref<512x64xbf16, #tpu.memory_space<vmem>>, vector<32xbf16>,
        %unpack3A_526 = tpu.unpack_subelements %get3A_525, 0 {pack_format = #tpu.pack_format<interleaved>} : vector<32xbf16> -> vector<16xf32>
        %unpack3A_527 = tpu.unpack_subelements %get3A_525, 1 {pack_format = #tpu.pack_format<interleaved>} : vector<32xbf16> -> vector<16xf32>
        %add3A_528 = arith.addf %add3A_513, %unpack3A_526 : vector<16xf32>
        %add3A_529 = arith.addf %add3A_514, %unpack3A_527 : vector<16xf32>
        %mul3A_530 = arith.constant 16 : i32
        %mul3A_531 = arith.muli %scan3A_384, %mul3A_530 : i32
        %add3A_532 = arith.constant 10 : i32
        %add3A_533 = arith.addi %mul3A_531, %add3A_532 : i32
        %get3A_534 = arith.constant 0 : i32
        %get3A_535 = arith.constant 0 : i32
        %get3A_536 = tpu.memref_slice %arg9[%scan3A, %get3A_534, %get3A_535] : memref<2x512x64xbf16, #tpu.memory_space<vmem>> -> memref<1x512x64xbf16, #tpu.memory_space<vmem>>
        %get3A_537 = tpu.memref_squeeze %get3A_536 : memref<1x512x64xbf16, #tpu.memory_space<vmem>> -> memref<512x64xbf16, #tpu.memory_space<vmem>>
        %get3A_538 = arith.index_cast %add3A_533 : i32 to index
        %get3A_539 = arith.constant 0 : index
        %get3A_540 = tpu.vector_load %get3A_537[%get3A_538, %get3A_539] {strides = array<i32>} : memref<512x64xbf16, #tpu.memory_space<vmem>>, vector<32xbf16>,
        %unpack3A_541 = tpu.unpack_subelements %get3A_540, 0 {pack_format = #tpu.pack_format<interleaved>} : vector<32xbf16> -> vector<16xf32>
        %unpack3A_542 = tpu.unpack_subelements %get3A_540, 1 {pack_format = #tpu.pack_format<interleaved>} : vector<32xbf16> -> vector<16xf32>
        %add3A_543 = arith.addf %add3A_528, %unpack3A_541 : vector<16xf32>
        %add3A_544 = arith.addf %add3A_529, %unpack3A_542 : vector<16xf32>
        %mul3A_545 = arith.constant 16 : i32
        %mul3A_546 = arith.muli %scan3A_384, %mul3A_545 : i32
        %add3A_547 = arith.constant 11 : i32
        %add3A_548 = arith.addi %mul3A_546, %add3A_547 : i32
        %get3A_549 = arith.constant 0 : i32
        %get3A_550 = arith.constant 0 : i32
        %get3A_551 = tpu.memref_slice %arg9[%scan3A, %get3A_549, %get3A_550] : memref<2x512x64xbf16, #tpu.memory_space<vmem>> -> memref<1x512x64xbf16, #tpu.memory_space<vmem>>
        %get3A_552 = tpu.memref_squeeze %get3A_551 : memref<1x512x64xbf16, #tpu.memory_space<vmem>> -> memref<512x64xbf16, #tpu.memory_space<vmem>>
        %get3A_553 = arith.index_cast %add3A_548 : i32 to index
        %get3A_554 = arith.constant 0 : index
        %get3A_555 = tpu.vector_load %get3A_552[%get3A_553, %get3A_554] {strides = array<i32>} : memref<512x64xbf16, #tpu.memory_space<vmem>>, vector<32xbf16>,
        %unpack3A_556 = tpu.unpack_subelements %get3A_555, 0 {pack_format = #tpu.pack_format<interleaved>} : vector<32xbf16> -> vector<16xf32>
        %unpack3A_557 = tpu.unpack_subelements %get3A_555, 1 {pack_format = #tpu.pack_format<interleaved>} : vector<32xbf16> -> vector<16xf32>
        %add3A_558 = arith.addf %add3A_543, %unpack3A_556 : vector<16xf32>
        %add3A_559 = arith.addf %add3A_544, %unpack3A_557 : vector<16xf32>
        %mul3A_560 = arith.constant 16 : i32
        %mul3A_561 = arith.muli %scan3A_384, %mul3A_560 : i32
        %add3A_562 = arith.constant 12 : i32
        %add3A_563 = arith.addi %mul3A_561, %add3A_562 : i32
        %get3A_564 = arith.constant 0 : i32
        %get3A_565 = arith.constant 0 : i32
        %get3A_566 = tpu.memref_slice %arg9[%scan3A, %get3A_564, %get3A_565] : memref<2x512x64xbf16, #tpu.memory_space<vmem>> -> memref<1x512x64xbf16, #tpu.memory_space<vmem>>
        %get3A_567 = tpu.memref_squeeze %get3A_566 : memref<1x512x64xbf16, #tpu.memory_space<vmem>> -> memref<512x64xbf16, #tpu.memory_space<vmem>>
        %get3A_568 = arith.index_cast %add3A_563 : i32 to index
        %get3A_569 = arith.constant 0 : index
        %get3A_570 = tpu.vector_load %get3A_567[%get3A_568, %get3A_569] {strides = array<i32>} : memref<512x64xbf16, #tpu.memory_space<vmem>>, vector<32xbf16>,
        %unpack3A_571 = tpu.unpack_subelements %get3A_570, 0 {pack_format = #tpu.pack_format<interleaved>} : vector<32xbf16> -> vector<16xf32>
        %unpack3A_572 = tpu.unpack_subelements %get3A_570, 1 {pack_format = #tpu.pack_format<interleaved>} : vector<32xbf16> -> vector<16xf32>
        %add3A_573 = arith.addf %add3A_558, %unpack3A_571 : vector<16xf32>
        %add3A_574 = arith.addf %add3A_559, %unpack3A_572 : vector<16xf32>
        %mul3A_575 = arith.constant 16 : i32
        %mul3A_576 = arith.muli %scan3A_384, %mul3A_575 : i32
        %add3A_577 = arith.constant 13 : i32
        %add3A_578 = arith.addi %mul3A_576, %add3A_577 : i32
        %get3A_579 = arith.constant 0 : i32
        %get3A_580 = arith.constant 0 : i32
        %get3A_581 = tpu.memref_slice %arg9[%scan3A, %get3A_579, %get3A_580] : memref<2x512x64xbf16, #tpu.memory_space<vmem>> -> memref<1x512x64xbf16, #tpu.memory_space<vmem>>
        %get3A_582 = tpu.memref_squeeze %get3A_581 : memref<1x512x64xbf16, #tpu.memory_space<vmem>> -> memref<512x64xbf16, #tpu.memory_space<vmem>>
        %get3A_583 = arith.index_cast %add3A_578 : i32 to index
        %get3A_584 = arith.constant 0 : index
        %get3A_585 = tpu.vector_load %get3A_582[%get3A_583, %get3A_584] {strides = array<i32>} : memref<512x64xbf16, #tpu.memory_space<vmem>>, vector<32xbf16>,
        %unpack3A_586 = tpu.unpack_subelements %get3A_585, 0 {pack_format = #tpu.pack_format<interleaved>} : vector<32xbf16> -> vector<16xf32>
        %unpack3A_587 = tpu.unpack_subelements %get3A_585, 1 {pack_format = #tpu.pack_format<interleaved>} : vector<32xbf16> -> vector<16xf32>
        %add3A_588 = arith.addf %add3A_573, %unpack3A_586 : vector<16xf32>
        %add3A_589 = arith.addf %add3A_574, %unpack3A_587 : vector<16xf32>
        %mul3A_590 = arith.constant 16 : i32
        %mul3A_591 = arith.muli %scan3A_384, %mul3A_590 : i32
        %add3A_592 = arith.constant 14 : i32
        %add3A_593 = arith.addi %mul3A_591, %add3A_592 : i32
        %get3A_594 = arith.constant 0 : i32
        %get3A_595 = arith.constant 0 : i32
        %get3A_596 = tpu.memref_slice %arg9[%scan3A, %get3A_594, %get3A_595] : memref<2x512x64xbf16, #tpu.memory_space<vmem>> -> memref<1x512x64xbf16, #tpu.memory_space<vmem>>
        %get3A_597 = tpu.memref_squeeze %get3A_596 : memref<1x512x64xbf16, #tpu.memory_space<vmem>> -> memref<512x64xbf16, #tpu.memory_space<vmem>>
        %get3A_598 = arith.index_cast %add3A_593 : i32 to index
        %get3A_599 = arith.constant 0 : index
        %get3A_600 = tpu.vector_load %get3A_597[%get3A_598, %get3A_599] {strides = array<i32>} : memref<512x64xbf16, #tpu.memory_space<vmem>>, vector<32xbf16>,
        %unpack3A_601 = tpu.unpack_subelements %get3A_600, 0 {pack_format = #tpu.pack_format<interleaved>} : vector<32xbf16> -> vector<16xf32>
        %unpack3A_602 = tpu.unpack_subelements %get3A_600, 1 {pack_format = #tpu.pack_format<interleaved>} : vector<32xbf16> -> vector<16xf32>
        %add3A_603 = arith.addf %add3A_588, %unpack3A_601 : vector<16xf32>
        %add3A_604 = arith.addf %add3A_589, %unpack3A_602 : vector<16xf32>
        %mul3A_605 = arith.constant 16 : i32
        %mul3A_606 = arith.muli %scan3A_384, %mul3A_605 : i32
        %add3A_607 = arith.constant 15 : i32
        %add3A_608 = arith.addi %mul3A_606, %add3A_607 : i32
        %get3A_609 = arith.constant 0 : i32
        %get3A_610 = arith.constant 0 : i32
        %get3A_611 = tpu.memref_slice %arg9[%scan3A, %get3A_609, %get3A_610] : memref<2x512x64xbf16, #tpu.memory_space<vmem>> -> memref<1x512x64xbf16, #tpu.memory_space<vmem>>
        %get3A_612 = tpu.memref_squeeze %get3A_611 : memref<1x512x64xbf16, #tpu.memory_space<vmem>> -> memref<512x64xbf16, #tpu.memory_space<vmem>>
        %get3A_613 = arith.index_cast %add3A_608 : i32 to index
        %get3A_614 = arith.constant 0 : index
        %get3A_615 = tpu.vector_load %get3A_612[%get3A_613, %get3A_614] {strides = array<i32>} : memref<512x64xbf16, #tpu.memory_space<vmem>>, vector<32xbf16>,
        %unpack3A_616 = tpu.unpack_subelements %get3A_615, 0 {pack_format = #tpu.pack_format<interleaved>} : vector<32xbf16> -> vector<16xf32>
        %unpack3A_617 = tpu.unpack_subelements %get3A_615, 1 {pack_format = #tpu.pack_format<interleaved>} : vector<32xbf16> -> vector<16xf32>
        %add3A_618 = arith.addf %add3A_603, %unpack3A_616 : vector<16xf32>
        %add3A_619 = arith.addf %add3A_604, %unpack3A_617 : vector<16xf32>
        %mul3A_620 = arith.constant 6.250000e-02 : f32
        %mul3A_621 = vector.broadcast %mul3A_620 : f32 to vector<16xf32>
        %mul3A_622 = arith.mulf %add3A_618, %mul3A_621 : vector<16xf32>
        %swap3A = arith.constant 0 : i32
        %swap3A_623 = arith.index_cast %swap3A : i32 to index
        %swap3A_624 = arith.index_cast %scan3A_384 : i32 to index
        %swap3A_625 = arith.constant 0 : index
        %swap3A_626 = tpu.vector_load %arg10[%swap3A_623, %swap3A_624, %swap3A_625] {strides = array<i32>} : memref<2x32x64xf32, #tpu.memory_space<vmem>>, vector<16xf32>,
        tpu.vector_store %arg10[%swap3A_623, %swap3A_624, %swap3A_625], %mul3A_622 {strides = array<i32>} : memref<2x32x64xf32, #tpu.memory_space<vmem>>, vector<16xf32>,
        %mul3A_627 = arith.constant 6.250000e-02 : f32
        %mul3A_628 = vector.broadcast %mul3A_627 : f32 to vector<16xf32>
        %mul3A_629 = arith.mulf %add3A_619, %mul3A_628 : vector<16xf32>
        %swap3A_630 = arith.constant 0 : i32
        %swap3A_631 = arith.index_cast %swap3A_630 : i32 to index
        %swap3A_632 = arith.index_cast %scan3A_384 : i32 to index
        %swap3A_633 = arith.constant 16 : index
        %swap3A_634 = tpu.vector_load %arg10[%swap3A_631, %swap3A_632, %swap3A_633] {strides = array<i32>} : memref<2x32x64xf32, #tpu.memory_space<vmem>>, vector<16xf32>,
        tpu.vector_store %arg10[%swap3A_631, %swap3A_632, %swap3A_633], %mul3A_629 {strides = array<i32>} : memref<2x32x64xf32, #tpu.memory_space<vmem>>, vector<16xf32>,
        %mul3A_635 = arith.constant 16 : i32
        %mul3A_636 = arith.muli %scan3A_384, %mul3A_635 : i32
        %get3A_637 = arith.constant 0 : i32
        %get3A_638 = arith.constant 0 : i32
        %get3A_639 = tpu.memref_slice %arg9[%scan3A, %get3A_637, %get3A_638] : memref<2x512x64xbf16, #tpu.memory_space<vmem>> -> memref<1x512x64xbf16, #tpu.memory_space<vmem>>
        %get3A_640 = tpu.memref_squeeze %get3A_639 : memref<1x512x64xbf16, #tpu.memory_space<vmem>> -> memref<512x64xbf16, #tpu.memory_space<vmem>>
        %get3A_641 = arith.index_cast %mul3A_636 : i32 to index
        %get3A_642 = arith.constant 32 : index
        %get3A_643 = tpu.vector_load %get3A_640[%get3A_641, %get3A_642] {strides = array<i32>} : memref<512x64xbf16, #tpu.memory_space<vmem>>, vector<32xbf16>,
        %unpack3A_644 = tpu.unpack_subelements %get3A_643, 0 {pack_format = #tpu.pack_format<interleaved>} : vector<32xbf16> -> vector<16xf32>
        %unpack3A_645 = tpu.unpack_subelements %get3A_643, 1 {pack_format = #tpu.pack_format<interleaved>} : vector<32xbf16> -> vector<16xf32>
        %mul3A_646 = arith.constant 16 : i32
        %mul3A_647 = arith.muli %scan3A_384, %mul3A_646 : i32
        %add3A_648 = arith.constant 1 : i32
        %add3A_649 = arith.addi %mul3A_647, %add3A_648 : i32
        %get3A_650 = arith.constant 0 : i32
        %get3A_651 = arith.constant 0 : i32
        %get3A_652 = tpu.memref_slice %arg9[%scan3A, %get3A_650, %get3A_651] : memref<2x512x64xbf16, #tpu.memory_space<vmem>> -> memref<1x512x64xbf16, #tpu.memory_space<vmem>>
        %get3A_653 = tpu.memref_squeeze %get3A_652 : memref<1x512x64xbf16, #tpu.memory_space<vmem>> -> memref<512x64xbf16, #tpu.memory_space<vmem>>
        %get3A_654 = arith.index_cast %add3A_649 : i32 to index
        %get3A_655 = arith.constant 32 : index
        %get3A_656 = tpu.vector_load %get3A_653[%get3A_654, %get3A_655] {strides = array<i32>} : memref<512x64xbf16, #tpu.memory_space<vmem>>, vector<32xbf16>,
        %unpack3A_657 = tpu.unpack_subelements %get3A_656, 0 {pack_format = #tpu.pack_format<interleaved>} : vector<32xbf16> -> vector<16xf32>
        %unpack3A_658 = tpu.unpack_subelements %get3A_656, 1 {pack_format = #tpu.pack_format<interleaved>} : vector<32xbf16> -> vector<16xf32>
        %add3A_659 = arith.addf %unpack3A_644, %unpack3A_657 : vector<16xf32>
        %add3A_660 = arith.addf %unpack3A_645, %unpack3A_658 : vector<16xf32>
        %mul3A_661 = arith.constant 16 : i32
        %mul3A_662 = arith.muli %scan3A_384, %mul3A_661 : i32
        %add3A_663 = arith.constant 2 : i32
        %add3A_664 = arith.addi %mul3A_662, %add3A_663 : i32
        %get3A_665 = arith.constant 0 : i32
        %get3A_666 = arith.constant 0 : i32
        %get3A_667 = tpu.memref_slice %arg9[%scan3A, %get3A_665, %get3A_666] : memref<2x512x64xbf16, #tpu.memory_space<vmem>> -> memref<1x512x64xbf16, #tpu.memory_space<vmem>>
        %get3A_668 = tpu.memref_squeeze %get3A_667 : memref<1x512x64xbf16, #tpu.memory_space<vmem>> -> memref<512x64xbf16, #tpu.memory_space<vmem>>
        %get3A_669 = arith.index_cast %add3A_664 : i32 to index
        %get3A_670 = arith.constant 32 : index
        %get3A_671 = tpu.vector_load %get3A_668[%get3A_669, %get3A_670] {strides = array<i32>} : memref<512x64xbf16, #tpu.memory_space<vmem>>, vector<32xbf16>,
        %unpack3A_672 = tpu.unpack_subelements %get3A_671, 0 {pack_format = #tpu.pack_format<interleaved>} : vector<32xbf16> -> vector<16xf32>
        %unpack3A_673 = tpu.unpack_subelements %get3A_671, 1 {pack_format = #tpu.pack_format<interleaved>} : vector<32xbf16> -> vector<16xf32>
        %add3A_674 = arith.addf %add3A_659, %unpack3A_672 : vector<16xf32>
        %add3A_675 = arith.addf %add3A_660, %unpack3A_673 : vector<16xf32>
        %mul3A_676 = arith.constant 16 : i32
        %mul3A_677 = arith.muli %scan3A_384, %mul3A_676 : i32
        %add3A_678 = arith.constant 3 : i32
        %add3A_679 = arith.addi %mul3A_677, %add3A_678 : i32
        %get3A_680 = arith.constant 0 : i32
        %get3A_681 = arith.constant 0 : i32
        %get3A_682 = tpu.memref_slice %arg9[%scan3A, %get3A_680, %get3A_681] : memref<2x512x64xbf16, #tpu.memory_space<vmem>> -> memref<1x512x64xbf16, #tpu.memory_space<vmem>>
        %get3A_683 = tpu.memref_squeeze %get3A_682 : memref<1x512x64xbf16, #tpu.memory_space<vmem>> -> memref<512x64xbf16, #tpu.memory_space<vmem>>
        %get3A_684 = arith.index_cast %add3A_679 : i32 to index
        %get3A_685 = arith.constant 32 : index
        %get3A_686 = tpu.vector_load %get3A_683[%get3A_684, %get3A_685] {strides = array<i32>} : memref<512x64xbf16, #tpu.memory_space<vmem>>, vector<32xbf16>,
        %unpack3A_687 = tpu.unpack_subelements %get3A_686, 0 {pack_format = #tpu.pack_format<interleaved>} : vector<32xbf16> -> vector<16xf32>
        %unpack3A_688 = tpu.unpack_subelements %get3A_686, 1 {pack_format = #tpu.pack_format<interleaved>} : vector<32xbf16> -> vector<16xf32>
        %add3A_689 = arith.addf %add3A_674, %unpack3A_687 : vector<16xf32>
        %add3A_690 = arith.addf %add3A_675, %unpack3A_688 : vector<16xf32>
        %mul3A_691 = arith.constant 16 : i32
        %mul3A_692 = arith.muli %scan3A_384, %mul3A_691 : i32
        %add3A_693 = arith.constant 4 : i32
        %add3A_694 = arith.addi %mul3A_692, %add3A_693 : i32
        %get3A_695 = arith.constant 0 : i32
        %get3A_696 = arith.constant 0 : i32
        %get3A_697 = tpu.memref_slice %arg9[%scan3A, %get3A_695, %get3A_696] : memref<2x512x64xbf16, #tpu.memory_space<vmem>> -> memref<1x512x64xbf16, #tpu.memory_space<vmem>>
        %get3A_698 = tpu.memref_squeeze %get3A_697 : memref<1x512x64xbf16, #tpu.memory_space<vmem>> -> memref<512x64xbf16, #tpu.memory_space<vmem>>
        %get3A_699 = arith.index_cast %add3A_694 : i32 to index
        %get3A_700 = arith.constant 32 : index
        %get3A_701 = tpu.vector_load %get3A_698[%get3A_699, %get3A_700] {strides = array<i32>} : memref<512x64xbf16, #tpu.memory_space<vmem>>, vector<32xbf16>,
        %unpack3A_702 = tpu.unpack_subelements %get3A_701, 0 {pack_format = #tpu.pack_format<interleaved>} : vector<32xbf16> -> vector<16xf32>
        %unpack3A_703 = tpu.unpack_subelements %get3A_701, 1 {pack_format = #tpu.pack_format<interleaved>} : vector<32xbf16> -> vector<16xf32>
        %add3A_704 = arith.addf %add3A_689, %unpack3A_702 : vector<16xf32>
        %add3A_705 = arith.addf %add3A_690, %unpack3A_703 : vector<16xf32>
        %mul3A_706 = arith.constant 16 : i32
        %mul3A_707 = arith.muli %scan3A_384, %mul3A_706 : i32
        %add3A_708 = arith.constant 5 : i32
        %add3A_709 = arith.addi %mul3A_707, %add3A_708 : i32
        %get3A_710 = arith.constant 0 : i32
        %get3A_711 = arith.constant 0 : i32
        %get3A_712 = tpu.memref_slice %arg9[%scan3A, %get3A_710, %get3A_711] : memref<2x512x64xbf16, #tpu.memory_space<vmem>> -> memref<1x512x64xbf16, #tpu.memory_space<vmem>>
        %get3A_713 = tpu.memref_squeeze %get3A_712 : memref<1x512x64xbf16, #tpu.memory_space<vmem>> -> memref<512x64xbf16, #tpu.memory_space<vmem>>
        %get3A_714 = arith.index_cast %add3A_709 : i32 to index
        %get3A_715 = arith.constant 32 : index
        %get3A_716 = tpu.vector_load %get3A_713[%get3A_714, %get3A_715] {strides = array<i32>} : memref<512x64xbf16, #tpu.memory_space<vmem>>, vector<32xbf16>,
        %unpack3A_717 = tpu.unpack_subelements %get3A_716, 0 {pack_format = #tpu.pack_format<interleaved>} : vector<32xbf16> -> vector<16xf32>
        %unpack3A_718 = tpu.unpack_subelements %get3A_716, 1 {pack_format = #tpu.pack_format<interleaved>} : vector<32xbf16> -> vector<16xf32>
        %add3A_719 = arith.addf %add3A_704, %unpack3A_717 : vector<16xf32>
        %add3A_720 = arith.addf %add3A_705, %unpack3A_718 : vector<16xf32>
        %mul3A_721 = arith.constant 16 : i32
        %mul3A_722 = arith.muli %scan3A_384, %mul3A_721 : i32
        %add3A_723 = arith.constant 6 : i32
        %add3A_724 = arith.addi %mul3A_722, %add3A_723 : i32
        %get3A_725 = arith.constant 0 : i32
        %get3A_726 = arith.constant 0 : i32
        %get3A_727 = tpu.memref_slice %arg9[%scan3A, %get3A_725, %get3A_726] : memref<2x512x64xbf16, #tpu.memory_space<vmem>> -> memref<1x512x64xbf16, #tpu.memory_space<vmem>>
        %get3A_728 = tpu.memref_squeeze %get3A_727 : memref<1x512x64xbf16, #tpu.memory_space<vmem>> -> memref<512x64xbf16, #tpu.memory_space<vmem>>
        %get3A_729 = arith.index_cast %add3A_724 : i32 to index
        %get3A_730 = arith.constant 32 : index
        %get3A_731 = tpu.vector_load %get3A_728[%get3A_729, %get3A_730] {strides = array<i32>} : memref<512x64xbf16, #tpu.memory_space<vmem>>, vector<32xbf16>,
        %unpack3A_732 = tpu.unpack_subelements %get3A_731, 0 {pack_format = #tpu.pack_format<interleaved>} : vector<32xbf16> -> vector<16xf32>
        %unpack3A_733 = tpu.unpack_subelements %get3A_731, 1 {pack_format = #tpu.pack_format<interleaved>} : vector<32xbf16> -> vector<16xf32>
        %add3A_734 = arith.addf %add3A_719, %unpack3A_732 : vector<16xf32>
        %add3A_735 = arith.addf %add3A_720, %unpack3A_733 : vector<16xf32>
        %mul3A_736 = arith.constant 16 : i32
        %mul3A_737 = arith.muli %scan3A_384, %mul3A_736 : i32
        %add3A_738 = arith.constant 7 : i32
        %add3A_739 = arith.addi %mul3A_737, %add3A_738 : i32
        %get3A_740 = arith.constant 0 : i32
        %get3A_741 = arith.constant 0 : i32
        %get3A_742 = tpu.memref_slice %arg9[%scan3A, %get3A_740, %get3A_741] : memref<2x512x64xbf16, #tpu.memory_space<vmem>> -> memref<1x512x64xbf16, #tpu.memory_space<vmem>>
        %get3A_743 = tpu.memref_squeeze %get3A_742 : memref<1x512x64xbf16, #tpu.memory_space<vmem>> -> memref<512x64xbf16, #tpu.memory_space<vmem>>
        %get3A_744 = arith.index_cast %add3A_739 : i32 to index
        %get3A_745 = arith.constant 32 : index
        %get3A_746 = tpu.vector_load %get3A_743[%get3A_744, %get3A_745] {strides = array<i32>} : memref<512x64xbf16, #tpu.memory_space<vmem>>, vector<32xbf16>,
        %unpack3A_747 = tpu.unpack_subelements %get3A_746, 0 {pack_format = #tpu.pack_format<interleaved>} : vector<32xbf16> -> vector<16xf32>
        %unpack3A_748 = tpu.unpack_subelements %get3A_746, 1 {pack_format = #tpu.pack_format<interleaved>} : vector<32xbf16> -> vector<16xf32>
        %add3A_749 = arith.addf %add3A_734, %unpack3A_747 : vector<16xf32>
        %add3A_750 = arith.addf %add3A_735, %unpack3A_748 : vector<16xf32>
        %mul3A_751 = arith.constant 16 : i32
        %mul3A_752 = arith.muli %scan3A_384, %mul3A_751 : i32
        %add3A_753 = arith.constant 8 : i32
        %add3A_754 = arith.addi %mul3A_752, %add3A_753 : i32
        %get3A_755 = arith.constant 0 : i32
        %get3A_756 = arith.constant 0 : i32
        %get3A_757 = tpu.memref_slice %arg9[%scan3A, %get3A_755, %get3A_756] : memref<2x512x64xbf16, #tpu.memory_space<vmem>> -> memref<1x512x64xbf16, #tpu.memory_space<vmem>>
        %get3A_758 = tpu.memref_squeeze %get3A_757 : memref<1x512x64xbf16, #tpu.memory_space<vmem>> -> memref<512x64xbf16, #tpu.memory_space<vmem>>
        %get3A_759 = arith.index_cast %add3A_754 : i32 to index
        %get3A_760 = arith.constant 32 : index
        %get3A_761 = tpu.vector_load %get3A_758[%get3A_759, %get3A_760] {strides = array<i32>} : memref<512x64xbf16, #tpu.memory_space<vmem>>, vector<32xbf16>,
        %unpack3A_762 = tpu.unpack_subelements %get3A_761, 0 {pack_format = #tpu.pack_format<interleaved>} : vector<32xbf16> -> vector<16xf32>
        %unpack3A_763 = tpu.unpack_subelements %get3A_761, 1 {pack_format = #tpu.pack_format<interleaved>} : vector<32xbf16> -> vector<16xf32>
        %add3A_764 = arith.addf %add3A_749, %unpack3A_762 : vector<16xf32>
        %add3A_765 = arith.addf %add3A_750, %unpack3A_763 : vector<16xf32>
        %mul3A_766 = arith.constant 16 : i32
        %mul3A_767 = arith.muli %scan3A_384, %mul3A_766 : i32
        %add3A_768 = arith.constant 9 : i32
        %add3A_769 = arith.addi %mul3A_767, %add3A_768 : i32
        %get3A_770 = arith.constant 0 : i32
        %get3A_771 = arith.constant 0 : i32
        %get3A_772 = tpu.memref_slice %arg9[%scan3A, %get3A_770, %get3A_771] : memref<2x512x64xbf16, #tpu.memory_space<vmem>> -> memref<1x512x64xbf16, #tpu.memory_space<vmem>>
        %get3A_773 = tpu.memref_squeeze %get3A_772 : memref<1x512x64xbf16, #tpu.memory_space<vmem>> -> memref<512x64xbf16, #tpu.memory_space<vmem>>
        %get3A_774 = arith.index_cast %add3A_769 : i32 to index
        %get3A_775 = arith.constant 32 : index
        %get3A_776 = tpu.vector_load %get3A_773[%get3A_774, %get3A_775] {strides = array<i32>} : memref<512x64xbf16, #tpu.memory_space<vmem>>, vector<32xbf16>,
        %unpack3A_777 = tpu.unpack_subelements %get3A_776, 0 {pack_format = #tpu.pack_format<interleaved>} : vector<32xbf16> -> vector<16xf32>
        %unpack3A_778 = tpu.unpack_subelements %get3A_776, 1 {pack_format = #tpu.pack_format<interleaved>} : vector<32xbf16> -> vector<16xf32>
        %add3A_779 = arith.addf %add3A_764, %unpack3A_777 : vector<16xf32>
        %add3A_780 = arith.addf %add3A_765, %unpack3A_778 : vector<16xf32>
        %mul3A_781 = arith.constant 16 : i32
        %mul3A_782 = arith.muli %scan3A_384, %mul3A_781 : i32
        %add3A_783 = arith.constant 10 : i32
        %add3A_784 = arith.addi %mul3A_782, %add3A_783 : i32
        %get3A_785 = arith.constant 0 : i32
        %get3A_786 = arith.constant 0 : i32
        %get3A_787 = tpu.memref_slice %arg9[%scan3A, %get3A_785, %get3A_786] : memref<2x512x64xbf16, #tpu.memory_space<vmem>> -> memref<1x512x64xbf16, #tpu.memory_space<vmem>>
        %get3A_788 = tpu.memref_squeeze %get3A_787 : memref<1x512x64xbf16, #tpu.memory_space<vmem>> -> memref<512x64xbf16, #tpu.memory_space<vmem>>
        %get3A_789 = arith.index_cast %add3A_784 : i32 to index
        %get3A_790 = arith.constant 32 : index
        %get3A_791 = tpu.vector_load %get3A_788[%get3A_789, %get3A_790] {strides = array<i32>} : memref<512x64xbf16, #tpu.memory_space<vmem>>, vector<32xbf16>,
        %unpack3A_792 = tpu.unpack_subelements %get3A_791, 0 {pack_format = #tpu.pack_format<interleaved>} : vector<32xbf16> -> vector<16xf32>
        %unpack3A_793 = tpu.unpack_subelements %get3A_791, 1 {pack_format = #tpu.pack_format<interleaved>} : vector<32xbf16> -> vector<16xf32>
        %add3A_794 = arith.addf %add3A_779, %unpack3A_792 : vector<16xf32>
        %add3A_795 = arith.addf %add3A_780, %unpack3A_793 : vector<16xf32>
        %mul3A_796 = arith.constant 16 : i32
        %mul3A_797 = arith.muli %scan3A_384, %mul3A_796 : i32
        %add3A_798 = arith.constant 11 : i32
        %add3A_799 = arith.addi %mul3A_797, %add3A_798 : i32
        %get3A_800 = arith.constant 0 : i32
        %get3A_801 = arith.constant 0 : i32
        %get3A_802 = tpu.memref_slice %arg9[%scan3A, %get3A_800, %get3A_801] : memref<2x512x64xbf16, #tpu.memory_space<vmem>> -> memref<1x512x64xbf16, #tpu.memory_space<vmem>>
        %get3A_803 = tpu.memref_squeeze %get3A_802 : memref<1x512x64xbf16, #tpu.memory_space<vmem>> -> memref<512x64xbf16, #tpu.memory_space<vmem>>
        %get3A_804 = arith.index_cast %add3A_799 : i32 to index
        %get3A_805 = arith.constant 32 : index
        %get3A_806 = tpu.vector_load %get3A_803[%get3A_804, %get3A_805] {strides = array<i32>} : memref<512x64xbf16, #tpu.memory_space<vmem>>, vector<32xbf16>,
        %unpack3A_807 = tpu.unpack_subelements %get3A_806, 0 {pack_format = #tpu.pack_format<interleaved>} : vector<32xbf16> -> vector<16xf32>
        %unpack3A_808 = tpu.unpack_subelements %get3A_806, 1 {pack_format = #tpu.pack_format<interleaved>} : vector<32xbf16> -> vector<16xf32>
        %add3A_809 = arith.addf %add3A_794, %unpack3A_807 : vector<16xf32>
        %add3A_810 = arith.addf %add3A_795, %unpack3A_808 : vector<16xf32>
        %mul3A_811 = arith.constant 16 : i32
        %mul3A_812 = arith.muli %scan3A_384, %mul3A_811 : i32
        %add3A_813 = arith.constant 12 : i32
        %add3A_814 = arith.addi %mul3A_812, %add3A_813 : i32
        %get3A_815 = arith.constant 0 : i32
        %get3A_816 = arith.constant 0 : i32
        %get3A_817 = tpu.memref_slice %arg9[%scan3A, %get3A_815, %get3A_816] : memref<2x512x64xbf16, #tpu.memory_space<vmem>> -> memref<1x512x64xbf16, #tpu.memory_space<vmem>>
        %get3A_818 = tpu.memref_squeeze %get3A_817 : memref<1x512x64xbf16, #tpu.memory_space<vmem>> -> memref<512x64xbf16, #tpu.memory_space<vmem>>
        %get3A_819 = arith.index_cast %add3A_814 : i32 to index
        %get3A_820 = arith.constant 32 : index
        %get3A_821 = tpu.vector_load %get3A_818[%get3A_819, %get3A_820] {strides = array<i32>} : memref<512x64xbf16, #tpu.memory_space<vmem>>, vector<32xbf16>,
        %unpack3A_822 = tpu.unpack_subelements %get3A_821, 0 {pack_format = #tpu.pack_format<interleaved>} : vector<32xbf16> -> vector<16xf32>
        %unpack3A_823 = tpu.unpack_subelements %get3A_821, 1 {pack_format = #tpu.pack_format<interleaved>} : vector<32xbf16> -> vector<16xf32>
        %add3A_824 = arith.addf %add3A_809, %unpack3A_822 : vector<16xf32>
        %add3A_825 = arith.addf %add3A_810, %unpack3A_823 : vector<16xf32>
        %mul3A_826 = arith.constant 16 : i32
        %mul3A_827 = arith.muli %scan3A_384, %mul3A_826 : i32
        %add3A_828 = arith.constant 13 : i32
        %add3A_829 = arith.addi %mul3A_827, %add3A_828 : i32
        %get3A_830 = arith.constant 0 : i32
        %get3A_831 = arith.constant 0 : i32
        %get3A_832 = tpu.memref_slice %arg9[%scan3A, %get3A_830, %get3A_831] : memref<2x512x64xbf16, #tpu.memory_space<vmem>> -> memref<1x512x64xbf16, #tpu.memory_space<vmem>>
        %get3A_833 = tpu.memref_squeeze %get3A_832 : memref<1x512x64xbf16, #tpu.memory_space<vmem>> -> memref<512x64xbf16, #tpu.memory_space<vmem>>
        %get3A_834 = arith.index_cast %add3A_829 : i32 to index
        %get3A_835 = arith.constant 32 : index
        %get3A_836 = tpu.vector_load %get3A_833[%get3A_834, %get3A_835] {strides = array<i32>} : memref<512x64xbf16, #tpu.memory_space<vmem>>, vector<32xbf16>,
        %unpack3A_837 = tpu.unpack_subelements %get3A_836, 0 {pack_format = #tpu.pack_format<interleaved>} : vector<32xbf16> -> vector<16xf32>
        %unpack3A_838 = tpu.unpack_subelements %get3A_836, 1 {pack_format = #tpu.pack_format<interleaved>} : vector<32xbf16> -> vector<16xf32>
        %add3A_839 = arith.addf %add3A_824, %unpack3A_837 : vector<16xf32>
        %add3A_840 = arith.addf %add3A_825, %unpack3A_838 : vector<16xf32>
        %mul3A_841 = arith.constant 16 : i32
        %mul3A_842 = arith.muli %scan3A_384, %mul3A_841 : i32
        %add3A_843 = arith.constant 14 : i32
        %add3A_844 = arith.addi %mul3A_842, %add3A_843 : i32
        %get3A_845 = arith.constant 0 : i32
        %get3A_846 = arith.constant 0 : i32
        %get3A_847 = tpu.memref_slice %arg9[%scan3A, %get3A_845, %get3A_846] : memref<2x512x64xbf16, #tpu.memory_space<vmem>> -> memref<1x512x64xbf16, #tpu.memory_space<vmem>>
        %get3A_848 = tpu.memref_squeeze %get3A_847 : memref<1x512x64xbf16, #tpu.memory_space<vmem>> -> memref<512x64xbf16, #tpu.memory_space<vmem>>
        %get3A_849 = arith.index_cast %add3A_844 : i32 to index
        %get3A_850 = arith.constant 32 : index
        %get3A_851 = tpu.vector_load %get3A_848[%get3A_849, %get3A_850] {strides = array<i32>} : memref<512x64xbf16, #tpu.memory_space<vmem>>, vector<32xbf16>,
        %unpack3A_852 = tpu.unpack_subelements %get3A_851, 0 {pack_format = #tpu.pack_format<interleaved>} : vector<32xbf16> -> vector<16xf32>
        %unpack3A_853 = tpu.unpack_subelements %get3A_851, 1 {pack_format = #tpu.pack_format<interleaved>} : vector<32xbf16> -> vector<16xf32>
        %add3A_854 = arith.addf %add3A_839, %unpack3A_852 : vector<16xf32>
        %add3A_855 = arith.addf %add3A_840, %unpack3A_853 : vector<16xf32>
        %mul3A_856 = arith.constant 16 : i32
        %mul3A_857 = arith.muli %scan3A_384, %mul3A_856 : i32
        %add3A_858 = arith.constant 15 : i32
        %add3A_859 = arith.addi %mul3A_857, %add3A_858 : i32
        %get3A_860 = arith.constant 0 : i32
        %get3A_861 = arith.constant 0 : i32
        %get3A_862 = tpu.memref_slice %arg9[%scan3A, %get3A_860, %get3A_861] : memref<2x512x64xbf16, #tpu.memory_space<vmem>> -> memref<1x512x64xbf16, #tpu.memory_space<vmem>>
        %get3A_863 = tpu.memref_squeeze %get3A_862 : memref<1x512x64xbf16, #tpu.memory_space<vmem>> -> memref<512x64xbf16, #tpu.memory_space<vmem>>
        %get3A_864 = arith.index_cast %add3A_859 : i32 to index
        %get3A_865 = arith.constant 32 : index
        %get3A_866 = tpu.vector_load %get3A_863[%get3A_864, %get3A_865] {strides = array<i32>} : memref<512x64xbf16, #tpu.memory_space<vmem>>, vector<32xbf16>,
        %unpack3A_867 = tpu.unpack_subelements %get3A_866, 0 {pack_format = #tpu.pack_format<interleaved>} : vector<32xbf16> -> vector<16xf32>
        %unpack3A_868 = tpu.unpack_subelements %get3A_866, 1 {pack_format = #tpu.pack_format<interleaved>} : vector<32xbf16> -> vector<16xf32>
        %add3A_869 = arith.addf %add3A_854, %unpack3A_867 : vector<16xf32>
        %add3A_870 = arith.addf %add3A_855, %unpack3A_868 : vector<16xf32>
        %mul3A_871 = arith.constant 6.250000e-02 : f32
        %mul3A_872 = vector.broadcast %mul3A_871 : f32 to vector<16xf32>
        %mul3A_873 = arith.mulf %add3A_869, %mul3A_872 : vector<16xf32>
        %swap3A_874 = arith.constant 0 : i32
        %swap3A_875 = arith.index_cast %swap3A_874 : i32 to index
        %swap3A_876 = arith.index_cast %scan3A_384 : i32 to index
        %swap3A_877 = arith.constant 32 : index
        %swap3A_878 = tpu.vector_load %arg10[%swap3A_875, %swap3A_876, %swap3A_877] {strides = array<i32>} : memref<2x32x64xf32, #tpu.memory_space<vmem>>, vector<16xf32>,
        tpu.vector_store %arg10[%swap3A_875, %swap3A_876, %swap3A_877], %mul3A_873 {strides = array<i32>} : memref<2x32x64xf32, #tpu.memory_space<vmem>>, vector<16xf32>,
        %mul3A_879 = arith.constant 6.250000e-02 : f32
        %mul3A_880 = vector.broadcast %mul3A_879 : f32 to vector<16xf32>
        %mul3A_881 = arith.mulf %add3A_870, %mul3A_880 : vector<16xf32>
        %swap3A_882 = arith.constant 0 : i32
        %swap3A_883 = arith.index_cast %swap3A_882 : i32 to index
        %swap3A_884 = arith.index_cast %scan3A_384 : i32 to index
        %swap3A_885 = arith.constant 48 : index
        %swap3A_886 = tpu.vector_load %arg10[%swap3A_883, %swap3A_884, %swap3A_885] {strides = array<i32>} : memref<2x32x64xf32, #tpu.memory_space<vmem>>, vector<16xf32>,
        tpu.vector_store %arg10[%swap3A_883, %swap3A_884, %swap3A_885], %mul3A_881 {strides = array<i32>} : memref<2x32x64xf32, #tpu.memory_space<vmem>>, vector<16xf32>,
        %scan3A_887 = arith.constant 0 : i32
        scf.yield %scan3A_887 : i32
      }
      %scan3A_260 = arith.constant 32 : i32
      %mul3A_261 = arith.constant 32 : i32
      %mul3A_262 = arith.muli %add3A_253, %mul3A_261 : i32
      %add3A_263 = arith.addi %add3A, %mul3A_262 : i32
      %dma_start3A_264 = arith.constant 0 : i32
      %dma_start3A_265 = arith.constant 0 : i32
      %dma_start3A_266 = arith.constant 0 : i32
      %dma_start3A_267 = tpu.memref_slice %arg10[%dma_start3A_264, %dma_start3A_265, %dma_start3A_266] : memref<2x32x64xf32, #tpu.memory_space<vmem>> -> memref<1x32x64xf32, #tpu.memory_space<vmem>>
      %dma_start3A_268 = tpu.memref_squeeze %dma_start3A_267 : memref<1x32x64xf32, #tpu.memory_space<vmem>> -> memref<32x64xf32, #tpu.memory_space<vmem>>
      %dma_start3A_269 = arith.constant 0 : i32
      %dma_start3A_270 = tpu.memref_slice %arg5[%add3A_263, %dma_start3A_269] : memref<51200x64xf32, #tpu.memory_space<hbm>> -> memref<32x64xf32, #tpu.memory_space<hbm>>
      %dma_start3A_271 = arith.constant 0 : i32
      %dma_start3A_272 = tpu.memref_slice %arg5[%add3A_263, %dma_start3A_271] : memref<51200x64xf32, #tpu.memory_space<hbm>> -> memref<32x64xf32, #tpu.memory_space<hbm>>
      %dma_start3A_273 = arith.constant 0 : i32
      %dma_start3A_274 = arith.constant 0 : i32
      %dma_start3A_275 = tpu.memref_slice %arg10[%dma_start3A_264, %dma_start3A_273, %dma_start3A_274] : memref<2x32x64xf32, #tpu.memory_space<vmem>> -> memref<1x32x64xf32, #tpu.memory_space<vmem>>
      %dma_start3A_276 = tpu.memref_squeeze %dma_start3A_275 : memref<1x32x64xf32, #tpu.memory_space<vmem>> -> memref<32x64xf32, #tpu.memory_space<vmem>>
      tpu.enqueue_dma source(%dma_start3A_276 : memref<32x64xf32, #tpu.memory_space<vmem>>) target(%dma_start3A_272 : memref<32x64xf32, #tpu.memory_space<hbm>>) target_semaphore(%arg13 : memref<!tpu.dma_semaphore, #tpu.memory_space<semaphore_mem>>)
      %add3A_277 = arith.constant 0 : i32
      %add3A_278 = arith.addi %mul3A_187, %add3A_277 : i32
      %add3A_279 = arith.constant 2 : i32
      %add3A_280 = arith.addi %add3A_278, %add3A_279 : i32
      %lt3A = arith.cmpi slt, %add3A_280, %select_n3A_5 : i32
      %convert_element_type3A_281 = arith.extui %lt3A : i1 to i32
      %cond3A_282 = arith.constant 0 : i32
      %cond3A_283 = arith.cmpi ne, %convert_element_type3A_281, %cond3A_282 : i32
      scf.if %cond3A_283 {
        %add3A_384 = arith.constant 0 : i32
        %add3A_385 = arith.addi %mul3A_187, %add3A_384 : i32
        %add3A_386 = arith.constant 2 : i32
        %add3A_387 = arith.addi %add3A_385, %add3A_386 : i32
        %mul3A_388 = arith.constant 4 : i32
        %mul3A_389 = arith.muli %add3A_387, %mul3A_388 : i32
        %add3A_390 = arith.constant 0 : i32
        %add3A_391 = arith.addi %mul3A_389, %add3A_390 : i32
        %dma_start3A_392 = arith.constant 0 : i32
        %dma_start3A_393 = arith.constant 0 : i32
        %dma_start3A_394 = arith.constant 0 : i32
        %dma_start3A_395 = tpu.memref_slice %arg9[%dma_start3A_392, %dma_start3A_393, %dma_start3A_394] : memref<2x512x64xbf16, #tpu.memory_space<vmem>> -> memref<1x512x64xbf16, #tpu.memory_space<vmem>>
        %dma_start3A_396 = tpu.memref_squeeze %dma_start3A_395 : memref<1x512x64xbf16, #tpu.memory_space<vmem>> -> memref<512x64xbf16, #tpu.memory_space<vmem>>
        %dma_start3A_397 = arith.constant 0 : i32
        %dma_start3A_398 = arith.constant 0 : i32
        %dma_start3A_399 = tpu.memref_slice %dma_start3A_396[%dma_start3A_397, %dma_start3A_398] : memref<512x64xbf16, #tpu.memory_space<vmem>> -> memref<128x64xbf16, #tpu.memory_space<vmem>>
        %dma_start3A_400 = arith.constant 0 : i32
        %dma_start3A_401 = tpu.memref_slice %arg8[%add3A_391, %dma_start3A_400] : memref<280x128xi32, #tpu.memory_space<vmem>> -> memref<1x128xi32, #tpu.memory_space<vmem>>
        %dma_start3A_402 = tpu.memref_squeeze %dma_start3A_401 : memref<1x128xi32, #tpu.memory_space<vmem>> -> memref<128xi32, #tpu.memory_space<vmem>>
        %dma_start3A_403 = arith.constant 0 : i32
        %dma_start3A_404 = arith.constant 0 : i32
        %dma_start3A_405 = tpu.memref_slice %arg2[%dma_start3A_403, %dma_start3A_404] : memref<200000x64xbf16, #tpu.memory_space<hbm>> -> memref<200000x64xbf16, #tpu.memory_space<hbm>>
        tpu.enqueue_indirect_dma source(%dma_start3A_405 : memref<200000x64xbf16, #tpu.memory_space<hbm>>) target(%dma_start3A_399 : memref<128x64xbf16, #tpu.memory_space<vmem>>) offsets(%dma_start3A_402 : memref<128xi32, #tpu.memory_space<vmem>>) semaphore(%arg11 : memref<!tpu.dma_semaphore, #tpu.memory_space<semaphore_mem>>)
        %mul3A_406 = arith.constant 4 : i32
        %mul3A_407 = arith.muli %add3A_387, %mul3A_406 : i32
        %add3A_408 = arith.constant 1 : i32
        %add3A_409 = arith.addi %mul3A_407, %add3A_408 : i32
        %dma_start3A_410 = arith.constant 0 : i32
        %dma_start3A_411 = arith.constant 0 : i32
        %dma_start3A_412 = arith.constant 0 : i32
        %dma_start3A_413 = tpu.memref_slice %arg9[%dma_start3A_410, %dma_start3A_411, %dma_start3A_412] : memref<2x512x64xbf16, #tpu.memory_space<vmem>> -> memref<1x512x64xbf16, #tpu.memory_space<vmem>>
        %dma_start3A_414 = tpu.memref_squeeze %dma_start3A_413 : memref<1x512x64xbf16, #tpu.memory_space<vmem>> -> memref<512x64xbf16, #tpu.memory_space<vmem>>
        %dma_start3A_415 = arith.constant 128 : i32
        %dma_start3A_416 = arith.constant 0 : i32
        %dma_start3A_417 = tpu.memref_slice %dma_start3A_414[%dma_start3A_415, %dma_start3A_416] : memref<512x64xbf16, #tpu.memory_space<vmem>> -> memref<128x64xbf16, #tpu.memory_space<vmem>>
        %dma_start3A_418 = arith.constant 0 : i32
        %dma_start3A_419 = tpu.memref_slice %arg8[%add3A_409, %dma_start3A_418] : memref<280x128xi32, #tpu.memory_space<vmem>> -> memref<1x128xi32, #tpu.memory_space<vmem>>
        %dma_start3A_420 = tpu.memref_squeeze %dma_start3A_419 : memref<1x128xi32, #tpu.memory_space<vmem>> -> memref<128xi32, #tpu.memory_space<vmem>>
        %dma_start3A_421 = arith.constant 0 : i32
        %dma_start3A_422 = arith.constant 0 : i32
        %dma_start3A_423 = tpu.memref_slice %arg2[%dma_start3A_421, %dma_start3A_422] : memref<200000x64xbf16, #tpu.memory_space<hbm>> -> memref<200000x64xbf16, #tpu.memory_space<hbm>>
        tpu.enqueue_indirect_dma source(%dma_start3A_423 : memref<200000x64xbf16, #tpu.memory_space<hbm>>) target(%dma_start3A_417 : memref<128x64xbf16, #tpu.memory_space<vmem>>) offsets(%dma_start3A_420 : memref<128xi32, #tpu.memory_space<vmem>>) semaphore(%arg11 : memref<!tpu.dma_semaphore, #tpu.memory_space<semaphore_mem>>)
        %mul3A_424 = arith.constant 4 : i32
        %mul3A_425 = arith.muli %add3A_387, %mul3A_424 : i32
        %add3A_426 = arith.constant 2 : i32
        %add3A_427 = arith.addi %mul3A_425, %add3A_426 : i32
        %dma_start3A_428 = arith.constant 0 : i32
        %dma_start3A_429 = arith.constant 0 : i32
        %dma_start3A_430 = arith.constant 0 : i32
        %dma_start3A_431 = tpu.memref_slice %arg9[%dma_start3A_428, %dma_start3A_429, %dma_start3A_430] : memref<2x512x64xbf16, #tpu.memory_space<vmem>> -> memref<1x512x64xbf16, #tpu.memory_space<vmem>>
        %dma_start3A_432 = tpu.memref_squeeze %dma_start3A_431 : memref<1x512x64xbf16, #tpu.memory_space<vmem>> -> memref<512x64xbf16, #tpu.memory_space<vmem>>
        %dma_start3A_433 = arith.constant 256 : i32
        %dma_start3A_434 = arith.constant 0 : i32
        %dma_start3A_435 = tpu.memref_slice %dma_start3A_432[%dma_start3A_433, %dma_start3A_434] : memref<512x64xbf16, #tpu.memory_space<vmem>> -> memref<128x64xbf16, #tpu.memory_space<vmem>>
        %dma_start3A_436 = arith.constant 0 : i32
        %dma_start3A_437 = tpu.memref_slice %arg8[%add3A_427, %dma_start3A_436] : memref<280x128xi32, #tpu.memory_space<vmem>> -> memref<1x128xi32, #tpu.memory_space<vmem>>
        %dma_start3A_438 = tpu.memref_squeeze %dma_start3A_437 : memref<1x128xi32, #tpu.memory_space<vmem>> -> memref<128xi32, #tpu.memory_space<vmem>>
        %dma_start3A_439 = arith.constant 0 : i32
        %dma_start3A_440 = arith.constant 0 : i32
        %dma_start3A_441 = tpu.memref_slice %arg2[%dma_start3A_439, %dma_start3A_440] : memref<200000x64xbf16, #tpu.memory_space<hbm>> -> memref<200000x64xbf16, #tpu.memory_space<hbm>>
        tpu.enqueue_indirect_dma source(%dma_start3A_441 : memref<200000x64xbf16, #tpu.memory_space<hbm>>) target(%dma_start3A_435 : memref<128x64xbf16, #tpu.memory_space<vmem>>) offsets(%dma_start3A_438 : memref<128xi32, #tpu.memory_space<vmem>>) semaphore(%arg11 : memref<!tpu.dma_semaphore, #tpu.memory_space<semaphore_mem>>)
        %mul3A_442 = arith.constant 4 : i32
        %mul3A_443 = arith.muli %add3A_387, %mul3A_442 : i32
        %add3A_444 = arith.constant 3 : i32
        %add3A_445 = arith.addi %mul3A_443, %add3A_444 : i32
        %dma_start3A_446 = arith.constant 0 : i32
        %dma_start3A_447 = arith.constant 0 : i32
        %dma_start3A_448 = arith.constant 0 : i32
        %dma_start3A_449 = tpu.memref_slice %arg9[%dma_start3A_446, %dma_start3A_447, %dma_start3A_448] : memref<2x512x64xbf16, #tpu.memory_space<vmem>> -> memref<1x512x64xbf16, #tpu.memory_space<vmem>>
        %dma_start3A_450 = tpu.memref_squeeze %dma_start3A_449 : memref<1x512x64xbf16, #tpu.memory_space<vmem>> -> memref<512x64xbf16, #tpu.memory_space<vmem>>
        %dma_start3A_451 = arith.constant 384 : i32
        %dma_start3A_452 = arith.constant 0 : i32
        %dma_start3A_453 = tpu.memref_slice %dma_start3A_450[%dma_start3A_451, %dma_start3A_452] : memref<512x64xbf16, #tpu.memory_space<vmem>> -> memref<128x64xbf16, #tpu.memory_space<vmem>>
        %dma_start3A_454 = arith.constant 0 : i32
        %dma_start3A_455 = tpu.memref_slice %arg8[%add3A_445, %dma_start3A_454] : memref<280x128xi32, #tpu.memory_space<vmem>> -> memref<1x128xi32, #tpu.memory_space<vmem>>
        %dma_start3A_456 = tpu.memref_squeeze %dma_start3A_455 : memref<1x128xi32, #tpu.memory_space<vmem>> -> memref<128xi32, #tpu.memory_space<vmem>>
        %dma_start3A_457 = arith.constant 0 : i32
        %dma_start3A_458 = arith.constant 0 : i32
        %dma_start3A_459 = tpu.memref_slice %arg2[%dma_start3A_457, %dma_start3A_458] : memref<200000x64xbf16, #tpu.memory_space<hbm>> -> memref<200000x64xbf16, #tpu.memory_space<hbm>>
        tpu.enqueue_indirect_dma source(%dma_start3A_459 : memref<200000x64xbf16, #tpu.memory_space<hbm>>) target(%dma_start3A_453 : memref<128x64xbf16, #tpu.memory_space<vmem>>) offsets(%dma_start3A_456 : memref<128xi32, #tpu.memory_space<vmem>>) semaphore(%arg11 : memref<!tpu.dma_semaphore, #tpu.memory_space<semaphore_mem>>)
      } else {
      }
      %dma_wait3A_284 = arith.constant 0 : i32
      %dma_wait3A_285 = arith.constant 1 : i32
      %dma_wait3A_286 = arith.constant 0 : i32
      %dma_wait3A_287 = arith.constant 0 : i32
      %dma_wait3A_288 = tpu.memref_slice %arg9[%dma_wait3A_285, %dma_wait3A_286, %dma_wait3A_287] : memref<2x512x64xbf16, #tpu.memory_space<vmem>> -> memref<1x512x64xbf16, #tpu.memory_space<vmem>>
      %dma_wait3A_289 = tpu.memref_squeeze %dma_wait3A_288 : memref<1x512x64xbf16, #tpu.memory_space<vmem>> -> memref<512x64xbf16, #tpu.memory_space<vmem>>
      %dma_wait3A_290 = arith.constant 0 : i32
      %dma_wait3A_291 = arith.constant 0 : i32
      %dma_wait3A_292 = tpu.memref_slice %dma_wait3A_289[%dma_wait3A_290, %dma_wait3A_291] : memref<512x64xbf16, #tpu.memory_space<vmem>> -> memref<128x64xbf16, #tpu.memory_space<vmem>>
      %dma_wait3A_293 = arith.constant 0 : i32
      %dma_wait3A_294 = tpu.memref_slice %arg8[%dma_wait3A_284, %dma_wait3A_293] : memref<280x128xi32, #tpu.memory_space<vmem>> -> memref<1x128xi32, #tpu.memory_space<vmem>>
      %dma_wait3A_295 = tpu.memref_squeeze %dma_wait3A_294 : memref<1x128xi32, #tpu.memory_space<vmem>> -> memref<128xi32, #tpu.memory_space<vmem>>
      %dma_wait3A_296 = arith.constant 0 : i32
      %dma_wait3A_297 = arith.constant 0 : i32
      %dma_wait3A_298 = tpu.memref_slice %arg2[%dma_wait3A_296, %dma_wait3A_297] : memref<200000x64xbf16, #tpu.memory_space<hbm>> -> memref<200000x64xbf16, #tpu.memory_space<hbm>>
      tpu.wait_indirect_dma semaphore(%arg12 : memref<!tpu.dma_semaphore, #tpu.memory_space<semaphore_mem>>) src(%dma_wait3A_298 : memref<200000x64xbf16, #tpu.memory_space<hbm>>) dst(%dma_wait3A_292 : memref<128x64xbf16, #tpu.memory_space<vmem>>)
      %dma_wait3A_299 = arith.constant 0 : i32
      %dma_wait3A_300 = arith.constant 1 : i32
      %dma_wait3A_301 = arith.constant 0 : i32
      %dma_wait3A_302 = arith.constant 0 : i32
      %dma_wait3A_303 = tpu.memref_slice %arg9[%dma_wait3A_300, %dma_wait3A_301, %dma_wait3A_302] : memref<2x512x64xbf16, #tpu.memory_space<vmem>> -> memref<1x512x64xbf16, #tpu.memory_space<vmem>>
      %dma_wait3A_304 = tpu.memref_squeeze %dma_wait3A_303 : memref<1x512x64xbf16, #tpu.memory_space<vmem>> -> memref<512x64xbf16, #tpu.memory_space<vmem>>
      %dma_wait3A_305 = arith.constant 128 : i32
      %dma_wait3A_306 = arith.constant 0 : i32
      %dma_wait3A_307 = tpu.memref_slice %dma_wait3A_304[%dma_wait3A_305, %dma_wait3A_306] : memref<512x64xbf16, #tpu.memory_space<vmem>> -> memref<128x64xbf16, #tpu.memory_space<vmem>>
      %dma_wait3A_308 = arith.constant 0 : i32
      %dma_wait3A_309 = tpu.memref_slice %arg8[%dma_wait3A_299, %dma_wait3A_308] : memref<280x128xi32, #tpu.memory_space<vmem>> -> memref<1x128xi32, #tpu.memory_space<vmem>>
      %dma_wait3A_310 = tpu.memref_squeeze %dma_wait3A_309 : memref<1x128xi32, #tpu.memory_space<vmem>> -> memref<128xi32, #tpu.memory_space<vmem>>
      %dma_wait3A_311 = arith.constant 0 : i32
      %dma_wait3A_312 = arith.constant 0 : i32
      %dma_wait3A_313 = tpu.memref_slice %arg2[%dma_wait3A_311, %dma_wait3A_312] : memref<200000x64xbf16, #tpu.memory_space<hbm>> -> memref<200000x64xbf16, #tpu.memory_space<hbm>>
      tpu.wait_indirect_dma semaphore(%arg12 : memref<!tpu.dma_semaphore, #tpu.memory_space<semaphore_mem>>) src(%dma_wait3A_313 : memref<200000x64xbf16, #tpu.memory_space<hbm>>) dst(%dma_wait3A_307 : memref<128x64xbf16, #tpu.memory_space<vmem>>)
      %dma_wait3A_314 = arith.constant 0 : i32
      %dma_wait3A_315 = arith.constant 1 : i32
      %dma_wait3A_316 = arith.constant 0 : i32
      %dma_wait3A_317 = arith.constant 0 : i32
      %dma_wait3A_318 = tpu.memref_slice %arg9[%dma_wait3A_315, %dma_wait3A_316, %dma_wait3A_317] : memref<2x512x64xbf16, #tpu.memory_space<vmem>> -> memref<1x512x64xbf16, #tpu.memory_space<vmem>>
      %dma_wait3A_319 = tpu.memref_squeeze %dma_wait3A_318 : memref<1x512x64xbf16, #tpu.memory_space<vmem>> -> memref<512x64xbf16, #tpu.memory_space<vmem>>
      %dma_wait3A_320 = arith.constant 256 : i32
      %dma_wait3A_321 = arith.constant 0 : i32
      %dma_wait3A_322 = tpu.memref_slice %dma_wait3A_319[%dma_wait3A_320, %dma_wait3A_321] : memref<512x64xbf16, #tpu.memory_space<vmem>> -> memref<128x64xbf16, #tpu.memory_space<vmem>>
      %dma_wait3A_323 = arith.constant 0 : i32
      %dma_wait3A_324 = tpu.memref_slice %arg8[%dma_wait3A_314, %dma_wait3A_323] : memref<280x128xi32, #tpu.memory_space<vmem>> -> memref<1x128xi32, #tpu.memory_space<vmem>>
      %dma_wait3A_325 = tpu.memref_squeeze %dma_wait3A_324 : memref<1x128xi32, #tpu.memory_space<vmem>> -> memref<128xi32, #tpu.memory_space<vmem>>
      %dma_wait3A_326 = arith.constant 0 : i32
      %dma_wait3A_327 = arith.constant 0 : i32
      %dma_wait3A_328 = tpu.memref_slice %arg2[%dma_wait3A_326, %dma_wait3A_327] : memref<200000x64xbf16, #tpu.memory_space<hbm>> -> memref<200000x64xbf16, #tpu.memory_space<hbm>>
      tpu.wait_indirect_dma semaphore(%arg12 : memref<!tpu.dma_semaphore, #tpu.memory_space<semaphore_mem>>) src(%dma_wait3A_328 : memref<200000x64xbf16, #tpu.memory_space<hbm>>) dst(%dma_wait3A_322 : memref<128x64xbf16, #tpu.memory_space<vmem>>)
      %dma_wait3A_329 = arith.constant 0 : i32
      %dma_wait3A_330 = arith.constant 1 : i32
      %dma_wait3A_331 = arith.constant 0 : i32
      %dma_wait3A_332 = arith.constant 0 : i32
      %dma_wait3A_333 = tpu.memref_slice %arg9[%dma_wait3A_330, %dma_wait3A_331, %dma_wait3A_332] : memref<2x512x64xbf16, #tpu.memory_space<vmem>> -> memref<1x512x64xbf16, #tpu.memory_space<vmem>>
      %dma_wait3A_334 = tpu.memref_squeeze %dma_wait3A_333 : memref<1x512x64xbf16, #tpu.memory_space<vmem>> -> memref<512x64xbf16, #tpu.memory_space<vmem>>
      %dma_wait3A_335 = arith.constant 384 : i32
      %dma_wait3A_336 = arith.constant 0 : i32
      %dma_wait3A_337 = tpu.memref_slice %dma_wait3A_334[%dma_wait3A_335, %dma_wait3A_336] : memref<512x64xbf16, #tpu.memory_space<vmem>> -> memref<128x64xbf16, #tpu.memory_space<vmem>>
      %dma_wait3A_338 = arith.constant 0 : i32
      %dma_wait3A_339 = tpu.memref_slice %arg8[%dma_wait3A_329, %dma_wait3A_338] : memref<280x128xi32, #tpu.memory_space<vmem>> -> memref<1x128xi32, #tpu.memory_space<vmem>>
      %dma_wait3A_340 = tpu.memref_squeeze %dma_wait3A_339 : memref<1x128xi32, #tpu.memory_space<vmem>> -> memref<128xi32, #tpu.memory_space<vmem>>
      %dma_wait3A_341 = arith.constant 0 : i32
      %dma_wait3A_342 = arith.constant 0 : i32
      %dma_wait3A_343 = tpu.memref_slice %arg2[%dma_wait3A_341, %dma_wait3A_342] : memref<200000x64xbf16, #tpu.memory_space<hbm>> -> memref<200000x64xbf16, #tpu.memory_space<hbm>>
      tpu.wait_indirect_dma semaphore(%arg12 : memref<!tpu.dma_semaphore, #tpu.memory_space<semaphore_mem>>) src(%dma_wait3A_343 : memref<200000x64xbf16, #tpu.memory_space<hbm>>) dst(%dma_wait3A_337 : memref<128x64xbf16, #tpu.memory_space<vmem>>)
      %gt3A_344 = arith.constant 0 : i32
      %gt3A_345 = arith.cmpi sgt, %while3A_184, %gt3A_344 : i32
      %convert_element_type3A_346 = arith.extui %gt3A_345 : i1 to i32
      %cond3A_347 = arith.constant 0 : i32
      %cond3A_348 = arith.cmpi ne, %convert_element_type3A_346, %cond3A_347 : i32
      scf.if %cond3A_348 {
        %dma_wait3A_384 = arith.constant 1 : i32
        %dma_wait3A_385 = arith.constant 0 : i32
        %dma_wait3A_386 = arith.constant 0 : i32
        %dma_wait3A_387 = tpu.memref_slice %arg10[%dma_wait3A_384, %dma_wait3A_385, %dma_wait3A_386] : memref<2x32x64xf32, #tpu.memory_space<vmem>> -> memref<1x32x64xf32, #tpu.memory_space<vmem>>
        %dma_wait3A_388 = tpu.memref_squeeze %dma_wait3A_387 : memref<1x32x64xf32, #tpu.memory_space<vmem>> -> memref<32x64xf32, #tpu.memory_space<vmem>>
        %dma_wait3A_389 = arith.constant 0 : i32
        %dma_wait3A_390 = tpu.memref_slice %arg5[%add3A, %dma_wait3A_389] : memref<51200x64xf32, #tpu.memory_space<hbm>> -> memref<32x64xf32, #tpu.memory_space<hbm>>
        %dma_wait3A_391 = arith.constant 0 : i32
        %dma_wait3A_392 = tpu.memref_slice %arg5[%add3A, %dma_wait3A_391] : memref<51200x64xf32, #tpu.memory_space<hbm>> -> memref<32x64xf32, #tpu.memory_space<hbm>>
        %dma_wait3A_393 = arith.constant 0 : i32
        %dma_wait3A_394 = arith.constant 0 : i32
        %dma_wait3A_395 = tpu.memref_slice %arg10[%dma_wait3A_384, %dma_wait3A_393, %dma_wait3A_394] : memref<2x32x64xf32, #tpu.memory_space<vmem>> -> memref<1x32x64xf32, #tpu.memory_space<vmem>>
        %dma_wait3A_396 = tpu.memref_squeeze %dma_wait3A_395 : memref<1x32x64xf32, #tpu.memory_space<vmem>> -> memref<32x64xf32, #tpu.memory_space<vmem>>
        tpu.wait_dma2 semaphore(%arg14 : memref<!tpu.dma_semaphore, #tpu.memory_space<semaphore_mem>>) src(%dma_wait3A_396 : memref<32x64xf32, #tpu.memory_space<vmem>>) dst(%dma_wait3A_392 : memref<32x64xf32, #tpu.memory_space<hbm>>)
      } else {
      }
      %add3A_349 = arith.constant 1 : i32
      %add3A_350 = arith.addi %mul3A_187, %add3A_349 : i32
      %scan3A_351 = arith.constant 1 : i32
      %scan3A_352 = arith.constant 0 : i32
      %scan3A_353 = arith.constant 0 : i32
      %scan3A_354 = arith.constant 32 : i32
      %scan3A_355 = arith.addi %scan3A_353, %scan3A_354 : i32
      %scan3A_356 = arith.constant 1 : i32
      %scan3A_357 = scf.for %scan3A_384 = %scan3A_353 to %scan3A_355 step %scan3A_356 iter_args(%scan3A_385 = %scan3A_352) -> (i32)  : i32 {
        %mul3A_386 = arith.constant 16 : i32
        %mul3A_387 = arith.muli %scan3A_384, %mul3A_386 : i32
        %get3A = arith.constant 0 : i32
        %get3A_388 = arith.constant 0 : i32
        %get3A_389 = tpu.memref_slice %arg9[%scan3A_351, %get3A, %get3A_388] : memref<2x512x64xbf16, #tpu.memory_space<vmem>> -> memref<1x512x64xbf16, #tpu.memory_space<vmem>>
        %get3A_390 = tpu.memref_squeeze %get3A_389 : memref<1x512x64xbf16, #tpu.memory_space<vmem>> -> memref<512x64xbf16, #tpu.memory_space<vmem>>
        %get3A_391 = arith.index_cast %mul3A_387 : i32 to index
        %get3A_392 = arith.constant 0 : index
        %get3A_393 = tpu.vector_load %get3A_390[%get3A_391, %get3A_392] {strides = array<i32>} : memref<512x64xbf16, #tpu.memory_space<vmem>>, vector<32xbf16>,
        %unpack3A = tpu.unpack_subelements %get3A_393, 0 {pack_format = #tpu.pack_format<interleaved>} : vector<32xbf16> -> vector<16xf32>
        %unpack3A_394 = tpu.unpack_subelements %get3A_393, 1 {pack_format = #tpu.pack_format<interleaved>} : vector<32xbf16> -> vector<16xf32>
        %mul3A_395 = arith.constant 16 : i32
        %mul3A_396 = arith.muli %scan3A_384, %mul3A_395 : i32
        %add3A_397 = arith.constant 1 : i32
        %add3A_398 = arith.addi %mul3A_396, %add3A_397 : i32
        %get3A_399 = arith.constant 0 : i32
        %get3A_400 = arith.constant 0 : i32
        %get3A_401 = tpu.memref_slice %arg9[%scan3A_351, %get3A_399, %get3A_400] : memref<2x512x64xbf16, #tpu.memory_space<vmem>> -> memref<1x512x64xbf16, #tpu.memory_space<vmem>>
        %get3A_402 = tpu.memref_squeeze %get3A_401 : memref<1x512x64xbf16, #tpu.memory_space<vmem>> -> memref<512x64xbf16, #tpu.memory_space<vmem>>
        %get3A_403 = arith.index_cast %add3A_398 : i32 to index
        %get3A_404 = arith.constant 0 : index
        %get3A_405 = tpu.vector_load %get3A_402[%get3A_403, %get3A_404] {strides = array<i32>} : memref<512x64xbf16, #tpu.memory_space<vmem>>, vector<32xbf16>,
        %unpack3A_406 = tpu.unpack_subelements %get3A_405, 0 {pack_format = #tpu.pack_format<interleaved>} : vector<32xbf16> -> vector<16xf32>
        %unpack3A_407 = tpu.unpack_subelements %get3A_405, 1 {pack_format = #tpu.pack_format<interleaved>} : vector<32xbf16> -> vector<16xf32>
        %add3A_408 = arith.addf %unpack3A, %unpack3A_406 : vector<16xf32>
        %add3A_409 = arith.addf %unpack3A_394, %unpack3A_407 : vector<16xf32>
        %mul3A_410 = arith.constant 16 : i32
        %mul3A_411 = arith.muli %scan3A_384, %mul3A_410 : i32
        %add3A_412 = arith.constant 2 : i32
        %add3A_413 = arith.addi %mul3A_411, %add3A_412 : i32
        %get3A_414 = arith.constant 0 : i32
        %get3A_415 = arith.constant 0 : i32
        %get3A_416 = tpu.memref_slice %arg9[%scan3A_351, %get3A_414, %get3A_415] : memref<2x512x64xbf16, #tpu.memory_space<vmem>> -> memref<1x512x64xbf16, #tpu.memory_space<vmem>>
        %get3A_417 = tpu.memref_squeeze %get3A_416 : memref<1x512x64xbf16, #tpu.memory_space<vmem>> -> memref<512x64xbf16, #tpu.memory_space<vmem>>
        %get3A_418 = arith.index_cast %add3A_413 : i32 to index
        %get3A_419 = arith.constant 0 : index
        %get3A_420 = tpu.vector_load %get3A_417[%get3A_418, %get3A_419] {strides = array<i32>} : memref<512x64xbf16, #tpu.memory_space<vmem>>, vector<32xbf16>,
        %unpack3A_421 = tpu.unpack_subelements %get3A_420, 0 {pack_format = #tpu.pack_format<interleaved>} : vector<32xbf16> -> vector<16xf32>
        %unpack3A_422 = tpu.unpack_subelements %get3A_420, 1 {pack_format = #tpu.pack_format<interleaved>} : vector<32xbf16> -> vector<16xf32>
        %add3A_423 = arith.addf %add3A_408, %unpack3A_421 : vector<16xf32>
        %add3A_424 = arith.addf %add3A_409, %unpack3A_422 : vector<16xf32>
        %mul3A_425 = arith.constant 16 : i32
        %mul3A_426 = arith.muli %scan3A_384, %mul3A_425 : i32
        %add3A_427 = arith.constant 3 : i32
        %add3A_428 = arith.addi %mul3A_426, %add3A_427 : i32
        %get3A_429 = arith.constant 0 : i32
        %get3A_430 = arith.constant 0 : i32
        %get3A_431 = tpu.memref_slice %arg9[%scan3A_351, %get3A_429, %get3A_430] : memref<2x512x64xbf16, #tpu.memory_space<vmem>> -> memref<1x512x64xbf16, #tpu.memory_space<vmem>>
        %get3A_432 = tpu.memref_squeeze %get3A_431 : memref<1x512x64xbf16, #tpu.memory_space<vmem>> -> memref<512x64xbf16, #tpu.memory_space<vmem>>
        %get3A_433 = arith.index_cast %add3A_428 : i32 to index
        %get3A_434 = arith.constant 0 : index
        %get3A_435 = tpu.vector_load %get3A_432[%get3A_433, %get3A_434] {strides = array<i32>} : memref<512x64xbf16, #tpu.memory_space<vmem>>, vector<32xbf16>,
        %unpack3A_436 = tpu.unpack_subelements %get3A_435, 0 {pack_format = #tpu.pack_format<interleaved>} : vector<32xbf16> -> vector<16xf32>
        %unpack3A_437 = tpu.unpack_subelements %get3A_435, 1 {pack_format = #tpu.pack_format<interleaved>} : vector<32xbf16> -> vector<16xf32>
        %add3A_438 = arith.addf %add3A_423, %unpack3A_436 : vector<16xf32>
        %add3A_439 = arith.addf %add3A_424, %unpack3A_437 : vector<16xf32>
        %mul3A_440 = arith.constant 16 : i32
        %mul3A_441 = arith.muli %scan3A_384, %mul3A_440 : i32
        %add3A_442 = arith.constant 4 : i32
        %add3A_443 = arith.addi %mul3A_441, %add3A_442 : i32
        %get3A_444 = arith.constant 0 : i32
        %get3A_445 = arith.constant 0 : i32
        %get3A_446 = tpu.memref_slice %arg9[%scan3A_351, %get3A_444, %get3A_445] : memref<2x512x64xbf16, #tpu.memory_space<vmem>> -> memref<1x512x64xbf16, #tpu.memory_space<vmem>>
        %get3A_447 = tpu.memref_squeeze %get3A_446 : memref<1x512x64xbf16, #tpu.memory_space<vmem>> -> memref<512x64xbf16, #tpu.memory_space<vmem>>
        %get3A_448 = arith.index_cast %add3A_443 : i32 to index
        %get3A_449 = arith.constant 0 : index
        %get3A_450 = tpu.vector_load %get3A_447[%get3A_448, %get3A_449] {strides = array<i32>} : memref<512x64xbf16, #tpu.memory_space<vmem>>, vector<32xbf16>,
        %unpack3A_451 = tpu.unpack_subelements %get3A_450, 0 {pack_format = #tpu.pack_format<interleaved>} : vector<32xbf16> -> vector<16xf32>
        %unpack3A_452 = tpu.unpack_subelements %get3A_450, 1 {pack_format = #tpu.pack_format<interleaved>} : vector<32xbf16> -> vector<16xf32>
        %add3A_453 = arith.addf %add3A_438, %unpack3A_451 : vector<16xf32>
        %add3A_454 = arith.addf %add3A_439, %unpack3A_452 : vector<16xf32>
        %mul3A_455 = arith.constant 16 : i32
        %mul3A_456 = arith.muli %scan3A_384, %mul3A_455 : i32
        %add3A_457 = arith.constant 5 : i32
        %add3A_458 = arith.addi %mul3A_456, %add3A_457 : i32
        %get3A_459 = arith.constant 0 : i32
        %get3A_460 = arith.constant 0 : i32
        %get3A_461 = tpu.memref_slice %arg9[%scan3A_351, %get3A_459, %get3A_460] : memref<2x512x64xbf16, #tpu.memory_space<vmem>> -> memref<1x512x64xbf16, #tpu.memory_space<vmem>>
        %get3A_462 = tpu.memref_squeeze %get3A_461 : memref<1x512x64xbf16, #tpu.memory_space<vmem>> -> memref<512x64xbf16, #tpu.memory_space<vmem>>
        %get3A_463 = arith.index_cast %add3A_458 : i32 to index
        %get3A_464 = arith.constant 0 : index
        %get3A_465 = tpu.vector_load %get3A_462[%get3A_463, %get3A_464] {strides = array<i32>} : memref<512x64xbf16, #tpu.memory_space<vmem>>, vector<32xbf16>,
        %unpack3A_466 = tpu.unpack_subelements %get3A_465, 0 {pack_format = #tpu.pack_format<interleaved>} : vector<32xbf16> -> vector<16xf32>
        %unpack3A_467 = tpu.unpack_subelements %get3A_465, 1 {pack_format = #tpu.pack_format<interleaved>} : vector<32xbf16> -> vector<16xf32>
        %add3A_468 = arith.addf %add3A_453, %unpack3A_466 : vector<16xf32>
        %add3A_469 = arith.addf %add3A_454, %unpack3A_467 : vector<16xf32>
        %mul3A_470 = arith.constant 16 : i32
        %mul3A_471 = arith.muli %scan3A_384, %mul3A_470 : i32
        %add3A_472 = arith.constant 6 : i32
        %add3A_473 = arith.addi %mul3A_471, %add3A_472 : i32
        %get3A_474 = arith.constant 0 : i32
        %get3A_475 = arith.constant 0 : i32
        %get3A_476 = tpu.memref_slice %arg9[%scan3A_351, %get3A_474, %get3A_475] : memref<2x512x64xbf16, #tpu.memory_space<vmem>> -> memref<1x512x64xbf16, #tpu.memory_space<vmem>>
        %get3A_477 = tpu.memref_squeeze %get3A_476 : memref<1x512x64xbf16, #tpu.memory_space<vmem>> -> memref<512x64xbf16, #tpu.memory_space<vmem>>
        %get3A_478 = arith.index_cast %add3A_473 : i32 to index
        %get3A_479 = arith.constant 0 : index
        %get3A_480 = tpu.vector_load %get3A_477[%get3A_478, %get3A_479] {strides = array<i32>} : memref<512x64xbf16, #tpu.memory_space<vmem>>, vector<32xbf16>,
        %unpack3A_481 = tpu.unpack_subelements %get3A_480, 0 {pack_format = #tpu.pack_format<interleaved>} : vector<32xbf16> -> vector<16xf32>
        %unpack3A_482 = tpu.unpack_subelements %get3A_480, 1 {pack_format = #tpu.pack_format<interleaved>} : vector<32xbf16> -> vector<16xf32>
        %add3A_483 = arith.addf %add3A_468, %unpack3A_481 : vector<16xf32>
        %add3A_484 = arith.addf %add3A_469, %unpack3A_482 : vector<16xf32>
        %mul3A_485 = arith.constant 16 : i32
        %mul3A_486 = arith.muli %scan3A_384, %mul3A_485 : i32
        %add3A_487 = arith.constant 7 : i32
        %add3A_488 = arith.addi %mul3A_486, %add3A_487 : i32
        %get3A_489 = arith.constant 0 : i32
        %get3A_490 = arith.constant 0 : i32
        %get3A_491 = tpu.memref_slice %arg9[%scan3A_351, %get3A_489, %get3A_490] : memref<2x512x64xbf16, #tpu.memory_space<vmem>> -> memref<1x512x64xbf16, #tpu.memory_space<vmem>>
        %get3A_492 = tpu.memref_squeeze %get3A_491 : memref<1x512x64xbf16, #tpu.memory_space<vmem>> -> memref<512x64xbf16, #tpu.memory_space<vmem>>
        %get3A_493 = arith.index_cast %add3A_488 : i32 to index
        %get3A_494 = arith.constant 0 : index
        %get3A_495 = tpu.vector_load %get3A_492[%get3A_493, %get3A_494] {strides = array<i32>} : memref<512x64xbf16, #tpu.memory_space<vmem>>, vector<32xbf16>,
        %unpack3A_496 = tpu.unpack_subelements %get3A_495, 0 {pack_format = #tpu.pack_format<interleaved>} : vector<32xbf16> -> vector<16xf32>
        %unpack3A_497 = tpu.unpack_subelements %get3A_495, 1 {pack_format = #tpu.pack_format<interleaved>} : vector<32xbf16> -> vector<16xf32>
        %add3A_498 = arith.addf %add3A_483, %unpack3A_496 : vector<16xf32>
        %add3A_499 = arith.addf %add3A_484, %unpack3A_497 : vector<16xf32>
        %mul3A_500 = arith.constant 16 : i32
        %mul3A_501 = arith.muli %scan3A_384, %mul3A_500 : i32
        %add3A_502 = arith.constant 8 : i32
        %add3A_503 = arith.addi %mul3A_501, %add3A_502 : i32
        %get3A_504 = arith.constant 0 : i32
        %get3A_505 = arith.constant 0 : i32
        %get3A_506 = tpu.memref_slice %arg9[%scan3A_351, %get3A_504, %get3A_505] : memref<2x512x64xbf16, #tpu.memory_space<vmem>> -> memref<1x512x64xbf16, #tpu.memory_space<vmem>>
        %get3A_507 = tpu.memref_squeeze %get3A_506 : memref<1x512x64xbf16, #tpu.memory_space<vmem>> -> memref<512x64xbf16, #tpu.memory_space<vmem>>
        %get3A_508 = arith.index_cast %add3A_503 : i32 to index
        %get3A_509 = arith.constant 0 : index
        %get3A_510 = tpu.vector_load %get3A_507[%get3A_508, %get3A_509] {strides = array<i32>} : memref<512x64xbf16, #tpu.memory_space<vmem>>, vector<32xbf16>,
        %unpack3A_511 = tpu.unpack_subelements %get3A_510, 0 {pack_format = #tpu.pack_format<interleaved>} : vector<32xbf16> -> vector<16xf32>
        %unpack3A_512 = tpu.unpack_subelements %get3A_510, 1 {pack_format = #tpu.pack_format<interleaved>} : vector<32xbf16> -> vector<16xf32>
        %add3A_513 = arith.addf %add3A_498, %unpack3A_511 : vector<16xf32>
        %add3A_514 = arith.addf %add3A_499, %unpack3A_512 : vector<16xf32>
        %mul3A_515 = arith.constant 16 : i32
        %mul3A_516 = arith.muli %scan3A_384, %mul3A_515 : i32
        %add3A_517 = arith.constant 9 : i32
        %add3A_518 = arith.addi %mul3A_516, %add3A_517 : i32
        %get3A_519 = arith.constant 0 : i32
        %get3A_520 = arith.constant 0 : i32
        %get3A_521 = tpu.memref_slice %arg9[%scan3A_351, %get3A_519, %get3A_520] : memref<2x512x64xbf16, #tpu.memory_space<vmem>> -> memref<1x512x64xbf16, #tpu.memory_space<vmem>>
        %get3A_522 = tpu.memref_squeeze %get3A_521 : memref<1x512x64xbf16, #tpu.memory_space<vmem>> -> memref<512x64xbf16, #tpu.memory_space<vmem>>
        %get3A_523 = arith.index_cast %add3A_518 : i32 to index
        %get3A_524 = arith.constant 0 : index
        %get3A_525 = tpu.vector_load %get3A_522[%get3A_523, %get3A_524] {strides = array<i32>} : memref<512x64xbf16, #tpu.memory_space<vmem>>, vector<32xbf16>,
        %unpack3A_526 = tpu.unpack_subelements %get3A_525, 0 {pack_format = #tpu.pack_format<interleaved>} : vector<32xbf16> -> vector<16xf32>
        %unpack3A_527 = tpu.unpack_subelements %get3A_525, 1 {pack_format = #tpu.pack_format<interleaved>} : vector<32xbf16> -> vector<16xf32>
        %add3A_528 = arith.addf %add3A_513, %unpack3A_526 : vector<16xf32>
        %add3A_529 = arith.addf %add3A_514, %unpack3A_527 : vector<16xf32>
        %mul3A_530 = arith.constant 16 : i32
        %mul3A_531 = arith.muli %scan3A_384, %mul3A_530 : i32
        %add3A_532 = arith.constant 10 : i32
        %add3A_533 = arith.addi %mul3A_531, %add3A_532 : i32
        %get3A_534 = arith.constant 0 : i32
        %get3A_535 = arith.constant 0 : i32
        %get3A_536 = tpu.memref_slice %arg9[%scan3A_351, %get3A_534, %get3A_535] : memref<2x512x64xbf16, #tpu.memory_space<vmem>> -> memref<1x512x64xbf16, #tpu.memory_space<vmem>>
        %get3A_537 = tpu.memref_squeeze %get3A_536 : memref<1x512x64xbf16, #tpu.memory_space<vmem>> -> memref<512x64xbf16, #tpu.memory_space<vmem>>
        %get3A_538 = arith.index_cast %add3A_533 : i32 to index
        %get3A_539 = arith.constant 0 : index
        %get3A_540 = tpu.vector_load %get3A_537[%get3A_538, %get3A_539] {strides = array<i32>} : memref<512x64xbf16, #tpu.memory_space<vmem>>, vector<32xbf16>,
        %unpack3A_541 = tpu.unpack_subelements %get3A_540, 0 {pack_format = #tpu.pack_format<interleaved>} : vector<32xbf16> -> vector<16xf32>
        %unpack3A_542 = tpu.unpack_subelements %get3A_540, 1 {pack_format = #tpu.pack_format<interleaved>} : vector<32xbf16> -> vector<16xf32>
        %add3A_543 = arith.addf %add3A_528, %unpack3A_541 : vector<16xf32>
        %add3A_544 = arith.addf %add3A_529, %unpack3A_542 : vector<16xf32>
        %mul3A_545 = arith.constant 16 : i32
        %mul3A_546 = arith.muli %scan3A_384, %mul3A_545 : i32
        %add3A_547 = arith.constant 11 : i32
        %add3A_548 = arith.addi %mul3A_546, %add3A_547 : i32
        %get3A_549 = arith.constant 0 : i32
        %get3A_550 = arith.constant 0 : i32
        %get3A_551 = tpu.memref_slice %arg9[%scan3A_351, %get3A_549, %get3A_550] : memref<2x512x64xbf16, #tpu.memory_space<vmem>> -> memref<1x512x64xbf16, #tpu.memory_space<vmem>>
        %get3A_552 = tpu.memref_squeeze %get3A_551 : memref<1x512x64xbf16, #tpu.memory_space<vmem>> -> memref<512x64xbf16, #tpu.memory_space<vmem>>
        %get3A_553 = arith.index_cast %add3A_548 : i32 to index
        %get3A_554 = arith.constant 0 : index
        %get3A_555 = tpu.vector_load %get3A_552[%get3A_553, %get3A_554] {strides = array<i32>} : memref<512x64xbf16, #tpu.memory_space<vmem>>, vector<32xbf16>,
        %unpack3A_556 = tpu.unpack_subelements %get3A_555, 0 {pack_format = #tpu.pack_format<interleaved>} : vector<32xbf16> -> vector<16xf32>
        %unpack3A_557 = tpu.unpack_subelements %get3A_555, 1 {pack_format = #tpu.pack_format<interleaved>} : vector<32xbf16> -> vector<16xf32>
        %add3A_558 = arith.addf %add3A_543, %unpack3A_556 : vector<16xf32>
        %add3A_559 = arith.addf %add3A_544, %unpack3A_557 : vector<16xf32>
        %mul3A_560 = arith.constant 16 : i32
        %mul3A_561 = arith.muli %scan3A_384, %mul3A_560 : i32
        %add3A_562 = arith.constant 12 : i32
        %add3A_563 = arith.addi %mul3A_561, %add3A_562 : i32
        %get3A_564 = arith.constant 0 : i32
        %get3A_565 = arith.constant 0 : i32
        %get3A_566 = tpu.memref_slice %arg9[%scan3A_351, %get3A_564, %get3A_565] : memref<2x512x64xbf16, #tpu.memory_space<vmem>> -> memref<1x512x64xbf16, #tpu.memory_space<vmem>>
        %get3A_567 = tpu.memref_squeeze %get3A_566 : memref<1x512x64xbf16, #tpu.memory_space<vmem>> -> memref<512x64xbf16, #tpu.memory_space<vmem>>
        %get3A_568 = arith.index_cast %add3A_563 : i32 to index
        %get3A_569 = arith.constant 0 : index
        %get3A_570 = tpu.vector_load %get3A_567[%get3A_568, %get3A_569] {strides = array<i32>} : memref<512x64xbf16, #tpu.memory_space<vmem>>, vector<32xbf16>,
        %unpack3A_571 = tpu.unpack_subelements %get3A_570, 0 {pack_format = #tpu.pack_format<interleaved>} : vector<32xbf16> -> vector<16xf32>
        %unpack3A_572 = tpu.unpack_subelements %get3A_570, 1 {pack_format = #tpu.pack_format<interleaved>} : vector<32xbf16> -> vector<16xf32>
        %add3A_573 = arith.addf %add3A_558, %unpack3A_571 : vector<16xf32>
        %add3A_574 = arith.addf %add3A_559, %unpack3A_572 : vector<16xf32>
        %mul3A_575 = arith.constant 16 : i32
        %mul3A_576 = arith.muli %scan3A_384, %mul3A_575 : i32
        %add3A_577 = arith.constant 13 : i32
        %add3A_578 = arith.addi %mul3A_576, %add3A_577 : i32
        %get3A_579 = arith.constant 0 : i32
        %get3A_580 = arith.constant 0 : i32
        %get3A_581 = tpu.memref_slice %arg9[%scan3A_351, %get3A_579, %get3A_580] : memref<2x512x64xbf16, #tpu.memory_space<vmem>> -> memref<1x512x64xbf16, #tpu.memory_space<vmem>>
        %get3A_582 = tpu.memref_squeeze %get3A_581 : memref<1x512x64xbf16, #tpu.memory_space<vmem>> -> memref<512x64xbf16, #tpu.memory_space<vmem>>
        %get3A_583 = arith.index_cast %add3A_578 : i32 to index
        %get3A_584 = arith.constant 0 : index
        %get3A_585 = tpu.vector_load %get3A_582[%get3A_583, %get3A_584] {strides = array<i32>} : memref<512x64xbf16, #tpu.memory_space<vmem>>, vector<32xbf16>,
        %unpack3A_586 = tpu.unpack_subelements %get3A_585, 0 {pack_format = #tpu.pack_format<interleaved>} : vector<32xbf16> -> vector<16xf32>
        %unpack3A_587 = tpu.unpack_subelements %get3A_585, 1 {pack_format = #tpu.pack_format<interleaved>} : vector<32xbf16> -> vector<16xf32>
        %add3A_588 = arith.addf %add3A_573, %unpack3A_586 : vector<16xf32>
        %add3A_589 = arith.addf %add3A_574, %unpack3A_587 : vector<16xf32>
        %mul3A_590 = arith.constant 16 : i32
        %mul3A_591 = arith.muli %scan3A_384, %mul3A_590 : i32
        %add3A_592 = arith.constant 14 : i32
        %add3A_593 = arith.addi %mul3A_591, %add3A_592 : i32
        %get3A_594 = arith.constant 0 : i32
        %get3A_595 = arith.constant 0 : i32
        %get3A_596 = tpu.memref_slice %arg9[%scan3A_351, %get3A_594, %get3A_595] : memref<2x512x64xbf16, #tpu.memory_space<vmem>> -> memref<1x512x64xbf16, #tpu.memory_space<vmem>>
        %get3A_597 = tpu.memref_squeeze %get3A_596 : memref<1x512x64xbf16, #tpu.memory_space<vmem>> -> memref<512x64xbf16, #tpu.memory_space<vmem>>
        %get3A_598 = arith.index_cast %add3A_593 : i32 to index
        %get3A_599 = arith.constant 0 : index
        %get3A_600 = tpu.vector_load %get3A_597[%get3A_598, %get3A_599] {strides = array<i32>} : memref<512x64xbf16, #tpu.memory_space<vmem>>, vector<32xbf16>,
        %unpack3A_601 = tpu.unpack_subelements %get3A_600, 0 {pack_format = #tpu.pack_format<interleaved>} : vector<32xbf16> -> vector<16xf32>
        %unpack3A_602 = tpu.unpack_subelements %get3A_600, 1 {pack_format = #tpu.pack_format<interleaved>} : vector<32xbf16> -> vector<16xf32>
        %add3A_603 = arith.addf %add3A_588, %unpack3A_601 : vector<16xf32>
        %add3A_604 = arith.addf %add3A_589, %unpack3A_602 : vector<16xf32>
        %mul3A_605 = arith.constant 16 : i32
        %mul3A_606 = arith.muli %scan3A_384, %mul3A_605 : i32
        %add3A_607 = arith.constant 15 : i32
        %add3A_608 = arith.addi %mul3A_606, %add3A_607 : i32
        %get3A_609 = arith.constant 0 : i32
        %get3A_610 = arith.constant 0 : i32
        %get3A_611 = tpu.memref_slice %arg9[%scan3A_351, %get3A_609, %get3A_610] : memref<2x512x64xbf16, #tpu.memory_space<vmem>> -> memref<1x512x64xbf16, #tpu.memory_space<vmem>>
        %get3A_612 = tpu.memref_squeeze %get3A_611 : memref<1x512x64xbf16, #tpu.memory_space<vmem>> -> memref<512x64xbf16, #tpu.memory_space<vmem>>
        %get3A_613 = arith.index_cast %add3A_608 : i32 to index
        %get3A_614 = arith.constant 0 : index
        %get3A_615 = tpu.vector_load %get3A_612[%get3A_613, %get3A_614] {strides = array<i32>} : memref<512x64xbf16, #tpu.memory_space<vmem>>, vector<32xbf16>,
        %unpack3A_616 = tpu.unpack_subelements %get3A_615, 0 {pack_format = #tpu.pack_format<interleaved>} : vector<32xbf16> -> vector<16xf32>
        %unpack3A_617 = tpu.unpack_subelements %get3A_615, 1 {pack_format = #tpu.pack_format<interleaved>} : vector<32xbf16> -> vector<16xf32>
        %add3A_618 = arith.addf %add3A_603, %unpack3A_616 : vector<16xf32>
        %add3A_619 = arith.addf %add3A_604, %unpack3A_617 : vector<16xf32>
        %mul3A_620 = arith.constant 6.250000e-02 : f32
        %mul3A_621 = vector.broadcast %mul3A_620 : f32 to vector<16xf32>
        %mul3A_622 = arith.mulf %add3A_618, %mul3A_621 : vector<16xf32>
        %swap3A = arith.constant 1 : i32
        %swap3A_623 = arith.index_cast %swap3A : i32 to index
        %swap3A_624 = arith.index_cast %scan3A_384 : i32 to index
        %swap3A_625 = arith.constant 0 : index
        %swap3A_626 = tpu.vector_load %arg10[%swap3A_623, %swap3A_624, %swap3A_625] {strides = array<i32>} : memref<2x32x64xf32, #tpu.memory_space<vmem>>, vector<16xf32>,
        tpu.vector_store %arg10[%swap3A_623, %swap3A_624, %swap3A_625], %mul3A_622 {strides = array<i32>} : memref<2x32x64xf32, #tpu.memory_space<vmem>>, vector<16xf32>,
        %mul3A_627 = arith.constant 6.250000e-02 : f32
        %mul3A_628 = vector.broadcast %mul3A_627 : f32 to vector<16xf32>
        %mul3A_629 = arith.mulf %add3A_619, %mul3A_628 : vector<16xf32>
        %swap3A_630 = arith.constant 1 : i32
        %swap3A_631 = arith.index_cast %swap3A_630 : i32 to index
        %swap3A_632 = arith.index_cast %scan3A_384 : i32 to index
        %swap3A_633 = arith.constant 16 : index
        %swap3A_634 = tpu.vector_load %arg10[%swap3A_631, %swap3A_632, %swap3A_633] {strides = array<i32>} : memref<2x32x64xf32, #tpu.memory_space<vmem>>, vector<16xf32>,
        tpu.vector_store %arg10[%swap3A_631, %swap3A_632, %swap3A_633], %mul3A_629 {strides = array<i32>} : memref<2x32x64xf32, #tpu.memory_space<vmem>>, vector<16xf32>,
        %mul3A_635 = arith.constant 16 : i32
        %mul3A_636 = arith.muli %scan3A_384, %mul3A_635 : i32
        %get3A_637 = arith.constant 0 : i32
        %get3A_638 = arith.constant 0 : i32
        %get3A_639 = tpu.memref_slice %arg9[%scan3A_351, %get3A_637, %get3A_638] : memref<2x512x64xbf16, #tpu.memory_space<vmem>> -> memref<1x512x64xbf16, #tpu.memory_space<vmem>>
        %get3A_640 = tpu.memref_squeeze %get3A_639 : memref<1x512x64xbf16, #tpu.memory_space<vmem>> -> memref<512x64xbf16, #tpu.memory_space<vmem>>
        %get3A_641 = arith.index_cast %mul3A_636 : i32 to index
        %get3A_642 = arith.constant 32 : index
        %get3A_643 = tpu.vector_load %get3A_640[%get3A_641, %get3A_642] {strides = array<i32>} : memref<512x64xbf16, #tpu.memory_space<vmem>>, vector<32xbf16>,
        %unpack3A_644 = tpu.unpack_subelements %get3A_643, 0 {pack_format = #tpu.pack_format<interleaved>} : vector<32xbf16> -> vector<16xf32>
        %unpack3A_645 = tpu.unpack_subelements %get3A_643, 1 {pack_format = #tpu.pack_format<interleaved>} : vector<32xbf16> -> vector<16xf32>
        %mul3A_646 = arith.constant 16 : i32
        %mul3A_647 = arith.muli %scan3A_384, %mul3A_646 : i32
        %add3A_648 = arith.constant 1 : i32
        %add3A_649 = arith.addi %mul3A_647, %add3A_648 : i32
        %get3A_650 = arith.constant 0 : i32
        %get3A_651 = arith.constant 0 : i32
        %get3A_652 = tpu.memref_slice %arg9[%scan3A_351, %get3A_650, %get3A_651] : memref<2x512x64xbf16, #tpu.memory_space<vmem>> -> memref<1x512x64xbf16, #tpu.memory_space<vmem>>
        %get3A_653 = tpu.memref_squeeze %get3A_652 : memref<1x512x64xbf16, #tpu.memory_space<vmem>> -> memref<512x64xbf16, #tpu.memory_space<vmem>>
        %get3A_654 = arith.index_cast %add3A_649 : i32 to index
        %get3A_655 = arith.constant 32 : index
        %get3A_656 = tpu.vector_load %get3A_653[%get3A_654, %get3A_655] {strides = array<i32>} : memref<512x64xbf16, #tpu.memory_space<vmem>>, vector<32xbf16>,
        %unpack3A_657 = tpu.unpack_subelements %get3A_656, 0 {pack_format = #tpu.pack_format<interleaved>} : vector<32xbf16> -> vector<16xf32>
        %unpack3A_658 = tpu.unpack_subelements %get3A_656, 1 {pack_format = #tpu.pack_format<interleaved>} : vector<32xbf16> -> vector<16xf32>
        %add3A_659 = arith.addf %unpack3A_644, %unpack3A_657 : vector<16xf32>
        %add3A_660 = arith.addf %unpack3A_645, %unpack3A_658 : vector<16xf32>
        %mul3A_661 = arith.constant 16 : i32
        %mul3A_662 = arith.muli %scan3A_384, %mul3A_661 : i32
        %add3A_663 = arith.constant 2 : i32
        %add3A_664 = arith.addi %mul3A_662, %add3A_663 : i32
        %get3A_665 = arith.constant 0 : i32
        %get3A_666 = arith.constant 0 : i32
        %get3A_667 = tpu.memref_slice %arg9[%scan3A_351, %get3A_665, %get3A_666] : memref<2x512x64xbf16, #tpu.memory_space<vmem>> -> memref<1x512x64xbf16, #tpu.memory_space<vmem>>
        %get3A_668 = tpu.memref_squeeze %get3A_667 : memref<1x512x64xbf16, #tpu.memory_space<vmem>> -> memref<512x64xbf16, #tpu.memory_space<vmem>>
        %get3A_669 = arith.index_cast %add3A_664 : i32 to index
        %get3A_670 = arith.constant 32 : index
        %get3A_671 = tpu.vector_load %get3A_668[%get3A_669, %get3A_670] {strides = array<i32>} : memref<512x64xbf16, #tpu.memory_space<vmem>>, vector<32xbf16>,
        %unpack3A_672 = tpu.unpack_subelements %get3A_671, 0 {pack_format = #tpu.pack_format<interleaved>} : vector<32xbf16> -> vector<16xf32>
        %unpack3A_673 = tpu.unpack_subelements %get3A_671, 1 {pack_format = #tpu.pack_format<interleaved>} : vector<32xbf16> -> vector<16xf32>
        %add3A_674 = arith.addf %add3A_659, %unpack3A_672 : vector<16xf32>
        %add3A_675 = arith.addf %add3A_660, %unpack3A_673 : vector<16xf32>
        %mul3A_676 = arith.constant 16 : i32
        %mul3A_677 = arith.muli %scan3A_384, %mul3A_676 : i32
        %add3A_678 = arith.constant 3 : i32
        %add3A_679 = arith.addi %mul3A_677, %add3A_678 : i32
        %get3A_680 = arith.constant 0 : i32
        %get3A_681 = arith.constant 0 : i32
        %get3A_682 = tpu.memref_slice %arg9[%scan3A_351, %get3A_680, %get3A_681] : memref<2x512x64xbf16, #tpu.memory_space<vmem>> -> memref<1x512x64xbf16, #tpu.memory_space<vmem>>
        %get3A_683 = tpu.memref_squeeze %get3A_682 : memref<1x512x64xbf16, #tpu.memory_space<vmem>> -> memref<512x64xbf16, #tpu.memory_space<vmem>>
        %get3A_684 = arith.index_cast %add3A_679 : i32 to index
        %get3A_685 = arith.constant 32 : index
        %get3A_686 = tpu.vector_load %get3A_683[%get3A_684, %get3A_685] {strides = array<i32>} : memref<512x64xbf16, #tpu.memory_space<vmem>>, vector<32xbf16>,
        %unpack3A_687 = tpu.unpack_subelements %get3A_686, 0 {pack_format = #tpu.pack_format<interleaved>} : vector<32xbf16> -> vector<16xf32>
        %unpack3A_688 = tpu.unpack_subelements %get3A_686, 1 {pack_format = #tpu.pack_format<interleaved>} : vector<32xbf16> -> vector<16xf32>
        %add3A_689 = arith.addf %add3A_674, %unpack3A_687 : vector<16xf32>
        %add3A_690 = arith.addf %add3A_675, %unpack3A_688 : vector<16xf32>
        %mul3A_691 = arith.constant 16 : i32
        %mul3A_692 = arith.muli %scan3A_384, %mul3A_691 : i32
        %add3A_693 = arith.constant 4 : i32
        %add3A_694 = arith.addi %mul3A_692, %add3A_693 : i32
        %get3A_695 = arith.constant 0 : i32
        %get3A_696 = arith.constant 0 : i32
        %get3A_697 = tpu.memref_slice %arg9[%scan3A_351, %get3A_695, %get3A_696] : memref<2x512x64xbf16, #tpu.memory_space<vmem>> -> memref<1x512x64xbf16, #tpu.memory_space<vmem>>
        %get3A_698 = tpu.memref_squeeze %get3A_697 : memref<1x512x64xbf16, #tpu.memory_space<vmem>> -> memref<512x64xbf16, #tpu.memory_space<vmem>>
        %get3A_699 = arith.index_cast %add3A_694 : i32 to index
        %get3A_700 = arith.constant 32 : index
        %get3A_701 = tpu.vector_load %get3A_698[%get3A_699, %get3A_700] {strides = array<i32>} : memref<512x64xbf16, #tpu.memory_space<vmem>>, vector<32xbf16>,
        %unpack3A_702 = tpu.unpack_subelements %get3A_701, 0 {pack_format = #tpu.pack_format<interleaved>} : vector<32xbf16> -> vector<16xf32>
        %unpack3A_703 = tpu.unpack_subelements %get3A_701, 1 {pack_format = #tpu.pack_format<interleaved>} : vector<32xbf16> -> vector<16xf32>
        %add3A_704 = arith.addf %add3A_689, %unpack3A_702 : vector<16xf32>
        %add3A_705 = arith.addf %add3A_690, %unpack3A_703 : vector<16xf32>
        %mul3A_706 = arith.constant 16 : i32
        %mul3A_707 = arith.muli %scan3A_384, %mul3A_706 : i32
        %add3A_708 = arith.constant 5 : i32
        %add3A_709 = arith.addi %mul3A_707, %add3A_708 : i32
        %get3A_710 = arith.constant 0 : i32
        %get3A_711 = arith.constant 0 : i32
        %get3A_712 = tpu.memref_slice %arg9[%scan3A_351, %get3A_710, %get3A_711] : memref<2x512x64xbf16, #tpu.memory_space<vmem>> -> memref<1x512x64xbf16, #tpu.memory_space<vmem>>
        %get3A_713 = tpu.memref_squeeze %get3A_712 : memref<1x512x64xbf16, #tpu.memory_space<vmem>> -> memref<512x64xbf16, #tpu.memory_space<vmem>>
        %get3A_714 = arith.index_cast %add3A_709 : i32 to index
        %get3A_715 = arith.constant 32 : index
        %get3A_716 = tpu.vector_load %get3A_713[%get3A_714, %get3A_715] {strides = array<i32>} : memref<512x64xbf16, #tpu.memory_space<vmem>>, vector<32xbf16>,
        %unpack3A_717 = tpu.unpack_subelements %get3A_716, 0 {pack_format = #tpu.pack_format<interleaved>} : vector<32xbf16> -> vector<16xf32>
        %unpack3A_718 = tpu.unpack_subelements %get3A_716, 1 {pack_format = #tpu.pack_format<interleaved>} : vector<32xbf16> -> vector<16xf32>
        %add3A_719 = arith.addf %add3A_704, %unpack3A_717 : vector<16xf32>
        %add3A_720 = arith.addf %add3A_705, %unpack3A_718 : vector<16xf32>
        %mul3A_721 = arith.constant 16 : i32
        %mul3A_722 = arith.muli %scan3A_384, %mul3A_721 : i32
        %add3A_723 = arith.constant 6 : i32
        %add3A_724 = arith.addi %mul3A_722, %add3A_723 : i32
        %get3A_725 = arith.constant 0 : i32
        %get3A_726 = arith.constant 0 : i32
        %get3A_727 = tpu.memref_slice %arg9[%scan3A_351, %get3A_725, %get3A_726] : memref<2x512x64xbf16, #tpu.memory_space<vmem>> -> memref<1x512x64xbf16, #tpu.memory_space<vmem>>
        %get3A_728 = tpu.memref_squeeze %get3A_727 : memref<1x512x64xbf16, #tpu.memory_space<vmem>> -> memref<512x64xbf16, #tpu.memory_space<vmem>>
        %get3A_729 = arith.index_cast %add3A_724 : i32 to index
        %get3A_730 = arith.constant 32 : index
        %get3A_731 = tpu.vector_load %get3A_728[%get3A_729, %get3A_730] {strides = array<i32>} : memref<512x64xbf16, #tpu.memory_space<vmem>>, vector<32xbf16>,
        %unpack3A_732 = tpu.unpack_subelements %get3A_731, 0 {pack_format = #tpu.pack_format<interleaved>} : vector<32xbf16> -> vector<16xf32>
        %unpack3A_733 = tpu.unpack_subelements %get3A_731, 1 {pack_format = #tpu.pack_format<interleaved>} : vector<32xbf16> -> vector<16xf32>
        %add3A_734 = arith.addf %add3A_719, %unpack3A_732 : vector<16xf32>
        %add3A_735 = arith.addf %add3A_720, %unpack3A_733 : vector<16xf32>
        %mul3A_736 = arith.constant 16 : i32
        %mul3A_737 = arith.muli %scan3A_384, %mul3A_736 : i32
        %add3A_738 = arith.constant 7 : i32
        %add3A_739 = arith.addi %mul3A_737, %add3A_738 : i32
        %get3A_740 = arith.constant 0 : i32
        %get3A_741 = arith.constant 0 : i32
        %get3A_742 = tpu.memref_slice %arg9[%scan3A_351, %get3A_740, %get3A_741] : memref<2x512x64xbf16, #tpu.memory_space<vmem>> -> memref<1x512x64xbf16, #tpu.memory_space<vmem>>
        %get3A_743 = tpu.memref_squeeze %get3A_742 : memref<1x512x64xbf16, #tpu.memory_space<vmem>> -> memref<512x64xbf16, #tpu.memory_space<vmem>>
        %get3A_744 = arith.index_cast %add3A_739 : i32 to index
        %get3A_745 = arith.constant 32 : index
        %get3A_746 = tpu.vector_load %get3A_743[%get3A_744, %get3A_745] {strides = array<i32>} : memref<512x64xbf16, #tpu.memory_space<vmem>>, vector<32xbf16>,
        %unpack3A_747 = tpu.unpack_subelements %get3A_746, 0 {pack_format = #tpu.pack_format<interleaved>} : vector<32xbf16> -> vector<16xf32>
        %unpack3A_748 = tpu.unpack_subelements %get3A_746, 1 {pack_format = #tpu.pack_format<interleaved>} : vector<32xbf16> -> vector<16xf32>
        %add3A_749 = arith.addf %add3A_734, %unpack3A_747 : vector<16xf32>
        %add3A_750 = arith.addf %add3A_735, %unpack3A_748 : vector<16xf32>
        %mul3A_751 = arith.constant 16 : i32
        %mul3A_752 = arith.muli %scan3A_384, %mul3A_751 : i32
        %add3A_753 = arith.constant 8 : i32
        %add3A_754 = arith.addi %mul3A_752, %add3A_753 : i32
        %get3A_755 = arith.constant 0 : i32
        %get3A_756 = arith.constant 0 : i32
        %get3A_757 = tpu.memref_slice %arg9[%scan3A_351, %get3A_755, %get3A_756] : memref<2x512x64xbf16, #tpu.memory_space<vmem>> -> memref<1x512x64xbf16, #tpu.memory_space<vmem>>
        %get3A_758 = tpu.memref_squeeze %get3A_757 : memref<1x512x64xbf16, #tpu.memory_space<vmem>> -> memref<512x64xbf16, #tpu.memory_space<vmem>>
        %get3A_759 = arith.index_cast %add3A_754 : i32 to index
        %get3A_760 = arith.constant 32 : index
        %get3A_761 = tpu.vector_load %get3A_758[%get3A_759, %get3A_760] {strides = array<i32>} : memref<512x64xbf16, #tpu.memory_space<vmem>>, vector<32xbf16>,
        %unpack3A_762 = tpu.unpack_subelements %get3A_761, 0 {pack_format = #tpu.pack_format<interleaved>} : vector<32xbf16> -> vector<16xf32>
        %unpack3A_763 = tpu.unpack_subelements %get3A_761, 1 {pack_format = #tpu.pack_format<interleaved>} : vector<32xbf16> -> vector<16xf32>
        %add3A_764 = arith.addf %add3A_749, %unpack3A_762 : vector<16xf32>
        %add3A_765 = arith.addf %add3A_750, %unpack3A_763 : vector<16xf32>
        %mul3A_766 = arith.constant 16 : i32
        %mul3A_767 = arith.muli %scan3A_384, %mul3A_766 : i32
        %add3A_768 = arith.constant 9 : i32
        %add3A_769 = arith.addi %mul3A_767, %add3A_768 : i32
        %get3A_770 = arith.constant 0 : i32
        %get3A_771 = arith.constant 0 : i32
        %get3A_772 = tpu.memref_slice %arg9[%scan3A_351, %get3A_770, %get3A_771] : memref<2x512x64xbf16, #tpu.memory_space<vmem>> -> memref<1x512x64xbf16, #tpu.memory_space<vmem>>
        %get3A_773 = tpu.memref_squeeze %get3A_772 : memref<1x512x64xbf16, #tpu.memory_space<vmem>> -> memref<512x64xbf16, #tpu.memory_space<vmem>>
        %get3A_774 = arith.index_cast %add3A_769 : i32 to index
        %get3A_775 = arith.constant 32 : index
        %get3A_776 = tpu.vector_load %get3A_773[%get3A_774, %get3A_775] {strides = array<i32>} : memref<512x64xbf16, #tpu.memory_space<vmem>>, vector<32xbf16>,
        %unpack3A_777 = tpu.unpack_subelements %get3A_776, 0 {pack_format = #tpu.pack_format<interleaved>} : vector<32xbf16> -> vector<16xf32>
        %unpack3A_778 = tpu.unpack_subelements %get3A_776, 1 {pack_format = #tpu.pack_format<interleaved>} : vector<32xbf16> -> vector<16xf32>
        %add3A_779 = arith.addf %add3A_764, %unpack3A_777 : vector<16xf32>
        %add3A_780 = arith.addf %add3A_765, %unpack3A_778 : vector<16xf32>
        %mul3A_781 = arith.constant 16 : i32
        %mul3A_782 = arith.muli %scan3A_384, %mul3A_781 : i32
        %add3A_783 = arith.constant 10 : i32
        %add3A_784 = arith.addi %mul3A_782, %add3A_783 : i32
        %get3A_785 = arith.constant 0 : i32
        %get3A_786 = arith.constant 0 : i32
        %get3A_787 = tpu.memref_slice %arg9[%scan3A_351, %get3A_785, %get3A_786] : memref<2x512x64xbf16, #tpu.memory_space<vmem>> -> memref<1x512x64xbf16, #tpu.memory_space<vmem>>
        %get3A_788 = tpu.memref_squeeze %get3A_787 : memref<1x512x64xbf16, #tpu.memory_space<vmem>> -> memref<512x64xbf16, #tpu.memory_space<vmem>>
        %get3A_789 = arith.index_cast %add3A_784 : i32 to index
        %get3A_790 = arith.constant 32 : index
        %get3A_791 = tpu.vector_load %get3A_788[%get3A_789, %get3A_790] {strides = array<i32>} : memref<512x64xbf16, #tpu.memory_space<vmem>>, vector<32xbf16>,
        %unpack3A_792 = tpu.unpack_subelements %get3A_791, 0 {pack_format = #tpu.pack_format<interleaved>} : vector<32xbf16> -> vector<16xf32>
        %unpack3A_793 = tpu.unpack_subelements %get3A_791, 1 {pack_format = #tpu.pack_format<interleaved>} : vector<32xbf16> -> vector<16xf32>
        %add3A_794 = arith.addf %add3A_779, %unpack3A_792 : vector<16xf32>
        %add3A_795 = arith.addf %add3A_780, %unpack3A_793 : vector<16xf32>
        %mul3A_796 = arith.constant 16 : i32
        %mul3A_797 = arith.muli %scan3A_384, %mul3A_796 : i32
        %add3A_798 = arith.constant 11 : i32
        %add3A_799 = arith.addi %mul3A_797, %add3A_798 : i32
        %get3A_800 = arith.constant 0 : i32
        %get3A_801 = arith.constant 0 : i32
        %get3A_802 = tpu.memref_slice %arg9[%scan3A_351, %get3A_800, %get3A_801] : memref<2x512x64xbf16, #tpu.memory_space<vmem>> -> memref<1x512x64xbf16, #tpu.memory_space<vmem>>
        %get3A_803 = tpu.memref_squeeze %get3A_802 : memref<1x512x64xbf16, #tpu.memory_space<vmem>> -> memref<512x64xbf16, #tpu.memory_space<vmem>>
        %get3A_804 = arith.index_cast %add3A_799 : i32 to index
        %get3A_805 = arith.constant 32 : index
        %get3A_806 = tpu.vector_load %get3A_803[%get3A_804, %get3A_805] {strides = array<i32>} : memref<512x64xbf16, #tpu.memory_space<vmem>>, vector<32xbf16>,
        %unpack3A_807 = tpu.unpack_subelements %get3A_806, 0 {pack_format = #tpu.pack_format<interleaved>} : vector<32xbf16> -> vector<16xf32>
        %unpack3A_808 = tpu.unpack_subelements %get3A_806, 1 {pack_format = #tpu.pack_format<interleaved>} : vector<32xbf16> -> vector<16xf32>
        %add3A_809 = arith.addf %add3A_794, %unpack3A_807 : vector<16xf32>
        %add3A_810 = arith.addf %add3A_795, %unpack3A_808 : vector<16xf32>
        %mul3A_811 = arith.constant 16 : i32
        %mul3A_812 = arith.muli %scan3A_384, %mul3A_811 : i32
        %add3A_813 = arith.constant 12 : i32
        %add3A_814 = arith.addi %mul3A_812, %add3A_813 : i32
        %get3A_815 = arith.constant 0 : i32
        %get3A_816 = arith.constant 0 : i32
        %get3A_817 = tpu.memref_slice %arg9[%scan3A_351, %get3A_815, %get3A_816] : memref<2x512x64xbf16, #tpu.memory_space<vmem>> -> memref<1x512x64xbf16, #tpu.memory_space<vmem>>
        %get3A_818 = tpu.memref_squeeze %get3A_817 : memref<1x512x64xbf16, #tpu.memory_space<vmem>> -> memref<512x64xbf16, #tpu.memory_space<vmem>>
        %get3A_819 = arith.index_cast %add3A_814 : i32 to index
        %get3A_820 = arith.constant 32 : index
        %get3A_821 = tpu.vector_load %get3A_818[%get3A_819, %get3A_820] {strides = array<i32>} : memref<512x64xbf16, #tpu.memory_space<vmem>>, vector<32xbf16>,
        %unpack3A_822 = tpu.unpack_subelements %get3A_821, 0 {pack_format = #tpu.pack_format<interleaved>} : vector<32xbf16> -> vector<16xf32>
        %unpack3A_823 = tpu.unpack_subelements %get3A_821, 1 {pack_format = #tpu.pack_format<interleaved>} : vector<32xbf16> -> vector<16xf32>
        %add3A_824 = arith.addf %add3A_809, %unpack3A_822 : vector<16xf32>
        %add3A_825 = arith.addf %add3A_810, %unpack3A_823 : vector<16xf32>
        %mul3A_826 = arith.constant 16 : i32
        %mul3A_827 = arith.muli %scan3A_384, %mul3A_826 : i32
        %add3A_828 = arith.constant 13 : i32
        %add3A_829 = arith.addi %mul3A_827, %add3A_828 : i32
        %get3A_830 = arith.constant 0 : i32
        %get3A_831 = arith.constant 0 : i32
        %get3A_832 = tpu.memref_slice %arg9[%scan3A_351, %get3A_830, %get3A_831] : memref<2x512x64xbf16, #tpu.memory_space<vmem>> -> memref<1x512x64xbf16, #tpu.memory_space<vmem>>
        %get3A_833 = tpu.memref_squeeze %get3A_832 : memref<1x512x64xbf16, #tpu.memory_space<vmem>> -> memref<512x64xbf16, #tpu.memory_space<vmem>>
        %get3A_834 = arith.index_cast %add3A_829 : i32 to index
        %get3A_835 = arith.constant 32 : index
        %get3A_836 = tpu.vector_load %get3A_833[%get3A_834, %get3A_835] {strides = array<i32>} : memref<512x64xbf16, #tpu.memory_space<vmem>>, vector<32xbf16>,
        %unpack3A_837 = tpu.unpack_subelements %get3A_836, 0 {pack_format = #tpu.pack_format<interleaved>} : vector<32xbf16> -> vector<16xf32>
        %unpack3A_838 = tpu.unpack_subelements %get3A_836, 1 {pack_format = #tpu.pack_format<interleaved>} : vector<32xbf16> -> vector<16xf32>
        %add3A_839 = arith.addf %add3A_824, %unpack3A_837 : vector<16xf32>
        %add3A_840 = arith.addf %add3A_825, %unpack3A_838 : vector<16xf32>
        %mul3A_841 = arith.constant 16 : i32
        %mul3A_842 = arith.muli %scan3A_384, %mul3A_841 : i32
        %add3A_843 = arith.constant 14 : i32
        %add3A_844 = arith.addi %mul3A_842, %add3A_843 : i32
        %get3A_845 = arith.constant 0 : i32
        %get3A_846 = arith.constant 0 : i32
        %get3A_847 = tpu.memref_slice %arg9[%scan3A_351, %get3A_845, %get3A_846] : memref<2x512x64xbf16, #tpu.memory_space<vmem>> -> memref<1x512x64xbf16, #tpu.memory_space<vmem>>
        %get3A_848 = tpu.memref_squeeze %get3A_847 : memref<1x512x64xbf16, #tpu.memory_space<vmem>> -> memref<512x64xbf16, #tpu.memory_space<vmem>>
        %get3A_849 = arith.index_cast %add3A_844 : i32 to index
        %get3A_850 = arith.constant 32 : index
        %get3A_851 = tpu.vector_load %get3A_848[%get3A_849, %get3A_850] {strides = array<i32>} : memref<512x64xbf16, #tpu.memory_space<vmem>>, vector<32xbf16>,
        %unpack3A_852 = tpu.unpack_subelements %get3A_851, 0 {pack_format = #tpu.pack_format<interleaved>} : vector<32xbf16> -> vector<16xf32>
        %unpack3A_853 = tpu.unpack_subelements %get3A_851, 1 {pack_format = #tpu.pack_format<interleaved>} : vector<32xbf16> -> vector<16xf32>
        %add3A_854 = arith.addf %add3A_839, %unpack3A_852 : vector<16xf32>
        %add3A_855 = arith.addf %add3A_840, %unpack3A_853 : vector<16xf32>
        %mul3A_856 = arith.constant 16 : i32
        %mul3A_857 = arith.muli %scan3A_384, %mul3A_856 : i32
        %add3A_858 = arith.constant 15 : i32
        %add3A_859 = arith.addi %mul3A_857, %add3A_858 : i32
        %get3A_860 = arith.constant 0 : i32
        %get3A_861 = arith.constant 0 : i32
        %get3A_862 = tpu.memref_slice %arg9[%scan3A_351, %get3A_860, %get3A_861] : memref<2x512x64xbf16, #tpu.memory_space<vmem>> -> memref<1x512x64xbf16, #tpu.memory_space<vmem>>
        %get3A_863 = tpu.memref_squeeze %get3A_862 : memref<1x512x64xbf16, #tpu.memory_space<vmem>> -> memref<512x64xbf16, #tpu.memory_space<vmem>>
        %get3A_864 = arith.index_cast %add3A_859 : i32 to index
        %get3A_865 = arith.constant 32 : index
        %get3A_866 = tpu.vector_load %get3A_863[%get3A_864, %get3A_865] {strides = array<i32>} : memref<512x64xbf16, #tpu.memory_space<vmem>>, vector<32xbf16>,
        %unpack3A_867 = tpu.unpack_subelements %get3A_866, 0 {pack_format = #tpu.pack_format<interleaved>} : vector<32xbf16> -> vector<16xf32>
        %unpack3A_868 = tpu.unpack_subelements %get3A_866, 1 {pack_format = #tpu.pack_format<interleaved>} : vector<32xbf16> -> vector<16xf32>
        %add3A_869 = arith.addf %add3A_854, %unpack3A_867 : vector<16xf32>
        %add3A_870 = arith.addf %add3A_855, %unpack3A_868 : vector<16xf32>
        %mul3A_871 = arith.constant 6.250000e-02 : f32
        %mul3A_872 = vector.broadcast %mul3A_871 : f32 to vector<16xf32>
        %mul3A_873 = arith.mulf %add3A_869, %mul3A_872 : vector<16xf32>
        %swap3A_874 = arith.constant 1 : i32
        %swap3A_875 = arith.index_cast %swap3A_874 : i32 to index
        %swap3A_876 = arith.index_cast %scan3A_384 : i32 to index
        %swap3A_877 = arith.constant 32 : index
        %swap3A_878 = tpu.vector_load %arg10[%swap3A_875, %swap3A_876, %swap3A_877] {strides = array<i32>} : memref<2x32x64xf32, #tpu.memory_space<vmem>>, vector<16xf32>,
        tpu.vector_store %arg10[%swap3A_875, %swap3A_876, %swap3A_877], %mul3A_873 {strides = array<i32>} : memref<2x32x64xf32, #tpu.memory_space<vmem>>, vector<16xf32>,
        %mul3A_879 = arith.constant 6.250000e-02 : f32
        %mul3A_880 = vector.broadcast %mul3A_879 : f32 to vector<16xf32>
        %mul3A_881 = arith.mulf %add3A_870, %mul3A_880 : vector<16xf32>
        %swap3A_882 = arith.constant 1 : i32
        %swap3A_883 = arith.index_cast %swap3A_882 : i32 to index
        %swap3A_884 = arith.index_cast %scan3A_384 : i32 to index
        %swap3A_885 = arith.constant 48 : index
        %swap3A_886 = tpu.vector_load %arg10[%swap3A_883, %swap3A_884, %swap3A_885] {strides = array<i32>} : memref<2x32x64xf32, #tpu.memory_space<vmem>>, vector<16xf32>,
        tpu.vector_store %arg10[%swap3A_883, %swap3A_884, %swap3A_885], %mul3A_881 {strides = array<i32>} : memref<2x32x64xf32, #tpu.memory_space<vmem>>, vector<16xf32>,
        %scan3A_887 = arith.constant 0 : i32
        scf.yield %scan3A_887 : i32
      }
      %scan3A_358 = arith.constant 32 : i32
      %mul3A_359 = arith.constant 32 : i32
      %mul3A_360 = arith.muli %add3A_350, %mul3A_359 : i32
      %add3A_361 = arith.addi %add3A, %mul3A_360 : i32
      %dma_start3A_362 = arith.constant 1 : i32
      %dma_start3A_363 = arith.constant 0 : i32
      %dma_start3A_364 = arith.constant 0 : i32
      %dma_start3A_365 = tpu.memref_slice %arg10[%dma_start3A_362, %dma_start3A_363, %dma_start3A_364] : memref<2x32x64xf32, #tpu.memory_space<vmem>> -> memref<1x32x64xf32, #tpu.memory_space<vmem>>
      %dma_start3A_366 = tpu.memref_squeeze %dma_start3A_365 : memref<1x32x64xf32, #tpu.memory_space<vmem>> -> memref<32x64xf32, #tpu.memory_space<vmem>>
      %dma_start3A_367 = arith.constant 0 : i32
      %dma_start3A_368 = tpu.memref_slice %arg5[%add3A_361, %dma_start3A_367] : memref<51200x64xf32, #tpu.memory_space<hbm>> -> memref<32x64xf32, #tpu.memory_space<hbm>>
      %dma_start3A_369 = arith.constant 0 : i32
      %dma_start3A_370 = tpu.memref_slice %arg5[%add3A_361, %dma_start3A_369] : memref<51200x64xf32, #tpu.memory_space<hbm>> -> memref<32x64xf32, #tpu.memory_space<hbm>>
      %dma_start3A_371 = arith.constant 0 : i32
      %dma_start3A_372 = arith.constant 0 : i32
      %dma_start3A_373 = tpu.memref_slice %arg10[%dma_start3A_362, %dma_start3A_371, %dma_start3A_372] : memref<2x32x64xf32, #tpu.memory_space<vmem>> -> memref<1x32x64xf32, #tpu.memory_space<vmem>>
      %dma_start3A_374 = tpu.memref_squeeze %dma_start3A_373 : memref<1x32x64xf32, #tpu.memory_space<vmem>> -> memref<32x64xf32, #tpu.memory_space<vmem>>
      tpu.enqueue_dma source(%dma_start3A_374 : memref<32x64xf32, #tpu.memory_space<vmem>>) target(%dma_start3A_370 : memref<32x64xf32, #tpu.memory_space<hbm>>) target_semaphore(%arg14 : memref<!tpu.dma_semaphore, #tpu.memory_space<semaphore_mem>>)
      %add3A_375 = arith.constant 1 : i32
      %add3A_376 = arith.addi %mul3A_187, %add3A_375 : i32
      %add3A_377 = arith.constant 2 : i32
      %add3A_378 = arith.addi %add3A_376, %add3A_377 : i32
      %lt3A_379 = arith.cmpi slt, %add3A_378, %select_n3A_5 : i32
      %convert_element_type3A_380 = arith.extui %lt3A_379 : i1 to i32
      %cond3A_381 = arith.constant 0 : i32
      %cond3A_382 = arith.cmpi ne, %convert_element_type3A_380, %cond3A_381 : i32
      scf.if %cond3A_382 {
        %add3A_384 = arith.constant 1 : i32
        %add3A_385 = arith.addi %mul3A_187, %add3A_384 : i32
        %add3A_386 = arith.constant 2 : i32
        %add3A_387 = arith.addi %add3A_385, %add3A_386 : i32
        %mul3A_388 = arith.constant 4 : i32
        %mul3A_389 = arith.muli %add3A_387, %mul3A_388 : i32
        %add3A_390 = arith.constant 0 : i32
        %add3A_391 = arith.addi %mul3A_389, %add3A_390 : i32
        %dma_start3A_392 = arith.constant 1 : i32
        %dma_start3A_393 = arith.constant 0 : i32
        %dma_start3A_394 = arith.constant 0 : i32
        %dma_start3A_395 = tpu.memref_slice %arg9[%dma_start3A_392, %dma_start3A_393, %dma_start3A_394] : memref<2x512x64xbf16, #tpu.memory_space<vmem>> -> memref<1x512x64xbf16, #tpu.memory_space<vmem>>
        %dma_start3A_396 = tpu.memref_squeeze %dma_start3A_395 : memref<1x512x64xbf16, #tpu.memory_space<vmem>> -> memref<512x64xbf16, #tpu.memory_space<vmem>>
        %dma_start3A_397 = arith.constant 0 : i32
        %dma_start3A_398 = arith.constant 0 : i32
        %dma_start3A_399 = tpu.memref_slice %dma_start3A_396[%dma_start3A_397, %dma_start3A_398] : memref<512x64xbf16, #tpu.memory_space<vmem>> -> memref<128x64xbf16, #tpu.memory_space<vmem>>
        %dma_start3A_400 = arith.constant 0 : i32
        %dma_start3A_401 = tpu.memref_slice %arg8[%add3A_391, %dma_start3A_400] : memref<280x128xi32, #tpu.memory_space<vmem>> -> memref<1x128xi32, #tpu.memory_space<vmem>>
        %dma_start3A_402 = tpu.memref_squeeze %dma_start3A_401 : memref<1x128xi32, #tpu.memory_space<vmem>> -> memref<128xi32, #tpu.memory_space<vmem>>
        %dma_start3A_403 = arith.constant 0 : i32
        %dma_start3A_404 = arith.constant 0 : i32
        %dma_start3A_405 = tpu.memref_slice %arg2[%dma_start3A_403, %dma_start3A_404] : memref<200000x64xbf16, #tpu.memory_space<hbm>> -> memref<200000x64xbf16, #tpu.memory_space<hbm>>
        tpu.enqueue_indirect_dma source(%dma_start3A_405 : memref<200000x64xbf16, #tpu.memory_space<hbm>>) target(%dma_start3A_399 : memref<128x64xbf16, #tpu.memory_space<vmem>>) offsets(%dma_start3A_402 : memref<128xi32, #tpu.memory_space<vmem>>) semaphore(%arg12 : memref<!tpu.dma_semaphore, #tpu.memory_space<semaphore_mem>>)
        %mul3A_406 = arith.constant 4 : i32
        %mul3A_407 = arith.muli %add3A_387, %mul3A_406 : i32
        %add3A_408 = arith.constant 1 : i32
        %add3A_409 = arith.addi %mul3A_407, %add3A_408 : i32
        %dma_start3A_410 = arith.constant 1 : i32
        %dma_start3A_411 = arith.constant 0 : i32
        %dma_start3A_412 = arith.constant 0 : i32
        %dma_start3A_413 = tpu.memref_slice %arg9[%dma_start3A_410, %dma_start3A_411, %dma_start3A_412] : memref<2x512x64xbf16, #tpu.memory_space<vmem>> -> memref<1x512x64xbf16, #tpu.memory_space<vmem>>
        %dma_start3A_414 = tpu.memref_squeeze %dma_start3A_413 : memref<1x512x64xbf16, #tpu.memory_space<vmem>> -> memref<512x64xbf16, #tpu.memory_space<vmem>>
        %dma_start3A_415 = arith.constant 128 : i32
        %dma_start3A_416 = arith.constant 0 : i32
        %dma_start3A_417 = tpu.memref_slice %dma_start3A_414[%dma_start3A_415, %dma_start3A_416] : memref<512x64xbf16, #tpu.memory_space<vmem>> -> memref<128x64xbf16, #tpu.memory_space<vmem>>
        %dma_start3A_418 = arith.constant 0 : i32
        %dma_start3A_419 = tpu.memref_slice %arg8[%add3A_409, %dma_start3A_418] : memref<280x128xi32, #tpu.memory_space<vmem>> -> memref<1x128xi32, #tpu.memory_space<vmem>>
        %dma_start3A_420 = tpu.memref_squeeze %dma_start3A_419 : memref<1x128xi32, #tpu.memory_space<vmem>> -> memref<128xi32, #tpu.memory_space<vmem>>
        %dma_start3A_421 = arith.constant 0 : i32
        %dma_start3A_422 = arith.constant 0 : i32
        %dma_start3A_423 = tpu.memref_slice %arg2[%dma_start3A_421, %dma_start3A_422] : memref<200000x64xbf16, #tpu.memory_space<hbm>> -> memref<200000x64xbf16, #tpu.memory_space<hbm>>
        tpu.enqueue_indirect_dma source(%dma_start3A_423 : memref<200000x64xbf16, #tpu.memory_space<hbm>>) target(%dma_start3A_417 : memref<128x64xbf16, #tpu.memory_space<vmem>>) offsets(%dma_start3A_420 : memref<128xi32, #tpu.memory_space<vmem>>) semaphore(%arg12 : memref<!tpu.dma_semaphore, #tpu.memory_space<semaphore_mem>>)
        %mul3A_424 = arith.constant 4 : i32
        %mul3A_425 = arith.muli %add3A_387, %mul3A_424 : i32
        %add3A_426 = arith.constant 2 : i32
        %add3A_427 = arith.addi %mul3A_425, %add3A_426 : i32
        %dma_start3A_428 = arith.constant 1 : i32
        %dma_start3A_429 = arith.constant 0 : i32
        %dma_start3A_430 = arith.constant 0 : i32
        %dma_start3A_431 = tpu.memref_slice %arg9[%dma_start3A_428, %dma_start3A_429, %dma_start3A_430] : memref<2x512x64xbf16, #tpu.memory_space<vmem>> -> memref<1x512x64xbf16, #tpu.memory_space<vmem>>
        %dma_start3A_432 = tpu.memref_squeeze %dma_start3A_431 : memref<1x512x64xbf16, #tpu.memory_space<vmem>> -> memref<512x64xbf16, #tpu.memory_space<vmem>>
        %dma_start3A_433 = arith.constant 256 : i32
        %dma_start3A_434 = arith.constant 0 : i32
        %dma_start3A_435 = tpu.memref_slice %dma_start3A_432[%dma_start3A_433, %dma_start3A_434] : memref<512x64xbf16, #tpu.memory_space<vmem>> -> memref<128x64xbf16, #tpu.memory_space<vmem>>
        %dma_start3A_436 = arith.constant 0 : i32
        %dma_start3A_437 = tpu.memref_slice %arg8[%add3A_427, %dma_start3A_436] : memref<280x128xi32, #tpu.memory_space<vmem>> -> memref<1x128xi32, #tpu.memory_space<vmem>>
        %dma_start3A_438 = tpu.memref_squeeze %dma_start3A_437 : memref<1x128xi32, #tpu.memory_space<vmem>> -> memref<128xi32, #tpu.memory_space<vmem>>
        %dma_start3A_439 = arith.constant 0 : i32
        %dma_start3A_440 = arith.constant 0 : i32
        %dma_start3A_441 = tpu.memref_slice %arg2[%dma_start3A_439, %dma_start3A_440] : memref<200000x64xbf16, #tpu.memory_space<hbm>> -> memref<200000x64xbf16, #tpu.memory_space<hbm>>
        tpu.enqueue_indirect_dma source(%dma_start3A_441 : memref<200000x64xbf16, #tpu.memory_space<hbm>>) target(%dma_start3A_435 : memref<128x64xbf16, #tpu.memory_space<vmem>>) offsets(%dma_start3A_438 : memref<128xi32, #tpu.memory_space<vmem>>) semaphore(%arg12 : memref<!tpu.dma_semaphore, #tpu.memory_space<semaphore_mem>>)
        %mul3A_442 = arith.constant 4 : i32
        %mul3A_443 = arith.muli %add3A_387, %mul3A_442 : i32
        %add3A_444 = arith.constant 3 : i32
        %add3A_445 = arith.addi %mul3A_443, %add3A_444 : i32
        %dma_start3A_446 = arith.constant 1 : i32
        %dma_start3A_447 = arith.constant 0 : i32
        %dma_start3A_448 = arith.constant 0 : i32
        %dma_start3A_449 = tpu.memref_slice %arg9[%dma_start3A_446, %dma_start3A_447, %dma_start3A_448] : memref<2x512x64xbf16, #tpu.memory_space<vmem>> -> memref<1x512x64xbf16, #tpu.memory_space<vmem>>
        %dma_start3A_450 = tpu.memref_squeeze %dma_start3A_449 : memref<1x512x64xbf16, #tpu.memory_space<vmem>> -> memref<512x64xbf16, #tpu.memory_space<vmem>>
        %dma_start3A_451 = arith.constant 384 : i32
        %dma_start3A_452 = arith.constant 0 : i32
        %dma_start3A_453 = tpu.memref_slice %dma_start3A_450[%dma_start3A_451, %dma_start3A_452] : memref<512x64xbf16, #tpu.memory_space<vmem>> -> memref<128x64xbf16, #tpu.memory_space<vmem>>
        %dma_start3A_454 = arith.constant 0 : i32
        %dma_start3A_455 = tpu.memref_slice %arg8[%add3A_445, %dma_start3A_454] : memref<280x128xi32, #tpu.memory_space<vmem>> -> memref<1x128xi32, #tpu.memory_space<vmem>>
        %dma_start3A_456 = tpu.memref_squeeze %dma_start3A_455 : memref<1x128xi32, #tpu.memory_space<vmem>> -> memref<128xi32, #tpu.memory_space<vmem>>
        %dma_start3A_457 = arith.constant 0 : i32
        %dma_start3A_458 = arith.constant 0 : i32
        %dma_start3A_459 = tpu.memref_slice %arg2[%dma_start3A_457, %dma_start3A_458] : memref<200000x64xbf16, #tpu.memory_space<hbm>> -> memref<200000x64xbf16, #tpu.memory_space<hbm>>
        tpu.enqueue_indirect_dma source(%dma_start3A_459 : memref<200000x64xbf16, #tpu.memory_space<hbm>>) target(%dma_start3A_453 : memref<128x64xbf16, #tpu.memory_space<vmem>>) offsets(%dma_start3A_456 : memref<128xi32, #tpu.memory_space<vmem>>) semaphore(%arg12 : memref<!tpu.dma_semaphore, #tpu.memory_space<semaphore_mem>>)
      } else {
      }
      %while3A_383 = arith.constant 0 : i32
      scf.yield %while3A_383 : i32
    }
    %while3A_157 = arith.constant 1 : i32
    %while3A_158 = scf.for %while3A_184 = %while3A_154 to %while3A_150 step %while3A_157 iter_args(%while3A_185 = %while3A_156) -> (i32)  : i32 {
      %mul3A_186 = arith.constant 2 : i32
      %mul3A_187 = arith.muli %while3A_184, %mul3A_186 : i32
      %dma_wait3A_188 = arith.constant 0 : i32
      %dma_wait3A_189 = arith.constant 0 : i32
      %dma_wait3A_190 = arith.constant 0 : i32
      %dma_wait3A_191 = arith.constant 0 : i32
      %dma_wait3A_192 = tpu.memref_slice %arg9[%dma_wait3A_189, %dma_wait3A_190, %dma_wait3A_191] : memref<2x512x64xbf16, #tpu.memory_space<vmem>> -> memref<1x512x64xbf16, #tpu.memory_space<vmem>>
      %dma_wait3A_193 = tpu.memref_squeeze %dma_wait3A_192 : memref<1x512x64xbf16, #tpu.memory_space<vmem>> -> memref<512x64xbf16, #tpu.memory_space<vmem>>
      %dma_wait3A_194 = arith.constant 0 : i32
      %dma_wait3A_195 = arith.constant 0 : i32
      %dma_wait3A_196 = tpu.memref_slice %dma_wait3A_193[%dma_wait3A_194, %dma_wait3A_195] : memref<512x64xbf16, #tpu.memory_space<vmem>> -> memref<128x64xbf16, #tpu.memory_space<vmem>>
      %dma_wait3A_197 = arith.constant 0 : i32
      %dma_wait3A_198 = tpu.memref_slice %arg8[%dma_wait3A_188, %dma_wait3A_197] : memref<280x128xi32, #tpu.memory_space<vmem>> -> memref<1x128xi32, #tpu.memory_space<vmem>>
      %dma_wait3A_199 = tpu.memref_squeeze %dma_wait3A_198 : memref<1x128xi32, #tpu.memory_space<vmem>> -> memref<128xi32, #tpu.memory_space<vmem>>
      %dma_wait3A_200 = arith.constant 0 : i32
      %dma_wait3A_201 = arith.constant 0 : i32
      %dma_wait3A_202 = tpu.memref_slice %arg2[%dma_wait3A_200, %dma_wait3A_201] : memref<200000x64xbf16, #tpu.memory_space<hbm>> -> memref<200000x64xbf16, #tpu.memory_space<hbm>>
      tpu.wait_indirect_dma semaphore(%arg11 : memref<!tpu.dma_semaphore, #tpu.memory_space<semaphore_mem>>) src(%dma_wait3A_202 : memref<200000x64xbf16, #tpu.memory_space<hbm>>) dst(%dma_wait3A_196 : memref<128x64xbf16, #tpu.memory_space<vmem>>)
      %dma_wait3A_203 = arith.constant 0 : i32
      %dma_wait3A_204 = arith.constant 0 : i32
      %dma_wait3A_205 = arith.constant 0 : i32
      %dma_wait3A_206 = arith.constant 0 : i32
      %dma_wait3A_207 = tpu.memref_slice %arg9[%dma_wait3A_204, %dma_wait3A_205, %dma_wait3A_206] : memref<2x512x64xbf16, #tpu.memory_space<vmem>> -> memref<1x512x64xbf16, #tpu.memory_space<vmem>>
      %dma_wait3A_208 = tpu.memref_squeeze %dma_wait3A_207 : memref<1x512x64xbf16, #tpu.memory_space<vmem>> -> memref<512x64xbf16, #tpu.memory_space<vmem>>
      %dma_wait3A_209 = arith.constant 128 : i32
      %dma_wait3A_210 = arith.constant 0 : i32
      %dma_wait3A_211 = tpu.memref_slice %dma_wait3A_208[%dma_wait3A_209, %dma_wait3A_210] : memref<512x64xbf16, #tpu.memory_space<vmem>> -> memref<128x64xbf16, #tpu.memory_space<vmem>>
      %dma_wait3A_212 = arith.constant 0 : i32
      %dma_wait3A_213 = tpu.memref_slice %arg8[%dma_wait3A_203, %dma_wait3A_212] : memref<280x128xi32, #tpu.memory_space<vmem>> -> memref<1x128xi32, #tpu.memory_space<vmem>>
      %dma_wait3A_214 = tpu.memref_squeeze %dma_wait3A_213 : memref<1x128xi32, #tpu.memory_space<vmem>> -> memref<128xi32, #tpu.memory_space<vmem>>
      %dma_wait3A_215 = arith.constant 0 : i32
      %dma_wait3A_216 = arith.constant 0 : i32
      %dma_wait3A_217 = tpu.memref_slice %arg2[%dma_wait3A_215, %dma_wait3A_216] : memref<200000x64xbf16, #tpu.memory_space<hbm>> -> memref<200000x64xbf16, #tpu.memory_space<hbm>>
      tpu.wait_indirect_dma semaphore(%arg11 : memref<!tpu.dma_semaphore, #tpu.memory_space<semaphore_mem>>) src(%dma_wait3A_217 : memref<200000x64xbf16, #tpu.memory_space<hbm>>) dst(%dma_wait3A_211 : memref<128x64xbf16, #tpu.memory_space<vmem>>)
      %dma_wait3A_218 = arith.constant 0 : i32
      %dma_wait3A_219 = arith.constant 0 : i32
      %dma_wait3A_220 = arith.constant 0 : i32
      %dma_wait3A_221 = arith.constant 0 : i32
      %dma_wait3A_222 = tpu.memref_slice %arg9[%dma_wait3A_219, %dma_wait3A_220, %dma_wait3A_221] : memref<2x512x64xbf16, #tpu.memory_space<vmem>> -> memref<1x512x64xbf16, #tpu.memory_space<vmem>>
      %dma_wait3A_223 = tpu.memref_squeeze %dma_wait3A_222 : memref<1x512x64xbf16, #tpu.memory_space<vmem>> -> memref<512x64xbf16, #tpu.memory_space<vmem>>
      %dma_wait3A_224 = arith.constant 256 : i32
      %dma_wait3A_225 = arith.constant 0 : i32
      %dma_wait3A_226 = tpu.memref_slice %dma_wait3A_223[%dma_wait3A_224, %dma_wait3A_225] : memref<512x64xbf16, #tpu.memory_space<vmem>> -> memref<128x64xbf16, #tpu.memory_space<vmem>>
      %dma_wait3A_227 = arith.constant 0 : i32
      %dma_wait3A_228 = tpu.memref_slice %arg8[%dma_wait3A_218, %dma_wait3A_227] : memref<280x128xi32, #tpu.memory_space<vmem>> -> memref<1x128xi32, #tpu.memory_space<vmem>>
      %dma_wait3A_229 = tpu.memref_squeeze %dma_wait3A_228 : memref<1x128xi32, #tpu.memory_space<vmem>> -> memref<128xi32, #tpu.memory_space<vmem>>
      %dma_wait3A_230 = arith.constant 0 : i32
      %dma_wait3A_231 = arith.constant 0 : i32
      %dma_wait3A_232 = tpu.memref_slice %arg2[%dma_wait3A_230, %dma_wait3A_231] : memref<200000x64xbf16, #tpu.memory_space<hbm>> -> memref<200000x64xbf16, #tpu.memory_space<hbm>>
      tpu.wait_indirect_dma semaphore(%arg11 : memref<!tpu.dma_semaphore, #tpu.memory_space<semaphore_mem>>) src(%dma_wait3A_232 : memref<200000x64xbf16, #tpu.memory_space<hbm>>) dst(%dma_wait3A_226 : memref<128x64xbf16, #tpu.memory_space<vmem>>)
      %dma_wait3A_233 = arith.constant 0 : i32
      %dma_wait3A_234 = arith.constant 0 : i32
      %dma_wait3A_235 = arith.constant 0 : i32
      %dma_wait3A_236 = arith.constant 0 : i32
      %dma_wait3A_237 = tpu.memref_slice %arg9[%dma_wait3A_234, %dma_wait3A_235, %dma_wait3A_236] : memref<2x512x64xbf16, #tpu.memory_space<vmem>> -> memref<1x512x64xbf16, #tpu.memory_space<vmem>>
      %dma_wait3A_238 = tpu.memref_squeeze %dma_wait3A_237 : memref<1x512x64xbf16, #tpu.memory_space<vmem>> -> memref<512x64xbf16, #tpu.memory_space<vmem>>
      %dma_wait3A_239 = arith.constant 384 : i32
      %dma_wait3A_240 = arith.constant 0 : i32
      %dma_wait3A_241 = tpu.memref_slice %dma_wait3A_238[%dma_wait3A_239, %dma_wait3A_240] : memref<512x64xbf16, #tpu.memory_space<vmem>> -> memref<128x64xbf16, #tpu.memory_space<vmem>>
      %dma_wait3A_242 = arith.constant 0 : i32
      %dma_wait3A_243 = tpu.memref_slice %arg8[%dma_wait3A_233, %dma_wait3A_242] : memref<280x128xi32, #tpu.memory_space<vmem>> -> memref<1x128xi32, #tpu.memory_space<vmem>>
      %dma_wait3A_244 = tpu.memref_squeeze %dma_wait3A_243 : memref<1x128xi32, #tpu.memory_space<vmem>> -> memref<128xi32, #tpu.memory_space<vmem>>
      %dma_wait3A_245 = arith.constant 0 : i32
      %dma_wait3A_246 = arith.constant 0 : i32
      %dma_wait3A_247 = tpu.memref_slice %arg2[%dma_wait3A_245, %dma_wait3A_246] : memref<200000x64xbf16, #tpu.memory_space<hbm>> -> memref<200000x64xbf16, #tpu.memory_space<hbm>>
      tpu.wait_indirect_dma semaphore(%arg11 : memref<!tpu.dma_semaphore, #tpu.memory_space<semaphore_mem>>) src(%dma_wait3A_247 : memref<200000x64xbf16, #tpu.memory_space<hbm>>) dst(%dma_wait3A_241 : memref<128x64xbf16, #tpu.memory_space<vmem>>)
      %gt3A = arith.constant 0 : i32
      %gt3A_248 = arith.cmpi sgt, %while3A_184, %gt3A : i32
      %convert_element_type3A_249 = arith.extui %gt3A_248 : i1 to i32
      %cond3A_250 = arith.constant 0 : i32
      %cond3A_251 = arith.cmpi ne, %convert_element_type3A_249, %cond3A_250 : i32
      scf.if %cond3A_251 {
        %dma_wait3A_384 = arith.constant 0 : i32
        %dma_wait3A_385 = arith.constant 0 : i32
        %dma_wait3A_386 = arith.constant 0 : i32
        %dma_wait3A_387 = tpu.memref_slice %arg10[%dma_wait3A_384, %dma_wait3A_385, %dma_wait3A_386] : memref<2x32x64xf32, #tpu.memory_space<vmem>> -> memref<1x32x64xf32, #tpu.memory_space<vmem>>
        %dma_wait3A_388 = tpu.memref_squeeze %dma_wait3A_387 : memref<1x32x64xf32, #tpu.memory_space<vmem>> -> memref<32x64xf32, #tpu.memory_space<vmem>>
        %dma_wait3A_389 = arith.constant 0 : i32
        %dma_wait3A_390 = tpu.memref_slice %arg5[%add3A, %dma_wait3A_389] : memref<51200x64xf32, #tpu.memory_space<hbm>> -> memref<32x64xf32, #tpu.memory_space<hbm>>
        %dma_wait3A_391 = arith.constant 0 : i32
        %dma_wait3A_392 = tpu.memref_slice %arg5[%add3A, %dma_wait3A_391] : memref<51200x64xf32, #tpu.memory_space<hbm>> -> memref<32x64xf32, #tpu.memory_space<hbm>>
        %dma_wait3A_393 = arith.constant 0 : i32
        %dma_wait3A_394 = arith.constant 0 : i32
        %dma_wait3A_395 = tpu.memref_slice %arg10[%dma_wait3A_384, %dma_wait3A_393, %dma_wait3A_394] : memref<2x32x64xf32, #tpu.memory_space<vmem>> -> memref<1x32x64xf32, #tpu.memory_space<vmem>>
        %dma_wait3A_396 = tpu.memref_squeeze %dma_wait3A_395 : memref<1x32x64xf32, #tpu.memory_space<vmem>> -> memref<32x64xf32, #tpu.memory_space<vmem>>
        tpu.wait_dma2 semaphore(%arg13 : memref<!tpu.dma_semaphore, #tpu.memory_space<semaphore_mem>>) src(%dma_wait3A_396 : memref<32x64xf32, #tpu.memory_space<vmem>>) dst(%dma_wait3A_392 : memref<32x64xf32, #tpu.memory_space<hbm>>)
      } else {
      }
      %add3A_252 = arith.constant 0 : i32
      %add3A_253 = arith.addi %mul3A_187, %add3A_252 : i32
      %scan3A = arith.constant 0 : i32
      %scan3A_254 = arith.constant 0 : i32
      %scan3A_255 = arith.constant 0 : i32
      %scan3A_256 = arith.constant 32 : i32
      %scan3A_257 = arith.addi %scan3A_255, %scan3A_256 : i32
      %scan3A_258 = arith.constant 1 : i32
      %scan3A_259 = scf.for %scan3A_384 = %scan3A_255 to %scan3A_257 step %scan3A_258 iter_args(%scan3A_385 = %scan3A_254) -> (i32)  : i32 {
        %mul3A_386 = arith.constant 16 : i32
        %mul3A_387 = arith.muli %scan3A_384, %mul3A_386 : i32
        %get3A = arith.constant 0 : i32
        %get3A_388 = arith.constant 0 : i32
        %get3A_389 = tpu.memref_slice %arg9[%scan3A, %get3A, %get3A_388] : memref<2x512x64xbf16, #tpu.memory_space<vmem>> -> memref<1x512x64xbf16, #tpu.memory_space<vmem>>
        %get3A_390 = tpu.memref_squeeze %get3A_389 : memref<1x512x64xbf16, #tpu.memory_space<vmem>> -> memref<512x64xbf16, #tpu.memory_space<vmem>>
        %get3A_391 = arith.index_cast %mul3A_387 : i32 to index
        %get3A_392 = arith.constant 0 : index
        %get3A_393 = tpu.vector_load %get3A_390[%get3A_391, %get3A_392] {strides = array<i32>} : memref<512x64xbf16, #tpu.memory_space<vmem>>, vector<32xbf16>,
        %unpack3A = tpu.unpack_subelements %get3A_393, 0 {pack_format = #tpu.pack_format<interleaved>} : vector<32xbf16> -> vector<16xf32>
        %unpack3A_394 = tpu.unpack_subelements %get3A_393, 1 {pack_format = #tpu.pack_format<interleaved>} : vector<32xbf16> -> vector<16xf32>
        %mul3A_395 = arith.constant 16 : i32
        %mul3A_396 = arith.muli %scan3A_384, %mul3A_395 : i32
        %add3A_397 = arith.constant 1 : i32
        %add3A_398 = arith.addi %mul3A_396, %add3A_397 : i32
        %get3A_399 = arith.constant 0 : i32
        %get3A_400 = arith.constant 0 : i32
        %get3A_401 = tpu.memref_slice %arg9[%scan3A, %get3A_399, %get3A_400] : memref<2x512x64xbf16, #tpu.memory_space<vmem>> -> memref<1x512x64xbf16, #tpu.memory_space<vmem>>
        %get3A_402 = tpu.memref_squeeze %get3A_401 : memref<1x512x64xbf16, #tpu.memory_space<vmem>> -> memref<512x64xbf16, #tpu.memory_space<vmem>>
        %get3A_403 = arith.index_cast %add3A_398 : i32 to index
        %get3A_404 = arith.constant 0 : index
        %get3A_405 = tpu.vector_load %get3A_402[%get3A_403, %get3A_404] {strides = array<i32>} : memref<512x64xbf16, #tpu.memory_space<vmem>>, vector<32xbf16>,
        %unpack3A_406 = tpu.unpack_subelements %get3A_405, 0 {pack_format = #tpu.pack_format<interleaved>} : vector<32xbf16> -> vector<16xf32>
        %unpack3A_407 = tpu.unpack_subelements %get3A_405, 1 {pack_format = #tpu.pack_format<interleaved>} : vector<32xbf16> -> vector<16xf32>
        %add3A_408 = arith.addf %unpack3A, %unpack3A_406 : vector<16xf32>
        %add3A_409 = arith.addf %unpack3A_394, %unpack3A_407 : vector<16xf32>
        %mul3A_410 = arith.constant 16 : i32
        %mul3A_411 = arith.muli %scan3A_384, %mul3A_410 : i32
        %add3A_412 = arith.constant 2 : i32
        %add3A_413 = arith.addi %mul3A_411, %add3A_412 : i32
        %get3A_414 = arith.constant 0 : i32
        %get3A_415 = arith.constant 0 : i32
        %get3A_416 = tpu.memref_slice %arg9[%scan3A, %get3A_414, %get3A_415] : memref<2x512x64xbf16, #tpu.memory_space<vmem>> -> memref<1x512x64xbf16, #tpu.memory_space<vmem>>
        %get3A_417 = tpu.memref_squeeze %get3A_416 : memref<1x512x64xbf16, #tpu.memory_space<vmem>> -> memref<512x64xbf16, #tpu.memory_space<vmem>>
        %get3A_418 = arith.index_cast %add3A_413 : i32 to index
        %get3A_419 = arith.constant 0 : index
        %get3A_420 = tpu.vector_load %get3A_417[%get3A_418, %get3A_419] {strides = array<i32>} : memref<512x64xbf16, #tpu.memory_space<vmem>>, vector<32xbf16>,
        %unpack3A_421 = tpu.unpack_subelements %get3A_420, 0 {pack_format = #tpu.pack_format<interleaved>} : vector<32xbf16> -> vector<16xf32>
        %unpack3A_422 = tpu.unpack_subelements %get3A_420, 1 {pack_format = #tpu.pack_format<interleaved>} : vector<32xbf16> -> vector<16xf32>
        %add3A_423 = arith.addf %add3A_408, %unpack3A_421 : vector<16xf32>
        %add3A_424 = arith.addf %add3A_409, %unpack3A_422 : vector<16xf32>
        %mul3A_425 = arith.constant 16 : i32
        %mul3A_426 = arith.muli %scan3A_384, %mul3A_425 : i32
        %add3A_427 = arith.constant 3 : i32
        %add3A_428 = arith.addi %mul3A_426, %add3A_427 : i32
        %get3A_429 = arith.constant 0 : i32
        %get3A_430 = arith.constant 0 : i32
        %get3A_431 = tpu.memref_slice %arg9[%scan3A, %get3A_429, %get3A_430] : memref<2x512x64xbf16, #tpu.memory_space<vmem>> -> memref<1x512x64xbf16, #tpu.memory_space<vmem>>
        %get3A_432 = tpu.memref_squeeze %get3A_431 : memref<1x512x64xbf16, #tpu.memory_space<vmem>> -> memref<512x64xbf16, #tpu.memory_space<vmem>>
        %get3A_433 = arith.index_cast %add3A_428 : i32 to index
        %get3A_434 = arith.constant 0 : index
        %get3A_435 = tpu.vector_load %get3A_432[%get3A_433, %get3A_434] {strides = array<i32>} : memref<512x64xbf16, #tpu.memory_space<vmem>>, vector<32xbf16>,
        %unpack3A_436 = tpu.unpack_subelements %get3A_435, 0 {pack_format = #tpu.pack_format<interleaved>} : vector<32xbf16> -> vector<16xf32>
        %unpack3A_437 = tpu.unpack_subelements %get3A_435, 1 {pack_format = #tpu.pack_format<interleaved>} : vector<32xbf16> -> vector<16xf32>
        %add3A_438 = arith.addf %add3A_423, %unpack3A_436 : vector<16xf32>
        %add3A_439 = arith.addf %add3A_424, %unpack3A_437 : vector<16xf32>
        %mul3A_440 = arith.constant 16 : i32
        %mul3A_441 = arith.muli %scan3A_384, %mul3A_440 : i32
        %add3A_442 = arith.constant 4 : i32
        %add3A_443 = arith.addi %mul3A_441, %add3A_442 : i32
        %get3A_444 = arith.constant 0 : i32
        %get3A_445 = arith.constant 0 : i32
        %get3A_446 = tpu.memref_slice %arg9[%scan3A, %get3A_444, %get3A_445] : memref<2x512x64xbf16, #tpu.memory_space<vmem>> -> memref<1x512x64xbf16, #tpu.memory_space<vmem>>
        %get3A_447 = tpu.memref_squeeze %get3A_446 : memref<1x512x64xbf16, #tpu.memory_space<vmem>> -> memref<512x64xbf16, #tpu.memory_space<vmem>>
        %get3A_448 = arith.index_cast %add3A_443 : i32 to index
        %get3A_449 = arith.constant 0 : index
        %get3A_450 = tpu.vector_load %get3A_447[%get3A_448, %get3A_449] {strides = array<i32>} : memref<512x64xbf16, #tpu.memory_space<vmem>>, vector<32xbf16>,
        %unpack3A_451 = tpu.unpack_subelements %get3A_450, 0 {pack_format = #tpu.pack_format<interleaved>} : vector<32xbf16> -> vector<16xf32>
        %unpack3A_452 = tpu.unpack_subelements %get3A_450, 1 {pack_format = #tpu.pack_format<interleaved>} : vector<32xbf16> -> vector<16xf32>
        %add3A_453 = arith.addf %add3A_438, %unpack3A_451 : vector<16xf32>
        %add3A_454 = arith.addf %add3A_439, %unpack3A_452 : vector<16xf32>
        %mul3A_455 = arith.constant 16 : i32
        %mul3A_456 = arith.muli %scan3A_384, %mul3A_455 : i32
        %add3A_457 = arith.constant 5 : i32
        %add3A_458 = arith.addi %mul3A_456, %add3A_457 : i32
        %get3A_459 = arith.constant 0 : i32
        %get3A_460 = arith.constant 0 : i32
        %get3A_461 = tpu.memref_slice %arg9[%scan3A, %get3A_459, %get3A_460] : memref<2x512x64xbf16, #tpu.memory_space<vmem>> -> memref<1x512x64xbf16, #tpu.memory_space<vmem>>
        %get3A_462 = tpu.memref_squeeze %get3A_461 : memref<1x512x64xbf16, #tpu.memory_space<vmem>> -> memref<512x64xbf16, #tpu.memory_space<vmem>>
        %get3A_463 = arith.index_cast %add3A_458 : i32 to index
        %get3A_464 = arith.constant 0 : index
        %get3A_465 = tpu.vector_load %get3A_462[%get3A_463, %get3A_464] {strides = array<i32>} : memref<512x64xbf16, #tpu.memory_space<vmem>>, vector<32xbf16>,
        %unpack3A_466 = tpu.unpack_subelements %get3A_465, 0 {pack_format = #tpu.pack_format<interleaved>} : vector<32xbf16> -> vector<16xf32>
        %unpack3A_467 = tpu.unpack_subelements %get3A_465, 1 {pack_format = #tpu.pack_format<interleaved>} : vector<32xbf16> -> vector<16xf32>
        %add3A_468 = arith.addf %add3A_453, %unpack3A_466 : vector<16xf32>
        %add3A_469 = arith.addf %add3A_454, %unpack3A_467 : vector<16xf32>
        %mul3A_470 = arith.constant 16 : i32
        %mul3A_471 = arith.muli %scan3A_384, %mul3A_470 : i32
        %add3A_472 = arith.constant 6 : i32
        %add3A_473 = arith.addi %mul3A_471, %add3A_472 : i32
        %get3A_474 = arith.constant 0 : i32
        %get3A_475 = arith.constant 0 : i32
        %get3A_476 = tpu.memref_slice %arg9[%scan3A, %get3A_474, %get3A_475] : memref<2x512x64xbf16, #tpu.memory_space<vmem>> -> memref<1x512x64xbf16, #tpu.memory_space<vmem>>
        %get3A_477 = tpu.memref_squeeze %get3A_476 : memref<1x512x64xbf16, #tpu.memory_space<vmem>> -> memref<512x64xbf16, #tpu.memory_space<vmem>>
        %get3A_478 = arith.index_cast %add3A_473 : i32 to index
        %get3A_479 = arith.constant 0 : index
        %get3A_480 = tpu.vector_load %get3A_477[%get3A_478, %get3A_479] {strides = array<i32>} : memref<512x64xbf16, #tpu.memory_space<vmem>>, vector<32xbf16>,
        %unpack3A_481 = tpu.unpack_subelements %get3A_480, 0 {pack_format = #tpu.pack_format<interleaved>} : vector<32xbf16> -> vector<16xf32>
        %unpack3A_482 = tpu.unpack_subelements %get3A_480, 1 {pack_format = #tpu.pack_format<interleaved>} : vector<32xbf16> -> vector<16xf32>
        %add3A_483 = arith.addf %add3A_468, %unpack3A_481 : vector<16xf32>
        %add3A_484 = arith.addf %add3A_469, %unpack3A_482 : vector<16xf32>
        %mul3A_485 = arith.constant 16 : i32
        %mul3A_486 = arith.muli %scan3A_384, %mul3A_485 : i32
        %add3A_487 = arith.constant 7 : i32
        %add3A_488 = arith.addi %mul3A_486, %add3A_487 : i32
        %get3A_489 = arith.constant 0 : i32
        %get3A_490 = arith.constant 0 : i32
        %get3A_491 = tpu.memref_slice %arg9[%scan3A, %get3A_489, %get3A_490] : memref<2x512x64xbf16, #tpu.memory_space<vmem>> -> memref<1x512x64xbf16, #tpu.memory_space<vmem>>
        %get3A_492 = tpu.memref_squeeze %get3A_491 : memref<1x512x64xbf16, #tpu.memory_space<vmem>> -> memref<512x64xbf16, #tpu.memory_space<vmem>>
        %get3A_493 = arith.index_cast %add3A_488 : i32 to index
        %get3A_494 = arith.constant 0 : index
        %get3A_495 = tpu.vector_load %get3A_492[%get3A_493, %get3A_494] {strides = array<i32>} : memref<512x64xbf16, #tpu.memory_space<vmem>>, vector<32xbf16>,
        %unpack3A_496 = tpu.unpack_subelements %get3A_495, 0 {pack_format = #tpu.pack_format<interleaved>} : vector<32xbf16> -> vector<16xf32>
        %unpack3A_497 = tpu.unpack_subelements %get3A_495, 1 {pack_format = #tpu.pack_format<interleaved>} : vector<32xbf16> -> vector<16xf32>
        %add3A_498 = arith.addf %add3A_483, %unpack3A_496 : vector<16xf32>
        %add3A_499 = arith.addf %add3A_484, %unpack3A_497 : vector<16xf32>
        %mul3A_500 = arith.constant 16 : i32
        %mul3A_501 = arith.muli %scan3A_384, %mul3A_500 : i32
        %add3A_502 = arith.constant 8 : i32
        %add3A_503 = arith.addi %mul3A_501, %add3A_502 : i32
        %get3A_504 = arith.constant 0 : i32
        %get3A_505 = arith.constant 0 : i32
        %get3A_506 = tpu.memref_slice %arg9[%scan3A, %get3A_504, %get3A_505] : memref<2x512x64xbf16, #tpu.memory_space<vmem>> -> memref<1x512x64xbf16, #tpu.memory_space<vmem>>
        %get3A_507 = tpu.memref_squeeze %get3A_506 : memref<1x512x64xbf16, #tpu.memory_space<vmem>> -> memref<512x64xbf16, #tpu.memory_space<vmem>>
        %get3A_508 = arith.index_cast %add3A_503 : i32 to index
        %get3A_509 = arith.constant 0 : index
        %get3A_510 = tpu.vector_load %get3A_507[%get3A_508, %get3A_509] {strides = array<i32>} : memref<512x64xbf16, #tpu.memory_space<vmem>>, vector<32xbf16>,
        %unpack3A_511 = tpu.unpack_subelements %get3A_510, 0 {pack_format = #tpu.pack_format<interleaved>} : vector<32xbf16> -> vector<16xf32>
        %unpack3A_512 = tpu.unpack_subelements %get3A_510, 1 {pack_format = #tpu.pack_format<interleaved>} : vector<32xbf16> -> vector<16xf32>
        %add3A_513 = arith.addf %add3A_498, %unpack3A_511 : vector<16xf32>
        %add3A_514 = arith.addf %add3A_499, %unpack3A_512 : vector<16xf32>
        %mul3A_515 = arith.constant 16 : i32
        %mul3A_516 = arith.muli %scan3A_384, %mul3A_515 : i32
        %add3A_517 = arith.constant 9 : i32
        %add3A_518 = arith.addi %mul3A_516, %add3A_517 : i32
        %get3A_519 = arith.constant 0 : i32
        %get3A_520 = arith.constant 0 : i32
        %get3A_521 = tpu.memref_slice %arg9[%scan3A, %get3A_519, %get3A_520] : memref<2x512x64xbf16, #tpu.memory_space<vmem>> -> memref<1x512x64xbf16, #tpu.memory_space<vmem>>
        %get3A_522 = tpu.memref_squeeze %get3A_521 : memref<1x512x64xbf16, #tpu.memory_space<vmem>> -> memref<512x64xbf16, #tpu.memory_space<vmem>>
        %get3A_523 = arith.index_cast %add3A_518 : i32 to index
        %get3A_524 = arith.constant 0 : index
        %get3A_525 = tpu.vector_load %get3A_522[%get3A_523, %get3A_524] {strides = array<i32>} : memref<512x64xbf16, #tpu.memory_space<vmem>>, vector<32xbf16>,
        %unpack3A_526 = tpu.unpack_subelements %get3A_525, 0 {pack_format = #tpu.pack_format<interleaved>} : vector<32xbf16> -> vector<16xf32>
        %unpack3A_527 = tpu.unpack_subelements %get3A_525, 1 {pack_format = #tpu.pack_format<interleaved>} : vector<32xbf16> -> vector<16xf32>
        %add3A_528 = arith.addf %add3A_513, %unpack3A_526 : vector<16xf32>
        %add3A_529 = arith.addf %add3A_514, %unpack3A_527 : vector<16xf32>
        %mul3A_530 = arith.constant 16 : i32
        %mul3A_531 = arith.muli %scan3A_384, %mul3A_530 : i32
        %add3A_532 = arith.constant 10 : i32
        %add3A_533 = arith.addi %mul3A_531, %add3A_532 : i32
        %get3A_534 = arith.constant 0 : i32
        %get3A_535 = arith.constant 0 : i32
        %get3A_536 = tpu.memref_slice %arg9[%scan3A, %get3A_534, %get3A_535] : memref<2x512x64xbf16, #tpu.memory_space<vmem>> -> memref<1x512x64xbf16, #tpu.memory_space<vmem>>
        %get3A_537 = tpu.memref_squeeze %get3A_536 : memref<1x512x64xbf16, #tpu.memory_space<vmem>> -> memref<512x64xbf16, #tpu.memory_space<vmem>>
        %get3A_538 = arith.index_cast %add3A_533 : i32 to index
        %get3A_539 = arith.constant 0 : index
        %get3A_540 = tpu.vector_load %get3A_537[%get3A_538, %get3A_539] {strides = array<i32>} : memref<512x64xbf16, #tpu.memory_space<vmem>>, vector<32xbf16>,
        %unpack3A_541 = tpu.unpack_subelements %get3A_540, 0 {pack_format = #tpu.pack_format<interleaved>} : vector<32xbf16> -> vector<16xf32>
        %unpack3A_542 = tpu.unpack_subelements %get3A_540, 1 {pack_format = #tpu.pack_format<interleaved>} : vector<32xbf16> -> vector<16xf32>
        %add3A_543 = arith.addf %add3A_528, %unpack3A_541 : vector<16xf32>
        %add3A_544 = arith.addf %add3A_529, %unpack3A_542 : vector<16xf32>
        %mul3A_545 = arith.constant 16 : i32
        %mul3A_546 = arith.muli %scan3A_384, %mul3A_545 : i32
        %add3A_547 = arith.constant 11 : i32
        %add3A_548 = arith.addi %mul3A_546, %add3A_547 : i32
        %get3A_549 = arith.constant 0 : i32
        %get3A_550 = arith.constant 0 : i32
        %get3A_551 = tpu.memref_slice %arg9[%scan3A, %get3A_549, %get3A_550] : memref<2x512x64xbf16, #tpu.memory_space<vmem>> -> memref<1x512x64xbf16, #tpu.memory_space<vmem>>
        %get3A_552 = tpu.memref_squeeze %get3A_551 : memref<1x512x64xbf16, #tpu.memory_space<vmem>> -> memref<512x64xbf16, #tpu.memory_space<vmem>>
        %get3A_553 = arith.index_cast %add3A_548 : i32 to index
        %get3A_554 = arith.constant 0 : index
        %get3A_555 = tpu.vector_load %get3A_552[%get3A_553, %get3A_554] {strides = array<i32>} : memref<512x64xbf16, #tpu.memory_space<vmem>>, vector<32xbf16>,
        %unpack3A_556 = tpu.unpack_subelements %get3A_555, 0 {pack_format = #tpu.pack_format<interleaved>} : vector<32xbf16> -> vector<16xf32>
        %unpack3A_557 = tpu.unpack_subelements %get3A_555, 1 {pack_format = #tpu.pack_format<interleaved>} : vector<32xbf16> -> vector<16xf32>
        %add3A_558 = arith.addf %add3A_543, %unpack3A_556 : vector<16xf32>
        %add3A_559 = arith.addf %add3A_544, %unpack3A_557 : vector<16xf32>
        %mul3A_560 = arith.constant 16 : i32
        %mul3A_561 = arith.muli %scan3A_384, %mul3A_560 : i32
        %add3A_562 = arith.constant 12 : i32
        %add3A_563 = arith.addi %mul3A_561, %add3A_562 : i32
        %get3A_564 = arith.constant 0 : i32
        %get3A_565 = arith.constant 0 : i32
        %get3A_566 = tpu.memref_slice %arg9[%scan3A, %get3A_564, %get3A_565] : memref<2x512x64xbf16, #tpu.memory_space<vmem>> -> memref<1x512x64xbf16, #tpu.memory_space<vmem>>
        %get3A_567 = tpu.memref_squeeze %get3A_566 : memref<1x512x64xbf16, #tpu.memory_space<vmem>> -> memref<512x64xbf16, #tpu.memory_space<vmem>>
        %get3A_568 = arith.index_cast %add3A_563 : i32 to index
        %get3A_569 = arith.constant 0 : index
        %get3A_570 = tpu.vector_load %get3A_567[%get3A_568, %get3A_569] {strides = array<i32>} : memref<512x64xbf16, #tpu.memory_space<vmem>>, vector<32xbf16>,
        %unpack3A_571 = tpu.unpack_subelements %get3A_570, 0 {pack_format = #tpu.pack_format<interleaved>} : vector<32xbf16> -> vector<16xf32>
        %unpack3A_572 = tpu.unpack_subelements %get3A_570, 1 {pack_format = #tpu.pack_format<interleaved>} : vector<32xbf16> -> vector<16xf32>
        %add3A_573 = arith.addf %add3A_558, %unpack3A_571 : vector<16xf32>
        %add3A_574 = arith.addf %add3A_559, %unpack3A_572 : vector<16xf32>
        %mul3A_575 = arith.constant 16 : i32
        %mul3A_576 = arith.muli %scan3A_384, %mul3A_575 : i32
        %add3A_577 = arith.constant 13 : i32
        %add3A_578 = arith.addi %mul3A_576, %add3A_577 : i32
        %get3A_579 = arith.constant 0 : i32
        %get3A_580 = arith.constant 0 : i32
        %get3A_581 = tpu.memref_slice %arg9[%scan3A, %get3A_579, %get3A_580] : memref<2x512x64xbf16, #tpu.memory_space<vmem>> -> memref<1x512x64xbf16, #tpu.memory_space<vmem>>
        %get3A_582 = tpu.memref_squeeze %get3A_581 : memref<1x512x64xbf16, #tpu.memory_space<vmem>> -> memref<512x64xbf16, #tpu.memory_space<vmem>>
        %get3A_583 = arith.index_cast %add3A_578 : i32 to index
        %get3A_584 = arith.constant 0 : index
        %get3A_585 = tpu.vector_load %get3A_582[%get3A_583, %get3A_584] {strides = array<i32>} : memref<512x64xbf16, #tpu.memory_space<vmem>>, vector<32xbf16>,
        %unpack3A_586 = tpu.unpack_subelements %get3A_585, 0 {pack_format = #tpu.pack_format<interleaved>} : vector<32xbf16> -> vector<16xf32>
        %unpack3A_587 = tpu.unpack_subelements %get3A_585, 1 {pack_format = #tpu.pack_format<interleaved>} : vector<32xbf16> -> vector<16xf32>
        %add3A_588 = arith.addf %add3A_573, %unpack3A_586 : vector<16xf32>
        %add3A_589 = arith.addf %add3A_574, %unpack3A_587 : vector<16xf32>
        %mul3A_590 = arith.constant 16 : i32
        %mul3A_591 = arith.muli %scan3A_384, %mul3A_590 : i32
        %add3A_592 = arith.constant 14 : i32
        %add3A_593 = arith.addi %mul3A_591, %add3A_592 : i32
        %get3A_594 = arith.constant 0 : i32
        %get3A_595 = arith.constant 0 : i32
        %get3A_596 = tpu.memref_slice %arg9[%scan3A, %get3A_594, %get3A_595] : memref<2x512x64xbf16, #tpu.memory_space<vmem>> -> memref<1x512x64xbf16, #tpu.memory_space<vmem>>
        %get3A_597 = tpu.memref_squeeze %get3A_596 : memref<1x512x64xbf16, #tpu.memory_space<vmem>> -> memref<512x64xbf16, #tpu.memory_space<vmem>>
        %get3A_598 = arith.index_cast %add3A_593 : i32 to index
        %get3A_599 = arith.constant 0 : index
        %get3A_600 = tpu.vector_load %get3A_597[%get3A_598, %get3A_599] {strides = array<i32>} : memref<512x64xbf16, #tpu.memory_space<vmem>>, vector<32xbf16>,
        %unpack3A_601 = tpu.unpack_subelements %get3A_600, 0 {pack_format = #tpu.pack_format<interleaved>} : vector<32xbf16> -> vector<16xf32>
        %unpack3A_602 = tpu.unpack_subelements %get3A_600, 1 {pack_format = #tpu.pack_format<interleaved>} : vector<32xbf16> -> vector<16xf32>
        %add3A_603 = arith.addf %add3A_588, %unpack3A_601 : vector<16xf32>
        %add3A_604 = arith.addf %add3A_589, %unpack3A_602 : vector<16xf32>
        %mul3A_605 = arith.constant 16 : i32
        %mul3A_606 = arith.muli %scan3A_384, %mul3A_605 : i32
        %add3A_607 = arith.constant 15 : i32
        %add3A_608 = arith.addi %mul3A_606, %add3A_607 : i32
        %get3A_609 = arith.constant 0 : i32
        %get3A_610 = arith.constant 0 : i32
        %get3A_611 = tpu.memref_slice %arg9[%scan3A, %get3A_609, %get3A_610] : memref<2x512x64xbf16, #tpu.memory_space<vmem>> -> memref<1x512x64xbf16, #tpu.memory_space<vmem>>
        %get3A_612 = tpu.memref_squeeze %get3A_611 : memref<1x512x64xbf16, #tpu.memory_space<vmem>> -> memref<512x64xbf16, #tpu.memory_space<vmem>>
        %get3A_613 = arith.index_cast %add3A_608 : i32 to index
        %get3A_614 = arith.constant 0 : index
        %get3A_615 = tpu.vector_load %get3A_612[%get3A_613, %get3A_614] {strides = array<i32>} : memref<512x64xbf16, #tpu.memory_space<vmem>>, vector<32xbf16>,
        %unpack3A_616 = tpu.unpack_subelements %get3A_615, 0 {pack_format = #tpu.pack_format<interleaved>} : vector<32xbf16> -> vector<16xf32>
        %unpack3A_617 = tpu.unpack_subelements %get3A_615, 1 {pack_format = #tpu.pack_format<interleaved>} : vector<32xbf16> -> vector<16xf32>
        %add3A_618 = arith.addf %add3A_603, %unpack3A_616 : vector<16xf32>
        %add3A_619 = arith.addf %add3A_604, %unpack3A_617 : vector<16xf32>
        %mul3A_620 = arith.constant 6.250000e-02 : f32
        %mul3A_621 = vector.broadcast %mul3A_620 : f32 to vector<16xf32>
        %mul3A_622 = arith.mulf %add3A_618, %mul3A_621 : vector<16xf32>
        %swap3A = arith.constant 0 : i32
        %swap3A_623 = arith.index_cast %swap3A : i32 to index
        %swap3A_624 = arith.index_cast %scan3A_384 : i32 to index
        %swap3A_625 = arith.constant 0 : index
        %swap3A_626 = tpu.vector_load %arg10[%swap3A_623, %swap3A_624, %swap3A_625] {strides = array<i32>} : memref<2x32x64xf32, #tpu.memory_space<vmem>>, vector<16xf32>,
        tpu.vector_store %arg10[%swap3A_623, %swap3A_624, %swap3A_625], %mul3A_622 {strides = array<i32>} : memref<2x32x64xf32, #tpu.memory_space<vmem>>, vector<16xf32>,
        %mul3A_627 = arith.constant 6.250000e-02 : f32
        %mul3A_628 = vector.broadcast %mul3A_627 : f32 to vector<16xf32>
        %mul3A_629 = arith.mulf %add3A_619, %mul3A_628 : vector<16xf32>
        %swap3A_630 = arith.constant 0 : i32
        %swap3A_631 = arith.index_cast %swap3A_630 : i32 to index
        %swap3A_632 = arith.index_cast %scan3A_384 : i32 to index
        %swap3A_633 = arith.constant 16 : index
        %swap3A_634 = tpu.vector_load %arg10[%swap3A_631, %swap3A_632, %swap3A_633] {strides = array<i32>} : memref<2x32x64xf32, #tpu.memory_space<vmem>>, vector<16xf32>,
        tpu.vector_store %arg10[%swap3A_631, %swap3A_632, %swap3A_633], %mul3A_629 {strides = array<i32>} : memref<2x32x64xf32, #tpu.memory_space<vmem>>, vector<16xf32>,
        %mul3A_635 = arith.constant 16 : i32
        %mul3A_636 = arith.muli %scan3A_384, %mul3A_635 : i32
        %get3A_637 = arith.constant 0 : i32
        %get3A_638 = arith.constant 0 : i32
        %get3A_639 = tpu.memref_slice %arg9[%scan3A, %get3A_637, %get3A_638] : memref<2x512x64xbf16, #tpu.memory_space<vmem>> -> memref<1x512x64xbf16, #tpu.memory_space<vmem>>
        %get3A_640 = tpu.memref_squeeze %get3A_639 : memref<1x512x64xbf16, #tpu.memory_space<vmem>> -> memref<512x64xbf16, #tpu.memory_space<vmem>>
        %get3A_641 = arith.index_cast %mul3A_636 : i32 to index
        %get3A_642 = arith.constant 32 : index
        %get3A_643 = tpu.vector_load %get3A_640[%get3A_641, %get3A_642] {strides = array<i32>} : memref<512x64xbf16, #tpu.memory_space<vmem>>, vector<32xbf16>,
        %unpack3A_644 = tpu.unpack_subelements %get3A_643, 0 {pack_format = #tpu.pack_format<interleaved>} : vector<32xbf16> -> vector<16xf32>
        %unpack3A_645 = tpu.unpack_subelements %get3A_643, 1 {pack_format = #tpu.pack_format<interleaved>} : vector<32xbf16> -> vector<16xf32>
        %mul3A_646 = arith.constant 16 : i32
        %mul3A_647 = arith.muli %scan3A_384, %mul3A_646 : i32
        %add3A_648 = arith.constant 1 : i32
        %add3A_649 = arith.addi %mul3A_647, %add3A_648 : i32
        %get3A_650 = arith.constant 0 : i32
        %get3A_651 = arith.constant 0 : i32
        %get3A_652 = tpu.memref_slice %arg9[%scan3A, %get3A_650, %get3A_651] : memref<2x512x64xbf16, #tpu.memory_space<vmem>> -> memref<1x512x64xbf16, #tpu.memory_space<vmem>>
        %get3A_653 = tpu.memref_squeeze %get3A_652 : memref<1x512x64xbf16, #tpu.memory_space<vmem>> -> memref<512x64xbf16, #tpu.memory_space<vmem>>
        %get3A_654 = arith.index_cast %add3A_649 : i32 to index
        %get3A_655 = arith.constant 32 : index
        %get3A_656 = tpu.vector_load %get3A_653[%get3A_654, %get3A_655] {strides = array<i32>} : memref<512x64xbf16, #tpu.memory_space<vmem>>, vector<32xbf16>,
        %unpack3A_657 = tpu.unpack_subelements %get3A_656, 0 {pack_format = #tpu.pack_format<interleaved>} : vector<32xbf16> -> vector<16xf32>
        %unpack3A_658 = tpu.unpack_subelements %get3A_656, 1 {pack_format = #tpu.pack_format<interleaved>} : vector<32xbf16> -> vector<16xf32>
        %add3A_659 = arith.addf %unpack3A_644, %unpack3A_657 : vector<16xf32>
        %add3A_660 = arith.addf %unpack3A_645, %unpack3A_658 : vector<16xf32>
        %mul3A_661 = arith.constant 16 : i32
        %mul3A_662 = arith.muli %scan3A_384, %mul3A_661 : i32
        %add3A_663 = arith.constant 2 : i32
        %add3A_664 = arith.addi %mul3A_662, %add3A_663 : i32
        %get3A_665 = arith.constant 0 : i32
        %get3A_666 = arith.constant 0 : i32
        %get3A_667 = tpu.memref_slice %arg9[%scan3A, %get3A_665, %get3A_666] : memref<2x512x64xbf16, #tpu.memory_space<vmem>> -> memref<1x512x64xbf16, #tpu.memory_space<vmem>>
        %get3A_668 = tpu.memref_squeeze %get3A_667 : memref<1x512x64xbf16, #tpu.memory_space<vmem>> -> memref<512x64xbf16, #tpu.memory_space<vmem>>
        %get3A_669 = arith.index_cast %add3A_664 : i32 to index
        %get3A_670 = arith.constant 32 : index
        %get3A_671 = tpu.vector_load %get3A_668[%get3A_669, %get3A_670] {strides = array<i32>} : memref<512x64xbf16, #tpu.memory_space<vmem>>, vector<32xbf16>,
        %unpack3A_672 = tpu.unpack_subelements %get3A_671, 0 {pack_format = #tpu.pack_format<interleaved>} : vector<32xbf16> -> vector<16xf32>
        %unpack3A_673 = tpu.unpack_subelements %get3A_671, 1 {pack_format = #tpu.pack_format<interleaved>} : vector<32xbf16> -> vector<16xf32>
        %add3A_674 = arith.addf %add3A_659, %unpack3A_672 : vector<16xf32>
        %add3A_675 = arith.addf %add3A_660, %unpack3A_673 : vector<16xf32>
        %mul3A_676 = arith.constant 16 : i32
        %mul3A_677 = arith.muli %scan3A_384, %mul3A_676 : i32
        %add3A_678 = arith.constant 3 : i32
        %add3A_679 = arith.addi %mul3A_677, %add3A_678 : i32
        %get3A_680 = arith.constant 0 : i32
        %get3A_681 = arith.constant 0 : i32
        %get3A_682 = tpu.memref_slice %arg9[%scan3A, %get3A_680, %get3A_681] : memref<2x512x64xbf16, #tpu.memory_space<vmem>> -> memref<1x512x64xbf16, #tpu.memory_space<vmem>>
        %get3A_683 = tpu.memref_squeeze %get3A_682 : memref<1x512x64xbf16, #tpu.memory_space<vmem>> -> memref<512x64xbf16, #tpu.memory_space<vmem>>
        %get3A_684 = arith.index_cast %add3A_679 : i32 to index
        %get3A_685 = arith.constant 32 : index
        %get3A_686 = tpu.vector_load %get3A_683[%get3A_684, %get3A_685] {strides = array<i32>} : memref<512x64xbf16, #tpu.memory_space<vmem>>, vector<32xbf16>,
        %unpack3A_687 = tpu.unpack_subelements %get3A_686, 0 {pack_format = #tpu.pack_format<interleaved>} : vector<32xbf16> -> vector<16xf32>
        %unpack3A_688 = tpu.unpack_subelements %get3A_686, 1 {pack_format = #tpu.pack_format<interleaved>} : vector<32xbf16> -> vector<16xf32>
        %add3A_689 = arith.addf %add3A_674, %unpack3A_687 : vector<16xf32>
        %add3A_690 = arith.addf %add3A_675, %unpack3A_688 : vector<16xf32>
        %mul3A_691 = arith.constant 16 : i32
        %mul3A_692 = arith.muli %scan3A_384, %mul3A_691 : i32
        %add3A_693 = arith.constant 4 : i32
        %add3A_694 = arith.addi %mul3A_692, %add3A_693 : i32
        %get3A_695 = arith.constant 0 : i32
        %get3A_696 = arith.constant 0 : i32
        %get3A_697 = tpu.memref_slice %arg9[%scan3A, %get3A_695, %get3A_696] : memref<2x512x64xbf16, #tpu.memory_space<vmem>> -> memref<1x512x64xbf16, #tpu.memory_space<vmem>>
        %get3A_698 = tpu.memref_squeeze %get3A_697 : memref<1x512x64xbf16, #tpu.memory_space<vmem>> -> memref<512x64xbf16, #tpu.memory_space<vmem>>
        %get3A_699 = arith.index_cast %add3A_694 : i32 to index
        %get3A_700 = arith.constant 32 : index
        %get3A_701 = tpu.vector_load %get3A_698[%get3A_699, %get3A_700] {strides = array<i32>} : memref<512x64xbf16, #tpu.memory_space<vmem>>, vector<32xbf16>,
        %unpack3A_702 = tpu.unpack_subelements %get3A_701, 0 {pack_format = #tpu.pack_format<interleaved>} : vector<32xbf16> -> vector<16xf32>
        %unpack3A_703 = tpu.unpack_subelements %get3A_701, 1 {pack_format = #tpu.pack_format<interleaved>} : vector<32xbf16> -> vector<16xf32>
        %add3A_704 = arith.addf %add3A_689, %unpack3A_702 : vector<16xf32>
        %add3A_705 = arith.addf %add3A_690, %unpack3A_703 : vector<16xf32>
        %mul3A_706 = arith.constant 16 : i32
        %mul3A_707 = arith.muli %scan3A_384, %mul3A_706 : i32
        %add3A_708 = arith.constant 5 : i32
        %add3A_709 = arith.addi %mul3A_707, %add3A_708 : i32
        %get3A_710 = arith.constant 0 : i32
        %get3A_711 = arith.constant 0 : i32
        %get3A_712 = tpu.memref_slice %arg9[%scan3A, %get3A_710, %get3A_711] : memref<2x512x64xbf16, #tpu.memory_space<vmem>> -> memref<1x512x64xbf16, #tpu.memory_space<vmem>>
        %get3A_713 = tpu.memref_squeeze %get3A_712 : memref<1x512x64xbf16, #tpu.memory_space<vmem>> -> memref<512x64xbf16, #tpu.memory_space<vmem>>
        %get3A_714 = arith.index_cast %add3A_709 : i32 to index
        %get3A_715 = arith.constant 32 : index
        %get3A_716 = tpu.vector_load %get3A_713[%get3A_714, %get3A_715] {strides = array<i32>} : memref<512x64xbf16, #tpu.memory_space<vmem>>, vector<32xbf16>,
        %unpack3A_717 = tpu.unpack_subelements %get3A_716, 0 {pack_format = #tpu.pack_format<interleaved>} : vector<32xbf16> -> vector<16xf32>
        %unpack3A_718 = tpu.unpack_subelements %get3A_716, 1 {pack_format = #tpu.pack_format<interleaved>} : vector<32xbf16> -> vector<16xf32>
        %add3A_719 = arith.addf %add3A_704, %unpack3A_717 : vector<16xf32>
        %add3A_720 = arith.addf %add3A_705, %unpack3A_718 : vector<16xf32>
        %mul3A_721 = arith.constant 16 : i32
        %mul3A_722 = arith.muli %scan3A_384, %mul3A_721 : i32
        %add3A_723 = arith.constant 6 : i32
        %add3A_724 = arith.addi %mul3A_722, %add3A_723 : i32
        %get3A_725 = arith.constant 0 : i32
        %get3A_726 = arith.constant 0 : i32
        %get3A_727 = tpu.memref_slice %arg9[%scan3A, %get3A_725, %get3A_726] : memref<2x512x64xbf16, #tpu.memory_space<vmem>> -> memref<1x512x64xbf16, #tpu.memory_space<vmem>>
        %get3A_728 = tpu.memref_squeeze %get3A_727 : memref<1x512x64xbf16, #tpu.memory_space<vmem>> -> memref<512x64xbf16, #tpu.memory_space<vmem>>
        %get3A_729 = arith.index_cast %add3A_724 : i32 to index
        %get3A_730 = arith.constant 32 : index
        %get3A_731 = tpu.vector_load %get3A_728[%get3A_729, %get3A_730] {strides = array<i32>} : memref<512x64xbf16, #tpu.memory_space<vmem>>, vector<32xbf16>,
        %unpack3A_732 = tpu.unpack_subelements %get3A_731, 0 {pack_format = #tpu.pack_format<interleaved>} : vector<32xbf16> -> vector<16xf32>
        %unpack3A_733 = tpu.unpack_subelements %get3A_731, 1 {pack_format = #tpu.pack_format<interleaved>} : vector<32xbf16> -> vector<16xf32>
        %add3A_734 = arith.addf %add3A_719, %unpack3A_732 : vector<16xf32>
        %add3A_735 = arith.addf %add3A_720, %unpack3A_733 : vector<16xf32>
        %mul3A_736 = arith.constant 16 : i32
        %mul3A_737 = arith.muli %scan3A_384, %mul3A_736 : i32
        %add3A_738 = arith.constant 7 : i32
        %add3A_739 = arith.addi %mul3A_737, %add3A_738 : i32
        %get3A_740 = arith.constant 0 : i32
        %get3A_741 = arith.constant 0 : i32
        %get3A_742 = tpu.memref_slice %arg9[%scan3A, %get3A_740, %get3A_741] : memref<2x512x64xbf16, #tpu.memory_space<vmem>> -> memref<1x512x64xbf16, #tpu.memory_space<vmem>>
        %get3A_743 = tpu.memref_squeeze %get3A_742 : memref<1x512x64xbf16, #tpu.memory_space<vmem>> -> memref<512x64xbf16, #tpu.memory_space<vmem>>
        %get3A_744 = arith.index_cast %add3A_739 : i32 to index
        %get3A_745 = arith.constant 32 : index
        %get3A_746 = tpu.vector_load %get3A_743[%get3A_744, %get3A_745] {strides = array<i32>} : memref<512x64xbf16, #tpu.memory_space<vmem>>, vector<32xbf16>,
        %unpack3A_747 = tpu.unpack_subelements %get3A_746, 0 {pack_format = #tpu.pack_format<interleaved>} : vector<32xbf16> -> vector<16xf32>
        %unpack3A_748 = tpu.unpack_subelements %get3A_746, 1 {pack_format = #tpu.pack_format<interleaved>} : vector<32xbf16> -> vector<16xf32>
        %add3A_749 = arith.addf %add3A_734, %unpack3A_747 : vector<16xf32>
        %add3A_750 = arith.addf %add3A_735, %unpack3A_748 : vector<16xf32>
        %mul3A_751 = arith.constant 16 : i32
        %mul3A_752 = arith.muli %scan3A_384, %mul3A_751 : i32
        %add3A_753 = arith.constant 8 : i32
        %add3A_754 = arith.addi %mul3A_752, %add3A_753 : i32
        %get3A_755 = arith.constant 0 : i32
        %get3A_756 = arith.constant 0 : i32
        %get3A_757 = tpu.memref_slice %arg9[%scan3A, %get3A_755, %get3A_756] : memref<2x512x64xbf16, #tpu.memory_space<vmem>> -> memref<1x512x64xbf16, #tpu.memory_space<vmem>>
        %get3A_758 = tpu.memref_squeeze %get3A_757 : memref<1x512x64xbf16, #tpu.memory_space<vmem>> -> memref<512x64xbf16, #tpu.memory_space<vmem>>
        %get3A_759 = arith.index_cast %add3A_754 : i32 to index
        %get3A_760 = arith.constant 32 : index
        %get3A_761 = tpu.vector_load %get3A_758[%get3A_759, %get3A_760] {strides = array<i32>} : memref<512x64xbf16, #tpu.memory_space<vmem>>, vector<32xbf16>,
        %unpack3A_762 = tpu.unpack_subelements %get3A_761, 0 {pack_format = #tpu.pack_format<interleaved>} : vector<32xbf16> -> vector<16xf32>
        %unpack3A_763 = tpu.unpack_subelements %get3A_761, 1 {pack_format = #tpu.pack_format<interleaved>} : vector<32xbf16> -> vector<16xf32>
        %add3A_764 = arith.addf %add3A_749, %unpack3A_762 : vector<16xf32>
        %add3A_765 = arith.addf %add3A_750, %unpack3A_763 : vector<16xf32>
        %mul3A_766 = arith.constant 16 : i32
        %mul3A_767 = arith.muli %scan3A_384, %mul3A_766 : i32
        %add3A_768 = arith.constant 9 : i32
        %add3A_769 = arith.addi %mul3A_767, %add3A_768 : i32
        %get3A_770 = arith.constant 0 : i32
        %get3A_771 = arith.constant 0 : i32
        %get3A_772 = tpu.memref_slice %arg9[%scan3A, %get3A_770, %get3A_771] : memref<2x512x64xbf16, #tpu.memory_space<vmem>> -> memref<1x512x64xbf16, #tpu.memory_space<vmem>>
        %get3A_773 = tpu.memref_squeeze %get3A_772 : memref<1x512x64xbf16, #tpu.memory_space<vmem>> -> memref<512x64xbf16, #tpu.memory_space<vmem>>
        %get3A_774 = arith.index_cast %add3A_769 : i32 to index
        %get3A_775 = arith.constant 32 : index
        %get3A_776 = tpu.vector_load %get3A_773[%get3A_774, %get3A_775] {strides = array<i32>} : memref<512x64xbf16, #tpu.memory_space<vmem>>, vector<32xbf16>,
        %unpack3A_777 = tpu.unpack_subelements %get3A_776, 0 {pack_format = #tpu.pack_format<interleaved>} : vector<32xbf16> -> vector<16xf32>
        %unpack3A_778 = tpu.unpack_subelements %get3A_776, 1 {pack_format = #tpu.pack_format<interleaved>} : vector<32xbf16> -> vector<16xf32>
        %add3A_779 = arith.addf %add3A_764, %unpack3A_777 : vector<16xf32>
        %add3A_780 = arith.addf %add3A_765, %unpack3A_778 : vector<16xf32>
        %mul3A_781 = arith.constant 16 : i32
        %mul3A_782 = arith.muli %scan3A_384, %mul3A_781 : i32
        %add3A_783 = arith.constant 10 : i32
        %add3A_784 = arith.addi %mul3A_782, %add3A_783 : i32
        %get3A_785 = arith.constant 0 : i32
        %get3A_786 = arith.constant 0 : i32
        %get3A_787 = tpu.memref_slice %arg9[%scan3A, %get3A_785, %get3A_786] : memref<2x512x64xbf16, #tpu.memory_space<vmem>> -> memref<1x512x64xbf16, #tpu.memory_space<vmem>>
        %get3A_788 = tpu.memref_squeeze %get3A_787 : memref<1x512x64xbf16, #tpu.memory_space<vmem>> -> memref<512x64xbf16, #tpu.memory_space<vmem>>
        %get3A_789 = arith.index_cast %add3A_784 : i32 to index
        %get3A_790 = arith.constant 32 : index
        %get3A_791 = tpu.vector_load %get3A_788[%get3A_789, %get3A_790] {strides = array<i32>} : memref<512x64xbf16, #tpu.memory_space<vmem>>, vector<32xbf16>,
        %unpack3A_792 = tpu.unpack_subelements %get3A_791, 0 {pack_format = #tpu.pack_format<interleaved>} : vector<32xbf16> -> vector<16xf32>
        %unpack3A_793 = tpu.unpack_subelements %get3A_791, 1 {pack_format = #tpu.pack_format<interleaved>} : vector<32xbf16> -> vector<16xf32>
        %add3A_794 = arith.addf %add3A_779, %unpack3A_792 : vector<16xf32>
        %add3A_795 = arith.addf %add3A_780, %unpack3A_793 : vector<16xf32>
        %mul3A_796 = arith.constant 16 : i32
        %mul3A_797 = arith.muli %scan3A_384, %mul3A_796 : i32
        %add3A_798 = arith.constant 11 : i32
        %add3A_799 = arith.addi %mul3A_797, %add3A_798 : i32
        %get3A_800 = arith.constant 0 : i32
        %get3A_801 = arith.constant 0 : i32
        %get3A_802 = tpu.memref_slice %arg9[%scan3A, %get3A_800, %get3A_801] : memref<2x512x64xbf16, #tpu.memory_space<vmem>> -> memref<1x512x64xbf16, #tpu.memory_space<vmem>>
        %get3A_803 = tpu.memref_squeeze %get3A_802 : memref<1x512x64xbf16, #tpu.memory_space<vmem>> -> memref<512x64xbf16, #tpu.memory_space<vmem>>
        %get3A_804 = arith.index_cast %add3A_799 : i32 to index
        %get3A_805 = arith.constant 32 : index
        %get3A_806 = tpu.vector_load %get3A_803[%get3A_804, %get3A_805] {strides = array<i32>} : memref<512x64xbf16, #tpu.memory_space<vmem>>, vector<32xbf16>,
        %unpack3A_807 = tpu.unpack_subelements %get3A_806, 0 {pack_format = #tpu.pack_format<interleaved>} : vector<32xbf16> -> vector<16xf32>
        %unpack3A_808 = tpu.unpack_subelements %get3A_806, 1 {pack_format = #tpu.pack_format<interleaved>} : vector<32xbf16> -> vector<16xf32>
        %add3A_809 = arith.addf %add3A_794, %unpack3A_807 : vector<16xf32>
        %add3A_810 = arith.addf %add3A_795, %unpack3A_808 : vector<16xf32>
        %mul3A_811 = arith.constant 16 : i32
        %mul3A_812 = arith.muli %scan3A_384, %mul3A_811 : i32
        %add3A_813 = arith.constant 12 : i32
        %add3A_814 = arith.addi %mul3A_812, %add3A_813 : i32
        %get3A_815 = arith.constant 0 : i32
        %get3A_816 = arith.constant 0 : i32
        %get3A_817 = tpu.memref_slice %arg9[%scan3A, %get3A_815, %get3A_816] : memref<2x512x64xbf16, #tpu.memory_space<vmem>> -> memref<1x512x64xbf16, #tpu.memory_space<vmem>>
        %get3A_818 = tpu.memref_squeeze %get3A_817 : memref<1x512x64xbf16, #tpu.memory_space<vmem>> -> memref<512x64xbf16, #tpu.memory_space<vmem>>
        %get3A_819 = arith.index_cast %add3A_814 : i32 to index
        %get3A_820 = arith.constant 32 : index
        %get3A_821 = tpu.vector_load %get3A_818[%get3A_819, %get3A_820] {strides = array<i32>} : memref<512x64xbf16, #tpu.memory_space<vmem>>, vector<32xbf16>,
        %unpack3A_822 = tpu.unpack_subelements %get3A_821, 0 {pack_format = #tpu.pack_format<interleaved>} : vector<32xbf16> -> vector<16xf32>
        %unpack3A_823 = tpu.unpack_subelements %get3A_821, 1 {pack_format = #tpu.pack_format<interleaved>} : vector<32xbf16> -> vector<16xf32>
        %add3A_824 = arith.addf %add3A_809, %unpack3A_822 : vector<16xf32>
        %add3A_825 = arith.addf %add3A_810, %unpack3A_823 : vector<16xf32>
        %mul3A_826 = arith.constant 16 : i32
        %mul3A_827 = arith.muli %scan3A_384, %mul3A_826 : i32
        %add3A_828 = arith.constant 13 : i32
        %add3A_829 = arith.addi %mul3A_827, %add3A_828 : i32
        %get3A_830 = arith.constant 0 : i32
        %get3A_831 = arith.constant 0 : i32
        %get3A_832 = tpu.memref_slice %arg9[%scan3A, %get3A_830, %get3A_831] : memref<2x512x64xbf16, #tpu.memory_space<vmem>> -> memref<1x512x64xbf16, #tpu.memory_space<vmem>>
        %get3A_833 = tpu.memref_squeeze %get3A_832 : memref<1x512x64xbf16, #tpu.memory_space<vmem>> -> memref<512x64xbf16, #tpu.memory_space<vmem>>
        %get3A_834 = arith.index_cast %add3A_829 : i32 to index
        %get3A_835 = arith.constant 32 : index
        %get3A_836 = tpu.vector_load %get3A_833[%get3A_834, %get3A_835] {strides = array<i32>} : memref<512x64xbf16, #tpu.memory_space<vmem>>, vector<32xbf16>,
        %unpack3A_837 = tpu.unpack_subelements %get3A_836, 0 {pack_format = #tpu.pack_format<interleaved>} : vector<32xbf16> -> vector<16xf32>
        %unpack3A_838 = tpu.unpack_subelements %get3A_836, 1 {pack_format = #tpu.pack_format<interleaved>} : vector<32xbf16> -> vector<16xf32>
        %add3A_839 = arith.addf %add3A_824, %unpack3A_837 : vector<16xf32>
        %add3A_840 = arith.addf %add3A_825, %unpack3A_838 : vector<16xf32>
        %mul3A_841 = arith.constant 16 : i32
        %mul3A_842 = arith.muli %scan3A_384, %mul3A_841 : i32
        %add3A_843 = arith.constant 14 : i32
        %add3A_844 = arith.addi %mul3A_842, %add3A_843 : i32
        %get3A_845 = arith.constant 0 : i32
        %get3A_846 = arith.constant 0 : i32
        %get3A_847 = tpu.memref_slice %arg9[%scan3A, %get3A_845, %get3A_846] : memref<2x512x64xbf16, #tpu.memory_space<vmem>> -> memref<1x512x64xbf16, #tpu.memory_space<vmem>>
        %get3A_848 = tpu.memref_squeeze %get3A_847 : memref<1x512x64xbf16, #tpu.memory_space<vmem>> -> memref<512x64xbf16, #tpu.memory_space<vmem>>
        %get3A_849 = arith.index_cast %add3A_844 : i32 to index
        %get3A_850 = arith.constant 32 : index
        %get3A_851 = tpu.vector_load %get3A_848[%get3A_849, %get3A_850] {strides = array<i32>} : memref<512x64xbf16, #tpu.memory_space<vmem>>, vector<32xbf16>,
        %unpack3A_852 = tpu.unpack_subelements %get3A_851, 0 {pack_format = #tpu.pack_format<interleaved>} : vector<32xbf16> -> vector<16xf32>
        %unpack3A_853 = tpu.unpack_subelements %get3A_851, 1 {pack_format = #tpu.pack_format<interleaved>} : vector<32xbf16> -> vector<16xf32>
        %add3A_854 = arith.addf %add3A_839, %unpack3A_852 : vector<16xf32>
        %add3A_855 = arith.addf %add3A_840, %unpack3A_853 : vector<16xf32>
        %mul3A_856 = arith.constant 16 : i32
        %mul3A_857 = arith.muli %scan3A_384, %mul3A_856 : i32
        %add3A_858 = arith.constant 15 : i32
        %add3A_859 = arith.addi %mul3A_857, %add3A_858 : i32
        %get3A_860 = arith.constant 0 : i32
        %get3A_861 = arith.constant 0 : i32
        %get3A_862 = tpu.memref_slice %arg9[%scan3A, %get3A_860, %get3A_861] : memref<2x512x64xbf16, #tpu.memory_space<vmem>> -> memref<1x512x64xbf16, #tpu.memory_space<vmem>>
        %get3A_863 = tpu.memref_squeeze %get3A_862 : memref<1x512x64xbf16, #tpu.memory_space<vmem>> -> memref<512x64xbf16, #tpu.memory_space<vmem>>
        %get3A_864 = arith.index_cast %add3A_859 : i32 to index
        %get3A_865 = arith.constant 32 : index
        %get3A_866 = tpu.vector_load %get3A_863[%get3A_864, %get3A_865] {strides = array<i32>} : memref<512x64xbf16, #tpu.memory_space<vmem>>, vector<32xbf16>,
        %unpack3A_867 = tpu.unpack_subelements %get3A_866, 0 {pack_format = #tpu.pack_format<interleaved>} : vector<32xbf16> -> vector<16xf32>
        %unpack3A_868 = tpu.unpack_subelements %get3A_866, 1 {pack_format = #tpu.pack_format<interleaved>} : vector<32xbf16> -> vector<16xf32>
        %add3A_869 = arith.addf %add3A_854, %unpack3A_867 : vector<16xf32>
        %add3A_870 = arith.addf %add3A_855, %unpack3A_868 : vector<16xf32>
        %mul3A_871 = arith.constant 6.250000e-02 : f32
        %mul3A_872 = vector.broadcast %mul3A_871 : f32 to vector<16xf32>
        %mul3A_873 = arith.mulf %add3A_869, %mul3A_872 : vector<16xf32>
        %swap3A_874 = arith.constant 0 : i32
        %swap3A_875 = arith.index_cast %swap3A_874 : i32 to index
        %swap3A_876 = arith.index_cast %scan3A_384 : i32 to index
        %swap3A_877 = arith.constant 32 : index
        %swap3A_878 = tpu.vector_load %arg10[%swap3A_875, %swap3A_876, %swap3A_877] {strides = array<i32>} : memref<2x32x64xf32, #tpu.memory_space<vmem>>, vector<16xf32>,
        tpu.vector_store %arg10[%swap3A_875, %swap3A_876, %swap3A_877], %mul3A_873 {strides = array<i32>} : memref<2x32x64xf32, #tpu.memory_space<vmem>>, vector<16xf32>,
        %mul3A_879 = arith.constant 6.250000e-02 : f32
        %mul3A_880 = vector.broadcast %mul3A_879 : f32 to vector<16xf32>
        %mul3A_881 = arith.mulf %add3A_870, %mul3A_880 : vector<16xf32>
        %swap3A_882 = arith.constant 0 : i32
        %swap3A_883 = arith.index_cast %swap3A_882 : i32 to index
        %swap3A_884 = arith.index_cast %scan3A_384 : i32 to index
        %swap3A_885 = arith.constant 48 : index
        %swap3A_886 = tpu.vector_load %arg10[%swap3A_883, %swap3A_884, %swap3A_885] {strides = array<i32>} : memref<2x32x64xf32, #tpu.memory_space<vmem>>, vector<16xf32>,
        tpu.vector_store %arg10[%swap3A_883, %swap3A_884, %swap3A_885], %mul3A_881 {strides = array<i32>} : memref<2x32x64xf32, #tpu.memory_space<vmem>>, vector<16xf32>,
        %scan3A_887 = arith.constant 0 : i32
        scf.yield %scan3A_887 : i32
      }
      %scan3A_260 = arith.constant 32 : i32
      %mul3A_261 = arith.constant 32 : i32
      %mul3A_262 = arith.muli %add3A_253, %mul3A_261 : i32
      %add3A_263 = arith.addi %add3A, %mul3A_262 : i32
      %dma_start3A_264 = arith.constant 0 : i32
      %dma_start3A_265 = arith.constant 0 : i32
      %dma_start3A_266 = arith.constant 0 : i32
      %dma_start3A_267 = tpu.memref_slice %arg10[%dma_start3A_264, %dma_start3A_265, %dma_start3A_266] : memref<2x32x64xf32, #tpu.memory_space<vmem>> -> memref<1x32x64xf32, #tpu.memory_space<vmem>>
      %dma_start3A_268 = tpu.memref_squeeze %dma_start3A_267 : memref<1x32x64xf32, #tpu.memory_space<vmem>> -> memref<32x64xf32, #tpu.memory_space<vmem>>
      %dma_start3A_269 = arith.constant 0 : i32
      %dma_start3A_270 = tpu.memref_slice %arg5[%add3A_263, %dma_start3A_269] : memref<51200x64xf32, #tpu.memory_space<hbm>> -> memref<32x64xf32, #tpu.memory_space<hbm>>
      %dma_start3A_271 = arith.constant 0 : i32
      %dma_start3A_272 = tpu.memref_slice %arg5[%add3A_263, %dma_start3A_271] : memref<51200x64xf32, #tpu.memory_space<hbm>> -> memref<32x64xf32, #tpu.memory_space<hbm>>
      %dma_start3A_273 = arith.constant 0 : i32
      %dma_start3A_274 = arith.constant 0 : i32
      %dma_start3A_275 = tpu.memref_slice %arg10[%dma_start3A_264, %dma_start3A_273, %dma_start3A_274] : memref<2x32x64xf32, #tpu.memory_space<vmem>> -> memref<1x32x64xf32, #tpu.memory_space<vmem>>
      %dma_start3A_276 = tpu.memref_squeeze %dma_start3A_275 : memref<1x32x64xf32, #tpu.memory_space<vmem>> -> memref<32x64xf32, #tpu.memory_space<vmem>>
      tpu.enqueue_dma source(%dma_start3A_276 : memref<32x64xf32, #tpu.memory_space<vmem>>) target(%dma_start3A_272 : memref<32x64xf32, #tpu.memory_space<hbm>>) target_semaphore(%arg13 : memref<!tpu.dma_semaphore, #tpu.memory_space<semaphore_mem>>)
      %add3A_277 = arith.constant 0 : i32
      %add3A_278 = arith.addi %mul3A_187, %add3A_277 : i32
      %add3A_279 = arith.constant 2 : i32
      %add3A_280 = arith.addi %add3A_278, %add3A_279 : i32
      %lt3A = arith.cmpi slt, %add3A_280, %select_n3A_5 : i32
      %convert_element_type3A_281 = arith.extui %lt3A : i1 to i32
      %cond3A_282 = arith.constant 0 : i32
      %cond3A_283 = arith.cmpi ne, %convert_element_type3A_281, %cond3A_282 : i32
      scf.if %cond3A_283 {
        %add3A_384 = arith.constant 0 : i32
        %add3A_385 = arith.addi %mul3A_187, %add3A_384 : i32
        %add3A_386 = arith.constant 2 : i32
        %add3A_387 = arith.addi %add3A_385, %add3A_386 : i32
        %mul3A_388 = arith.constant 4 : i32
        %mul3A_389 = arith.muli %add3A_387, %mul3A_388 : i32
        %add3A_390 = arith.constant 0 : i32
        %add3A_391 = arith.addi %mul3A_389, %add3A_390 : i32
        %dma_start3A_392 = arith.constant 0 : i32
        %dma_start3A_393 = arith.constant 0 : i32
        %dma_start3A_394 = arith.constant 0 : i32
        %dma_start3A_395 = tpu.memref_slice %arg9[%dma_start3A_392, %dma_start3A_393, %dma_start3A_394] : memref<2x512x64xbf16, #tpu.memory_space<vmem>> -> memref<1x512x64xbf16, #tpu.memory_space<vmem>>
        %dma_start3A_396 = tpu.memref_squeeze %dma_start3A_395 : memref<1x512x64xbf16, #tpu.memory_space<vmem>> -> memref<512x64xbf16, #tpu.memory_space<vmem>>
        %dma_start3A_397 = arith.constant 0 : i32
        %dma_start3A_398 = arith.constant 0 : i32
        %dma_start3A_399 = tpu.memref_slice %dma_start3A_396[%dma_start3A_397, %dma_start3A_398] : memref<512x64xbf16, #tpu.memory_space<vmem>> -> memref<128x64xbf16, #tpu.memory_space<vmem>>
        %dma_start3A_400 = arith.constant 0 : i32
        %dma_start3A_401 = tpu.memref_slice %arg8[%add3A_391, %dma_start3A_400] : memref<280x128xi32, #tpu.memory_space<vmem>> -> memref<1x128xi32, #tpu.memory_space<vmem>>
        %dma_start3A_402 = tpu.memref_squeeze %dma_start3A_401 : memref<1x128xi32, #tpu.memory_space<vmem>> -> memref<128xi32, #tpu.memory_space<vmem>>
        %dma_start3A_403 = arith.constant 0 : i32
        %dma_start3A_404 = arith.constant 0 : i32
        %dma_start3A_405 = tpu.memref_slice %arg2[%dma_start3A_403, %dma_start3A_404] : memref<200000x64xbf16, #tpu.memory_space<hbm>> -> memref<200000x64xbf16, #tpu.memory_space<hbm>>
        tpu.enqueue_indirect_dma source(%dma_start3A_405 : memref<200000x64xbf16, #tpu.memory_space<hbm>>) target(%dma_start3A_399 : memref<128x64xbf16, #tpu.memory_space<vmem>>) offsets(%dma_start3A_402 : memref<128xi32, #tpu.memory_space<vmem>>) semaphore(%arg11 : memref<!tpu.dma_semaphore, #tpu.memory_space<semaphore_mem>>)
        %mul3A_406 = arith.constant 4 : i32
        %mul3A_407 = arith.muli %add3A_387, %mul3A_406 : i32
        %add3A_408 = arith.constant 1 : i32
        %add3A_409 = arith.addi %mul3A_407, %add3A_408 : i32
        %dma_start3A_410 = arith.constant 0 : i32
        %dma_start3A_411 = arith.constant 0 : i32
        %dma_start3A_412 = arith.constant 0 : i32
        %dma_start3A_413 = tpu.memref_slice %arg9[%dma_start3A_410, %dma_start3A_411, %dma_start3A_412] : memref<2x512x64xbf16, #tpu.memory_space<vmem>> -> memref<1x512x64xbf16, #tpu.memory_space<vmem>>
        %dma_start3A_414 = tpu.memref_squeeze %dma_start3A_413 : memref<1x512x64xbf16, #tpu.memory_space<vmem>> -> memref<512x64xbf16, #tpu.memory_space<vmem>>
        %dma_start3A_415 = arith.constant 128 : i32
        %dma_start3A_416 = arith.constant 0 : i32
        %dma_start3A_417 = tpu.memref_slice %dma_start3A_414[%dma_start3A_415, %dma_start3A_416] : memref<512x64xbf16, #tpu.memory_space<vmem>> -> memref<128x64xbf16, #tpu.memory_space<vmem>>
        %dma_start3A_418 = arith.constant 0 : i32
        %dma_start3A_419 = tpu.memref_slice %arg8[%add3A_409, %dma_start3A_418] : memref<280x128xi32, #tpu.memory_space<vmem>> -> memref<1x128xi32, #tpu.memory_space<vmem>>
        %dma_start3A_420 = tpu.memref_squeeze %dma_start3A_419 : memref<1x128xi32, #tpu.memory_space<vmem>> -> memref<128xi32, #tpu.memory_space<vmem>>
        %dma_start3A_421 = arith.constant 0 : i32
        %dma_start3A_422 = arith.constant 0 : i32
        %dma_start3A_423 = tpu.memref_slice %arg2[%dma_start3A_421, %dma_start3A_422] : memref<200000x64xbf16, #tpu.memory_space<hbm>> -> memref<200000x64xbf16, #tpu.memory_space<hbm>>
        tpu.enqueue_indirect_dma source(%dma_start3A_423 : memref<200000x64xbf16, #tpu.memory_space<hbm>>) target(%dma_start3A_417 : memref<128x64xbf16, #tpu.memory_space<vmem>>) offsets(%dma_start3A_420 : memref<128xi32, #tpu.memory_space<vmem>>) semaphore(%arg11 : memref<!tpu.dma_semaphore, #tpu.memory_space<semaphore_mem>>)
        %mul3A_424 = arith.constant 4 : i32
        %mul3A_425 = arith.muli %add3A_387, %mul3A_424 : i32
        %add3A_426 = arith.constant 2 : i32
        %add3A_427 = arith.addi %mul3A_425, %add3A_426 : i32
        %dma_start3A_428 = arith.constant 0 : i32
        %dma_start3A_429 = arith.constant 0 : i32
        %dma_start3A_430 = arith.constant 0 : i32
        %dma_start3A_431 = tpu.memref_slice %arg9[%dma_start3A_428, %dma_start3A_429, %dma_start3A_430] : memref<2x512x64xbf16, #tpu.memory_space<vmem>> -> memref<1x512x64xbf16, #tpu.memory_space<vmem>>
        %dma_start3A_432 = tpu.memref_squeeze %dma_start3A_431 : memref<1x512x64xbf16, #tpu.memory_space<vmem>> -> memref<512x64xbf16, #tpu.memory_space<vmem>>
        %dma_start3A_433 = arith.constant 256 : i32
        %dma_start3A_434 = arith.constant 0 : i32
        %dma_start3A_435 = tpu.memref_slice %dma_start3A_432[%dma_start3A_433, %dma_start3A_434] : memref<512x64xbf16, #tpu.memory_space<vmem>> -> memref<128x64xbf16, #tpu.memory_space<vmem>>
        %dma_start3A_436 = arith.constant 0 : i32
        %dma_start3A_437 = tpu.memref_slice %arg8[%add3A_427, %dma_start3A_436] : memref<280x128xi32, #tpu.memory_space<vmem>> -> memref<1x128xi32, #tpu.memory_space<vmem>>
        %dma_start3A_438 = tpu.memref_squeeze %dma_start3A_437 : memref<1x128xi32, #tpu.memory_space<vmem>> -> memref<128xi32, #tpu.memory_space<vmem>>
        %dma_start3A_439 = arith.constant 0 : i32
        %dma_start3A_440 = arith.constant 0 : i32
        %dma_start3A_441 = tpu.memref_slice %arg2[%dma_start3A_439, %dma_start3A_440] : memref<200000x64xbf16, #tpu.memory_space<hbm>> -> memref<200000x64xbf16, #tpu.memory_space<hbm>>
        tpu.enqueue_indirect_dma source(%dma_start3A_441 : memref<200000x64xbf16, #tpu.memory_space<hbm>>) target(%dma_start3A_435 : memref<128x64xbf16, #tpu.memory_space<vmem>>) offsets(%dma_start3A_438 : memref<128xi32, #tpu.memory_space<vmem>>) semaphore(%arg11 : memref<!tpu.dma_semaphore, #tpu.memory_space<semaphore_mem>>)
        %mul3A_442 = arith.constant 4 : i32
        %mul3A_443 = arith.muli %add3A_387, %mul3A_442 : i32
        %add3A_444 = arith.constant 3 : i32
        %add3A_445 = arith.addi %mul3A_443, %add3A_444 : i32
        %dma_start3A_446 = arith.constant 0 : i32
        %dma_start3A_447 = arith.constant 0 : i32
        %dma_start3A_448 = arith.constant 0 : i32
        %dma_start3A_449 = tpu.memref_slice %arg9[%dma_start3A_446, %dma_start3A_447, %dma_start3A_448] : memref<2x512x64xbf16, #tpu.memory_space<vmem>> -> memref<1x512x64xbf16, #tpu.memory_space<vmem>>
        %dma_start3A_450 = tpu.memref_squeeze %dma_start3A_449 : memref<1x512x64xbf16, #tpu.memory_space<vmem>> -> memref<512x64xbf16, #tpu.memory_space<vmem>>
        %dma_start3A_451 = arith.constant 384 : i32
        %dma_start3A_452 = arith.constant 0 : i32
        %dma_start3A_453 = tpu.memref_slice %dma_start3A_450[%dma_start3A_451, %dma_start3A_452] : memref<512x64xbf16, #tpu.memory_space<vmem>> -> memref<128x64xbf16, #tpu.memory_space<vmem>>
        %dma_start3A_454 = arith.constant 0 : i32
        %dma_start3A_455 = tpu.memref_slice %arg8[%add3A_445, %dma_start3A_454] : memref<280x128xi32, #tpu.memory_space<vmem>> -> memref<1x128xi32, #tpu.memory_space<vmem>>
        %dma_start3A_456 = tpu.memref_squeeze %dma_start3A_455 : memref<1x128xi32, #tpu.memory_space<vmem>> -> memref<128xi32, #tpu.memory_space<vmem>>
        %dma_start3A_457 = arith.constant 0 : i32
        %dma_start3A_458 = arith.constant 0 : i32
        %dma_start3A_459 = tpu.memref_slice %arg2[%dma_start3A_457, %dma_start3A_458] : memref<200000x64xbf16, #tpu.memory_space<hbm>> -> memref<200000x64xbf16, #tpu.memory_space<hbm>>
        tpu.enqueue_indirect_dma source(%dma_start3A_459 : memref<200000x64xbf16, #tpu.memory_space<hbm>>) target(%dma_start3A_453 : memref<128x64xbf16, #tpu.memory_space<vmem>>) offsets(%dma_start3A_456 : memref<128xi32, #tpu.memory_space<vmem>>) semaphore(%arg11 : memref<!tpu.dma_semaphore, #tpu.memory_space<semaphore_mem>>)
      } else {
      }
      %dma_wait3A_284 = arith.constant 0 : i32
      %dma_wait3A_285 = arith.constant 1 : i32
      %dma_wait3A_286 = arith.constant 0 : i32
      %dma_wait3A_287 = arith.constant 0 : i32
      %dma_wait3A_288 = tpu.memref_slice %arg9[%dma_wait3A_285, %dma_wait3A_286, %dma_wait3A_287] : memref<2x512x64xbf16, #tpu.memory_space<vmem>> -> memref<1x512x64xbf16, #tpu.memory_space<vmem>>
      %dma_wait3A_289 = tpu.memref_squeeze %dma_wait3A_288 : memref<1x512x64xbf16, #tpu.memory_space<vmem>> -> memref<512x64xbf16, #tpu.memory_space<vmem>>
      %dma_wait3A_290 = arith.constant 0 : i32
      %dma_wait3A_291 = arith.constant 0 : i32
      %dma_wait3A_292 = tpu.memref_slice %dma_wait3A_289[%dma_wait3A_290, %dma_wait3A_291] : memref<512x64xbf16, #tpu.memory_space<vmem>> -> memref<128x64xbf16, #tpu.memory_space<vmem>>
      %dma_wait3A_293 = arith.constant 0 : i32
      %dma_wait3A_294 = tpu.memref_slice %arg8[%dma_wait3A_284, %dma_wait3A_293] : memref<280x128xi32, #tpu.memory_space<vmem>> -> memref<1x128xi32, #tpu.memory_space<vmem>>
      %dma_wait3A_295 = tpu.memref_squeeze %dma_wait3A_294 : memref<1x128xi32, #tpu.memory_space<vmem>> -> memref<128xi32, #tpu.memory_space<vmem>>
      %dma_wait3A_296 = arith.constant 0 : i32
      %dma_wait3A_297 = arith.constant 0 : i32
      %dma_wait3A_298 = tpu.memref_slice %arg2[%dma_wait3A_296, %dma_wait3A_297] : memref<200000x64xbf16, #tpu.memory_space<hbm>> -> memref<200000x64xbf16, #tpu.memory_space<hbm>>
      tpu.wait_indirect_dma semaphore(%arg12 : memref<!tpu.dma_semaphore, #tpu.memory_space<semaphore_mem>>) src(%dma_wait3A_298 : memref<200000x64xbf16, #tpu.memory_space<hbm>>) dst(%dma_wait3A_292 : memref<128x64xbf16, #tpu.memory_space<vmem>>)
      %dma_wait3A_299 = arith.constant 0 : i32
      %dma_wait3A_300 = arith.constant 1 : i32
      %dma_wait3A_301 = arith.constant 0 : i32
      %dma_wait3A_302 = arith.constant 0 : i32
      %dma_wait3A_303 = tpu.memref_slice %arg9[%dma_wait3A_300, %dma_wait3A_301, %dma_wait3A_302] : memref<2x512x64xbf16, #tpu.memory_space<vmem>> -> memref<1x512x64xbf16, #tpu.memory_space<vmem>>
      %dma_wait3A_304 = tpu.memref_squeeze %dma_wait3A_303 : memref<1x512x64xbf16, #tpu.memory_space<vmem>> -> memref<512x64xbf16, #tpu.memory_space<vmem>>
      %dma_wait3A_305 = arith.constant 128 : i32
      %dma_wait3A_306 = arith.constant 0 : i32
      %dma_wait3A_307 = tpu.memref_slice %dma_wait3A_304[%dma_wait3A_305, %dma_wait3A_306] : memref<512x64xbf16, #tpu.memory_space<vmem>> -> memref<128x64xbf16, #tpu.memory_space<vmem>>
      %dma_wait3A_308 = arith.constant 0 : i32
      %dma_wait3A_309 = tpu.memref_slice %arg8[%dma_wait3A_299, %dma_wait3A_308] : memref<280x128xi32, #tpu.memory_space<vmem>> -> memref<1x128xi32, #tpu.memory_space<vmem>>
      %dma_wait3A_310 = tpu.memref_squeeze %dma_wait3A_309 : memref<1x128xi32, #tpu.memory_space<vmem>> -> memref<128xi32, #tpu.memory_space<vmem>>
      %dma_wait3A_311 = arith.constant 0 : i32
      %dma_wait3A_312 = arith.constant 0 : i32
      %dma_wait3A_313 = tpu.memref_slice %arg2[%dma_wait3A_311, %dma_wait3A_312] : memref<200000x64xbf16, #tpu.memory_space<hbm>> -> memref<200000x64xbf16, #tpu.memory_space<hbm>>
      tpu.wait_indirect_dma semaphore(%arg12 : memref<!tpu.dma_semaphore, #tpu.memory_space<semaphore_mem>>) src(%dma_wait3A_313 : memref<200000x64xbf16, #tpu.memory_space<hbm>>) dst(%dma_wait3A_307 : memref<128x64xbf16, #tpu.memory_space<vmem>>)
      %dma_wait3A_314 = arith.constant 0 : i32
      %dma_wait3A_315 = arith.constant 1 : i32
      %dma_wait3A_316 = arith.constant 0 : i32
      %dma_wait3A_317 = arith.constant 0 : i32
      %dma_wait3A_318 = tpu.memref_slice %arg9[%dma_wait3A_315, %dma_wait3A_316, %dma_wait3A_317] : memref<2x512x64xbf16, #tpu.memory_space<vmem>> -> memref<1x512x64xbf16, #tpu.memory_space<vmem>>
      %dma_wait3A_319 = tpu.memref_squeeze %dma_wait3A_318 : memref<1x512x64xbf16, #tpu.memory_space<vmem>> -> memref<512x64xbf16, #tpu.memory_space<vmem>>
      %dma_wait3A_320 = arith.constant 256 : i32
      %dma_wait3A_321 = arith.constant 0 : i32
      %dma_wait3A_322 = tpu.memref_slice %dma_wait3A_319[%dma_wait3A_320, %dma_wait3A_321] : memref<512x64xbf16, #tpu.memory_space<vmem>> -> memref<128x64xbf16, #tpu.memory_space<vmem>>
      %dma_wait3A_323 = arith.constant 0 : i32
      %dma_wait3A_324 = tpu.memref_slice %arg8[%dma_wait3A_314, %dma_wait3A_323] : memref<280x128xi32, #tpu.memory_space<vmem>> -> memref<1x128xi32, #tpu.memory_space<vmem>>
      %dma_wait3A_325 = tpu.memref_squeeze %dma_wait3A_324 : memref<1x128xi32, #tpu.memory_space<vmem>> -> memref<128xi32, #tpu.memory_space<vmem>>
      %dma_wait3A_326 = arith.constant 0 : i32
      %dma_wait3A_327 = arith.constant 0 : i32
      %dma_wait3A_328 = tpu.memref_slice %arg2[%dma_wait3A_326, %dma_wait3A_327] : memref<200000x64xbf16, #tpu.memory_space<hbm>> -> memref<200000x64xbf16, #tpu.memory_space<hbm>>
      tpu.wait_indirect_dma semaphore(%arg12 : memref<!tpu.dma_semaphore, #tpu.memory_space<semaphore_mem>>) src(%dma_wait3A_328 : memref<200000x64xbf16, #tpu.memory_space<hbm>>) dst(%dma_wait3A_322 : memref<128x64xbf16, #tpu.memory_space<vmem>>)
      %dma_wait3A_329 = arith.constant 0 : i32
      %dma_wait3A_330 = arith.constant 1 : i32
      %dma_wait3A_331 = arith.constant 0 : i32
      %dma_wait3A_332 = arith.constant 0 : i32
      %dma_wait3A_333 = tpu.memref_slice %arg9[%dma_wait3A_330, %dma_wait3A_331, %dma_wait3A_332] : memref<2x512x64xbf16, #tpu.memory_space<vmem>> -> memref<1x512x64xbf16, #tpu.memory_space<vmem>>
      %dma_wait3A_334 = tpu.memref_squeeze %dma_wait3A_333 : memref<1x512x64xbf16, #tpu.memory_space<vmem>> -> memref<512x64xbf16, #tpu.memory_space<vmem>>
      %dma_wait3A_335 = arith.constant 384 : i32
      %dma_wait3A_336 = arith.constant 0 : i32
      %dma_wait3A_337 = tpu.memref_slice %dma_wait3A_334[%dma_wait3A_335, %dma_wait3A_336] : memref<512x64xbf16, #tpu.memory_space<vmem>> -> memref<128x64xbf16, #tpu.memory_space<vmem>>
      %dma_wait3A_338 = arith.constant 0 : i32
      %dma_wait3A_339 = tpu.memref_slice %arg8[%dma_wait3A_329, %dma_wait3A_338] : memref<280x128xi32, #tpu.memory_space<vmem>> -> memref<1x128xi32, #tpu.memory_space<vmem>>
      %dma_wait3A_340 = tpu.memref_squeeze %dma_wait3A_339 : memref<1x128xi32, #tpu.memory_space<vmem>> -> memref<128xi32, #tpu.memory_space<vmem>>
      %dma_wait3A_341 = arith.constant 0 : i32
      %dma_wait3A_342 = arith.constant 0 : i32
      %dma_wait3A_343 = tpu.memref_slice %arg2[%dma_wait3A_341, %dma_wait3A_342] : memref<200000x64xbf16, #tpu.memory_space<hbm>> -> memref<200000x64xbf16, #tpu.memory_space<hbm>>
      tpu.wait_indirect_dma semaphore(%arg12 : memref<!tpu.dma_semaphore, #tpu.memory_space<semaphore_mem>>) src(%dma_wait3A_343 : memref<200000x64xbf16, #tpu.memory_space<hbm>>) dst(%dma_wait3A_337 : memref<128x64xbf16, #tpu.memory_space<vmem>>)
      %gt3A_344 = arith.constant 0 : i32
      %gt3A_345 = arith.cmpi sgt, %while3A_184, %gt3A_344 : i32
      %convert_element_type3A_346 = arith.extui %gt3A_345 : i1 to i32
      %cond3A_347 = arith.constant 0 : i32
      %cond3A_348 = arith.cmpi ne, %convert_element_type3A_346, %cond3A_347 : i32
      scf.if %cond3A_348 {
        %dma_wait3A_384 = arith.constant 1 : i32
        %dma_wait3A_385 = arith.constant 0 : i32
        %dma_wait3A_386 = arith.constant 0 : i32
        %dma_wait3A_387 = tpu.memref_slice %arg10[%dma_wait3A_384, %dma_wait3A_385, %dma_wait3A_386] : memref<2x32x64xf32, #tpu.memory_space<vmem>> -> memref<1x32x64xf32, #tpu.memory_space<vmem>>
        %dma_wait3A_388 = tpu.memref_squeeze %dma_wait3A_387 : memref<1x32x64xf32, #tpu.memory_space<vmem>> -> memref<32x64xf32, #tpu.memory_space<vmem>>
        %dma_wait3A_389 = arith.constant 0 : i32
        %dma_wait3A_390 = tpu.memref_slice %arg5[%add3A, %dma_wait3A_389] : memref<51200x64xf32, #tpu.memory_space<hbm>> -> memref<32x64xf32, #tpu.memory_space<hbm>>
        %dma_wait3A_391 = arith.constant 0 : i32
        %dma_wait3A_392 = tpu.memref_slice %arg5[%add3A, %dma_wait3A_391] : memref<51200x64xf32, #tpu.memory_space<hbm>> -> memref<32x64xf32, #tpu.memory_space<hbm>>
        %dma_wait3A_393 = arith.constant 0 : i32
        %dma_wait3A_394 = arith.constant 0 : i32
        %dma_wait3A_395 = tpu.memref_slice %arg10[%dma_wait3A_384, %dma_wait3A_393, %dma_wait3A_394] : memref<2x32x64xf32, #tpu.memory_space<vmem>> -> memref<1x32x64xf32, #tpu.memory_space<vmem>>
        %dma_wait3A_396 = tpu.memref_squeeze %dma_wait3A_395 : memref<1x32x64xf32, #tpu.memory_space<vmem>> -> memref<32x64xf32, #tpu.memory_space<vmem>>
        tpu.wait_dma2 semaphore(%arg14 : memref<!tpu.dma_semaphore, #tpu.memory_space<semaphore_mem>>) src(%dma_wait3A_396 : memref<32x64xf32, #tpu.memory_space<vmem>>) dst(%dma_wait3A_392 : memref<32x64xf32, #tpu.memory_space<hbm>>)
      } else {
      }
      %add3A_349 = arith.constant 1 : i32
      %add3A_350 = arith.addi %mul3A_187, %add3A_349 : i32
      %scan3A_351 = arith.constant 1 : i32
      %scan3A_352 = arith.constant 0 : i32
      %scan3A_353 = arith.constant 0 : i32
      %scan3A_354 = arith.constant 32 : i32
      %scan3A_355 = arith.addi %scan3A_353, %scan3A_354 : i32
      %scan3A_356 = arith.constant 1 : i32
      %scan3A_357 = scf.for %scan3A_384 = %scan3A_353 to %scan3A_355 step %scan3A_356 iter_args(%scan3A_385 = %scan3A_352) -> (i32)  : i32 {
        %mul3A_386 = arith.constant 16 : i32
        %mul3A_387 = arith.muli %scan3A_384, %mul3A_386 : i32
        %get3A = arith.constant 0 : i32
        %get3A_388 = arith.constant 0 : i32
        %get3A_389 = tpu.memref_slice %arg9[%scan3A_351, %get3A, %get3A_388] : memref<2x512x64xbf16, #tpu.memory_space<vmem>> -> memref<1x512x64xbf16, #tpu.memory_space<vmem>>
        %get3A_390 = tpu.memref_squeeze %get3A_389 : memref<1x512x64xbf16, #tpu.memory_space<vmem>> -> memref<512x64xbf16, #tpu.memory_space<vmem>>
        %get3A_391 = arith.index_cast %mul3A_387 : i32 to index
        %get3A_392 = arith.constant 0 : index
        %get3A_393 = tpu.vector_load %get3A_390[%get3A_391, %get3A_392] {strides = array<i32>} : memref<512x64xbf16, #tpu.memory_space<vmem>>, vector<32xbf16>,
        %unpack3A = tpu.unpack_subelements %get3A_393, 0 {pack_format = #tpu.pack_format<interleaved>} : vector<32xbf16> -> vector<16xf32>
        %unpack3A_394 = tpu.unpack_subelements %get3A_393, 1 {pack_format = #tpu.pack_format<interleaved>} : vector<32xbf16> -> vector<16xf32>
        %mul3A_395 = arith.constant 16 : i32
        %mul3A_396 = arith.muli %scan3A_384, %mul3A_395 : i32
        %add3A_397 = arith.constant 1 : i32
        %add3A_398 = arith.addi %mul3A_396, %add3A_397 : i32
        %get3A_399 = arith.constant 0 : i32
        %get3A_400 = arith.constant 0 : i32
        %get3A_401 = tpu.memref_slice %arg9[%scan3A_351, %get3A_399, %get3A_400] : memref<2x512x64xbf16, #tpu.memory_space<vmem>> -> memref<1x512x64xbf16, #tpu.memory_space<vmem>>
        %get3A_402 = tpu.memref_squeeze %get3A_401 : memref<1x512x64xbf16, #tpu.memory_space<vmem>> -> memref<512x64xbf16, #tpu.memory_space<vmem>>
        %get3A_403 = arith.index_cast %add3A_398 : i32 to index
        %get3A_404 = arith.constant 0 : index
        %get3A_405 = tpu.vector_load %get3A_402[%get3A_403, %get3A_404] {strides = array<i32>} : memref<512x64xbf16, #tpu.memory_space<vmem>>, vector<32xbf16>,
        %unpack3A_406 = tpu.unpack_subelements %get3A_405, 0 {pack_format = #tpu.pack_format<interleaved>} : vector<32xbf16> -> vector<16xf32>
        %unpack3A_407 = tpu.unpack_subelements %get3A_405, 1 {pack_format = #tpu.pack_format<interleaved>} : vector<32xbf16> -> vector<16xf32>
        %add3A_408 = arith.addf %unpack3A, %unpack3A_406 : vector<16xf32>
        %add3A_409 = arith.addf %unpack3A_394, %unpack3A_407 : vector<16xf32>
        %mul3A_410 = arith.constant 16 : i32
        %mul3A_411 = arith.muli %scan3A_384, %mul3A_410 : i32
        %add3A_412 = arith.constant 2 : i32
        %add3A_413 = arith.addi %mul3A_411, %add3A_412 : i32
        %get3A_414 = arith.constant 0 : i32
        %get3A_415 = arith.constant 0 : i32
        %get3A_416 = tpu.memref_slice %arg9[%scan3A_351, %get3A_414, %get3A_415] : memref<2x512x64xbf16, #tpu.memory_space<vmem>> -> memref<1x512x64xbf16, #tpu.memory_space<vmem>>
        %get3A_417 = tpu.memref_squeeze %get3A_416 : memref<1x512x64xbf16, #tpu.memory_space<vmem>> -> memref<512x64xbf16, #tpu.memory_space<vmem>>
        %get3A_418 = arith.index_cast %add3A_413 : i32 to index
        %get3A_419 = arith.constant 0 : index
        %get3A_420 = tpu.vector_load %get3A_417[%get3A_418, %get3A_419] {strides = array<i32>} : memref<512x64xbf16, #tpu.memory_space<vmem>>, vector<32xbf16>,
        %unpack3A_421 = tpu.unpack_subelements %get3A_420, 0 {pack_format = #tpu.pack_format<interleaved>} : vector<32xbf16> -> vector<16xf32>
        %unpack3A_422 = tpu.unpack_subelements %get3A_420, 1 {pack_format = #tpu.pack_format<interleaved>} : vector<32xbf16> -> vector<16xf32>
        %add3A_423 = arith.addf %add3A_408, %unpack3A_421 : vector<16xf32>
        %add3A_424 = arith.addf %add3A_409, %unpack3A_422 : vector<16xf32>
        %mul3A_425 = arith.constant 16 : i32
        %mul3A_426 = arith.muli %scan3A_384, %mul3A_425 : i32
        %add3A_427 = arith.constant 3 : i32
        %add3A_428 = arith.addi %mul3A_426, %add3A_427 : i32
        %get3A_429 = arith.constant 0 : i32
        %get3A_430 = arith.constant 0 : i32
        %get3A_431 = tpu.memref_slice %arg9[%scan3A_351, %get3A_429, %get3A_430] : memref<2x512x64xbf16, #tpu.memory_space<vmem>> -> memref<1x512x64xbf16, #tpu.memory_space<vmem>>
        %get3A_432 = tpu.memref_squeeze %get3A_431 : memref<1x512x64xbf16, #tpu.memory_space<vmem>> -> memref<512x64xbf16, #tpu.memory_space<vmem>>
        %get3A_433 = arith.index_cast %add3A_428 : i32 to index
        %get3A_434 = arith.constant 0 : index
        %get3A_435 = tpu.vector_load %get3A_432[%get3A_433, %get3A_434] {strides = array<i32>} : memref<512x64xbf16, #tpu.memory_space<vmem>>, vector<32xbf16>,
        %unpack3A_436 = tpu.unpack_subelements %get3A_435, 0 {pack_format = #tpu.pack_format<interleaved>} : vector<32xbf16> -> vector<16xf32>
        %unpack3A_437 = tpu.unpack_subelements %get3A_435, 1 {pack_format = #tpu.pack_format<interleaved>} : vector<32xbf16> -> vector<16xf32>
        %add3A_438 = arith.addf %add3A_423, %unpack3A_436 : vector<16xf32>
        %add3A_439 = arith.addf %add3A_424, %unpack3A_437 : vector<16xf32>
        %mul3A_440 = arith.constant 16 : i32
        %mul3A_441 = arith.muli %scan3A_384, %mul3A_440 : i32
        %add3A_442 = arith.constant 4 : i32
        %add3A_443 = arith.addi %mul3A_441, %add3A_442 : i32
        %get3A_444 = arith.constant 0 : i32
        %get3A_445 = arith.constant 0 : i32
        %get3A_446 = tpu.memref_slice %arg9[%scan3A_351, %get3A_444, %get3A_445] : memref<2x512x64xbf16, #tpu.memory_space<vmem>> -> memref<1x512x64xbf16, #tpu.memory_space<vmem>>
        %get3A_447 = tpu.memref_squeeze %get3A_446 : memref<1x512x64xbf16, #tpu.memory_space<vmem>> -> memref<512x64xbf16, #tpu.memory_space<vmem>>
        %get3A_448 = arith.index_cast %add3A_443 : i32 to index
        %get3A_449 = arith.constant 0 : index
        %get3A_450 = tpu.vector_load %get3A_447[%get3A_448, %get3A_449] {strides = array<i32>} : memref<512x64xbf16, #tpu.memory_space<vmem>>, vector<32xbf16>,
        %unpack3A_451 = tpu.unpack_subelements %get3A_450, 0 {pack_format = #tpu.pack_format<interleaved>} : vector<32xbf16> -> vector<16xf32>
        %unpack3A_452 = tpu.unpack_subelements %get3A_450, 1 {pack_format = #tpu.pack_format<interleaved>} : vector<32xbf16> -> vector<16xf32>
        %add3A_453 = arith.addf %add3A_438, %unpack3A_451 : vector<16xf32>
        %add3A_454 = arith.addf %add3A_439, %unpack3A_452 : vector<16xf32>
        %mul3A_455 = arith.constant 16 : i32
        %mul3A_456 = arith.muli %scan3A_384, %mul3A_455 : i32
        %add3A_457 = arith.constant 5 : i32
        %add3A_458 = arith.addi %mul3A_456, %add3A_457 : i32
        %get3A_459 = arith.constant 0 : i32
        %get3A_460 = arith.constant 0 : i32
        %get3A_461 = tpu.memref_slice %arg9[%scan3A_351, %get3A_459, %get3A_460] : memref<2x512x64xbf16, #tpu.memory_space<vmem>> -> memref<1x512x64xbf16, #tpu.memory_space<vmem>>
        %get3A_462 = tpu.memref_squeeze %get3A_461 : memref<1x512x64xbf16, #tpu.memory_space<vmem>> -> memref<512x64xbf16, #tpu.memory_space<vmem>>
        %get3A_463 = arith.index_cast %add3A_458 : i32 to index
        %get3A_464 = arith.constant 0 : index
        %get3A_465 = tpu.vector_load %get3A_462[%get3A_463, %get3A_464] {strides = array<i32>} : memref<512x64xbf16, #tpu.memory_space<vmem>>, vector<32xbf16>,
        %unpack3A_466 = tpu.unpack_subelements %get3A_465, 0 {pack_format = #tpu.pack_format<interleaved>} : vector<32xbf16> -> vector<16xf32>
        %unpack3A_467 = tpu.unpack_subelements %get3A_465, 1 {pack_format = #tpu.pack_format<interleaved>} : vector<32xbf16> -> vector<16xf32>
        %add3A_468 = arith.addf %add3A_453, %unpack3A_466 : vector<16xf32>
        %add3A_469 = arith.addf %add3A_454, %unpack3A_467 : vector<16xf32>
        %mul3A_470 = arith.constant 16 : i32
        %mul3A_471 = arith.muli %scan3A_384, %mul3A_470 : i32
        %add3A_472 = arith.constant 6 : i32
        %add3A_473 = arith.addi %mul3A_471, %add3A_472 : i32
        %get3A_474 = arith.constant 0 : i32
        %get3A_475 = arith.constant 0 : i32
        %get3A_476 = tpu.memref_slice %arg9[%scan3A_351, %get3A_474, %get3A_475] : memref<2x512x64xbf16, #tpu.memory_space<vmem>> -> memref<1x512x64xbf16, #tpu.memory_space<vmem>>
        %get3A_477 = tpu.memref_squeeze %get3A_476 : memref<1x512x64xbf16, #tpu.memory_space<vmem>> -> memref<512x64xbf16, #tpu.memory_space<vmem>>
        %get3A_478 = arith.index_cast %add3A_473 : i32 to index
        %get3A_479 = arith.constant 0 : index
        %get3A_480 = tpu.vector_load %get3A_477[%get3A_478, %get3A_479] {strides = array<i32>} : memref<512x64xbf16, #tpu.memory_space<vmem>>, vector<32xbf16>,
        %unpack3A_481 = tpu.unpack_subelements %get3A_480, 0 {pack_format = #tpu.pack_format<interleaved>} : vector<32xbf16> -> vector<16xf32>
        %unpack3A_482 = tpu.unpack_subelements %get3A_480, 1 {pack_format = #tpu.pack_format<interleaved>} : vector<32xbf16> -> vector<16xf32>
        %add3A_483 = arith.addf %add3A_468, %unpack3A_481 : vector<16xf32>
        %add3A_484 = arith.addf %add3A_469, %unpack3A_482 : vector<16xf32>
        %mul3A_485 = arith.constant 16 : i32
        %mul3A_486 = arith.muli %scan3A_384, %mul3A_485 : i32
        %add3A_487 = arith.constant 7 : i32
        %add3A_488 = arith.addi %mul3A_486, %add3A_487 : i32
        %get3A_489 = arith.constant 0 : i32
        %get3A_490 = arith.constant 0 : i32
        %get3A_491 = tpu.memref_slice %arg9[%scan3A_351, %get3A_489, %get3A_490] : memref<2x512x64xbf16, #tpu.memory_space<vmem>> -> memref<1x512x64xbf16, #tpu.memory_space<vmem>>
        %get3A_492 = tpu.memref_squeeze %get3A_491 : memref<1x512x64xbf16, #tpu.memory_space<vmem>> -> memref<512x64xbf16, #tpu.memory_space<vmem>>
        %get3A_493 = arith.index_cast %add3A_488 : i32 to index
        %get3A_494 = arith.constant 0 : index
        %get3A_495 = tpu.vector_load %get3A_492[%get3A_493, %get3A_494] {strides = array<i32>} : memref<512x64xbf16, #tpu.memory_space<vmem>>, vector<32xbf16>,
        %unpack3A_496 = tpu.unpack_subelements %get3A_495, 0 {pack_format = #tpu.pack_format<interleaved>} : vector<32xbf16> -> vector<16xf32>
        %unpack3A_497 = tpu.unpack_subelements %get3A_495, 1 {pack_format = #tpu.pack_format<interleaved>} : vector<32xbf16> -> vector<16xf32>
        %add3A_498 = arith.addf %add3A_483, %unpack3A_496 : vector<16xf32>
        %add3A_499 = arith.addf %add3A_484, %unpack3A_497 : vector<16xf32>
        %mul3A_500 = arith.constant 16 : i32
        %mul3A_501 = arith.muli %scan3A_384, %mul3A_500 : i32
        %add3A_502 = arith.constant 8 : i32
        %add3A_503 = arith.addi %mul3A_501, %add3A_502 : i32
        %get3A_504 = arith.constant 0 : i32
        %get3A_505 = arith.constant 0 : i32
        %get3A_506 = tpu.memref_slice %arg9[%scan3A_351, %get3A_504, %get3A_505] : memref<2x512x64xbf16, #tpu.memory_space<vmem>> -> memref<1x512x64xbf16, #tpu.memory_space<vmem>>
        %get3A_507 = tpu.memref_squeeze %get3A_506 : memref<1x512x64xbf16, #tpu.memory_space<vmem>> -> memref<512x64xbf16, #tpu.memory_space<vmem>>
        %get3A_508 = arith.index_cast %add3A_503 : i32 to index
        %get3A_509 = arith.constant 0 : index
        %get3A_510 = tpu.vector_load %get3A_507[%get3A_508, %get3A_509] {strides = array<i32>} : memref<512x64xbf16, #tpu.memory_space<vmem>>, vector<32xbf16>,
        %unpack3A_511 = tpu.unpack_subelements %get3A_510, 0 {pack_format = #tpu.pack_format<interleaved>} : vector<32xbf16> -> vector<16xf32>
        %unpack3A_512 = tpu.unpack_subelements %get3A_510, 1 {pack_format = #tpu.pack_format<interleaved>} : vector<32xbf16> -> vector<16xf32>
        %add3A_513 = arith.addf %add3A_498, %unpack3A_511 : vector<16xf32>
        %add3A_514 = arith.addf %add3A_499, %unpack3A_512 : vector<16xf32>
        %mul3A_515 = arith.constant 16 : i32
        %mul3A_516 = arith.muli %scan3A_384, %mul3A_515 : i32
        %add3A_517 = arith.constant 9 : i32
        %add3A_518 = arith.addi %mul3A_516, %add3A_517 : i32
        %get3A_519 = arith.constant 0 : i32
        %get3A_520 = arith.constant 0 : i32
        %get3A_521 = tpu.memref_slice %arg9[%scan3A_351, %get3A_519, %get3A_520] : memref<2x512x64xbf16, #tpu.memory_space<vmem>> -> memref<1x512x64xbf16, #tpu.memory_space<vmem>>
        %get3A_522 = tpu.memref_squeeze %get3A_521 : memref<1x512x64xbf16, #tpu.memory_space<vmem>> -> memref<512x64xbf16, #tpu.memory_space<vmem>>
        %get3A_523 = arith.index_cast %add3A_518 : i32 to index
        %get3A_524 = arith.constant 0 : index
        %get3A_525 = tpu.vector_load %get3A_522[%get3A_523, %get3A_524] {strides = array<i32>} : memref<512x64xbf16, #tpu.memory_space<vmem>>, vector<32xbf16>,
        %unpack3A_526 = tpu.unpack_subelements %get3A_525, 0 {pack_format = #tpu.pack_format<interleaved>} : vector<32xbf16> -> vector<16xf32>
        %unpack3A_527 = tpu.unpack_subelements %get3A_525, 1 {pack_format = #tpu.pack_format<interleaved>} : vector<32xbf16> -> vector<16xf32>
        %add3A_528 = arith.addf %add3A_513, %unpack3A_526 : vector<16xf32>
        %add3A_529 = arith.addf %add3A_514, %unpack3A_527 : vector<16xf32>
        %mul3A_530 = arith.constant 16 : i32
        %mul3A_531 = arith.muli %scan3A_384, %mul3A_530 : i32
        %add3A_532 = arith.constant 10 : i32
        %add3A_533 = arith.addi %mul3A_531, %add3A_532 : i32
        %get3A_534 = arith.constant 0 : i32
        %get3A_535 = arith.constant 0 : i32
        %get3A_536 = tpu.memref_slice %arg9[%scan3A_351, %get3A_534, %get3A_535] : memref<2x512x64xbf16, #tpu.memory_space<vmem>> -> memref<1x512x64xbf16, #tpu.memory_space<vmem>>
        %get3A_537 = tpu.memref_squeeze %get3A_536 : memref<1x512x64xbf16, #tpu.memory_space<vmem>> -> memref<512x64xbf16, #tpu.memory_space<vmem>>
        %get3A_538 = arith.index_cast %add3A_533 : i32 to index
        %get3A_539 = arith.constant 0 : index
        %get3A_540 = tpu.vector_load %get3A_537[%get3A_538, %get3A_539] {strides = array<i32>} : memref<512x64xbf16, #tpu.memory_space<vmem>>, vector<32xbf16>,
        %unpack3A_541 = tpu.unpack_subelements %get3A_540, 0 {pack_format = #tpu.pack_format<interleaved>} : vector<32xbf16> -> vector<16xf32>
        %unpack3A_542 = tpu.unpack_subelements %get3A_540, 1 {pack_format = #tpu.pack_format<interleaved>} : vector<32xbf16> -> vector<16xf32>
        %add3A_543 = arith.addf %add3A_528, %unpack3A_541 : vector<16xf32>
        %add3A_544 = arith.addf %add3A_529, %unpack3A_542 : vector<16xf32>
        %mul3A_545 = arith.constant 16 : i32
        %mul3A_546 = arith.muli %scan3A_384, %mul3A_545 : i32
        %add3A_547 = arith.constant 11 : i32
        %add3A_548 = arith.addi %mul3A_546, %add3A_547 : i32
        %get3A_549 = arith.constant 0 : i32
        %get3A_550 = arith.constant 0 : i32
        %get3A_551 = tpu.memref_slice %arg9[%scan3A_351, %get3A_549, %get3A_550] : memref<2x512x64xbf16, #tpu.memory_space<vmem>> -> memref<1x512x64xbf16, #tpu.memory_space<vmem>>
        %get3A_552 = tpu.memref_squeeze %get3A_551 : memref<1x512x64xbf16, #tpu.memory_space<vmem>> -> memref<512x64xbf16, #tpu.memory_space<vmem>>
        %get3A_553 = arith.index_cast %add3A_548 : i32 to index
        %get3A_554 = arith.constant 0 : index
        %get3A_555 = tpu.vector_load %get3A_552[%get3A_553, %get3A_554] {strides = array<i32>} : memref<512x64xbf16, #tpu.memory_space<vmem>>, vector<32xbf16>,
        %unpack3A_556 = tpu.unpack_subelements %get3A_555, 0 {pack_format = #tpu.pack_format<interleaved>} : vector<32xbf16> -> vector<16xf32>
        %unpack3A_557 = tpu.unpack_subelements %get3A_555, 1 {pack_format = #tpu.pack_format<interleaved>} : vector<32xbf16> -> vector<16xf32>
        %add3A_558 = arith.addf %add3A_543, %unpack3A_556 : vector<16xf32>
        %add3A_559 = arith.addf %add3A_544, %unpack3A_557 : vector<16xf32>
        %mul3A_560 = arith.constant 16 : i32
        %mul3A_561 = arith.muli %scan3A_384, %mul3A_560 : i32
        %add3A_562 = arith.constant 12 : i32
        %add3A_563 = arith.addi %mul3A_561, %add3A_562 : i32
        %get3A_564 = arith.constant 0 : i32
        %get3A_565 = arith.constant 0 : i32
        %get3A_566 = tpu.memref_slice %arg9[%scan3A_351, %get3A_564, %get3A_565] : memref<2x512x64xbf16, #tpu.memory_space<vmem>> -> memref<1x512x64xbf16, #tpu.memory_space<vmem>>
        %get3A_567 = tpu.memref_squeeze %get3A_566 : memref<1x512x64xbf16, #tpu.memory_space<vmem>> -> memref<512x64xbf16, #tpu.memory_space<vmem>>
        %get3A_568 = arith.index_cast %add3A_563 : i32 to index
        %get3A_569 = arith.constant 0 : index
        %get3A_570 = tpu.vector_load %get3A_567[%get3A_568, %get3A_569] {strides = array<i32>} : memref<512x64xbf16, #tpu.memory_space<vmem>>, vector<32xbf16>,
        %unpack3A_571 = tpu.unpack_subelements %get3A_570, 0 {pack_format = #tpu.pack_format<interleaved>} : vector<32xbf16> -> vector<16xf32>
        %unpack3A_572 = tpu.unpack_subelements %get3A_570, 1 {pack_format = #tpu.pack_format<interleaved>} : vector<32xbf16> -> vector<16xf32>
        %add3A_573 = arith.addf %add3A_558, %unpack3A_571 : vector<16xf32>
        %add3A_574 = arith.addf %add3A_559, %unpack3A_572 : vector<16xf32>
        %mul3A_575 = arith.constant 16 : i32
        %mul3A_576 = arith.muli %scan3A_384, %mul3A_575 : i32
        %add3A_577 = arith.constant 13 : i32
        %add3A_578 = arith.addi %mul3A_576, %add3A_577 : i32
        %get3A_579 = arith.constant 0 : i32
        %get3A_580 = arith.constant 0 : i32
        %get3A_581 = tpu.memref_slice %arg9[%scan3A_351, %get3A_579, %get3A_580] : memref<2x512x64xbf16, #tpu.memory_space<vmem>> -> memref<1x512x64xbf16, #tpu.memory_space<vmem>>
        %get3A_582 = tpu.memref_squeeze %get3A_581 : memref<1x512x64xbf16, #tpu.memory_space<vmem>> -> memref<512x64xbf16, #tpu.memory_space<vmem>>
        %get3A_583 = arith.index_cast %add3A_578 : i32 to index
        %get3A_584 = arith.constant 0 : index
        %get3A_585 = tpu.vector_load %get3A_582[%get3A_583, %get3A_584] {strides = array<i32>} : memref<512x64xbf16, #tpu.memory_space<vmem>>, vector<32xbf16>,
        %unpack3A_586 = tpu.unpack_subelements %get3A_585, 0 {pack_format = #tpu.pack_format<interleaved>} : vector<32xbf16> -> vector<16xf32>
        %unpack3A_587 = tpu.unpack_subelements %get3A_585, 1 {pack_format = #tpu.pack_format<interleaved>} : vector<32xbf16> -> vector<16xf32>
        %add3A_588 = arith.addf %add3A_573, %unpack3A_586 : vector<16xf32>
        %add3A_589 = arith.addf %add3A_574, %unpack3A_587 : vector<16xf32>
        %mul3A_590 = arith.constant 16 : i32
        %mul3A_591 = arith.muli %scan3A_384, %mul3A_590 : i32
        %add3A_592 = arith.constant 14 : i32
        %add3A_593 = arith.addi %mul3A_591, %add3A_592 : i32
        %get3A_594 = arith.constant 0 : i32
        %get3A_595 = arith.constant 0 : i32
        %get3A_596 = tpu.memref_slice %arg9[%scan3A_351, %get3A_594, %get3A_595] : memref<2x512x64xbf16, #tpu.memory_space<vmem>> -> memref<1x512x64xbf16, #tpu.memory_space<vmem>>
        %get3A_597 = tpu.memref_squeeze %get3A_596 : memref<1x512x64xbf16, #tpu.memory_space<vmem>> -> memref<512x64xbf16, #tpu.memory_space<vmem>>
        %get3A_598 = arith.index_cast %add3A_593 : i32 to index
        %get3A_599 = arith.constant 0 : index
        %get3A_600 = tpu.vector_load %get3A_597[%get3A_598, %get3A_599] {strides = array<i32>} : memref<512x64xbf16, #tpu.memory_space<vmem>>, vector<32xbf16>,
        %unpack3A_601 = tpu.unpack_subelements %get3A_600, 0 {pack_format = #tpu.pack_format<interleaved>} : vector<32xbf16> -> vector<16xf32>
        %unpack3A_602 = tpu.unpack_subelements %get3A_600, 1 {pack_format = #tpu.pack_format<interleaved>} : vector<32xbf16> -> vector<16xf32>
        %add3A_603 = arith.addf %add3A_588, %unpack3A_601 : vector<16xf32>
        %add3A_604 = arith.addf %add3A_589, %unpack3A_602 : vector<16xf32>
        %mul3A_605 = arith.constant 16 : i32
        %mul3A_606 = arith.muli %scan3A_384, %mul3A_605 : i32
        %add3A_607 = arith.constant 15 : i32
        %add3A_608 = arith.addi %mul3A_606, %add3A_607 : i32
        %get3A_609 = arith.constant 0 : i32
        %get3A_610 = arith.constant 0 : i32
        %get3A_611 = tpu.memref_slice %arg9[%scan3A_351, %get3A_609, %get3A_610] : memref<2x512x64xbf16, #tpu.memory_space<vmem>> -> memref<1x512x64xbf16, #tpu.memory_space<vmem>>
        %get3A_612 = tpu.memref_squeeze %get3A_611 : memref<1x512x64xbf16, #tpu.memory_space<vmem>> -> memref<512x64xbf16, #tpu.memory_space<vmem>>
        %get3A_613 = arith.index_cast %add3A_608 : i32 to index
        %get3A_614 = arith.constant 0 : index
        %get3A_615 = tpu.vector_load %get3A_612[%get3A_613, %get3A_614] {strides = array<i32>} : memref<512x64xbf16, #tpu.memory_space<vmem>>, vector<32xbf16>,
        %unpack3A_616 = tpu.unpack_subelements %get3A_615, 0 {pack_format = #tpu.pack_format<interleaved>} : vector<32xbf16> -> vector<16xf32>
        %unpack3A_617 = tpu.unpack_subelements %get3A_615, 1 {pack_format = #tpu.pack_format<interleaved>} : vector<32xbf16> -> vector<16xf32>
        %add3A_618 = arith.addf %add3A_603, %unpack3A_616 : vector<16xf32>
        %add3A_619 = arith.addf %add3A_604, %unpack3A_617 : vector<16xf32>
        %mul3A_620 = arith.constant 6.250000e-02 : f32
        %mul3A_621 = vector.broadcast %mul3A_620 : f32 to vector<16xf32>
        %mul3A_622 = arith.mulf %add3A_618, %mul3A_621 : vector<16xf32>
        %swap3A = arith.constant 1 : i32
        %swap3A_623 = arith.index_cast %swap3A : i32 to index
        %swap3A_624 = arith.index_cast %scan3A_384 : i32 to index
        %swap3A_625 = arith.constant 0 : index
        %swap3A_626 = tpu.vector_load %arg10[%swap3A_623, %swap3A_624, %swap3A_625] {strides = array<i32>} : memref<2x32x64xf32, #tpu.memory_space<vmem>>, vector<16xf32>,
        tpu.vector_store %arg10[%swap3A_623, %swap3A_624, %swap3A_625], %mul3A_622 {strides = array<i32>} : memref<2x32x64xf32, #tpu.memory_space<vmem>>, vector<16xf32>,
        %mul3A_627 = arith.constant 6.250000e-02 : f32
        %mul3A_628 = vector.broadcast %mul3A_627 : f32 to vector<16xf32>
        %mul3A_629 = arith.mulf %add3A_619, %mul3A_628 : vector<16xf32>
        %swap3A_630 = arith.constant 1 : i32
        %swap3A_631 = arith.index_cast %swap3A_630 : i32 to index
        %swap3A_632 = arith.index_cast %scan3A_384 : i32 to index
        %swap3A_633 = arith.constant 16 : index
        %swap3A_634 = tpu.vector_load %arg10[%swap3A_631, %swap3A_632, %swap3A_633] {strides = array<i32>} : memref<2x32x64xf32, #tpu.memory_space<vmem>>, vector<16xf32>,
        tpu.vector_store %arg10[%swap3A_631, %swap3A_632, %swap3A_633], %mul3A_629 {strides = array<i32>} : memref<2x32x64xf32, #tpu.memory_space<vmem>>, vector<16xf32>,
        %mul3A_635 = arith.constant 16 : i32
        %mul3A_636 = arith.muli %scan3A_384, %mul3A_635 : i32
        %get3A_637 = arith.constant 0 : i32
        %get3A_638 = arith.constant 0 : i32
        %get3A_639 = tpu.memref_slice %arg9[%scan3A_351, %get3A_637, %get3A_638] : memref<2x512x64xbf16, #tpu.memory_space<vmem>> -> memref<1x512x64xbf16, #tpu.memory_space<vmem>>
        %get3A_640 = tpu.memref_squeeze %get3A_639 : memref<1x512x64xbf16, #tpu.memory_space<vmem>> -> memref<512x64xbf16, #tpu.memory_space<vmem>>
        %get3A_641 = arith.index_cast %mul3A_636 : i32 to index
        %get3A_642 = arith.constant 32 : index
        %get3A_643 = tpu.vector_load %get3A_640[%get3A_641, %get3A_642] {strides = array<i32>} : memref<512x64xbf16, #tpu.memory_space<vmem>>, vector<32xbf16>,
        %unpack3A_644 = tpu.unpack_subelements %get3A_643, 0 {pack_format = #tpu.pack_format<interleaved>} : vector<32xbf16> -> vector<16xf32>
        %unpack3A_645 = tpu.unpack_subelements %get3A_643, 1 {pack_format = #tpu.pack_format<interleaved>} : vector<32xbf16> -> vector<16xf32>
        %mul3A_646 = arith.constant 16 : i32
        %mul3A_647 = arith.muli %scan3A_384, %mul3A_646 : i32
        %add3A_648 = arith.constant 1 : i32
        %add3A_649 = arith.addi %mul3A_647, %add3A_648 : i32
        %get3A_650 = arith.constant 0 : i32
        %get3A_651 = arith.constant 0 : i32
        %get3A_652 = tpu.memref_slice %arg9[%scan3A_351, %get3A_650, %get3A_651] : memref<2x512x64xbf16, #tpu.memory_space<vmem>> -> memref<1x512x64xbf16, #tpu.memory_space<vmem>>
        %get3A_653 = tpu.memref_squeeze %get3A_652 : memref<1x512x64xbf16, #tpu.memory_space<vmem>> -> memref<512x64xbf16, #tpu.memory_space<vmem>>
        %get3A_654 = arith.index_cast %add3A_649 : i32 to index
        %get3A_655 = arith.constant 32 : index
        %get3A_656 = tpu.vector_load %get3A_653[%get3A_654, %get3A_655] {strides = array<i32>} : memref<512x64xbf16, #tpu.memory_space<vmem>>, vector<32xbf16>,
        %unpack3A_657 = tpu.unpack_subelements %get3A_656, 0 {pack_format = #tpu.pack_format<interleaved>} : vector<32xbf16> -> vector<16xf32>
        %unpack3A_658 = tpu.unpack_subelements %get3A_656, 1 {pack_format = #tpu.pack_format<interleaved>} : vector<32xbf16> -> vector<16xf32>
        %add3A_659 = arith.addf %unpack3A_644, %unpack3A_657 : vector<16xf32>
        %add3A_660 = arith.addf %unpack3A_645, %unpack3A_658 : vector<16xf32>
        %mul3A_661 = arith.constant 16 : i32
        %mul3A_662 = arith.muli %scan3A_384, %mul3A_661 : i32
        %add3A_663 = arith.constant 2 : i32
        %add3A_664 = arith.addi %mul3A_662, %add3A_663 : i32
        %get3A_665 = arith.constant 0 : i32
        %get3A_666 = arith.constant 0 : i32
        %get3A_667 = tpu.memref_slice %arg9[%scan3A_351, %get3A_665, %get3A_666] : memref<2x512x64xbf16, #tpu.memory_space<vmem>> -> memref<1x512x64xbf16, #tpu.memory_space<vmem>>
        %get3A_668 = tpu.memref_squeeze %get3A_667 : memref<1x512x64xbf16, #tpu.memory_space<vmem>> -> memref<512x64xbf16, #tpu.memory_space<vmem>>
        %get3A_669 = arith.index_cast %add3A_664 : i32 to index
        %get3A_670 = arith.constant 32 : index
        %get3A_671 = tpu.vector_load %get3A_668[%get3A_669, %get3A_670] {strides = array<i32>} : memref<512x64xbf16, #tpu.memory_space<vmem>>, vector<32xbf16>,
        %unpack3A_672 = tpu.unpack_subelements %get3A_671, 0 {pack_format = #tpu.pack_format<interleaved>} : vector<32xbf16> -> vector<16xf32>
        %unpack3A_673 = tpu.unpack_subelements %get3A_671, 1 {pack_format = #tpu.pack_format<interleaved>} : vector<32xbf16> -> vector<16xf32>
        %add3A_674 = arith.addf %add3A_659, %unpack3A_672 : vector<16xf32>
        %add3A_675 = arith.addf %add3A_660, %unpack3A_673 : vector<16xf32>
        %mul3A_676 = arith.constant 16 : i32
        %mul3A_677 = arith.muli %scan3A_384, %mul3A_676 : i32
        %add3A_678 = arith.constant 3 : i32
        %add3A_679 = arith.addi %mul3A_677, %add3A_678 : i32
        %get3A_680 = arith.constant 0 : i32
        %get3A_681 = arith.constant 0 : i32
        %get3A_682 = tpu.memref_slice %arg9[%scan3A_351, %get3A_680, %get3A_681] : memref<2x512x64xbf16, #tpu.memory_space<vmem>> -> memref<1x512x64xbf16, #tpu.memory_space<vmem>>
        %get3A_683 = tpu.memref_squeeze %get3A_682 : memref<1x512x64xbf16, #tpu.memory_space<vmem>> -> memref<512x64xbf16, #tpu.memory_space<vmem>>
        %get3A_684 = arith.index_cast %add3A_679 : i32 to index
        %get3A_685 = arith.constant 32 : index
        %get3A_686 = tpu.vector_load %get3A_683[%get3A_684, %get3A_685] {strides = array<i32>} : memref<512x64xbf16, #tpu.memory_space<vmem>>, vector<32xbf16>,
        %unpack3A_687 = tpu.unpack_subelements %get3A_686, 0 {pack_format = #tpu.pack_format<interleaved>} : vector<32xbf16> -> vector<16xf32>
        %unpack3A_688 = tpu.unpack_subelements %get3A_686, 1 {pack_format = #tpu.pack_format<interleaved>} : vector<32xbf16> -> vector<16xf32>
        %add3A_689 = arith.addf %add3A_674, %unpack3A_687 : vector<16xf32>
        %add3A_690 = arith.addf %add3A_675, %unpack3A_688 : vector<16xf32>
        %mul3A_691 = arith.constant 16 : i32
        %mul3A_692 = arith.muli %scan3A_384, %mul3A_691 : i32
        %add3A_693 = arith.constant 4 : i32
        %add3A_694 = arith.addi %mul3A_692, %add3A_693 : i32
        %get3A_695 = arith.constant 0 : i32
        %get3A_696 = arith.constant 0 : i32
        %get3A_697 = tpu.memref_slice %arg9[%scan3A_351, %get3A_695, %get3A_696] : memref<2x512x64xbf16, #tpu.memory_space<vmem>> -> memref<1x512x64xbf16, #tpu.memory_space<vmem>>
        %get3A_698 = tpu.memref_squeeze %get3A_697 : memref<1x512x64xbf16, #tpu.memory_space<vmem>> -> memref<512x64xbf16, #tpu.memory_space<vmem>>
        %get3A_699 = arith.index_cast %add3A_694 : i32 to index
        %get3A_700 = arith.constant 32 : index
        %get3A_701 = tpu.vector_load %get3A_698[%get3A_699, %get3A_700] {strides = array<i32>} : memref<512x64xbf16, #tpu.memory_space<vmem>>, vector<32xbf16>,
        %unpack3A_702 = tpu.unpack_subelements %get3A_701, 0 {pack_format = #tpu.pack_format<interleaved>} : vector<32xbf16> -> vector<16xf32>
        %unpack3A_703 = tpu.unpack_subelements %get3A_701, 1 {pack_format = #tpu.pack_format<interleaved>} : vector<32xbf16> -> vector<16xf32>
        %add3A_704 = arith.addf %add3A_689, %unpack3A_702 : vector<16xf32>
        %add3A_705 = arith.addf %add3A_690, %unpack3A_703 : vector<16xf32>
        %mul3A_706 = arith.constant 16 : i32
        %mul3A_707 = arith.muli %scan3A_384, %mul3A_706 : i32
        %add3A_708 = arith.constant 5 : i32
        %add3A_709 = arith.addi %mul3A_707, %add3A_708 : i32
        %get3A_710 = arith.constant 0 : i32
        %get3A_711 = arith.constant 0 : i32
        %get3A_712 = tpu.memref_slice %arg9[%scan3A_351, %get3A_710, %get3A_711] : memref<2x512x64xbf16, #tpu.memory_space<vmem>> -> memref<1x512x64xbf16, #tpu.memory_space<vmem>>
        %get3A_713 = tpu.memref_squeeze %get3A_712 : memref<1x512x64xbf16, #tpu.memory_space<vmem>> -> memref<512x64xbf16, #tpu.memory_space<vmem>>
        %get3A_714 = arith.index_cast %add3A_709 : i32 to index
        %get3A_715 = arith.constant 32 : index
        %get3A_716 = tpu.vector_load %get3A_713[%get3A_714, %get3A_715] {strides = array<i32>} : memref<512x64xbf16, #tpu.memory_space<vmem>>, vector<32xbf16>,
        %unpack3A_717 = tpu.unpack_subelements %get3A_716, 0 {pack_format = #tpu.pack_format<interleaved>} : vector<32xbf16> -> vector<16xf32>
        %unpack3A_718 = tpu.unpack_subelements %get3A_716, 1 {pack_format = #tpu.pack_format<interleaved>} : vector<32xbf16> -> vector<16xf32>
        %add3A_719 = arith.addf %add3A_704, %unpack3A_717 : vector<16xf32>
        %add3A_720 = arith.addf %add3A_705, %unpack3A_718 : vector<16xf32>
        %mul3A_721 = arith.constant 16 : i32
        %mul3A_722 = arith.muli %scan3A_384, %mul3A_721 : i32
        %add3A_723 = arith.constant 6 : i32
        %add3A_724 = arith.addi %mul3A_722, %add3A_723 : i32
        %get3A_725 = arith.constant 0 : i32
        %get3A_726 = arith.constant 0 : i32
        %get3A_727 = tpu.memref_slice %arg9[%scan3A_351, %get3A_725, %get3A_726] : memref<2x512x64xbf16, #tpu.memory_space<vmem>> -> memref<1x512x64xbf16, #tpu.memory_space<vmem>>
        %get3A_728 = tpu.memref_squeeze %get3A_727 : memref<1x512x64xbf16, #tpu.memory_space<vmem>> -> memref<512x64xbf16, #tpu.memory_space<vmem>>
        %get3A_729 = arith.index_cast %add3A_724 : i32 to index
        %get3A_730 = arith.constant 32 : index
        %get3A_731 = tpu.vector_load %get3A_728[%get3A_729, %get3A_730] {strides = array<i32>} : memref<512x64xbf16, #tpu.memory_space<vmem>>, vector<32xbf16>,
        %unpack3A_732 = tpu.unpack_subelements %get3A_731, 0 {pack_format = #tpu.pack_format<interleaved>} : vector<32xbf16> -> vector<16xf32>
        %unpack3A_733 = tpu.unpack_subelements %get3A_731, 1 {pack_format = #tpu.pack_format<interleaved>} : vector<32xbf16> -> vector<16xf32>
        %add3A_734 = arith.addf %add3A_719, %unpack3A_732 : vector<16xf32>
        %add3A_735 = arith.addf %add3A_720, %unpack3A_733 : vector<16xf32>
        %mul3A_736 = arith.constant 16 : i32
        %mul3A_737 = arith.muli %scan3A_384, %mul3A_736 : i32
        %add3A_738 = arith.constant 7 : i32
        %add3A_739 = arith.addi %mul3A_737, %add3A_738 : i32
        %get3A_740 = arith.constant 0 : i32
        %get3A_741 = arith.constant 0 : i32
        %get3A_742 = tpu.memref_slice %arg9[%scan3A_351, %get3A_740, %get3A_741] : memref<2x512x64xbf16, #tpu.memory_space<vmem>> -> memref<1x512x64xbf16, #tpu.memory_space<vmem>>
        %get3A_743 = tpu.memref_squeeze %get3A_742 : memref<1x512x64xbf16, #tpu.memory_space<vmem>> -> memref<512x64xbf16, #tpu.memory_space<vmem>>
        %get3A_744 = arith.index_cast %add3A_739 : i32 to index
        %get3A_745 = arith.constant 32 : index
        %get3A_746 = tpu.vector_load %get3A_743[%get3A_744, %get3A_745] {strides = array<i32>} : memref<512x64xbf16, #tpu.memory_space<vmem>>, vector<32xbf16>,
        %unpack3A_747 = tpu.unpack_subelements %get3A_746, 0 {pack_format = #tpu.pack_format<interleaved>} : vector<32xbf16> -> vector<16xf32>
        %unpack3A_748 = tpu.unpack_subelements %get3A_746, 1 {pack_format = #tpu.pack_format<interleaved>} : vector<32xbf16> -> vector<16xf32>
        %add3A_749 = arith.addf %add3A_734, %unpack3A_747 : vector<16xf32>
        %add3A_750 = arith.addf %add3A_735, %unpack3A_748 : vector<16xf32>
        %mul3A_751 = arith.constant 16 : i32
        %mul3A_752 = arith.muli %scan3A_384, %mul3A_751 : i32
        %add3A_753 = arith.constant 8 : i32
        %add3A_754 = arith.addi %mul3A_752, %add3A_753 : i32
        %get3A_755 = arith.constant 0 : i32
        %get3A_756 = arith.constant 0 : i32
        %get3A_757 = tpu.memref_slice %arg9[%scan3A_351, %get3A_755, %get3A_756] : memref<2x512x64xbf16, #tpu.memory_space<vmem>> -> memref<1x512x64xbf16, #tpu.memory_space<vmem>>
        %get3A_758 = tpu.memref_squeeze %get3A_757 : memref<1x512x64xbf16, #tpu.memory_space<vmem>> -> memref<512x64xbf16, #tpu.memory_space<vmem>>
        %get3A_759 = arith.index_cast %add3A_754 : i32 to index
        %get3A_760 = arith.constant 32 : index
        %get3A_761 = tpu.vector_load %get3A_758[%get3A_759, %get3A_760] {strides = array<i32>} : memref<512x64xbf16, #tpu.memory_space<vmem>>, vector<32xbf16>,
        %unpack3A_762 = tpu.unpack_subelements %get3A_761, 0 {pack_format = #tpu.pack_format<interleaved>} : vector<32xbf16> -> vector<16xf32>
        %unpack3A_763 = tpu.unpack_subelements %get3A_761, 1 {pack_format = #tpu.pack_format<interleaved>} : vector<32xbf16> -> vector<16xf32>
        %add3A_764 = arith.addf %add3A_749, %unpack3A_762 : vector<16xf32>
        %add3A_765 = arith.addf %add3A_750, %unpack3A_763 : vector<16xf32>
        %mul3A_766 = arith.constant 16 : i32
        %mul3A_767 = arith.muli %scan3A_384, %mul3A_766 : i32
        %add3A_768 = arith.constant 9 : i32
        %add3A_769 = arith.addi %mul3A_767, %add3A_768 : i32
        %get3A_770 = arith.constant 0 : i32
        %get3A_771 = arith.constant 0 : i32
        %get3A_772 = tpu.memref_slice %arg9[%scan3A_351, %get3A_770, %get3A_771] : memref<2x512x64xbf16, #tpu.memory_space<vmem>> -> memref<1x512x64xbf16, #tpu.memory_space<vmem>>
        %get3A_773 = tpu.memref_squeeze %get3A_772 : memref<1x512x64xbf16, #tpu.memory_space<vmem>> -> memref<512x64xbf16, #tpu.memory_space<vmem>>
        %get3A_774 = arith.index_cast %add3A_769 : i32 to index
        %get3A_775 = arith.constant 32 : index
        %get3A_776 = tpu.vector_load %get3A_773[%get3A_774, %get3A_775] {strides = array<i32>} : memref<512x64xbf16, #tpu.memory_space<vmem>>, vector<32xbf16>,
        %unpack3A_777 = tpu.unpack_subelements %get3A_776, 0 {pack_format = #tpu.pack_format<interleaved>} : vector<32xbf16> -> vector<16xf32>
        %unpack3A_778 = tpu.unpack_subelements %get3A_776, 1 {pack_format = #tpu.pack_format<interleaved>} : vector<32xbf16> -> vector<16xf32>
        %add3A_779 = arith.addf %add3A_764, %unpack3A_777 : vector<16xf32>
        %add3A_780 = arith.addf %add3A_765, %unpack3A_778 : vector<16xf32>
        %mul3A_781 = arith.constant 16 : i32
        %mul3A_782 = arith.muli %scan3A_384, %mul3A_781 : i32
        %add3A_783 = arith.constant 10 : i32
        %add3A_784 = arith.addi %mul3A_782, %add3A_783 : i32
        %get3A_785 = arith.constant 0 : i32
        %get3A_786 = arith.constant 0 : i32
        %get3A_787 = tpu.memref_slice %arg9[%scan3A_351, %get3A_785, %get3A_786] : memref<2x512x64xbf16, #tpu.memory_space<vmem>> -> memref<1x512x64xbf16, #tpu.memory_space<vmem>>
        %get3A_788 = tpu.memref_squeeze %get3A_787 : memref<1x512x64xbf16, #tpu.memory_space<vmem>> -> memref<512x64xbf16, #tpu.memory_space<vmem>>
        %get3A_789 = arith.index_cast %add3A_784 : i32 to index
        %get3A_790 = arith.constant 32 : index
        %get3A_791 = tpu.vector_load %get3A_788[%get3A_789, %get3A_790] {strides = array<i32>} : memref<512x64xbf16, #tpu.memory_space<vmem>>, vector<32xbf16>,
        %unpack3A_792 = tpu.unpack_subelements %get3A_791, 0 {pack_format = #tpu.pack_format<interleaved>} : vector<32xbf16> -> vector<16xf32>
        %unpack3A_793 = tpu.unpack_subelements %get3A_791, 1 {pack_format = #tpu.pack_format<interleaved>} : vector<32xbf16> -> vector<16xf32>
        %add3A_794 = arith.addf %add3A_779, %unpack3A_792 : vector<16xf32>
        %add3A_795 = arith.addf %add3A_780, %unpack3A_793 : vector<16xf32>
        %mul3A_796 = arith.constant 16 : i32
        %mul3A_797 = arith.muli %scan3A_384, %mul3A_796 : i32
        %add3A_798 = arith.constant 11 : i32
        %add3A_799 = arith.addi %mul3A_797, %add3A_798 : i32
        %get3A_800 = arith.constant 0 : i32
        %get3A_801 = arith.constant 0 : i32
        %get3A_802 = tpu.memref_slice %arg9[%scan3A_351, %get3A_800, %get3A_801] : memref<2x512x64xbf16, #tpu.memory_space<vmem>> -> memref<1x512x64xbf16, #tpu.memory_space<vmem>>
        %get3A_803 = tpu.memref_squeeze %get3A_802 : memref<1x512x64xbf16, #tpu.memory_space<vmem>> -> memref<512x64xbf16, #tpu.memory_space<vmem>>
        %get3A_804 = arith.index_cast %add3A_799 : i32 to index
        %get3A_805 = arith.constant 32 : index
        %get3A_806 = tpu.vector_load %get3A_803[%get3A_804, %get3A_805] {strides = array<i32>} : memref<512x64xbf16, #tpu.memory_space<vmem>>, vector<32xbf16>,
        %unpack3A_807 = tpu.unpack_subelements %get3A_806, 0 {pack_format = #tpu.pack_format<interleaved>} : vector<32xbf16> -> vector<16xf32>
        %unpack3A_808 = tpu.unpack_subelements %get3A_806, 1 {pack_format = #tpu.pack_format<interleaved>} : vector<32xbf16> -> vector<16xf32>
        %add3A_809 = arith.addf %add3A_794, %unpack3A_807 : vector<16xf32>
        %add3A_810 = arith.addf %add3A_795, %unpack3A_808 : vector<16xf32>
        %mul3A_811 = arith.constant 16 : i32
        %mul3A_812 = arith.muli %scan3A_384, %mul3A_811 : i32
        %add3A_813 = arith.constant 12 : i32
        %add3A_814 = arith.addi %mul3A_812, %add3A_813 : i32
        %get3A_815 = arith.constant 0 : i32
        %get3A_816 = arith.constant 0 : i32
        %get3A_817 = tpu.memref_slice %arg9[%scan3A_351, %get3A_815, %get3A_816] : memref<2x512x64xbf16, #tpu.memory_space<vmem>> -> memref<1x512x64xbf16, #tpu.memory_space<vmem>>
        %get3A_818 = tpu.memref_squeeze %get3A_817 : memref<1x512x64xbf16, #tpu.memory_space<vmem>> -> memref<512x64xbf16, #tpu.memory_space<vmem>>
        %get3A_819 = arith.index_cast %add3A_814 : i32 to index
        %get3A_820 = arith.constant 32 : index
        %get3A_821 = tpu.vector_load %get3A_818[%get3A_819, %get3A_820] {strides = array<i32>} : memref<512x64xbf16, #tpu.memory_space<vmem>>, vector<32xbf16>,
        %unpack3A_822 = tpu.unpack_subelements %get3A_821, 0 {pack_format = #tpu.pack_format<interleaved>} : vector<32xbf16> -> vector<16xf32>
        %unpack3A_823 = tpu.unpack_subelements %get3A_821, 1 {pack_format = #tpu.pack_format<interleaved>} : vector<32xbf16> -> vector<16xf32>
        %add3A_824 = arith.addf %add3A_809, %unpack3A_822 : vector<16xf32>
        %add3A_825 = arith.addf %add3A_810, %unpack3A_823 : vector<16xf32>
        %mul3A_826 = arith.constant 16 : i32
        %mul3A_827 = arith.muli %scan3A_384, %mul3A_826 : i32
        %add3A_828 = arith.constant 13 : i32
        %add3A_829 = arith.addi %mul3A_827, %add3A_828 : i32
        %get3A_830 = arith.constant 0 : i32
        %get3A_831 = arith.constant 0 : i32
        %get3A_832 = tpu.memref_slice %arg9[%scan3A_351, %get3A_830, %get3A_831] : memref<2x512x64xbf16, #tpu.memory_space<vmem>> -> memref<1x512x64xbf16, #tpu.memory_space<vmem>>
        %get3A_833 = tpu.memref_squeeze %get3A_832 : memref<1x512x64xbf16, #tpu.memory_space<vmem>> -> memref<512x64xbf16, #tpu.memory_space<vmem>>
        %get3A_834 = arith.index_cast %add3A_829 : i32 to index
        %get3A_835 = arith.constant 32 : index
        %get3A_836 = tpu.vector_load %get3A_833[%get3A_834, %get3A_835] {strides = array<i32>} : memref<512x64xbf16, #tpu.memory_space<vmem>>, vector<32xbf16>,
        %unpack3A_837 = tpu.unpack_subelements %get3A_836, 0 {pack_format = #tpu.pack_format<interleaved>} : vector<32xbf16> -> vector<16xf32>
        %unpack3A_838 = tpu.unpack_subelements %get3A_836, 1 {pack_format = #tpu.pack_format<interleaved>} : vector<32xbf16> -> vector<16xf32>
        %add3A_839 = arith.addf %add3A_824, %unpack3A_837 : vector<16xf32>
        %add3A_840 = arith.addf %add3A_825, %unpack3A_838 : vector<16xf32>
        %mul3A_841 = arith.constant 16 : i32
        %mul3A_842 = arith.muli %scan3A_384, %mul3A_841 : i32
        %add3A_843 = arith.constant 14 : i32
        %add3A_844 = arith.addi %mul3A_842, %add3A_843 : i32
        %get3A_845 = arith.constant 0 : i32
        %get3A_846 = arith.constant 0 : i32
        %get3A_847 = tpu.memref_slice %arg9[%scan3A_351, %get3A_845, %get3A_846] : memref<2x512x64xbf16, #tpu.memory_space<vmem>> -> memref<1x512x64xbf16, #tpu.memory_space<vmem>>
        %get3A_848 = tpu.memref_squeeze %get3A_847 : memref<1x512x64xbf16, #tpu.memory_space<vmem>> -> memref<512x64xbf16, #tpu.memory_space<vmem>>
        %get3A_849 = arith.index_cast %add3A_844 : i32 to index
        %get3A_850 = arith.constant 32 : index
        %get3A_851 = tpu.vector_load %get3A_848[%get3A_849, %get3A_850] {strides = array<i32>} : memref<512x64xbf16, #tpu.memory_space<vmem>>, vector<32xbf16>,
        %unpack3A_852 = tpu.unpack_subelements %get3A_851, 0 {pack_format = #tpu.pack_format<interleaved>} : vector<32xbf16> -> vector<16xf32>
        %unpack3A_853 = tpu.unpack_subelements %get3A_851, 1 {pack_format = #tpu.pack_format<interleaved>} : vector<32xbf16> -> vector<16xf32>
        %add3A_854 = arith.addf %add3A_839, %unpack3A_852 : vector<16xf32>
        %add3A_855 = arith.addf %add3A_840, %unpack3A_853 : vector<16xf32>
        %mul3A_856 = arith.constant 16 : i32
        %mul3A_857 = arith.muli %scan3A_384, %mul3A_856 : i32
        %add3A_858 = arith.constant 15 : i32
        %add3A_859 = arith.addi %mul3A_857, %add3A_858 : i32
        %get3A_860 = arith.constant 0 : i32
        %get3A_861 = arith.constant 0 : i32
        %get3A_862 = tpu.memref_slice %arg9[%scan3A_351, %get3A_860, %get3A_861] : memref<2x512x64xbf16, #tpu.memory_space<vmem>> -> memref<1x512x64xbf16, #tpu.memory_space<vmem>>
        %get3A_863 = tpu.memref_squeeze %get3A_862 : memref<1x512x64xbf16, #tpu.memory_space<vmem>> -> memref<512x64xbf16, #tpu.memory_space<vmem>>
        %get3A_864 = arith.index_cast %add3A_859 : i32 to index
        %get3A_865 = arith.constant 32 : index
        %get3A_866 = tpu.vector_load %get3A_863[%get3A_864, %get3A_865] {strides = array<i32>} : memref<512x64xbf16, #tpu.memory_space<vmem>>, vector<32xbf16>,
        %unpack3A_867 = tpu.unpack_subelements %get3A_866, 0 {pack_format = #tpu.pack_format<interleaved>} : vector<32xbf16> -> vector<16xf32>
        %unpack3A_868 = tpu.unpack_subelements %get3A_866, 1 {pack_format = #tpu.pack_format<interleaved>} : vector<32xbf16> -> vector<16xf32>
        %add3A_869 = arith.addf %add3A_854, %unpack3A_867 : vector<16xf32>
        %add3A_870 = arith.addf %add3A_855, %unpack3A_868 : vector<16xf32>
        %mul3A_871 = arith.constant 6.250000e-02 : f32
        %mul3A_872 = vector.broadcast %mul3A_871 : f32 to vector<16xf32>
        %mul3A_873 = arith.mulf %add3A_869, %mul3A_872 : vector<16xf32>
        %swap3A_874 = arith.constant 1 : i32
        %swap3A_875 = arith.index_cast %swap3A_874 : i32 to index
        %swap3A_876 = arith.index_cast %scan3A_384 : i32 to index
        %swap3A_877 = arith.constant 32 : index
        %swap3A_878 = tpu.vector_load %arg10[%swap3A_875, %swap3A_876, %swap3A_877] {strides = array<i32>} : memref<2x32x64xf32, #tpu.memory_space<vmem>>, vector<16xf32>,
        tpu.vector_store %arg10[%swap3A_875, %swap3A_876, %swap3A_877], %mul3A_873 {strides = array<i32>} : memref<2x32x64xf32, #tpu.memory_space<vmem>>, vector<16xf32>,
        %mul3A_879 = arith.constant 6.250000e-02 : f32
        %mul3A_880 = vector.broadcast %mul3A_879 : f32 to vector<16xf32>
        %mul3A_881 = arith.mulf %add3A_870, %mul3A_880 : vector<16xf32>
        %swap3A_882 = arith.constant 1 : i32
        %swap3A_883 = arith.index_cast %swap3A_882 : i32 to index
        %swap3A_884 = arith.index_cast %scan3A_384 : i32 to index
        %swap3A_885 = arith.constant 48 : index
        %swap3A_886 = tpu.vector_load %arg10[%swap3A_883, %swap3A_884, %swap3A_885] {strides = array<i32>} : memref<2x32x64xf32, #tpu.memory_space<vmem>>, vector<16xf32>,
        tpu.vector_store %arg10[%swap3A_883, %swap3A_884, %swap3A_885], %mul3A_881 {strides = array<i32>} : memref<2x32x64xf32, #tpu.memory_space<vmem>>, vector<16xf32>,
        %scan3A_887 = arith.constant 0 : i32
        scf.yield %scan3A_887 : i32
      }
      %scan3A_358 = arith.constant 32 : i32
      %mul3A_359 = arith.constant 32 : i32
      %mul3A_360 = arith.muli %add3A_350, %mul3A_359 : i32
      %add3A_361 = arith.addi %add3A, %mul3A_360 : i32
      %dma_start3A_362 = arith.constant 1 : i32
      %dma_start3A_363 = arith.constant 0 : i32
      %dma_start3A_364 = arith.constant 0 : i32
      %dma_start3A_365 = tpu.memref_slice %arg10[%dma_start3A_362, %dma_start3A_363, %dma_start3A_364] : memref<2x32x64xf32, #tpu.memory_space<vmem>> -> memref<1x32x64xf32, #tpu.memory_space<vmem>>
      %dma_start3A_366 = tpu.memref_squeeze %dma_start3A_365 : memref<1x32x64xf32, #tpu.memory_space<vmem>> -> memref<32x64xf32, #tpu.memory_space<vmem>>
      %dma_start3A_367 = arith.constant 0 : i32
      %dma_start3A_368 = tpu.memref_slice %arg5[%add3A_361, %dma_start3A_367] : memref<51200x64xf32, #tpu.memory_space<hbm>> -> memref<32x64xf32, #tpu.memory_space<hbm>>
      %dma_start3A_369 = arith.constant 0 : i32
      %dma_start3A_370 = tpu.memref_slice %arg5[%add3A_361, %dma_start3A_369] : memref<51200x64xf32, #tpu.memory_space<hbm>> -> memref<32x64xf32, #tpu.memory_space<hbm>>
      %dma_start3A_371 = arith.constant 0 : i32
      %dma_start3A_372 = arith.constant 0 : i32
      %dma_start3A_373 = tpu.memref_slice %arg10[%dma_start3A_362, %dma_start3A_371, %dma_start3A_372] : memref<2x32x64xf32, #tpu.memory_space<vmem>> -> memref<1x32x64xf32, #tpu.memory_space<vmem>>
      %dma_start3A_374 = tpu.memref_squeeze %dma_start3A_373 : memref<1x32x64xf32, #tpu.memory_space<vmem>> -> memref<32x64xf32, #tpu.memory_space<vmem>>
      tpu.enqueue_dma source(%dma_start3A_374 : memref<32x64xf32, #tpu.memory_space<vmem>>) target(%dma_start3A_370 : memref<32x64xf32, #tpu.memory_space<hbm>>) target_semaphore(%arg14 : memref<!tpu.dma_semaphore, #tpu.memory_space<semaphore_mem>>)
      %add3A_375 = arith.constant 1 : i32
      %add3A_376 = arith.addi %mul3A_187, %add3A_375 : i32
      %add3A_377 = arith.constant 2 : i32
      %add3A_378 = arith.addi %add3A_376, %add3A_377 : i32
      %lt3A_379 = arith.cmpi slt, %add3A_378, %select_n3A_5 : i32
      %convert_element_type3A_380 = arith.extui %lt3A_379 : i1 to i32
      %cond3A_381 = arith.constant 0 : i32
      %cond3A_382 = arith.cmpi ne, %convert_element_type3A_380, %cond3A_381 : i32
      scf.if %cond3A_382 {
        %add3A_384 = arith.constant 1 : i32
        %add3A_385 = arith.addi %mul3A_187, %add3A_384 : i32
        %add3A_386 = arith.constant 2 : i32
        %add3A_387 = arith.addi %add3A_385, %add3A_386 : i32
        %mul3A_388 = arith.constant 4 : i32
        %mul3A_389 = arith.muli %add3A_387, %mul3A_388 : i32
        %add3A_390 = arith.constant 0 : i32
        %add3A_391 = arith.addi %mul3A_389, %add3A_390 : i32
        %dma_start3A_392 = arith.constant 1 : i32
        %dma_start3A_393 = arith.constant 0 : i32
        %dma_start3A_394 = arith.constant 0 : i32
        %dma_start3A_395 = tpu.memref_slice %arg9[%dma_start3A_392, %dma_start3A_393, %dma_start3A_394] : memref<2x512x64xbf16, #tpu.memory_space<vmem>> -> memref<1x512x64xbf16, #tpu.memory_space<vmem>>
        %dma_start3A_396 = tpu.memref_squeeze %dma_start3A_395 : memref<1x512x64xbf16, #tpu.memory_space<vmem>> -> memref<512x64xbf16, #tpu.memory_space<vmem>>
        %dma_start3A_397 = arith.constant 0 : i32
        %dma_start3A_398 = arith.constant 0 : i32
        %dma_start3A_399 = tpu.memref_slice %dma_start3A_396[%dma_start3A_397, %dma_start3A_398] : memref<512x64xbf16, #tpu.memory_space<vmem>> -> memref<128x64xbf16, #tpu.memory_space<vmem>>
        %dma_start3A_400 = arith.constant 0 : i32
        %dma_start3A_401 = tpu.memref_slice %arg8[%add3A_391, %dma_start3A_400] : memref<280x128xi32, #tpu.memory_space<vmem>> -> memref<1x128xi32, #tpu.memory_space<vmem>>
        %dma_start3A_402 = tpu.memref_squeeze %dma_start3A_401 : memref<1x128xi32, #tpu.memory_space<vmem>> -> memref<128xi32, #tpu.memory_space<vmem>>
        %dma_start3A_403 = arith.constant 0 : i32
        %dma_start3A_404 = arith.constant 0 : i32
        %dma_start3A_405 = tpu.memref_slice %arg2[%dma_start3A_403, %dma_start3A_404] : memref<200000x64xbf16, #tpu.memory_space<hbm>> -> memref<200000x64xbf16, #tpu.memory_space<hbm>>
        tpu.enqueue_indirect_dma source(%dma_start3A_405 : memref<200000x64xbf16, #tpu.memory_space<hbm>>) target(%dma_start3A_399 : memref<128x64xbf16, #tpu.memory_space<vmem>>) offsets(%dma_start3A_402 : memref<128xi32, #tpu.memory_space<vmem>>) semaphore(%arg12 : memref<!tpu.dma_semaphore, #tpu.memory_space<semaphore_mem>>)
        %mul3A_406 = arith.constant 4 : i32
        %mul3A_407 = arith.muli %add3A_387, %mul3A_406 : i32
        %add3A_408 = arith.constant 1 : i32
        %add3A_409 = arith.addi %mul3A_407, %add3A_408 : i32
        %dma_start3A_410 = arith.constant 1 : i32
        %dma_start3A_411 = arith.constant 0 : i32
        %dma_start3A_412 = arith.constant 0 : i32
        %dma_start3A_413 = tpu.memref_slice %arg9[%dma_start3A_410, %dma_start3A_411, %dma_start3A_412] : memref<2x512x64xbf16, #tpu.memory_space<vmem>> -> memref<1x512x64xbf16, #tpu.memory_space<vmem>>
        %dma_start3A_414 = tpu.memref_squeeze %dma_start3A_413 : memref<1x512x64xbf16, #tpu.memory_space<vmem>> -> memref<512x64xbf16, #tpu.memory_space<vmem>>
        %dma_start3A_415 = arith.constant 128 : i32
        %dma_start3A_416 = arith.constant 0 : i32
        %dma_start3A_417 = tpu.memref_slice %dma_start3A_414[%dma_start3A_415, %dma_start3A_416] : memref<512x64xbf16, #tpu.memory_space<vmem>> -> memref<128x64xbf16, #tpu.memory_space<vmem>>
        %dma_start3A_418 = arith.constant 0 : i32
        %dma_start3A_419 = tpu.memref_slice %arg8[%add3A_409, %dma_start3A_418] : memref<280x128xi32, #tpu.memory_space<vmem>> -> memref<1x128xi32, #tpu.memory_space<vmem>>
        %dma_start3A_420 = tpu.memref_squeeze %dma_start3A_419 : memref<1x128xi32, #tpu.memory_space<vmem>> -> memref<128xi32, #tpu.memory_space<vmem>>
        %dma_start3A_421 = arith.constant 0 : i32
        %dma_start3A_422 = arith.constant 0 : i32
        %dma_start3A_423 = tpu.memref_slice %arg2[%dma_start3A_421, %dma_start3A_422] : memref<200000x64xbf16, #tpu.memory_space<hbm>> -> memref<200000x64xbf16, #tpu.memory_space<hbm>>
        tpu.enqueue_indirect_dma source(%dma_start3A_423 : memref<200000x64xbf16, #tpu.memory_space<hbm>>) target(%dma_start3A_417 : memref<128x64xbf16, #tpu.memory_space<vmem>>) offsets(%dma_start3A_420 : memref<128xi32, #tpu.memory_space<vmem>>) semaphore(%arg12 : memref<!tpu.dma_semaphore, #tpu.memory_space<semaphore_mem>>)
        %mul3A_424 = arith.constant 4 : i32
        %mul3A_425 = arith.muli %add3A_387, %mul3A_424 : i32
        %add3A_426 = arith.constant 2 : i32
        %add3A_427 = arith.addi %mul3A_425, %add3A_426 : i32
        %dma_start3A_428 = arith.constant 1 : i32
        %dma_start3A_429 = arith.constant 0 : i32
        %dma_start3A_430 = arith.constant 0 : i32
        %dma_start3A_431 = tpu.memref_slice %arg9[%dma_start3A_428, %dma_start3A_429, %dma_start3A_430] : memref<2x512x64xbf16, #tpu.memory_space<vmem>> -> memref<1x512x64xbf16, #tpu.memory_space<vmem>>
        %dma_start3A_432 = tpu.memref_squeeze %dma_start3A_431 : memref<1x512x64xbf16, #tpu.memory_space<vmem>> -> memref<512x64xbf16, #tpu.memory_space<vmem>>
        %dma_start3A_433 = arith.constant 256 : i32
        %dma_start3A_434 = arith.constant 0 : i32
        %dma_start3A_435 = tpu.memref_slice %dma_start3A_432[%dma_start3A_433, %dma_start3A_434] : memref<512x64xbf16, #tpu.memory_space<vmem>> -> memref<128x64xbf16, #tpu.memory_space<vmem>>
        %dma_start3A_436 = arith.constant 0 : i32
        %dma_start3A_437 = tpu.memref_slice %arg8[%add3A_427, %dma_start3A_436] : memref<280x128xi32, #tpu.memory_space<vmem>> -> memref<1x128xi32, #tpu.memory_space<vmem>>
        %dma_start3A_438 = tpu.memref_squeeze %dma_start3A_437 : memref<1x128xi32, #tpu.memory_space<vmem>> -> memref<128xi32, #tpu.memory_space<vmem>>
        %dma_start3A_439 = arith.constant 0 : i32
        %dma_start3A_440 = arith.constant 0 : i32
        %dma_start3A_441 = tpu.memref_slice %arg2[%dma_start3A_439, %dma_start3A_440] : memref<200000x64xbf16, #tpu.memory_space<hbm>> -> memref<200000x64xbf16, #tpu.memory_space<hbm>>
        tpu.enqueue_indirect_dma source(%dma_start3A_441 : memref<200000x64xbf16, #tpu.memory_space<hbm>>) target(%dma_start3A_435 : memref<128x64xbf16, #tpu.memory_space<vmem>>) offsets(%dma_start3A_438 : memref<128xi32, #tpu.memory_space<vmem>>) semaphore(%arg12 : memref<!tpu.dma_semaphore, #tpu.memory_space<semaphore_mem>>)
        %mul3A_442 = arith.constant 4 : i32
        %mul3A_443 = arith.muli %add3A_387, %mul3A_442 : i32
        %add3A_444 = arith.constant 3 : i32
        %add3A_445 = arith.addi %mul3A_443, %add3A_444 : i32
        %dma_start3A_446 = arith.constant 1 : i32
        %dma_start3A_447 = arith.constant 0 : i32
        %dma_start3A_448 = arith.constant 0 : i32
        %dma_start3A_449 = tpu.memref_slice %arg9[%dma_start3A_446, %dma_start3A_447, %dma_start3A_448] : memref<2x512x64xbf16, #tpu.memory_space<vmem>> -> memref<1x512x64xbf16, #tpu.memory_space<vmem>>
        %dma_start3A_450 = tpu.memref_squeeze %dma_start3A_449 : memref<1x512x64xbf16, #tpu.memory_space<vmem>> -> memref<512x64xbf16, #tpu.memory_space<vmem>>
        %dma_start3A_451 = arith.constant 384 : i32
        %dma_start3A_452 = arith.constant 0 : i32
        %dma_start3A_453 = tpu.memref_slice %dma_start3A_450[%dma_start3A_451, %dma_start3A_452] : memref<512x64xbf16, #tpu.memory_space<vmem>> -> memref<128x64xbf16, #tpu.memory_space<vmem>>
        %dma_start3A_454 = arith.constant 0 : i32
        %dma_start3A_455 = tpu.memref_slice %arg8[%add3A_445, %dma_start3A_454] : memref<280x128xi32, #tpu.memory_space<vmem>> -> memref<1x128xi32, #tpu.memory_space<vmem>>
        %dma_start3A_456 = tpu.memref_squeeze %dma_start3A_455 : memref<1x128xi32, #tpu.memory_space<vmem>> -> memref<128xi32, #tpu.memory_space<vmem>>
        %dma_start3A_457 = arith.constant 0 : i32
        %dma_start3A_458 = arith.constant 0 : i32
        %dma_start3A_459 = tpu.memref_slice %arg2[%dma_start3A_457, %dma_start3A_458] : memref<200000x64xbf16, #tpu.memory_space<hbm>> -> memref<200000x64xbf16, #tpu.memory_space<hbm>>
        tpu.enqueue_indirect_dma source(%dma_start3A_459 : memref<200000x64xbf16, #tpu.memory_space<hbm>>) target(%dma_start3A_453 : memref<128x64xbf16, #tpu.memory_space<vmem>>) offsets(%dma_start3A_456 : memref<128xi32, #tpu.memory_space<vmem>>) semaphore(%arg12 : memref<!tpu.dma_semaphore, #tpu.memory_space<semaphore_mem>>)
      } else {
      }
      %while3A_383 = arith.constant 0 : i32
      scf.yield %while3A_383 : i32
    }
    %dma_wait3A = arith.constant 0 : i32
    %dma_wait3A_159 = arith.constant 0 : i32
    %dma_wait3A_160 = arith.constant 0 : i32
    %dma_wait3A_161 = tpu.memref_slice %arg10[%dma_wait3A, %dma_wait3A_159, %dma_wait3A_160] : memref<2x32x64xf32, #tpu.memory_space<vmem>> -> memref<1x32x64xf32, #tpu.memory_space<vmem>>
    %dma_wait3A_162 = tpu.memref_squeeze %dma_wait3A_161 : memref<1x32x64xf32, #tpu.memory_space<vmem>> -> memref<32x64xf32, #tpu.memory_space<vmem>>
    %dma_wait3A_163 = arith.constant 0 : i32
    %dma_wait3A_164 = tpu.memref_slice %arg5[%add3A, %dma_wait3A_163] : memref<51200x64xf32, #tpu.memory_space<hbm>> -> memref<32x64xf32, #tpu.memory_space<hbm>>
    %dma_wait3A_165 = arith.constant 0 : i32
    %dma_wait3A_166 = tpu.memref_slice %arg5[%add3A, %dma_wait3A_165] : memref<51200x64xf32, #tpu.memory_space<hbm>> -> memref<32x64xf32, #tpu.memory_space<hbm>>
    %dma_wait3A_167 = arith.constant 0 : i32
    %dma_wait3A_168 = arith.constant 0 : i32
    %dma_wait3A_169 = tpu.memref_slice %arg10[%dma_wait3A, %dma_wait3A_167, %dma_wait3A_168] : memref<2x32x64xf32, #tpu.memory_space<vmem>> -> memref<1x32x64xf32, #tpu.memory_space<vmem>>
    %dma_wait3A_170 = tpu.memref_squeeze %dma_wait3A_169 : memref<1x32x64xf32, #tpu.memory_space<vmem>> -> memref<32x64xf32, #tpu.memory_space<vmem>>
    tpu.wait_dma2 semaphore(%arg13 : memref<!tpu.dma_semaphore, #tpu.memory_space<semaphore_mem>>) src(%dma_wait3A_170 : memref<32x64xf32, #tpu.memory_space<vmem>>) dst(%dma_wait3A_166 : memref<32x64xf32, #tpu.memory_space<hbm>>)
    %dma_wait3A_171 = arith.constant 1 : i32
    %dma_wait3A_172 = arith.constant 0 : i32
    %dma_wait3A_173 = arith.constant 0 : i32
    %dma_wait3A_174 = tpu.memref_slice %arg10[%dma_wait3A_171, %dma_wait3A_172, %dma_wait3A_173] : memref<2x32x64xf32, #tpu.memory_space<vmem>> -> memref<1x32x64xf32, #tpu.memory_space<vmem>>
    %dma_wait3A_175 = tpu.memref_squeeze %dma_wait3A_174 : memref<1x32x64xf32, #tpu.memory_space<vmem>> -> memref<32x64xf32, #tpu.memory_space<vmem>>
    %dma_wait3A_176 = arith.constant 0 : i32
    %dma_wait3A_177 = tpu.memref_slice %arg5[%add3A, %dma_wait3A_176] : memref<51200x64xf32, #tpu.memory_space<hbm>> -> memref<32x64xf32, #tpu.memory_space<hbm>>
    %dma_wait3A_178 = arith.constant 0 : i32
    %dma_wait3A_179 = tpu.memref_slice %arg5[%add3A, %dma_wait3A_178] : memref<51200x64xf32, #tpu.memory_space<hbm>> -> memref<32x64xf32, #tpu.memory_space<hbm>>
    %dma_wait3A_180 = arith.constant 0 : i32
    %dma_wait3A_181 = arith.constant 0 : i32
    %dma_wait3A_182 = tpu.memref_slice %arg10[%dma_wait3A_171, %dma_wait3A_180, %dma_wait3A_181] : memref<2x32x64xf32, #tpu.memory_space<vmem>> -> memref<1x32x64xf32, #tpu.memory_space<vmem>>
    %dma_wait3A_183 = tpu.memref_squeeze %dma_wait3A_182 : memref<1x32x64xf32, #tpu.memory_space<vmem>> -> memref<32x64xf32, #tpu.memory_space<vmem>>
    tpu.wait_dma2 semaphore(%arg14 : memref<!tpu.dma_semaphore, #tpu.memory_space<semaphore_mem>>) src(%dma_wait3A_183 : memref<32x64xf32, #tpu.memory_space<vmem>>) dst(%dma_wait3A_179 : memref<32x64xf32, #tpu.memory_space<hbm>>)
    return
  }
}

module attributes {stable_mosaic.version = 14 : i64} {
  func.func @_k1_body(%arg0: i32, %arg1: memref<2000x128xf32, #tpu.memory_space<vmem>>, %arg2: memref<2000x128xf32, #tpu.memory_space<vmem>>, %arg3: memref<128x64xf32, #tpu.memory_space<vmem>>, %arg4: memref<1x64xf32, #tpu.memory_space<vmem>>, %arg5: memref<128x64xf32, #tpu.memory_space<vmem>>, %arg6: memref<1x64xf32, #tpu.memory_space<vmem>>, %arg7: memref<64x64xf32, #tpu.memory_space<vmem>>, %arg8: memref<1x64xf32, #tpu.memory_space<vmem>>, %arg9: memref<64x256xf32, #tpu.memory_space<vmem>>, %arg10: memref<2000x256xbf16, #tpu.memory_space<vmem>>, %arg11: memref<2000x64xf32, #tpu.memory_space<vmem>>) attributes {dimension_semantics = [#tpu.dimension_semantics<arbitrary>], iteration_bounds = array<i64: 25>, scalar_prefetch = 0 : i64, scratch_operands = 0 : i64, tpu.core_type = #tpu.core_type<tc>, window_params = [{transform_indices = @transform_0, window_bounds = array<i64: 2000, 128>}, {transform_indices = @transform_1, window_bounds = array<i64: 2000, 128>}, {pipeline_mode = #tpu.pipeline_mode<synchronous>, transform_indices = @transform_2, window_bounds = array<i64: 128, 64>}, {pipeline_mode = #tpu.pipeline_mode<synchronous>, transform_indices = @transform_3, window_bounds = array<i64: 1, 64>}, {pipeline_mode = #tpu.pipeline_mode<synchronous>, transform_indices = @transform_4, window_bounds = array<i64: 128, 64>}, {pipeline_mode = #tpu.pipeline_mode<synchronous>, transform_indices = @transform_5, window_bounds = array<i64: 1, 64>}, {pipeline_mode = #tpu.pipeline_mode<synchronous>, transform_indices = @transform_6, window_bounds = array<i64: 64, 64>}, {pipeline_mode = #tpu.pipeline_mode<synchronous>, transform_indices = @transform_7, window_bounds = array<i64: 1, 64>}, {pipeline_mode = #tpu.pipeline_mode<synchronous>, transform_indices = @transform_8, window_bounds = array<i64: 64, 256>}, {transform_indices = @transform_9, window_bounds = array<i64: 2000, 256>}, {transform_indices = @transform_10, window_bounds = array<i64: 2000, 64>}]} {
    %get3A = arith.constant 0 : index
    %get3A_0 = arith.constant 0 : index
    %get3A_1 = vector.load %arg1[%get3A, %get3A_0] : memref<2000x128xf32, #tpu.memory_space<vmem>>, vector<2000x128xf32>
    %get3A_2 = arith.constant 0 : index
    %get3A_3 = arith.constant 0 : index
    %get3A_4 = vector.load %arg3[%get3A_2, %get3A_3] : memref<128x64xf32, #tpu.memory_space<vmem>>, vector<128x64xf32>
    %dot_general3A = arith.constant dense<0.000000e+00> : vector<2000x64xf32>
    %dot_general3A_5 = tpu.matmul %get3A_1, %get3A_4, %dot_general3A {dimension_numbers = #tpu.dot_dimension_numbers<[1], [0], [0], [1], [0, 0, 1, 1], [], []>, transpose_lhs_hint = false} : vector<2000x128xf32>, vector<128x64xf32>, vector<2000x64xf32> -> vector<2000x64xf32>
    %get3A_6 = arith.constant 0 : index
    %get3A_7 = arith.constant 0 : index
    %get3A_8 = vector.load %arg4[%get3A_6, %get3A_7] : memref<1x64xf32, #tpu.memory_space<vmem>>, vector<1x64xf32>
    %add3A = vector.broadcast %get3A_8 : vector<1x64xf32> to vector<2000x64xf32>
    %add3A_9 = arith.addf %dot_general3A_5, %add3A : vector<2000x64xf32>
    %max3A = arith.constant 0.000000e+00 : f32
    %max3A_10 = vector.broadcast %max3A : f32 to vector<2000x64xf32>
    %max3A_11 = arith.maximumf %add3A_9, %max3A_10 : vector<2000x64xf32>
    %get3A_12 = arith.constant 0 : index
    %get3A_13 = arith.constant 0 : index
    %get3A_14 = vector.load %arg9[%get3A_12, %get3A_13] : memref<64x256xf32, #tpu.memory_space<vmem>>, vector<64x256xf32>
    %dot_general3A_15 = arith.constant dense<0.000000e+00> : vector<2000x256xf32>
    %dot_general3A_16 = tpu.matmul %max3A_11, %get3A_14, %dot_general3A_15 {dimension_numbers = #tpu.dot_dimension_numbers<[1], [0], [0], [1], [0, 0, 1, 1], [], []>, transpose_lhs_hint = false} : vector<2000x64xf32>, vector<64x256xf32>, vector<2000x256xf32> -> vector<2000x256xf32>
    %convert_element_type3A = arith.truncf %dot_general3A_16 : vector<2000x256xf32> to vector<2000x256xbf16>
    %swap3A = arith.constant 0 : index
    %swap3A_17 = arith.constant 0 : index
    %swap3A_18 = vector.load %arg10[%swap3A, %swap3A_17] : memref<2000x256xbf16, #tpu.memory_space<vmem>>, vector<2000x256xbf16>
    tpu.vector_store %arg10[%swap3A, %swap3A_17], %convert_element_type3A {strides = array<i32>} : memref<2000x256xbf16, #tpu.memory_space<vmem>>, vector<2000x256xbf16>,
    %get3A_19 = arith.constant 0 : index
    %get3A_20 = arith.constant 0 : index
    %get3A_21 = vector.load %arg2[%get3A_19, %get3A_20] : memref<2000x128xf32, #tpu.memory_space<vmem>>, vector<2000x128xf32>
    %get3A_22 = arith.constant 0 : index
    %get3A_23 = arith.constant 0 : index
    %get3A_24 = vector.load %arg5[%get3A_22, %get3A_23] : memref<128x64xf32, #tpu.memory_space<vmem>>, vector<128x64xf32>
    %dot_general3A_25 = arith.constant dense<0.000000e+00> : vector<2000x64xf32>
    %dot_general3A_26 = tpu.matmul %get3A_21, %get3A_24, %dot_general3A_25 {dimension_numbers = #tpu.dot_dimension_numbers<[1], [0], [0], [1], [0, 0, 1, 1], [], []>, transpose_lhs_hint = false} : vector<2000x128xf32>, vector<128x64xf32>, vector<2000x64xf32> -> vector<2000x64xf32>
    %get3A_27 = arith.constant 0 : index
    %get3A_28 = arith.constant 0 : index
    %get3A_29 = vector.load %arg6[%get3A_27, %get3A_28] : memref<1x64xf32, #tpu.memory_space<vmem>>, vector<1x64xf32>
    %add3A_30 = vector.broadcast %get3A_29 : vector<1x64xf32> to vector<2000x64xf32>
    %add3A_31 = arith.addf %dot_general3A_26, %add3A_30 : vector<2000x64xf32>
    %max3A_32 = arith.constant 0.000000e+00 : f32
    %max3A_33 = vector.broadcast %max3A_32 : f32 to vector<2000x64xf32>
    %max3A_34 = arith.maximumf %add3A_31, %max3A_33 : vector<2000x64xf32>
    %get3A_35 = arith.constant 0 : index
    %get3A_36 = arith.constant 0 : index
    %get3A_37 = vector.load %arg7[%get3A_35, %get3A_36] : memref<64x64xf32, #tpu.memory_space<vmem>>, vector<64x64xf32>
    %dot_general3A_38 = arith.constant dense<0.000000e+00> : vector<2000x64xf32>
    %dot_general3A_39 = tpu.matmul %max3A_34, %get3A_37, %dot_general3A_38 {dimension_numbers = #tpu.dot_dimension_numbers<[1], [0], [0], [1], [0, 0, 1, 1], [], []>, transpose_lhs_hint = false} : vector<2000x64xf32>, vector<64x64xf32>, vector<2000x64xf32> -> vector<2000x64xf32>
    %get3A_40 = arith.constant 0 : index
    %get3A_41 = arith.constant 0 : index
    %get3A_42 = vector.load %arg8[%get3A_40, %get3A_41] : memref<1x64xf32, #tpu.memory_space<vmem>>, vector<1x64xf32>
    %add3A_43 = vector.broadcast %get3A_42 : vector<1x64xf32> to vector<2000x64xf32>
    %add3A_44 = arith.addf %dot_general3A_39, %add3A_43 : vector<2000x64xf32>
    %swap3A_45 = arith.constant 0 : index
    %swap3A_46 = arith.constant 0 : index
    %swap3A_47 = vector.load %arg11[%swap3A_45, %swap3A_46] : memref<2000x64xf32, #tpu.memory_space<vmem>>, vector<2000x64xf32>
    tpu.vector_store %arg11[%swap3A_45, %swap3A_46], %add3A_44 {strides = array<i32>} : memref<2000x64xf32, #tpu.memory_space<vmem>>, vector<2000x64xf32>,
    return
  }
  func.func @transform_0(%arg0: i32) -> (i32, i32) {
    %c0_i32 = arith.constant 0 : i32
    %c0_i32_0 = arith.constant 0 : i32
    return %arg0, %c0_i32 : i32, i32
  }
  func.func @transform_1(%arg0: i32) -> (i32, i32) {
    %c0_i32 = arith.constant 0 : i32
    %c0_i32_0 = arith.constant 0 : i32
    return %arg0, %c0_i32 : i32, i32
  }
  func.func @transform_2(%arg0: i32) -> (i32, i32) {
    %c0_i32 = arith.constant 0 : i32
    %c0_i32_0 = arith.constant 0 : i32
    %c0_i32_1 = arith.constant 0 : i32
    return %c0_i32, %c0_i32_0 : i32, i32
  }
  func.func @transform_3(%arg0: i32) -> (i32, i32) {
    %c0_i32 = arith.constant 0 : i32
    %c0_i32_0 = arith.constant 0 : i32
    %c0_i32_1 = arith.constant 0 : i32
    return %c0_i32, %c0_i32_0 : i32, i32
  }
  func.func @transform_4(%arg0: i32) -> (i32, i32) {
    %c0_i32 = arith.constant 0 : i32
    %c0_i32_0 = arith.constant 0 : i32
    %c0_i32_1 = arith.constant 0 : i32
    return %c0_i32, %c0_i32_0 : i32, i32
  }
  func.func @transform_5(%arg0: i32) -> (i32, i32) {
    %c0_i32 = arith.constant 0 : i32
    %c0_i32_0 = arith.constant 0 : i32
    %c0_i32_1 = arith.constant 0 : i32
    return %c0_i32, %c0_i32_0 : i32, i32
  }
  func.func @transform_6(%arg0: i32) -> (i32, i32) {
    %c0_i32 = arith.constant 0 : i32
    %c0_i32_0 = arith.constant 0 : i32
    %c0_i32_1 = arith.constant 0 : i32
    return %c0_i32, %c0_i32_0 : i32, i32
  }
  func.func @transform_7(%arg0: i32) -> (i32, i32) {
    %c0_i32 = arith.constant 0 : i32
    %c0_i32_0 = arith.constant 0 : i32
    %c0_i32_1 = arith.constant 0 : i32
    return %c0_i32, %c0_i32_0 : i32, i32
  }
  func.func @transform_8(%arg0: i32) -> (i32, i32) {
    %c0_i32 = arith.constant 0 : i32
    %c0_i32_0 = arith.constant 0 : i32
    %c0_i32_1 = arith.constant 0 : i32
    return %c0_i32, %c0_i32_0 : i32, i32
  }
  func.func @transform_9(%arg0: i32) -> (i32, i32) {
    %c0_i32 = arith.constant 0 : i32
    %c0_i32_0 = arith.constant 0 : i32
    return %arg0, %c0_i32 : i32, i32
  }
  func.func @transform_10(%arg0: i32) -> (i32, i32) {
    %c0_i32 = arith.constant 0 : i32
    %c0_i32_0 = arith.constant 0 : i32
    return %arg0, %c0_i32 : i32, i32
  }
}

module attributes {stable_mosaic.version = 14 : i64} {
  func.func @_k3_body(%arg0: i32, %arg1: memref<2000x64xf32, #tpu.memory_space<vmem>>, %arg2: memref<2000x64xf32, #tpu.memory_space<vmem>>, %arg3: memref<64x64xf32, #tpu.memory_space<vmem>>, %arg4: memref<1x64xf32, #tpu.memory_space<vmem>>, %arg5: memref<64x64xf32, #tpu.memory_space<vmem>>, %arg6: memref<1x64xf32, #tpu.memory_space<vmem>>, %arg7: memref<2000x64xf32, #tpu.memory_space<vmem>>, %arg8: memref<1x64xf32, #tpu.memory_space<vmem>>, %arg9: memref<64x64xf32, #tpu.memory_space<vmem>>) attributes {dimension_semantics = [#tpu.dimension_semantics<arbitrary>], iteration_bounds = array<i64: 25>, scalar_prefetch = 0 : i64, scratch_operands = 0 : i64, tpu.core_type = #tpu.core_type<tc>, window_params = [{transform_indices = @transform_0, window_bounds = array<i64: 2000, 64>}, {transform_indices = @transform_1, window_bounds = array<i64: 2000, 64>}, {pipeline_mode = #tpu.pipeline_mode<synchronous>, transform_indices = @transform_2, window_bounds = array<i64: 64, 64>}, {pipeline_mode = #tpu.pipeline_mode<synchronous>, transform_indices = @transform_3, window_bounds = array<i64: 1, 64>}, {pipeline_mode = #tpu.pipeline_mode<synchronous>, transform_indices = @transform_4, window_bounds = array<i64: 64, 64>}, {pipeline_mode = #tpu.pipeline_mode<synchronous>, transform_indices = @transform_5, window_bounds = array<i64: 1, 64>}, {transform_indices = @transform_6, window_bounds = array<i64: 2000, 64>}, {pipeline_mode = #tpu.pipeline_mode<synchronous>, transform_indices = @transform_7, window_bounds = array<i64: 1, 64>}, {pipeline_mode = #tpu.pipeline_mode<synchronous>, transform_indices = @transform_8, window_bounds = array<i64: 64, 64>}]} {
    %get3A = arith.constant 0 : index
    %get3A_0 = arith.constant 0 : index
    %get3A_1 = vector.load %arg1[%get3A, %get3A_0] : memref<2000x64xf32, #tpu.memory_space<vmem>>, vector<2000x64xf32>
    %get3A_2 = arith.constant 0 : index
    %get3A_3 = arith.constant 0 : index
    %get3A_4 = vector.load %arg3[%get3A_2, %get3A_3] : memref<64x64xf32, #tpu.memory_space<vmem>>, vector<64x64xf32>
    %dot_general3A = arith.constant dense<0.000000e+00> : vector<2000x64xf32>
    %dot_general3A_5 = tpu.matmul %get3A_1, %get3A_4, %dot_general3A {dimension_numbers = #tpu.dot_dimension_numbers<[1], [0], [0], [1], [0, 0, 1, 1], [], []>, transpose_lhs_hint = false} : vector<2000x64xf32>, vector<64x64xf32>, vector<2000x64xf32> -> vector<2000x64xf32>
    %get3A_6 = arith.constant 0 : index
    %get3A_7 = arith.constant 0 : index
    %get3A_8 = vector.load %arg4[%get3A_6, %get3A_7] : memref<1x64xf32, #tpu.memory_space<vmem>>, vector<1x64xf32>
    %add3A = vector.broadcast %get3A_8 : vector<1x64xf32> to vector<2000x64xf32>
    %add3A_9 = arith.addf %dot_general3A_5, %add3A : vector<2000x64xf32>
    %max3A = arith.constant 0.000000e+00 : f32
    %max3A_10 = vector.broadcast %max3A : f32 to vector<2000x64xf32>
    %max3A_11 = arith.maximumf %add3A_9, %max3A_10 : vector<2000x64xf32>
    %get3A_12 = arith.constant 0 : index
    %get3A_13 = arith.constant 0 : index
    %get3A_14 = vector.load %arg5[%get3A_12, %get3A_13] : memref<64x64xf32, #tpu.memory_space<vmem>>, vector<64x64xf32>
    %dot_general3A_15 = arith.constant dense<0.000000e+00> : vector<2000x64xf32>
    %dot_general3A_16 = tpu.matmul %max3A_11, %get3A_14, %dot_general3A_15 {dimension_numbers = #tpu.dot_dimension_numbers<[1], [0], [0], [1], [0, 0, 1, 1], [], []>, transpose_lhs_hint = false} : vector<2000x64xf32>, vector<64x64xf32>, vector<2000x64xf32> -> vector<2000x64xf32>
    %add3A_17 = arith.addf %get3A_1, %dot_general3A_16 : vector<2000x64xf32>
    %get3A_18 = arith.constant 0 : index
    %get3A_19 = arith.constant 0 : index
    %get3A_20 = vector.load %arg6[%get3A_18, %get3A_19] : memref<1x64xf32, #tpu.memory_space<vmem>>, vector<1x64xf32>
    %add3A_21 = vector.broadcast %get3A_20 : vector<1x64xf32> to vector<2000x64xf32>
    %add3A_22 = arith.addf %add3A_17, %add3A_21 : vector<2000x64xf32>
    %get3A_23 = arith.constant 0 : index
    %get3A_24 = arith.constant 0 : index
    %get3A_25 = vector.load %arg2[%get3A_23, %get3A_24] : memref<2000x64xf32, #tpu.memory_space<vmem>>, vector<2000x64xf32>
    %add3A_26 = arith.addf %get3A_25, %add3A_22 : vector<2000x64xf32>
    %swap3A = arith.constant 0 : index
    %swap3A_27 = arith.constant 0 : index
    %swap3A_28 = vector.load %arg7[%swap3A, %swap3A_27] : memref<2000x64xf32, #tpu.memory_space<vmem>>, vector<2000x64xf32>
    tpu.vector_store %arg7[%swap3A, %swap3A_27], %add3A_26 {strides = array<i32>} : memref<2000x64xf32, #tpu.memory_space<vmem>>, vector<2000x64xf32>,
    %reduce_sum3A = arith.constant dense<0.000000e+00> : vector<64xf32>
    %reduce_sum3A_29 = vector.multi_reduction <add>, %add3A_26, %reduce_sum3A [0] : vector<2000x64xf32> to vector<64xf32>
    %broadcast_in_dim3A = vector.shape_cast %reduce_sum3A_29 : vector<64xf32> to vector<1x64xf32>
    %dot_general3A_30 = arith.constant dense<0.000000e+00> : vector<64x64xf32>
    %dot_general3A_31 = tpu.matmul %add3A_26, %add3A_26, %dot_general3A_30 {dimension_numbers = #tpu.dot_dimension_numbers<[0], [0], [1], [1], [0, 1, 1, 1], [], []>, transpose_lhs_hint = false} : vector<2000x64xf32>, vector<2000x64xf32>, vector<64x64xf32> -> vector<64x64xf32>
    %eq3A = arith.constant 0 : i32
    %eq3A_32 = arith.cmpi eq, %arg0, %eq3A : i32
    %convert_element_type3A = arith.extui %eq3A_32 : i1 to i32
    %cond3A = arith.constant 0 : i32
    %cond3A_33 = arith.cmpi ne, %convert_element_type3A, %cond3A : i32
    scf.if %cond3A_33 {
      %swap3A_38 = arith.constant 0 : index
      %swap3A_39 = arith.constant 0 : index
      %swap3A_40 = vector.load %arg8[%swap3A_38, %swap3A_39] : memref<1x64xf32, #tpu.memory_space<vmem>>, vector<1x64xf32>
      tpu.vector_store %arg8[%swap3A_38, %swap3A_39], %broadcast_in_dim3A {strides = array<i32>} : memref<1x64xf32, #tpu.memory_space<vmem>>, vector<1x64xf32>,
      %swap3A_41 = arith.constant 0 : index
      %swap3A_42 = arith.constant 0 : index
      %swap3A_43 = vector.load %arg9[%swap3A_41, %swap3A_42] : memref<64x64xf32, #tpu.memory_space<vmem>>, vector<64x64xf32>
      tpu.vector_store %arg9[%swap3A_41, %swap3A_42], %dot_general3A_31 {strides = array<i32>} : memref<64x64xf32, #tpu.memory_space<vmem>>, vector<64x64xf32>,
    } else {
    }
    %gt3A = arith.constant 0 : i32
    %gt3A_34 = arith.cmpi sgt, %arg0, %gt3A : i32
    %convert_element_type3A_35 = arith.extui %gt3A_34 : i1 to i32
    %cond3A_36 = arith.constant 0 : i32
    %cond3A_37 = arith.cmpi ne, %convert_element_type3A_35, %cond3A_36 : i32
    scf.if %cond3A_37 {
      %get3A_38 = arith.constant 0 : index
      %get3A_39 = arith.constant 0 : index
      %get3A_40 = vector.load %arg8[%get3A_38, %get3A_39] : memref<1x64xf32, #tpu.memory_space<vmem>>, vector<1x64xf32>
      %add3A_41 = arith.addf %get3A_40, %broadcast_in_dim3A : vector<1x64xf32>
      %swap3A_42 = arith.constant 0 : index
      %swap3A_43 = arith.constant 0 : index
      %swap3A_44 = vector.load %arg8[%swap3A_42, %swap3A_43] : memref<1x64xf32, #tpu.memory_space<vmem>>, vector<1x64xf32>
      tpu.vector_store %arg8[%swap3A_42, %swap3A_43], %add3A_41 {strides = array<i32>} : memref<1x64xf32, #tpu.memory_space<vmem>>, vector<1x64xf32>,
      %get3A_45 = arith.constant 0 : index
      %get3A_46 = arith.constant 0 : index
      %get3A_47 = vector.load %arg9[%get3A_45, %get3A_46] : memref<64x64xf32, #tpu.memory_space<vmem>>, vector<64x64xf32>
      %add3A_48 = arith.addf %get3A_47, %dot_general3A_31 : vector<64x64xf32>
      %swap3A_49 = arith.constant 0 : index
      %swap3A_50 = arith.constant 0 : index
      %swap3A_51 = vector.load %arg9[%swap3A_49, %swap3A_50] : memref<64x64xf32, #tpu.memory_space<vmem>>, vector<64x64xf32>
      tpu.vector_store %arg9[%swap3A_49, %swap3A_50], %add3A_48 {strides = array<i32>} : memref<64x64xf32, #tpu.memory_space<vmem>>, vector<64x64xf32>,
    } else {
    }
    return
  }
  func.func @transform_0(%arg0: i32) -> (i32, i32) {
    %c0_i32 = arith.constant 0 : i32
    %c0_i32_0 = arith.constant 0 : i32
    return %arg0, %c0_i32 : i32, i32
  }
  func.func @transform_1(%arg0: i32) -> (i32, i32) {
    %c0_i32 = arith.constant 0 : i32
    %c0_i32_0 = arith.constant 0 : i32
    return %arg0, %c0_i32 : i32, i32
  }
  func.func @transform_2(%arg0: i32) -> (i32, i32) {
    %c0_i32 = arith.constant 0 : i32
    %c0_i32_0 = arith.constant 0 : i32
    %c0_i32_1 = arith.constant 0 : i32
    return %c0_i32, %c0_i32_0 : i32, i32
  }
  func.func @transform_3(%arg0: i32) -> (i32, i32) {
    %c0_i32 = arith.constant 0 : i32
    %c0_i32_0 = arith.constant 0 : i32
    %c0_i32_1 = arith.constant 0 : i32
    return %c0_i32, %c0_i32_0 : i32, i32
  }
  func.func @transform_4(%arg0: i32) -> (i32, i32) {
    %c0_i32 = arith.constant 0 : i32
    %c0_i32_0 = arith.constant 0 : i32
    %c0_i32_1 = arith.constant 0 : i32
    return %c0_i32, %c0_i32_0 : i32, i32
  }
  func.func @transform_5(%arg0: i32) -> (i32, i32) {
    %c0_i32 = arith.constant 0 : i32
    %c0_i32_0 = arith.constant 0 : i32
    %c0_i32_1 = arith.constant 0 : i32
    return %c0_i32, %c0_i32_0 : i32, i32
  }
  func.func @transform_6(%arg0: i32) -> (i32, i32) {
    %c0_i32 = arith.constant 0 : i32
    %c0_i32_0 = arith.constant 0 : i32
    return %arg0, %c0_i32 : i32, i32
  }
  func.func @transform_7(%arg0: i32) -> (i32, i32) {
    %c0_i32 = arith.constant 0 : i32
    %c0_i32_0 = arith.constant 0 : i32
    %c0_i32_1 = arith.constant 0 : i32
    return %c0_i32, %c0_i32_0 : i32, i32
  }
  func.func @transform_8(%arg0: i32) -> (i32, i32) {
    %c0_i32 = arith.constant 0 : i32
    %c0_i32_0 = arith.constant 0 : i32
    %c0_i32_1 = arith.constant 0 : i32
    return %c0_i32, %c0_i32_0 : i32, i32
  }
}

module attributes {stable_mosaic.version = 14 : i64} {
  func.func @_k4_body(%arg0: i32, %arg1: memref<2000x64xf32, #tpu.memory_space<vmem>>, %arg2: memref<1x64xf32, #tpu.memory_space<vmem>>, %arg3: memref<64x64xf32, #tpu.memory_space<vmem>>, %arg4: memref<64x128xf32, #tpu.memory_space<vmem>>, %arg5: memref<1x128xf32, #tpu.memory_space<vmem>>, %arg6: memref<128x1xf32, #tpu.memory_space<vmem>>, %arg7: memref<1x1xf32, #tpu.memory_space<smem>>, %arg8: memref<2000x1xf32, #tpu.memory_space<vmem>>) attributes {dimension_semantics = [#tpu.dimension_semantics<arbitrary>], iteration_bounds = array<i64: 25>, scalar_prefetch = 0 : i64, scratch_operands = 0 : i64, tpu.core_type = #tpu.core_type<tc>, window_params = [{transform_indices = @transform_0, window_bounds = array<i64: 2000, 64>}, {pipeline_mode = #tpu.pipeline_mode<synchronous>, transform_indices = @transform_1, window_bounds = array<i64: 1, 64>}, {pipeline_mode = #tpu.pipeline_mode<synchronous>, transform_indices = @transform_2, window_bounds = array<i64: 64, 64>}, {pipeline_mode = #tpu.pipeline_mode<synchronous>, transform_indices = @transform_3, window_bounds = array<i64: 64, 128>}, {pipeline_mode = #tpu.pipeline_mode<synchronous>, transform_indices = @transform_4, window_bounds = array<i64: 1, 128>}, {pipeline_mode = #tpu.pipeline_mode<synchronous>, transform_indices = @transform_5, window_bounds = array<i64: 128, 1>}, {transform_indices = @transform_6, window_bounds = array<i64: 1, 1>}, {transform_indices = @transform_7, window_bounds = array<i64: 2000, 1>}]} {
    %get3A = arith.constant 0 : index
    %get3A_0 = arith.constant 0 : index
    %get3A_1 = vector.load %arg4[%get3A, %get3A_0] : memref<64x128xf32, #tpu.memory_space<vmem>>, vector<64x128xf32>
    %get3A_2 = arith.constant 0 : index
    %get3A_3 = arith.constant 0 : index
    %get3A_4 = vector.load %arg2[%get3A_2, %get3A_3] : memref<1x64xf32, #tpu.memory_space<vmem>>, vector<1x64xf32>
    %mul3A = arith.constant 2.000000e-05 : f32
    %mul3A_5 = vector.broadcast %mul3A : f32 to vector<1x64xf32>
    %mul3A_6 = arith.mulf %get3A_4, %mul3A_5 : vector<1x64xf32>
    %dot_general3A = arith.constant dense<0.000000e+00> : vector<1x128xf32>
    %dot_general3A_7 = tpu.matmul %mul3A_6, %get3A_1, %dot_general3A {dimension_numbers = #tpu.dot_dimension_numbers<[1], [0], [0], [1], [0, 0, 1, 1], [], []>, transpose_lhs_hint = false} : vector<1x64xf32>, vector<64x128xf32>, vector<1x128xf32> -> vector<1x128xf32>
    %get3A_8 = arith.constant 0 : index
    %get3A_9 = arith.constant 0 : index
    %get3A_10 = vector.load %arg5[%get3A_8, %get3A_9] : memref<1x128xf32, #tpu.memory_space<vmem>>, vector<1x128xf32>
    %add3A = arith.addf %dot_general3A_7, %get3A_10 : vector<1x128xf32>
    %get3A_11 = arith.constant 0 : index
    %get3A_12 = arith.constant 0 : index
    %get3A_13 = vector.load %arg3[%get3A_11, %get3A_12] : memref<64x64xf32, #tpu.memory_space<vmem>>, vector<64x64xf32>
    %mul3A_14 = arith.constant 2.000000e-05 : f32
    %mul3A_15 = vector.broadcast %mul3A_14 : f32 to vector<64x64xf32>
    %mul3A_16 = arith.mulf %get3A_13, %mul3A_15 : vector<64x64xf32>
    %dot_general3A_17 = arith.constant dense<0.000000e+00> : vector<64x128xf32>
    %dot_general3A_18 = tpu.matmul %mul3A_16, %get3A_1, %dot_general3A_17 {dimension_numbers = #tpu.dot_dimension_numbers<[1], [0], [0], [1], [0, 0, 1, 1], [], []>, transpose_lhs_hint = false} : vector<64x64xf32>, vector<64x128xf32>, vector<64x128xf32> -> vector<64x128xf32>
    %mul3A_19 = arith.mulf %get3A_1, %dot_general3A_18 : vector<64x128xf32>
    %reduce_sum3A = arith.constant dense<0.000000e+00> : vector<128xf32>
    %reduce_sum3A_20 = vector.multi_reduction <add>, %mul3A_19, %reduce_sum3A [0] : vector<64x128xf32> to vector<128xf32>
    %broadcast_in_dim3A = vector.shape_cast %reduce_sum3A_20 : vector<128xf32> to vector<1x128xf32>
    %mul3A_21 = arith.mulf %dot_general3A_7, %dot_general3A_7 : vector<1x128xf32>
    %sub3A = arith.subf %broadcast_in_dim3A, %mul3A_21 : vector<1x128xf32>
    %add3A_22 = arith.constant 9.99999974E-6 : f32
    %add3A_23 = vector.broadcast %add3A_22 : f32 to vector<1x128xf32>
    %add3A_24 = arith.addf %sub3A, %add3A_23 : vector<1x128xf32>
    %rsqrt3A = math.rsqrt %add3A_24 : vector<1x128xf32>
    %get3A_25 = arith.constant 0 : index
    %get3A_26 = arith.constant 0 : index
    %get3A_27 = vector.load %arg1[%get3A_25, %get3A_26] : memref<2000x64xf32, #tpu.memory_space<vmem>>, vector<2000x64xf32>
    %dot_general3A_28 = arith.constant dense<0.000000e+00> : vector<2000x128xf32>
    %dot_general3A_29 = tpu.matmul %get3A_27, %get3A_1, %dot_general3A_28 {dimension_numbers = #tpu.dot_dimension_numbers<[1], [0], [0], [1], [0, 0, 1, 1], [], []>, transpose_lhs_hint = false} : vector<2000x64xf32>, vector<64x128xf32>, vector<2000x128xf32> -> vector<2000x128xf32>
    %get3A_30 = arith.constant 0 : index
    %get3A_31 = arith.constant 0 : index
    %get3A_32 = vector.load %arg5[%get3A_30, %get3A_31] : memref<1x128xf32, #tpu.memory_space<vmem>>, vector<1x128xf32>
    %add3A_33 = vector.broadcast %get3A_32 : vector<1x128xf32> to vector<2000x128xf32>
    %add3A_34 = arith.addf %dot_general3A_29, %add3A_33 : vector<2000x128xf32>
    %sub3A_35 = vector.broadcast %add3A : vector<1x128xf32> to vector<2000x128xf32>
    %sub3A_36 = arith.subf %add3A_34, %sub3A_35 : vector<2000x128xf32>
    %mul3A_37 = vector.broadcast %rsqrt3A : vector<1x128xf32> to vector<2000x128xf32>
    %mul3A_38 = arith.mulf %sub3A_36, %mul3A_37 : vector<2000x128xf32>
    %max3A = arith.constant 0.000000e+00 : f32
    %max3A_39 = vector.broadcast %max3A : f32 to vector<2000x128xf32>
    %max3A_40 = arith.maximumf %mul3A_38, %max3A_39 : vector<2000x128xf32>
    %get3A_41 = arith.constant 0 : index
    %get3A_42 = arith.constant 0 : index
    %get3A_43 = vector.load %arg6[%get3A_41, %get3A_42] : memref<128x1xf32, #tpu.memory_space<vmem>>, vector<128x1xf32>
    %dot_general3A_44 = arith.constant dense<0.000000e+00> : vector<2000x1xf32>
    %dot_general3A_45 = tpu.matmul %max3A_40, %get3A_43, %dot_general3A_44 {dimension_numbers = #tpu.dot_dimension_numbers<[1], [0], [0], [1], [0, 0, 1, 1], [], []>, transpose_lhs_hint = false} : vector<2000x128xf32>, vector<128x1xf32>, vector<2000x1xf32> -> vector<2000x1xf32>
    %get3A_46 = arith.constant 0 : index
    %get3A_47 = arith.constant 0 : index
    %get3A_48 = memref.load %arg7[%get3A_46, %get3A_47] : memref<1x1xf32, #tpu.memory_space<smem>>
    %add3A_49 = vector.broadcast %get3A_48 : f32 to vector<2000x1xf32>
    %add3A_50 = arith.addf %dot_general3A_45, %add3A_49 : vector<2000x1xf32>
    %swap3A = arith.constant 0 : index
    %swap3A_51 = arith.constant 0 : index
    %swap3A_52 = vector.load %arg8[%swap3A, %swap3A_51] : memref<2000x1xf32, #tpu.memory_space<vmem>>, vector<2000x1xf32>
    tpu.vector_store %arg8[%swap3A, %swap3A_51], %add3A_50 {strides = array<i32>} : memref<2000x1xf32, #tpu.memory_space<vmem>>, vector<2000x1xf32>,
    return
  }
  func.func @transform_0(%arg0: i32) -> (i32, i32) {
    %c0_i32 = arith.constant 0 : i32
    %c0_i32_0 = arith.constant 0 : i32
    return %arg0, %c0_i32 : i32, i32
  }
  func.func @transform_1(%arg0: i32) -> (i32, i32) {
    %c0_i32 = arith.constant 0 : i32
    %c0_i32_0 = arith.constant 0 : i32
    %c0_i32_1 = arith.constant 0 : i32
    return %c0_i32, %c0_i32_0 : i32, i32
  }
  func.func @transform_2(%arg0: i32) -> (i32, i32) {
    %c0_i32 = arith.constant 0 : i32
    %c0_i32_0 = arith.constant 0 : i32
    %c0_i32_1 = arith.constant 0 : i32
    return %c0_i32, %c0_i32_0 : i32, i32
  }
  func.func @transform_3(%arg0: i32) -> (i32, i32) {
    %c0_i32 = arith.constant 0 : i32
    %c0_i32_0 = arith.constant 0 : i32
    %c0_i32_1 = arith.constant 0 : i32
    return %c0_i32, %c0_i32_0 : i32, i32
  }
  func.func @transform_4(%arg0: i32) -> (i32, i32) {
    %c0_i32 = arith.constant 0 : i32
    %c0_i32_0 = arith.constant 0 : i32
    %c0_i32_1 = arith.constant 0 : i32
    return %c0_i32, %c0_i32_0 : i32, i32
  }
  func.func @transform_5(%arg0: i32) -> (i32, i32) {
    %c0_i32 = arith.constant 0 : i32
    %c0_i32_0 = arith.constant 0 : i32
    %c0_i32_1 = arith.constant 0 : i32
    return %c0_i32, %c0_i32_0 : i32, i32
  }
  func.func @transform_6(%arg0: i32) -> (i32, i32) {
    %c0_i32 = arith.constant 0 : i32
    %c0_i32_0 = arith.constant 0 : i32
    %c0_i32_1 = arith.constant 0 : i32
    return %c0_i32, %c0_i32_0 : i32, i32
  }
  func.func @transform_7(%arg0: i32) -> (i32, i32) {
    %c0_i32 = arith.constant 0 : i32
    %c0_i32_0 = arith.constant 0 : i32
    return %arg0, %c0_i32 : i32, i32
  }
}

</mosaic_0001>

<sc_bundles>
// kernel: kernel.6.cloned.1.call-start
scs
__scs_entry_jumppad:
0x0: {  	(pc) =	sbr.rel $0x88, $3  }
0x1: {  	(tag) =	ssettag $0x0;
	lr =	simm.s32 $0x1  }
0x2: {  	[smem:$0x3F8E] =	sst lr;
	_ =	strace $0xD0000000  }
0x3: {  	_ = 	snop  }
0x4: {  	_ = 	snop  }
0x5: {  	_ = 	snop  }
0x6: {  	_ = 	snop  }
0x7: {  	_ = 	snop  }
__scs_overlays_trampoline_lowered:
0x8: {  	[smem:$0x3F9D] =	sst s0  }
0x9: {  	[smem:$0x3F9E] =	sst s1  }
0xa: {  	[smem:$0x3F9F] =	sst s2  }
0xb: {  	[smem:$0x3FA0] =	sst s3  }
0xc: {  	[smem:$0x3FA1] =	sst s4  }
0xd: {  	[smem:$0x3FA2] =	sst s5  }
0xe: {  	[smem:$0x3FA3] =	sst s6  }
0xf: {  	[smem:$0x3FA4] =	sst s7  }
0x10: {  	[smem:$0x3FA5] =	sst s8  }
0x11: {  	[smem:$0x3FA6] =	sst s9;
	s0 =	simm.s32 @!p0 $0x0  }
0x12: {  	s1 =	sld [smem:$0x3F8C];
	s0 =	simm.s32 @p0 $0x1  }
0x13: {  	[smem:$0x3FA7] =	sst s0;
	s0 =	simm.s32 @!p1 $0x0  }
0x14: {  	s2 =	sld [smem:$0x3F8B];
	s0 =	simm.s32 @p1 $0x1  }
0x15: {  	[smem:$0x3FA8] =	sst s0;
	s0 =	simm.s32 @!p2 $0x0  }
0x16: {  	s3 =	sld [smem:$0x3FDB];
	s0 =	simm.s32 @p2 $0x1  }
0x17: {  	s4 =	simm.s32 $0x1BF5;
	[smem:$0x3FAA] =	sst s0  }
0x18: {  	s0 =	sld [smem:$0x3F8D];
	_ =	swait.ge [sflag:s4], $0x0  }
0x19: {  	s7 =	sld [smem:$0x3F8E]  }
0x1a: {  	s8 =	sadd.s32 $0xFFFFE003, lr  }
0x1b: {  	s9 =	sadd.s32 $0xFFFFFEF7, lr;
	s5 =	simm.s32 $0xFFFFFFFF;
	p2 =	slt.u32 s8, $0xFFFFF086  }
0x1c: {  	p1 =	slt.u32 s9, $0xF7A;
	s5 =	simm.s32 @!p2 $0x0  }
0x1d: {  	s5 =	simm.s32 @p1 $0x1;
	p0 =	seq.s32 s7, s2  }
0x1e: {  	s7 =	smul.u32 @!p0 $0xF7A, s2;
	p2 =	seq.s32 @!p0 s5, $0x0  }
0x1f: {  	s9 =	smul.u32 $0xF7A, s1;
	s8 =	simm.s32 @!p0 $0x1BF5;
	p2 =	por !p2, p0  }
0x20: {  	[sflag:s8] =	ssyncset.s32 @!p0 $0xFFFFF086;
	s6 =	sadd.s32 @!p0 s3, s7;
	s7 =	simm.s32 @!p0 $0x108  }
0x21: {  	s3 =	sadd.s32 s3, s9;
	s6 =	sadd.s32 @!p0 $0x88, s6;
	s7 =	simm.s32 @p2 $0x1082  }
0x22: {  	[simem:s7], [sflag:s8] =	dma.local @!p0 [hbm:s6], $0xF7A  }
0x23: {  	s9 =	sor.u32 $0xD0000000, s2;
	s6 =	simm.s32 $0x108;
	_ =	swait.ge @!p0 [sflag:s8], $0x0  }
0x24: {  	s3 =	sadd.s32 $0x88, s3;
	s6 =	simm.s32 @!p1 $0x1082;
	[sflag:s4] =	ssyncset.s32 $0xFFFFF086  }
0x25: {  	[simem:s6], [sflag:s4] =	dma.local [hbm:s3], $0xF7A  }
0x26: {  	[smem:$0x3F8E] =	sst s1;
	(tag) =	ssettag s2;
	_ =	strace s9  }
0x27: {  	s1 =	sld [smem:$0x3F9E]  }
0x28: {  	s2 =	sld [smem:$0x3F9F]  }
0x29: {  	s4 =	sld [smem:$0x3FA1]  }
0x2a: {  	p0 =	seq.s32 s5, $0x0;
	s5 =	sld [smem:$0x3FA2]  }
0x2b: {  	s6 =	sld [smem:$0x3FA3]  }
0x2c: {  	s7 =	sld [smem:$0x3FA4]  }
0x2d: {  	s3 =	simm.s32 $0x108;
	s8 =	sld [smem:$0x3FA5]  }
0x2e: {  	s3 =	simm.s32 @!p0 $0x1082;
	s9 =	sld [smem:$0x3FA6]  }
0x2f: {  	lr =	sadd.s32 s0, s3;
	s0 =	sld [smem:$0x3F9D]  }
0x30: {  	s3 =	sld [smem:$0x3FA0]  }
0x31: {  	[smem:$0x3FA9] =	sst s10  }
0x32: {  	s10 =	sld [smem:$0x3FA7];
	_ =	sdelay $0x3  }
0x33: {  	p0 =	seq.s32 s10, $0x1;
	s10 =	sld [smem:$0x3FA9];
	_ =	sdelay $0x3  }
0x34: {  	[smem:$0x3FA9] =	sst s10  }
0x35: {  	s10 =	sld [smem:$0x3FA8];
	_ =	sdelay $0x3  }
0x36: {  	p1 =	seq.s32 s10, $0x1;
	s10 =	sld [smem:$0x3FA9];
	_ =	sdelay $0x3  }
0x37: {  	[smem:$0x3FA9] =	sst s10  }
0x38: {  	s10 =	sld [smem:$0x3FAA]  }
0x39: {  	_ = 	snop;
	(pc) =	sbr.ind lr, $3  }
0x3a: {  	_ = 	snop  }
0x3b: {  	_ = 	snop  }
0x3c: {  	p2 =	seq.s32 s10, $0x1;
	s10 =	sld [smem:$0x3FA9]  }
0x3d: {  	_ =	shalt  }
0x3e: {  	_ =	shalt  }
0x3f: {  	_ =	shalt  }
0x40: {  	_ =	shalt  }
0x41: {  	_ =	shalt  }
0x42: {  	_ =	shalt  }
0x43: {  	_ =	shalt  }
0x44: {  	_ =	shalt  }
0x45: {  	_ =	shalt  }
0x46: {  	_ =	shalt  }
0x47: {  	_ =	shalt  }
0x48: {  	_ =	shalt  }
0x49: {  	_ =	shalt  }
0x4a: {  	_ =	shalt  }
0x4b: {  	_ =	shalt  }
0x4c: {  	_ =	shalt  }
0x4d: {  	_ =	shalt  }
0x4e: {  	_ =	shalt  }
0x4f: {  	_ =	shalt  }
0x50: {  	_ =	shalt  }
0x51: {  	_ =	shalt  }
0x52: {  	_ =	shalt  }
0x53: {  	_ =	shalt  }
0x54: {  	_ =	shalt  }
0x55: {  	_ =	shalt  }
0x56: {  	_ =	shalt  }
0x57: {  	_ =	shalt  }
0x58: {  	_ =	shalt  }
0x59: {  	_ =	shalt  }
0x5a: {  	_ =	shalt  }
0x5b: {  	_ =	shalt  }
0x5c: {  	_ =	shalt  }
0x5d: {  	_ =	shalt  }
0x5e: {  	_ =	shalt  }
0x5f: {  	_ =	shalt  }
0x60: {  	_ =	shalt  }
0x61: {  	_ =	shalt  }
0x62: {  	_ =	shalt  }
0x63: {  	_ =	shalt  }
0x64: {  	_ =	shalt  }
0x65: {  	_ =	shalt  }
0x66: {  	_ =	shalt  }
0x67: {  	_ =	shalt  }
0x68: {  	_ =	shalt  }
0x69: {  	_ =	shalt  }
0x6a: {  	_ =	shalt  }
0x6b: {  	_ =	shalt  }
0x6c: {  	_ =	shalt  }
0x6d: {  	_ =	shalt  }
0x6e: {  	_ =	shalt  }
0x6f: {  	_ =	shalt  }
0x70: {  	_ =	shalt  }
0x71: {  	_ =	shalt  }
0x72: {  	_ =	shalt  }
0x73: {  	_ =	shalt  }
0x74: {  	_ =	shalt  }
0x75: {  	_ =	shalt  }
0x76: {  	_ =	shalt  }
0x77: {  	_ =	shalt  }
0x78: {  	_ =	shalt  }
0x79: {  	_ =	shalt  }
0x7a: {  	_ =	shalt  }
0x7b: {  	_ =	shalt  }
0x7c: {  	_ =	shalt  }
0x7d: {  	_ =	shalt  }
0x7e: {  	_ =	shalt  }
0x7f: {  	_ =	shalt  }
0x80: {  	_ =	shalt  }
0x81: {  	_ =	shalt  }
0x82: {  	_ =	shalt  }
0x83: {  	_ =	shalt  }
0x84: {  	_ =	shalt  }
0x85: {  	_ =	shalt  }
0x86: {  	_ =	shalt  }
0x87: {  	_ =	shalt  }
.Lfunc_end0:
.L_simem_size_0:
called_computation_lowered:
.L_overlay_start_0:
0x88: {  	s2 =	sld [smem:$0x3FD9]  }
0x89: {  	s3 =	sld [smem:$0x3FFE];
	_ =	sdelay $0x1  }
0x8a: {  	s1 =	srdreg.scid  }
0x8b: {  	s0 =	sand.u32 $0x1, s1  }
0x8c: {  	s16 =	sshll.u32 s0, $0xA;
	s2 =	sadd.s32 s3, s2  }
0x8d: {  	s2 =	sadd.s32 s2, s16  }
0x8e: {  	[smem:$0x3FB5] =	sst s2  }
0x8f: {  	_ = 	snop  }
0x90: {  	(tm) =	ssettm $0x1  }
0x91: {  	s17 =	sld [smem:$0x3FFB];
	_ =	sdelay $0x3  }
0x92: {  	_ =	strace s17  }
0x93: {  	s2 =	sld [smem:$0x3FFC];
	_ =	sdelay $0x3  }
0x94: {  	_ =	strace s2  }
0x95: {  	s2 =	sld [smem:$0x3FFD];
	_ =	sdelay $0x3  }
0x96: {  	_ =	strace s2  }
0x97: {  	_ =	strace $0x8FFFFFFF  }
0x98: {  	s18 =	sld [smem:$0x3FDB];
	_ =	sdelay $0x1  }
0x99: {  	s19 =	simm.s32 $_scs_section_size  }
0x9a: {  	s4 =	simm.s32 $_size__tile_overlayer_lowered;
	s5 =	simm.s32 $_tile_overlayer_lowered  }
0x9b: {  	s22 =	simm.s32 $0x1BFF;
	s21 =	sshll.u32 s5, $0x1;
	s2 =	sadd.s32 s19, s18  }
0x9c: {  	s6 =	simm.s32 $0x0;
	s20 =	sshll.u32 s4, $0x1;
	s4 =	sadd.s32 s21, s2  }
0x9d: {  	[timem:s6], [sflag:s22] =	dma.local [hbm:s4], s20  }
0x9e: {  	_ =	swait.ge [sflag:s22], s20  }
0x9f: {  	s3 =	ssub.s32 $0x0, s20;
	[sflag:s22] =	ssyncset.done $0x0  }
0xa0: {  	[sflag:s22] =	ssyncadd.s32 s3;
	_ =	sdelay $0x1  }
0xa1: {  	s23 =	simm.s32 $0x1B8B  }
0xa2: {  	_ =	swait.ge [sflag:s23], $0x1  }
0xa3: {  	[sflag:s23] =	ssyncset.done $0x0  }
0xa4: {  	s25 =	simm.s32 $0x1B8E;
	s24 =	sld [smem:$0x3FFE];
	[sflag:s23] =	ssyncadd.s32 $0xFFFFFFFF  }
0xa5: {  	s26 =	simm.s32 $execute0_lowered;
	[smem:$0x3FD2] =	sst s25  }
0xa6: {  	s4 =	sshll.u32 s26, $0x1;
	_ =	strace $0x80000046;
	[dreg:$0x1] =	wrdreg $0xFFFFFFFF  }
0xa7: {  	s28 =	simm.s32 $_size_execute0_lowered;
	s2 =	sadd.s32 s2, s4;
	[dreg:$0x0] =	wrdreg $0x0  }
0xa8: {  	s4 =	sshll.u32 s28, $0x1;
	[dreg:$0x2] =	wrdreg s2  }
0xa9: {  	[dreg:$0x3] =	wrdreg s4  }
0xaa: {  	[dreg:$0x4] =	wrdreg $0xC0  }
0xab: {  	_ =	task [dreg:s6], $0x5FFFF  }
0xac: {  	[dreg:$0x1] =	wrdreg $0xFFFFFFFF  }
0xad: {  	[dreg:$0x0] =	wrdreg $0x60  }
0xae: {  	[dreg:$0x2] =	wrdreg s24  }
0xaf: {  	[dreg:$0x3] =	wrdreg $0x9  }
0xb0: {  	_ =	task.clear_ibuf [dreg:s6], $0x4FFFF;
	_ =	strace $0x90000046  }
0xb1: {  	s29 =	simm.s32 $0x9;
	_ =	strace $0x80000048  }
0xb2: {  	_ =	swait.ge [sflag:s29], $0x1  }
0xb3: {  	[sflag:s29] =	ssyncadd.s32 $0xFFFFFFFF  }
0xb4: {  	_ =	strace $0x90000048  }
0xb5: {  	_ =	sfence  }
0xb6: {  	s30 =	sld [smem:$0x0];
	_ =	sdelay $0x2  }
0xb7: {  	s31 =	sshll.u32 s1, $0xD;
	s1 =	sshrl.u32 s1, $0x2  }
0xb8: {  	s3 =	sand.u32 $0x4000, s31;
	s1 =	sadd.s32 s1, s30  }
0xb9: {  	s0 =	sor.u32 s3, s0;
	s1 =	sshll.u32 s1, $0x11  }
0xba: {  	s0 =	sor.u32 s1, s0  }
0xbb: {  	s0 =	sadd.s32 $0x8F2B, s0  }
0xbc: {  	[sflag:s0] =	ssyncadd.remote.s32 $0x1  }
0xbd: {  	_ =	sfence.sel $0xFFFF  }
0xbe: {  	[dreg:$0x0] =	wrdreg $0xFFFFFFFF;
	(pc) =	sbr.abs _section_cstart, $3  }
0xbf: {  	[dreg:$0x1] =	wrdreg $0xFFFFFFFF  }
0xc0: {  	_ =	task.clear_ibuf [dreg:s6], $0x2FFFF;
	_ =	strace $0x9FFFFFFF  }
0xc1: {  	(tm) =	ssettm $0x7FFFFFFF  }
tec
execute0_lowered:
.L_overlay_start_1:
0x0: {  	(tag) =	ssettag $0x1  }
0x1: {  	s0 =	srdreg.scid  }
0x2: {  	s1 =	stileid.u32;
	s3 =	simm.s32 $0x8C0;
	s5 =	rddreg [dreg:$0x0]  }
0x3: {  	s28 =	simm.s32 $0x0;
	s0 =	sand.u32 $0x1, s0;
	s2 =	smul.u32 $0xC80, s1  }
0x4: {  	s1 =	simm.s32 $0x0;
	s23 =	sadd.s32 $0x1A1600, s5;
	p0 =	seq.s32 s0, $0x0  }
0x5: {  	s8 =	sadd.s32 $0x188E00, s5;
	s0 =	ssub.s32 $0x2, s0;
	s3 =	simm.s32 @!p0 $0x0  }
0x6: {  	[smem:$0x7FF] =	sst s1;
	s4 =	sshrl.u32 s0, $0x1;
	s2 =	sadd.s32 s2, s3  }
0x7: {  	s0 =	ssub.s32 s0, s4;
	s7 =	smin.u32 s2, $0xC210;
	s4 =	sadd.s32 $0x140, s2  }
0x8: {  	s13 =	sadd.s32 $0x3C0, s2;
	s16 =	sadd.s32 $0x500, s2;
	s22 =	sshll.u32 s2, $0x3  }
0x9: {  	s0 =	smax.u32 s0, $0x1;
	s6 =	sshll.u32 s7, $0x1;
	[dreg:$0x4] =	wrdreg s13  }
0xa: {  	s9 =	smin.u32 s4, $0xC210;
	s13 =	smin.u32 s13, $0xC210;
	[dreg:$0xa] =	wrdreg s16  }
0xb: {  	s17 =	smin.u32 s16, $0xC210;
	s16 =	sadd.s32 $0x780, s2;
	s30 =	ssub.s32 $0x0, s7  }
0xc: {  	s24 =	sadd.s32 s23, s6;
	s6 =	sadd.s32 s8, s6;
	s10 =	sshll.u32 s9, $0x1  }
0xd: {  	s14 =	sshll.u32 s13, $0x1;
	[dreg:$0xd] =	wrdreg s16;
	s16 =	smin.u32 s16, $0xC210  }
0xe: {  	s31 =	ssub.s32 $0x0, s9;
	s9 =	simm.s32 $0x13C00;
	[dreg:$0x2] =	wrdreg s24  }
0xf: {  	[dreg:$0x3] =	wrdreg s6;
	s6 =	sadd.s32 $0x280, s2;
	s12 =	sadd.s32 s23, s10  }
0x10: {  	s10 =	sadd.s32 s8, s10;
	s15 =	sadd.s32 s23, s14;
	[dreg:$0x5] =	wrdreg s12  }
0x11: {  	s20 =	sshll.u32 s16, $0x1;
	s24 =	sadd.s32 $0x2200, s5;
	[dreg:$0x6] =	wrdreg s10  }
0x12: {  	s11 =	smin.u32 s6, $0xC210;
	[dreg:$0x9] =	wrdreg s15;
	s10 =	sadd.s32 s8, s14  }
0x13: {  	s14 =	sadd.s32 $0x640, s2;
	s3 =	sadd.s32 s23, s20;
	[dreg:$0xb] =	wrdreg s10  }
0x14: {  	s21 =	sadd.s32 s8, s20;
	s20 =	sshll.u32 s2, $0x6;
	[dreg:$0xc] =	wrdreg s14  }
0x15: {  	s25 =	sshll.u32 s11, $0x1;
	s14 =	smin.u32 s14, $0xC210;
	[dreg:$0x12] =	wrdreg s3  }
0x16: {  	[dreg:$0x13] =	wrdreg s21;
	s21 =	simm.s32 $0x5;
	s3 =	simm.s32 $0x1  }
0x17: {  	s26 =	sadd.s32 s23, s25;
	s12 =	sadd.s32 s8, s25;
	s18 =	sshll.u32 s14, $0x1  }
0x18: {  	s25 =	sadd.s32 $0x1B9E00, s5;
	s14 =	ssub.s32 $0x0, s14;
	[dreg:$0x7] =	wrdreg s26  }
0x19: {  	[dreg:$0x8] =	wrdreg s12;
	s12 =	sshll.u32 s17, $0x1;
	s19 =	sadd.s32 s23, s18  }
0x1a: {  	s5 =	simm.s32 $0x13400;
	s15 =	sadd.s32 s23, s12;
	[dreg:$0x10] =	wrdreg s19  }
0x1b: {  	s26 =	simm.s32 $0x1E;
	s12 =	sadd.s32 s8, s12;
	[dreg:$0xe] =	wrdreg s15  }
0x1c: {  	s26 =	simm.s32 @!p0 $0x46;
	s23 =	sadd.s32 s22, s25;
	[dreg:$0xf] =	wrdreg s12  }
0x1d: {  	s15 =	sadd.s32 s8, s18;
	s29 =	sadd.s32 $0x100, s23;
	s18 =	ssub.s32 $0x0, s11  }
0x1e: {  	s12 =	ssub.s32 $0x0, s17;
	s17 =	ssub.s32 $0x0, s16;
	s19 =	sshrl.u32 s26, $0x1  }
0x1f: {  	s23 =	simm.s32 $0x80;
	s8 =	simm.s32 $0x2;
	[dreg:$0x11] =	wrdreg s15  }
0x20: {  	_ =	strace $0x80000047;
	[dreg:$0x14] =	wrdreg s0;
	s0 =	ssub.s32 $0x0, s13  }
.LBB2_1:
.Ltmp0:
0x21: {  	(pc) =	sbr.rel @!p0 .LBB2_2-.Ltmp0, $2  }
0x22: {  	_ =	sdelay $0x2  }
0x23: {  	s7 =	simm.s32 $0x0  }
0x24: {  	s10 =	rddreg [dreg:$0x2]  }
0x25: {  	[tilespmem:s7], [sflag:$0x5] =	stream.linear.gather [hbm4b:s10+s7], $0x1400, $0x38;
	[tilespmem:$0x14400] =	vst v63  }
0x26: {  	_ =	swait.ge [sflag:s21], $0x1400  }
0x27: {  	s11 =	simm.s32 $0x1400;
	[sflag:s21] =	ssyncset.done $0x0  }
0x28: {  	s10 =	sadd.s32 s2, s30;
	s22 =	rddreg [dreg:$0x3];
	[sflag:s21] =	ssyncadd.s32 $0xFFFFEC00  }
0x29: {  	[tilespmem:s11], [sflag:$0x5] =	stream.linear.gather [hbm4b:s22+s7], $0x1400, $0x38;
	[tilespmem:$0x14400] =	vst v63  }
0x2a: {  	p1 =	slt.s32 s10, $0x13F;
	_ =	swait.ge [sflag:s21], $0x1400  }
0x2b: {  	s10 =	simm.s32 @!p1 $0x13F;
	[sflag:s21] =	ssyncset.done $0x0  }
0x2c: {  	s13 =	sshll.u32 s10, $0x4;
	[sflag:s21] =	ssyncadd.s32 $0xFFFFEC00  }
0x2d: {  	v1 =	vld [tilespmem:s13+$0x0]  }
0x2e: {  	v0 =	vld [tilespmem:s13+$0x1400];
	_ =	sdelay $0x1  }
0x2f: {  	p2 =	slt.u32 s2, $0xC350  }
0x30: {  	s16 =	sand.u32 $0x7E00, s7;
	s10 =	sadd.s32 $0x1, s2;
	s11 =	simm.s32 $0x40  }
0x31: {  	s15 =	sadd.s32 s10, s30;
	s22 =	sand.u32 $0x70, s7;
	s13 =	simm.s32 $0x80;
	v1 =	vshll.u32 v1, $0x2  }
.LBB2_18:
0x32: {  	p1 =	sne.s32 s13, $0x4FC0;
	p3 =	slt.s32 s15, $0x13F;
	v0 =	vadd.s32 v0, v1;
	s16 =	sshrl.u32 s16, $0x2  }
0x33: {  	s15 =	simm.s32 @!p3 $0x13F;
	v0 =	vpsel !p2, $0x0, v0;
	s16 =	sor.u32 s22, s16;
	s22 =	smov.u32 s10  }
0x34: {  	s15 =	sshll.u32 s15, $0x4;
	[tilespmem:s16+$0x2800] =	vst v0;
	s16 =	smov.u32 s11;
	s11 =	smov.u32 s13  }
0x35: {  	v1 =	vld [tilespmem:s15+$0x0]  }
.Ltmp1:
0x36: {  	v0 =	vld [tilespmem:s15+$0x1400];
	(pc) =	sbr.rel @p1 .LBB2_18-.Ltmp1, $4  }
0x37: {  	_ = 	snop  }
0x38: {  	s10 =	sadd.s32 $0x1, s10  }
0x39: {  	s7 =	sadd.s32 $0x10, s7;
	p2 =	slt.u32 s22, $0xC350;
	s16 =	sand.u32 $0x7E00, s16  }
0x3a: {  	s13 =	sadd.s32 $0x40, s13;
	s22 =	sand.u32 $0x70, s7;
	s15 =	sadd.s32 s10, s30;
	v1 =	vshll.u32 v1, $0x2  }
0x3b: {  	p1 =	slt.s32 s15, $0x13F;
	v0 =	vadd.s32 v0, v1;
	s13 =	sshrl.u32 s16, $0x2  }
0x3c: {  	s15 =	simm.s32 @!p1 $0x13F;
	v0 =	vpsel !p2, $0x0, v0;
	s13 =	sor.u32 s22, s13  }
0x3d: {  	s15 =	sshll.u32 s15, $0x4;
	[tilespmem:s13+$0x2800] =	vst v0  }
0x3e: {  	v0 =	vld [tilespmem:s15+$0x0]  }
0x3f: {  	v1 =	vld [tilespmem:s15+$0x1400];
	_ =	sdelay $0x3  }
0x40: {  	s11 =	sand.u32 $0x7E00, s11;
	s7 =	sadd.s32 $0x10, s7;
	v0 =	vshll.u32 v0, $0x2  }
0x41: {  	p6 =	slt.u32 s10, $0xC350;
	s7 =	sand.u32 $0x70, s7;
	s11 =	sshrl.u32 s11, $0x2;
	v0 =	vadd.s32 v1, v0  }
0x42: {  	s7 =	sor.u32 s7, s11;
	v0 =	vpsel !p6, $0x0, v0  }
0x43: {  	s13 =	rddreg [dreg:$0x5];
	[tilespmem:s7+$0x2800] =	vst v0;
	s7 =	simm.s32 $0x0  }
0x44: {  	[tilespmem:s7], [sflag:$0x5] =	stream.linear.gather [hbm4b:s13+s7], $0x1400, $0x38;
	[tilespmem:$0x14400] =	vst v63  }
0x45: {  	_ =	swait.ge [sflag:s21], $0x1400  }
0x46: {  	s16 =	simm.s32 $0x1400;
	[sflag:s21] =	ssyncset.done $0x0  }
0x47: {  	s10 =	sadd.s32 s4, s31;
	s15 =	rddreg [dreg:$0x6];
	[sflag:s21] =	ssyncadd.s32 $0xFFFFEC00  }
0x48: {  	[tilespmem:s16], [sflag:$0x5] =	stream.linear.gather [hbm4b:s15+s7], $0x1400, $0x38;
	[tilespmem:$0x14400] =	vst v63  }
0x49: {  	p1 =	slt.s32 s10, $0x13F;
	_ =	swait.ge [sflag:s21], $0x1400  }
0x4a: {  	s10 =	simm.s32 @!p1 $0x13F;
	[sflag:s21] =	ssyncset.done $0x0  }
0x4b: {  	s13 =	sshll.u32 s10, $0x4;
	[sflag:s21] =	ssyncadd.s32 $0xFFFFEC00  }
0x4c: {  	v1 =	vld [tilespmem:s13+$0x0]  }
0x4d: {  	v0 =	vld [tilespmem:s13+$0x1400];
	_ =	sdelay $0x1  }
0x4e: {  	s22 =	simm.s32 $0x5000;
	p2 =	slt.u32 s4, $0xC350  }
0x4f: {  	s11 =	simm.s32 $0x5040;
	s10 =	sadd.s32 $0x1, s4;
	s16 =	sand.u32 $0xFE00, s22  }
0x50: {  	s15 =	sadd.s32 s10, s31;
	s22 =	sand.u32 $0x70, s7;
	s13 =	simm.s32 $0x5080;
	v1 =	vshll.u32 v1, $0x2  }
.LBB2_20:
0x51: {  	p1 =	sne.s32 s13, $0x9FC0;
	p3 =	slt.s32 s15, $0x13F;
	v0 =	vadd.s32 v0, v1;
	s16 =	sshrl.u32 s16, $0x2  }
0x52: {  	s15 =	simm.s32 @!p3 $0x13F;
	v0 =	vpsel !p2, $0x0, v0;
	s16 =	sor.u32 s22, s16;
	s22 =	smov.u32 s10  }
0x53: {  	s15 =	sshll.u32 s15, $0x4;
	[tilespmem:s16+$0x2800] =	vst v0;
	s16 =	smov.u32 s11;
	s11 =	smov.u32 s13  }
0x54: {  	v1 =	vld [tilespmem:s15+$0x0]  }
.Ltmp2:
0x55: {  	v0 =	vld [tilespmem:s15+$0x1400];
	(pc) =	sbr.rel @p1 .LBB2_20-.Ltmp2, $4  }
0x56: {  	_ = 	snop  }
0x57: {  	s10 =	sadd.s32 $0x1, s10  }
0x58: {  	s7 =	sadd.s32 $0x10, s7;
	p2 =	slt.u32 s22, $0xC350;
	s16 =	sand.u32 $0xFE00, s16  }
0x59: {  	s13 =	sadd.s32 $0x40, s13;
	s22 =	sand.u32 $0x70, s7;
	s15 =	sadd.s32 s10, s31;
	v1 =	vshll.u32 v1, $0x2  }
0x5a: {  	p1 =	slt.s32 s15, $0x13F;
	v0 =	vadd.s32 v0, v1;
	s13 =	sshrl.u32 s16, $0x2  }
0x5b: {  	s15 =	simm.s32 @!p1 $0x13F;
	v0 =	vpsel !p2, $0x0, v0;
	s13 =	sor.u32 s22, s13  }
0x5c: {  	s15 =	sshll.u32 s15, $0x4;
	[tilespmem:s13+$0x2800] =	vst v0  }
0x5d: {  	v0 =	vld [tilespmem:s15+$0x0]  }
0x5e: {  	v1 =	vld [tilespmem:s15+$0x1400];
	_ =	sdelay $0x3  }
0x5f: {  	s11 =	sand.u32 $0xFE00, s11;
	s7 =	sadd.s32 $0x10, s7;
	v0 =	vshll.u32 v0, $0x2  }
0x60: {  	p6 =	slt.u32 s10, $0xC350;
	s7 =	sand.u32 $0x70, s7;
	s11 =	sshrl.u32 s11, $0x2;
	v0 =	vadd.s32 v1, v0  }
0x61: {  	s7 =	sor.u32 s7, s11;
	v0 =	vpsel !p6, $0x0, v0  }
0x62: {  	s13 =	rddreg [dreg:$0x7];
	[tilespmem:s7+$0x2800] =	vst v0;
	s7 =	simm.s32 $0x0  }
0x63: {  	[tilespmem:s7], [sflag:$0x5] =	stream.linear.gather [hbm4b:s13+s7], $0x1400, $0x38;
	[tilespmem:$0x14400] =	vst v63  }
0x64: {  	_ =	swait.ge [sflag:s21], $0x1400  }
0x65: {  	s16 =	simm.s32 $0x1400;
	[sflag:s21] =	ssyncset.done $0x0  }
0x66: {  	s10 =	sadd.s32 s6, s18;
	s15 =	rddreg [dreg:$0x8];
	[sflag:s21] =	ssyncadd.s32 $0xFFFFEC00  }
0x67: {  	[tilespmem:s16], [sflag:$0x5] =	stream.linear.gather [hbm4b:s15+s7], $0x1400, $0x38;
	[tilespmem:$0x14400] =	vst v63  }
0x68: {  	p1 =	slt.s32 s10, $0x13F;
	_ =	swait.ge [sflag:s21], $0x1400  }
0x69: {  	s10 =	simm.s32 @!p1 $0x13F;
	[sflag:s21] =	ssyncset.done $0x0  }
0x6a: {  	s13 =	sshll.u32 s10, $0x4;
	[sflag:s21] =	ssyncadd.s32 $0xFFFFEC00  }
0x6b: {  	v1 =	vld [tilespmem:s13+$0x0]  }
0x6c: {  	v0 =	vld [tilespmem:s13+$0x1400];
	_ =	sdelay $0x1  }
0x6d: {  	s22 =	simm.s32 $0xA000;
	p2 =	slt.u32 s6, $0xC350  }
0x6e: {  	s11 =	simm.s32 $0xA040;
	s10 =	sadd.s32 $0x1, s6;
	s16 =	sand.u32 $0x1FE00, s22  }
0x6f: {  	s15 =	sadd.s32 s10, s18;
	s22 =	sand.u32 $0x70, s7;
	s13 =	simm.s32 $0xA080;
	v1 =	vshll.u32 v1, $0x2  }
.LBB2_22:
0x70: {  	p1 =	sne.s32 s13, $0xEFC0;
	p3 =	slt.s32 s15, $0x13F;
	v0 =	vadd.s32 v0, v1;
	s16 =	sshrl.u32 s16, $0x2  }
0x71: {  	s15 =	simm.s32 @!p3 $0x13F;
	v0 =	vpsel !p2, $0x0, v0;
	s16 =	sor.u32 s22, s16;
	s22 =	smov.u32 s10  }
0x72: {  	s15 =	sshll.u32 s15, $0x4;
	[tilespmem:s16+$0x2800] =	vst v0;
	s16 =	smov.u32 s11;
	s11 =	smov.u32 s13  }
0x73: {  	v1 =	vld [tilespmem:s15+$0x0]  }
.Ltmp3:
0x74: {  	v0 =	vld [tilespmem:s15+$0x1400];
	(pc) =	sbr.rel @p1 .LBB2_22-.Ltmp3, $4  }
0x75: {  	_ = 	snop  }
0x76: {  	s10 =	sadd.s32 $0x1, s10  }
0x77: {  	s7 =	sadd.s32 $0x10, s7;
	p2 =	slt.u32 s22, $0xC350;
	s16 =	sand.u32 $0x1FE00, s16  }
0x78: {  	s13 =	sadd.s32 $0x40, s13;
	s22 =	sand.u32 $0x70, s7;
	s15 =	sadd.s32 s10, s18;
	v1 =	vshll.u32 v1, $0x2  }
0x79: {  	p1 =	slt.s32 s15, $0x13F;
	v0 =	vadd.s32 v0, v1;
	s13 =	sshrl.u32 s16, $0x2  }
0x7a: {  	s15 =	simm.s32 @!p1 $0x13F;
	v0 =	vpsel !p2, $0x0, v0;
	s13 =	sor.u32 s22, s13  }
0x7b: {  	s15 =	sshll.u32 s15, $0x4;
	[tilespmem:s13+$0x2800] =	vst v0  }
0x7c: {  	v0 =	vld [tilespmem:s15+$0x0]  }
0x7d: {  	v63 =	vld [tilespmem:s15+$0x1400];
	_ =	sdelay $0x2  }
.Ltmp4:
0x7e: {  	_ = 	snop;
	(pc) =	sbr.rel .LBB2_24-.Ltmp4, $4  }
0x7f: {  	s11 =	sand.u32 $0x1FE00, s11;
	s7 =	sadd.s32 $0x10, s7;
	v0 =	vshll.u32 v0, $0x2  }
0x80: {  	p6 =	slt.u32 s10, $0xC350;
	s7 =	sand.u32 $0x70, s7;
	s22 =	sshrl.u32 s11, $0x2;
	v0 =	vadd.s32 v63, v0  }
0x81: {  	s7 =	sor.u32 s7, s22;
	v0 =	vpsel !p6, $0x0, v0  }
0x82: {  	[tilespmem:s7+$0x2800] =	vst v0  }
.LBB2_2:
0x83: {  	s10 =	rddreg [dreg:$0x2]  }
0x84: {  	[tilespmem:s7], [sflag:$0x5] =	stream.linear.gather [hbm4b:s10+s7], $0x1400, $0x38;
	[tilespmem:$0x14400] =	vst v63  }
0x85: {  	_ =	swait.ge [sflag:s21], $0x1400  }
0x86: {  	s11 =	simm.s32 $0x1400;
	[sflag:s21] =	ssyncset.done $0x0  }
0x87: {  	s10 =	sadd.s32 s2, s30;
	s22 =	rddreg [dreg:$0x3];
	[sflag:s21] =	ssyncadd.s32 $0xFFFFEC00  }
0x88: {  	[tilespmem:s11], [sflag:$0x5] =	stream.linear.gather [hbm4b:s22+s7], $0x1400, $0x38;
	[tilespmem:$0x14400] =	vst v63  }
0x89: {  	p1 =	slt.s32 s10, $0x13F;
	_ =	swait.ge [sflag:s21], $0x1400  }
0x8a: {  	s10 =	simm.s32 @!p1 $0x13F;
	[sflag:s21] =	ssyncset.done $0x0  }
0x8b: {  	s13 =	sshll.u32 s10, $0x4;
	[sflag:s21] =	ssyncadd.s32 $0xFFFFEC00  }
0x8c: {  	v1 =	vld [tilespmem:s13+$0x0]  }
0x8d: {  	v0 =	vld [tilespmem:s13+$0x1400];
	_ =	sdelay $0x1  }
0x8e: {  	p2 =	slt.u32 s2, $0xC350  }
0x8f: {  	s16 =	sand.u32 $0x7E00, s7;
	s10 =	sadd.s32 $0x1, s2;
	s11 =	simm.s32 $0x40  }
0x90: {  	s15 =	sadd.s32 s10, s30;
	s22 =	sand.u32 $0x70, s7;
	s13 =	simm.s32 $0x80;
	v1 =	vshll.u32 v1, $0x2  }
.LBB2_3:
0x91: {  	p1 =	sne.s32 s13, $0x4FC0;
	p3 =	slt.s32 s15, $0x13F;
	v0 =	vadd.s32 v0, v1;
	s16 =	sshrl.u32 s16, $0x2  }
0x92: {  	s15 =	simm.s32 @!p3 $0x13F;
	v0 =	vpsel !p2, $0x0, v0;
	s16 =	sor.u32 s22, s16;
	s22 =	smov.u32 s10  }
0x93: {  	s15 =	sshll.u32 s15, $0x4;
	[tilespmem:s16+$0x2800] =	vst v0;
	s16 =	smov.u32 s11;
	s11 =	smov.u32 s13  }
0x94: {  	v1 =	vld [tilespmem:s15+$0x0]  }
.Ltmp5:
0x95: {  	v0 =	vld [tilespmem:s15+$0x1400];
	(pc) =	sbr.rel @p1 .LBB2_3-.Ltmp5, $4  }
0x96: {  	_ = 	snop  }
0x97: {  	s10 =	sadd.s32 $0x1, s10  }
0x98: {  	s7 =	sadd.s32 $0x10, s7;
	p2 =	slt.u32 s22, $0xC350;
	s16 =	sand.u32 $0x7E00, s16  }
0x99: {  	s13 =	sadd.s32 $0x40, s13;
	s22 =	sand.u32 $0x70, s7;
	s15 =	sadd.s32 s10, s30;
	v1 =	vshll.u32 v1, $0x2  }
0x9a: {  	p1 =	slt.s32 s15, $0x13F;
	v0 =	vadd.s32 v0, v1;
	s13 =	sshrl.u32 s16, $0x2  }
0x9b: {  	s15 =	simm.s32 @!p1 $0x13F;
	v0 =	vpsel !p2, $0x0, v0;
	s13 =	sor.u32 s22, s13  }
0x9c: {  	s15 =	sshll.u32 s15, $0x4;
	[tilespmem:s13+$0x2800] =	vst v0  }
0x9d: {  	v0 =	vld [tilespmem:s15+$0x0]  }
0x9e: {  	v1 =	vld [tilespmem:s15+$0x1400];
	_ =	sdelay $0x3  }
0x9f: {  	s11 =	sand.u32 $0x7E00, s11;
	s7 =	sadd.s32 $0x10, s7;
	v0 =	vshll.u32 v0, $0x2  }
0xa0: {  	p6 =	slt.u32 s10, $0xC350;
	s7 =	sand.u32 $0x70, s7;
	s11 =	sshrl.u32 s11, $0x2;
	v0 =	vadd.s32 v1, v0  }
0xa1: {  	s7 =	sor.u32 s7, s11;
	v0 =	vpsel !p6, $0x0, v0  }
0xa2: {  	s13 =	rddreg [dreg:$0x5];
	[tilespmem:s7+$0x2800] =	vst v0;
	s7 =	simm.s32 $0x0  }
0xa3: {  	[tilespmem:s7], [sflag:$0x5] =	stream.linear.gather [hbm4b:s13+s7], $0x1400, $0x38;
	[tilespmem:$0x14400] =	vst v63  }
0xa4: {  	_ =	swait.ge [sflag:s21], $0x1400  }
0xa5: {  	s16 =	simm.s32 $0x1400;
	[sflag:s21] =	ssyncset.done $0x0  }
0xa6: {  	s10 =	sadd.s32 s4, s31;
	s15 =	rddreg [dreg:$0x6];
	[sflag:s21] =	ssyncadd.s32 $0xFFFFEC00  }
0xa7: {  	[tilespmem:s16], [sflag:$0x5] =	stream.linear.gather [hbm4b:s15+s7], $0x1400, $0x38;
	[tilespmem:$0x14400] =	vst v63  }
0xa8: {  	p1 =	slt.s32 s10, $0x13F;
	_ =	swait.ge [sflag:s21], $0x1400  }
0xa9: {  	s10 =	simm.s32 @!p1 $0x13F;
	[sflag:s21] =	ssyncset.done $0x0  }
0xaa: {  	s13 =	sshll.u32 s10, $0x4;
	[sflag:s21] =	ssyncadd.s32 $0xFFFFEC00  }
0xab: {  	v1 =	vld [tilespmem:s13+$0x0]  }
0xac: {  	v0 =	vld [tilespmem:s13+$0x1400];
	_ =	sdelay $0x1  }
0xad: {  	s22 =	simm.s32 $0x5000;
	p2 =	slt.u32 s4, $0xC350  }
0xae: {  	s11 =	simm.s32 $0x5040;
	s10 =	sadd.s32 $0x1, s4;
	s16 =	sand.u32 $0xFE00, s22  }
0xaf: {  	s15 =	sadd.s32 s10, s31;
	s22 =	sand.u32 $0x70, s7;
	s13 =	simm.s32 $0x5080;
	v1 =	vshll.u32 v1, $0x2  }
.LBB2_5:
0xb0: {  	p1 =	sne.s32 s13, $0x9FC0;
	p3 =	slt.s32 s15, $0x13F;
	v0 =	vadd.s32 v0, v1;
	s16 =	sshrl.u32 s16, $0x2  }
0xb1: {  	s15 =	simm.s32 @!p3 $0x13F;
	v0 =	vpsel !p2, $0x0, v0;
	s16 =	sor.u32 s22, s16;
	s22 =	smov.u32 s10  }
0xb2: {  	s15 =	sshll.u32 s15, $0x4;
	[tilespmem:s16+$0x2800] =	vst v0;
	s16 =	smov.u32 s11;
	s11 =	smov.u32 s13  }
0xb3: {  	v1 =	vld [tilespmem:s15+$0x0]  }
.Ltmp6:
0xb4: {  	v0 =	vld [tilespmem:s15+$0x1400];
	(pc) =	sbr.rel @p1 .LBB2_5-.Ltmp6, $4  }
0xb5: {  	_ = 	snop  }
0xb6: {  	s10 =	sadd.s32 $0x1, s10  }
0xb7: {  	s7 =	sadd.s32 $0x10, s7;
	p2 =	slt.u32 s22, $0xC350;
	s16 =	sand.u32 $0xFE00, s16  }
0xb8: {  	s13 =	sadd.s32 $0x40, s13;
	s22 =	sand.u32 $0x70, s7;
	s15 =	sadd.s32 s10, s31;
	v1 =	vshll.u32 v1, $0x2  }
0xb9: {  	p1 =	slt.s32 s15, $0x13F;
	v0 =	vadd.s32 v0, v1;
	s13 =	sshrl.u32 s16, $0x2  }
0xba: {  	s15 =	simm.s32 @!p1 $0x13F;
	v0 =	vpsel !p2, $0x0, v0;
	s13 =	sor.u32 s22, s13  }
0xbb: {  	s15 =	sshll.u32 s15, $0x4;
	[tilespmem:s13+$0x2800] =	vst v0  }
0xbc: {  	v0 =	vld [tilespmem:s15+$0x0]  }
0xbd: {  	v1 =	vld [tilespmem:s15+$0x1400];
	_ =	sdelay $0x3  }
0xbe: {  	s11 =	sand.u32 $0xFE00, s11;
	s7 =	sadd.s32 $0x10, s7;
	v0 =	vshll.u32 v0, $0x2  }
0xbf: {  	p6 =	slt.u32 s10, $0xC350;
	s7 =	sand.u32 $0x70, s7;
	s11 =	sshrl.u32 s11, $0x2;
	v0 =	vadd.s32 v1, v0  }
0xc0: {  	s7 =	sor.u32 s7, s11;
	v0 =	vpsel !p6, $0x0, v0  }
0xc1: {  	s13 =	rddreg [dreg:$0x7];
	[tilespmem:s7+$0x2800] =	vst v0;
	s7 =	simm.s32 $0x0  }
0xc2: {  	[tilespmem:s7], [sflag:$0x5] =	stream.linear.gather [hbm4b:s13+s7], $0x1400, $0x38;
	[tilespmem:$0x14400] =	vst v63  }
0xc3: {  	_ =	swait.ge [sflag:s21], $0x1400  }
0xc4: {  	s16 =	simm.s32 $0x1400;
	[sflag:s21] =	ssyncset.done $0x0  }
0xc5: {  	s10 =	sadd.s32 s6, s18;
	s15 =	rddreg [dreg:$0x8];
	[sflag:s21] =	ssyncadd.s32 $0xFFFFEC00  }
0xc6: {  	[tilespmem:s16], [sflag:$0x5] =	stream.linear.gather [hbm4b:s15+s7], $0x1400, $0x38;
	[tilespmem:$0x14400] =	vst v63  }
0xc7: {  	p1 =	slt.s32 s10, $0x13F;
	_ =	swait.ge [sflag:s21], $0x1400  }
0xc8: {  	s10 =	simm.s32 @!p1 $0x13F;
	[sflag:s21] =	ssyncset.done $0x0  }
0xc9: {  	s13 =	sshll.u32 s10, $0x4;
	[sflag:s21] =	ssyncadd.s32 $0xFFFFEC00  }
0xca: {  	v1 =	vld [tilespmem:s13+$0x0]  }
0xcb: {  	v0 =	vld [tilespmem:s13+$0x1400];
	_ =	sdelay $0x1  }
0xcc: {  	s22 =	simm.s32 $0xA000;
	p2 =	slt.u32 s6, $0xC350  }
0xcd: {  	s11 =	simm.s32 $0xA040;
	s10 =	sadd.s32 $0x1, s6;
	s16 =	sand.u32 $0x1FE00, s22  }
0xce: {  	s15 =	sadd.s32 s10, s18;
	s22 =	sand.u32 $0x70, s7;
	s13 =	simm.s32 $0xA080;
	v1 =	vshll.u32 v1, $0x2  }
.LBB2_7:
0xcf: {  	p1 =	sne.s32 s13, $0xEFC0;
	p3 =	slt.s32 s15, $0x13F;
	v0 =	vadd.s32 v0, v1;
	s16 =	sshrl.u32 s16, $0x2  }
0xd0: {  	s15 =	simm.s32 @!p3 $0x13F;
	v0 =	vpsel !p2, $0x0, v0;
	s16 =	sor.u32 s22, s16;
	s22 =	smov.u32 s10  }
0xd1: {  	s15 =	sshll.u32 s15, $0x4;
	[tilespmem:s16+$0x2800] =	vst v0;
	s16 =	smov.u32 s11;
	s11 =	smov.u32 s13  }
0xd2: {  	v1 =	vld [tilespmem:s15+$0x0]  }
.Ltmp7:
0xd3: {  	v0 =	vld [tilespmem:s15+$0x1400];
	(pc) =	sbr.rel @p1 .LBB2_7-.Ltmp7, $4  }
0xd4: {  	_ = 	snop  }
0xd5: {  	s10 =	sadd.s32 $0x1, s10  }
0xd6: {  	s7 =	sadd.s32 $0x10, s7;
	p2 =	slt.u32 s22, $0xC350;
	s16 =	sand.u32 $0x1FE00, s16  }
0xd7: {  	s13 =	sadd.s32 $0x40, s13;
	s22 =	sand.u32 $0x70, s7;
	s15 =	sadd.s32 s10, s18;
	v1 =	vshll.u32 v1, $0x2  }
0xd8: {  	p1 =	slt.s32 s15, $0x13F;
	v0 =	vadd.s32 v0, v1;
	s13 =	sshrl.u32 s16, $0x2  }
0xd9: {  	s15 =	simm.s32 @!p1 $0x13F;
	v0 =	vpsel !p2, $0x0, v0;
	s13 =	sor.u32 s22, s13  }
0xda: {  	s15 =	sshll.u32 s15, $0x4;
	[tilespmem:s13+$0x2800] =	vst v0  }
0xdb: {  	v0 =	vld [tilespmem:s15+$0x0]  }
0xdc: {  	v1 =	vld [tilespmem:s15+$0x1400];
	_ =	sdelay $0x3  }
0xdd: {  	s11 =	sand.u32 $0x1FE00, s11;
	s7 =	sadd.s32 $0x10, s7;
	v0 =	vshll.u32 v0, $0x2  }
0xde: {  	p6 =	slt.u32 s10, $0xC350;
	s7 =	sand.u32 $0x70, s7;
	s16 =	sshrl.u32 s11, $0x2;
	v0 =	vadd.s32 v1, v0  }
0xdf: {  	s7 =	sor.u32 s7, s16;
	v0 =	vpsel !p6, $0x0, v0  }
0xe0: {  	s22 =	rddreg [dreg:$0x9];
	[tilespmem:s7+$0x2800] =	vst v0;
	s7 =	simm.s32 $0x0  }
0xe1: {  	[tilespmem:s7], [sflag:$0x5] =	stream.linear.gather [hbm4b:s22+s7], $0x1400, $0x38;
	[tilespmem:$0x14400] =	vst v63  }
0xe2: {  	_ =	swait.ge [sflag:s21], $0x1400  }
0xe3: {  	s13 =	simm.s32 $0x1400;
	[sflag:s21] =	ssyncset.done $0x0;
	s15 =	rddreg [dreg:$0x4]  }
0xe4: {  	s11 =	rddreg [dreg:$0xb];
	[sflag:s21] =	ssyncadd.s32 $0xFFFFEC00;
	s10 =	sadd.s32 s15, s0  }
0xe5: {  	[tilespmem:s13], [sflag:$0x5] =	stream.linear.gather [hbm4b:s11+s7], $0x1400, $0x38;
	[tilespmem:$0x14400] =	vst v63  }
0xe6: {  	p1 =	slt.s32 s10, $0x13F;
	_ =	swait.ge [sflag:s21], $0x1400  }
0xe7: {  	s10 =	simm.s32 @!p1 $0x13F;
	[sflag:s21] =	ssyncset.done $0x0  }
0xe8: {  	s13 =	sshll.u32 s10, $0x4;
	[sflag:s21] =	ssyncadd.s32 $0xFFFFEC00  }
0xe9: {  	v1 =	vld [tilespmem:s13+$0x0]  }
0xea: {  	v0 =	vld [tilespmem:s13+$0x1400]  }
0xeb: {  	s22 =	simm.s32 $0xF000  }
0xec: {  	s16 =	sand.u32 $0x1FE00, s22  }
0xed: {  	s22 =	sand.u32 $0x70, s7;
	p2 =	slt.u32 s15, $0xC350;
	s10 =	sadd.s32 $0x1, s15  }
0xee: {  	s11 =	simm.s32 $0xF040;
	s15 =	sadd.s32 s10, s0;
	s13 =	simm.s32 $0xF080;
	v1 =	vshll.u32 v1, $0x2  }
.LBB2_9:
0xef: {  	p1 =	sne.s32 s13, $0x13FC0;
	p3 =	slt.s32 s15, $0x13F;
	v0 =	vadd.s32 v0, v1;
	s16 =	sshrl.u32 s16, $0x2  }
0xf0: {  	s15 =	simm.s32 @!p3 $0x13F;
	v0 =	vpsel !p2, $0x0, v0;
	s16 =	sor.u32 s22, s16;
	s22 =	smov.u32 s10  }
0xf1: {  	s15 =	sshll.u32 s15, $0x4;
	[tilespmem:s16+$0x2800] =	vst v0;
	s16 =	smov.u32 s11;
	s11 =	smov.u32 s13  }
0xf2: {  	v1 =	vld [tilespmem:s15+$0x0]  }
.Ltmp8:
0xf3: {  	v0 =	vld [tilespmem:s15+$0x1400];
	(pc) =	sbr.rel @p1 .LBB2_9-.Ltmp8, $4  }
0xf4: {  	_ = 	snop  }
0xf5: {  	s10 =	sadd.s32 $0x1, s10  }
0xf6: {  	s7 =	sadd.s32 $0x10, s7;
	p2 =	slt.u32 s22, $0xC350;
	s16 =	sand.u32 $0x1FE00, s16  }
0xf7: {  	s13 =	sadd.s32 $0x40, s13;
	s22 =	sand.u32 $0x70, s7;
	s15 =	sadd.s32 s10, s0;
	v1 =	vshll.u32 v1, $0x2  }
0xf8: {  	p1 =	slt.s32 s15, $0x13F;
	v0 =	vadd.s32 v0, v1;
	s13 =	sshrl.u32 s16, $0x2  }
0xf9: {  	s15 =	simm.s32 @!p1 $0x13F;
	v0 =	vpsel !p2, $0x0, v0;
	s13 =	sor.u32 s22, s13  }
0xfa: {  	s15 =	sshll.u32 s15, $0x4;
	[tilespmem:s13+$0x2800] =	vst v0  }
0xfb: {  	v0 =	vld [tilespmem:s15+$0x0]  }
0xfc: {  	v1 =	vld [tilespmem:s15+$0x1400];
	_ =	sdelay $0x3  }
0xfd: {  	s11 =	sand.u32 $0x1FE00, s11;
	s7 =	sadd.s32 $0x10, s7;
	v0 =	vshll.u32 v0, $0x2  }
0xfe: {  	p6 =	slt.u32 s10, $0xC350;
	s7 =	sand.u32 $0x70, s7;
	s16 =	sshrl.u32 s11, $0x2;
	v0 =	vadd.s32 v1, v0  }
0xff: {  	s7 =	sor.u32 s7, s16;
	v0 =	vpsel !p6, $0x0, v0  }
0x100: {  	s22 =	rddreg [dreg:$0xe];
	[tilespmem:s7+$0x2800] =	vst v0;
	s7 =	simm.s32 $0x0  }
0x101: {  	[tilespmem:s7], [sflag:$0x5] =	stream.linear.gather [hbm4b:s22+s7], $0x1400, $0x38;
	[tilespmem:$0x14400] =	vst v63  }
0x102: {  	_ =	swait.ge [sflag:s21], $0x1400  }
0x103: {  	s13 =	simm.s32 $0x1400;
	[sflag:s21] =	ssyncset.done $0x0;
	s15 =	rddreg [dreg:$0xa]  }
0x104: {  	s11 =	rddreg [dreg:$0xf];
	[sflag:s21] =	ssyncadd.s32 $0xFFFFEC00;
	s10 =	sadd.s32 s15, s12  }
0x105: {  	[tilespmem:s13], [sflag:$0x5] =	stream.linear.gather [hbm4b:s11+s7], $0x1400, $0x38;
	[tilespmem:$0x14400] =	vst v63  }
0x106: {  	p1 =	slt.s32 s10, $0x13F;
	_ =	swait.ge [sflag:s21], $0x1400  }
0x107: {  	s10 =	simm.s32 @!p1 $0x13F;
	[sflag:s21] =	ssyncset.done $0x0  }
0x108: {  	s13 =	sshll.u32 s10, $0x4;
	[sflag:s21] =	ssyncadd.s32 $0xFFFFEC00  }
0x109: {  	v1 =	vld [tilespmem:s13+$0x0]  }
0x10a: {  	v0 =	vld [tilespmem:s13+$0x1400]  }
0x10b: {  	s22 =	simm.s32 $0x14000  }
0x10c: {  	s16 =	sand.u32 $0x1FE00, s22  }
0x10d: {  	s22 =	sand.u32 $0x70, s7;
	p2 =	slt.u32 s15, $0xC350;
	s10 =	sadd.s32 $0x1, s15  }
0x10e: {  	s11 =	simm.s32 $0x14040;
	s15 =	sadd.s32 s10, s12;
	s13 =	simm.s32 $0x14080;
	v1 =	vshll.u32 v1, $0x2  }
.LBB2_11:
0x10f: {  	p1 =	sne.s32 s13, $0x18FC0;
	p3 =	slt.s32 s15, $0x13F;
	v0 =	vadd.s32 v0, v1;
	s16 =	sshrl.u32 s16, $0x2  }
0x110: {  	s15 =	simm.s32 @!p3 $0x13F;
	v0 =	vpsel !p2, $0x0, v0;
	s16 =	sor.u32 s22, s16;
	s22 =	smov.u32 s10  }
0x111: {  	s15 =	sshll.u32 s15, $0x4;
	[tilespmem:s16+$0x2800] =	vst v0;
	s16 =	smov.u32 s11;
	s11 =	smov.u32 s13  }
0x112: {  	v1 =	vld [tilespmem:s15+$0x0]  }
.Ltmp9:
0x113: {  	v0 =	vld [tilespmem:s15+$0x1400];
	(pc) =	sbr.rel @p1 .LBB2_11-.Ltmp9, $4  }
0x114: {  	_ = 	snop  }
0x115: {  	s10 =	sadd.s32 $0x1, s10  }
0x116: {  	s7 =	sadd.s32 $0x10, s7;
	p2 =	slt.u32 s22, $0xC350;
	s16 =	sand.u32 $0x1FE00, s16  }
0x117: {  	s13 =	sadd.s32 $0x40, s13;
	s22 =	sand.u32 $0x70, s7;
	s15 =	sadd.s32 s10, s12;
	v1 =	vshll.u32 v1, $0x2  }
0x118: {  	p1 =	slt.s32 s15, $0x13F;
	v0 =	vadd.s32 v0, v1;
	s13 =	sshrl.u32 s16, $0x2  }
0x119: {  	s15 =	simm.s32 @!p1 $0x13F;
	v0 =	vpsel !p2, $0x0, v0;
	s13 =	sor.u32 s22, s13  }
0x11a: {  	s15 =	sshll.u32 s15, $0x4;
	[tilespmem:s13+$0x2800] =	vst v0  }
0x11b: {  	v0 =	vld [tilespmem:s15+$0x0]  }
0x11c: {  	v1 =	vld [tilespmem:s15+$0x1400];
	_ =	sdelay $0x3  }
0x11d: {  	s11 =	sand.u32 $0x1FE00, s11;
	s7 =	sadd.s32 $0x10, s7;
	v0 =	vshll.u32 v0, $0x2  }
0x11e: {  	p6 =	slt.u32 s10, $0xC350;
	s7 =	sand.u32 $0x70, s7;
	s16 =	sshrl.u32 s11, $0x2;
	v0 =	vadd.s32 v1, v0  }
0x11f: {  	s7 =	sor.u32 s7, s16;
	v0 =	vpsel !p6, $0x0, v0  }
0x120: {  	s22 =	rddreg [dreg:$0x10];
	[tilespmem:s7+$0x2800] =	vst v0;
	s7 =	simm.s32 $0x0  }
0x121: {  	[tilespmem:s7], [sflag:$0x5] =	stream.linear.gather [hbm4b:s22+s7], $0x1400, $0x38;
	[tilespmem:$0x14400] =	vst v63  }
0x122: {  	_ =	swait.ge [sflag:s21], $0x1400  }
0x123: {  	s13 =	simm.s32 $0x1400;
	[sflag:s21] =	ssyncset.done $0x0;
	s15 =	rddreg [dreg:$0xc]  }
0x124: {  	s11 =	rddreg [dreg:$0x11];
	[sflag:s21] =	ssyncadd.s32 $0xFFFFEC00;
	s10 =	sadd.s32 s15, s14  }
0x125: {  	[tilespmem:s13], [sflag:$0x5] =	stream.linear.gather [hbm4b:s11+s7], $0x1400, $0x38;
	[tilespmem:$0x14400] =	vst v63  }
0x126: {  	p1 =	slt.s32 s10, $0x13F;
	_ =	swait.ge [sflag:s21], $0x1400  }
0x127: {  	s10 =	simm.s32 @!p1 $0x13F;
	[sflag:s21] =	ssyncset.done $0x0  }
0x128: {  	s13 =	sshll.u32 s10, $0x4;
	[sflag:s21] =	ssyncadd.s32 $0xFFFFEC00  }
0x129: {  	v1 =	vld [tilespmem:s13+$0x0]  }
0x12a: {  	v0 =	vld [tilespmem:s13+$0x1400]  }
0x12b: {  	s22 =	simm.s32 $0x19000  }
0x12c: {  	s16 =	sand.u32 $0x3FE00, s22  }
0x12d: {  	s22 =	sand.u32 $0x70, s7;
	p2 =	slt.u32 s15, $0xC350;
	s10 =	sadd.s32 $0x1, s15  }
0x12e: {  	s11 =	simm.s32 $0x19040;
	s15 =	sadd.s32 s10, s14;
	s13 =	simm.s32 $0x19080;
	v1 =	vshll.u32 v1, $0x2  }
.LBB2_13:
0x12f: {  	p1 =	sne.s32 s13, $0x1DFC0;
	p3 =	slt.s32 s15, $0x13F;
	v0 =	vadd.s32 v0, v1;
	s16 =	sshrl.u32 s16, $0x2  }
0x130: {  	s15 =	simm.s32 @!p3 $0x13F;
	v0 =	vpsel !p2, $0x0, v0;
	s16 =	sor.u32 s22, s16;
	s22 =	smov.u32 s10  }
0x131: {  	s15 =	sshll.u32 s15, $0x4;
	[tilespmem:s16+$0x2800] =	vst v0;
	s16 =	smov.u32 s11;
	s11 =	smov.u32 s13  }
0x132: {  	v1 =	vld [tilespmem:s15+$0x0]  }
.Ltmp10:
0x133: {  	v0 =	vld [tilespmem:s15+$0x1400];
	(pc) =	sbr.rel @p1 .LBB2_13-.Ltmp10, $4  }
0x134: {  	_ = 	snop  }
0x135: {  	s10 =	sadd.s32 $0x1, s10  }
0x136: {  	s7 =	sadd.s32 $0x10, s7;
	p2 =	slt.u32 s22, $0xC350;
	s16 =	sand.u32 $0x3FE00, s16  }
0x137: {  	s13 =	sadd.s32 $0x40, s13;
	s22 =	sand.u32 $0x70, s7;
	s15 =	sadd.s32 s10, s14;
	v1 =	vshll.u32 v1, $0x2  }
0x138: {  	p1 =	slt.s32 s15, $0x13F;
	v0 =	vadd.s32 v0, v1;
	s13 =	sshrl.u32 s16, $0x2  }
0x139: {  	s15 =	simm.s32 @!p1 $0x13F;
	v0 =	vpsel !p2, $0x0, v0;
	s13 =	sor.u32 s22, s13  }
0x13a: {  	s15 =	sshll.u32 s15, $0x4;
	[tilespmem:s13+$0x2800] =	vst v0  }
0x13b: {  	v0 =	vld [tilespmem:s15+$0x0]  }
0x13c: {  	v1 =	vld [tilespmem:s15+$0x1400];
	_ =	sdelay $0x3  }
0x13d: {  	s11 =	sand.u32 $0x3FE00, s11;
	s7 =	sadd.s32 $0x10, s7;
	v0 =	vshll.u32 v0, $0x2  }
0x13e: {  	p6 =	slt.u32 s10, $0xC350;
	s7 =	sand.u32 $0x70, s7;
	s16 =	sshrl.u32 s11, $0x2;
	v0 =	vadd.s32 v1, v0  }
0x13f: {  	s7 =	sor.u32 s7, s16;
	v0 =	vpsel !p6, $0x0, v0  }
0x140: {  	s22 =	rddreg [dreg:$0x12];
	[tilespmem:s7+$0x2800] =	vst v0;
	s7 =	simm.s32 $0x0  }
0x141: {  	[tilespmem:s7], [sflag:$0x5] =	stream.linear.gather [hbm4b:s22+s7], $0x1400, $0x38;
	[tilespmem:$0x14400] =	vst v63  }
0x142: {  	_ =	swait.ge [sflag:s21], $0x1400  }
0x143: {  	s13 =	simm.s32 $0x1400;
	[sflag:s21] =	ssyncset.done $0x0;
	s15 =	rddreg [dreg:$0xd]  }
0x144: {  	s11 =	rddreg [dreg:$0x13];
	[sflag:s21] =	ssyncadd.s32 $0xFFFFEC00;
	s10 =	sadd.s32 s15, s17  }
0x145: {  	[tilespmem:s13], [sflag:$0x5] =	stream.linear.gather [hbm4b:s11+s7], $0x1400, $0x38;
	[tilespmem:$0x14400] =	vst v63  }
0x146: {  	p1 =	slt.s32 s10, $0x13F;
	_ =	swait.ge [sflag:s21], $0x1400  }
0x147: {  	s10 =	simm.s32 @!p1 $0x13F;
	[sflag:s21] =	ssyncset.done $0x0  }
0x148: {  	s13 =	sshll.u32 s10, $0x4;
	[sflag:s21] =	ssyncadd.s32 $0xFFFFEC00  }
0x149: {  	v1 =	vld [tilespmem:s13+$0x0]  }
0x14a: {  	v0 =	vld [tilespmem:s13+$0x1400]  }
0x14b: {  	s22 =	simm.s32 $0x1E000  }
0x14c: {  	s16 =	sand.u32 $0x3FE00, s22  }
0x14d: {  	s22 =	sand.u32 $0x70, s7;
	p2 =	slt.u32 s15, $0xC350;
	s10 =	sadd.s32 $0x1, s15  }
0x14e: {  	s11 =	simm.s32 $0x1E040;
	s15 =	sadd.s32 s10, s17;
	s13 =	simm.s32 $0x1E080;
	v1 =	vshll.u32 v1, $0x2  }
.LBB2_15:
0x14f: {  	p1 =	seq.s32 s13, $0x22FC0;
	p3 =	slt.s32 s15, $0x13F;
	v0 =	vadd.s32 v0, v1;
	s16 =	sshrl.u32 s16, $0x2  }
0x150: {  	s15 =	simm.s32 @!p3 $0x13F;
	v0 =	vpsel !p2, $0x0, v0;
	s16 =	sor.u32 s22, s16;
	s22 =	smov.u32 s10  }
0x151: {  	s15 =	sshll.u32 s15, $0x4;
	[tilespmem:s16+$0x2800] =	vst v0;
	s16 =	smov.u32 s11;
	s11 =	smov.u32 s13  }
0x152: {  	v1 =	vld [tilespmem:s15+$0x0]  }
.Ltmp11:
0x153: {  	v0 =	vld [tilespmem:s15+$0x1400];
	(pc) =	sbr.rel @!p1 .LBB2_15-.Ltmp11, $4  }
0x154: {  	_ = 	snop  }
0x155: {  	s10 =	sadd.s32 $0x1, s10  }
0x156: {  	s7 =	sadd.s32 $0x10, s7;
	p2 =	slt.u32 s22, $0xC350;
	s16 =	sand.u32 $0x3FE00, s16  }
0x157: {  	s13 =	sadd.s32 $0x40, s13;
	s22 =	sand.u32 $0x70, s7;
	s15 =	sadd.s32 s10, s17;
	v1 =	vshll.u32 v1, $0x2  }
0x158: {  	p1 =	slt.s32 s15, $0x13F;
	v0 =	vadd.s32 v0, v1;
	s13 =	sshrl.u32 s16, $0x2  }
0x159: {  	s15 =	simm.s32 @!p1 $0x13F;
	v0 =	vpsel !p2, $0x0, v0;
	s13 =	sor.u32 s22, s13  }
0x15a: {  	s15 =	sshll.u32 s15, $0x4;
	[tilespmem:s13+$0x2800] =	vst v0  }
0x15b: {  	v0 =	vld [tilespmem:s15+$0x0]  }
0x15c: {  	v63 =	vld [tilespmem:s15+$0x1400];
	_ =	sdelay $0x3  }
0x15d: {  	s11 =	sand.u32 $0x3FE00, s11;
	s7 =	sadd.s32 $0x10, s7;
	v0 =	vshll.u32 v0, $0x2  }
0x15e: {  	p6 =	slt.u32 s10, $0xC350;
	s7 =	sand.u32 $0x70, s7;
	s22 =	sshrl.u32 s11, $0x2;
	v0 =	vadd.s32 v63, v0  }
0x15f: {  	s7 =	sor.u32 s7, s22;
	v0 =	vpsel !p6, $0x0, v0  }
0x160: {  	[tilespmem:s7+$0x2800] =	vst v0  }
.LBB2_24:
0x161: {  	s7 =	simm.s32 $0x2800;
	s10 =	simm.s32 $0xB400  }
0x162: {  	[tilespmem:s10], [sflag:$0x1] =	stream.indirect.gather [hbm4b:s24+s23], $0x20, s7, s23, $0xb8;
	[tilespmem:$0x14400] =	vst v63  }
0x163: {  	s16 =	simm.s32 $0x2880;
	s22 =	simm.s32 $0xC400  }
0x164: {  	[tilespmem:s22], [sflag:$0x1] =	stream.indirect.gather [hbm4b:s24+s23], $0x20, s16, s23, $0xb8;
	[tilespmem:$0x14400] =	vst v63  }
0x165: {  	s11 =	simm.s32 $0xD400;
	s10 =	simm.s32 $0x2900  }
0x166: {  	[tilespmem:s11], [sflag:$0x1] =	stream.indirect.gather [hbm4b:s24+s23], $0x20, s10, s23, $0xb8;
	[tilespmem:$0x14400] =	vst v63  }
0x167: {  	s13 =	simm.s32 $0x2980;
	s15 =	simm.s32 $0xE400  }
0x168: {  	[tilespmem:s15], [sflag:$0x1] =	stream.indirect.gather [hbm4b:s24+s23], $0x20, s13, s23, $0xb8;
	[tilespmem:$0x14400] =	vst v63  }
0x169: {  	s16 =	simm.s32 $0x2A00;
	s22 =	simm.s32 $0xF400  }
0x16a: {  	[tilespmem:s22], [sflag:$0x2] =	stream.indirect.gather [hbm4b:s24+s23], $0x20, s16, s23, $0xb8;
	[tilespmem:$0x14400] =	vst v63  }
0x16b: {  	s10 =	simm.s32 $0x2A80;
	s11 =	simm.s32 $0x10400  }
0x16c: {  	[tilespmem:s11], [sflag:$0x2] =	stream.indirect.gather [hbm4b:s24+s23], $0x20, s10, s23, $0xb8;
	[tilespmem:$0x14400] =	vst v63  }
0x16d: {  	s13 =	simm.s32 $0x2B00;
	s15 =	simm.s32 $0x11400  }
0x16e: {  	[tilespmem:s15], [sflag:$0x2] =	stream.indirect.gather [hbm4b:s24+s23], $0x20, s13, s23, $0xb8;
	[tilespmem:$0x14400] =	vst v63  }
0x16f: {  	s7 =	simm.s32 $0x0;
	s16 =	simm.s32 $0x2B80;
	s22 =	simm.s32 $0x12400  }
0x170: {  	[tilespmem:s22], [sflag:$0x2] =	stream.indirect.gather [hbm4b:s24+s23], $0x20, s16, s23, $0xb8;
	[tilespmem:$0x14400] =	vst v63  }
.LBB2_25:
0x171: {  	_ =	swait.ge [sflag:s3], $0x1000  }
0x172: {  	[sflag:s3] =	ssyncset.done $0x0  }
0x173: {  	[sflag:s3] =	ssyncadd.s32 $0xFFFFF000  }
0x174: {  	_ =	swait.ge [sflag:s3], $0x1000  }
0x175: {  	[sflag:s3] =	ssyncset.done $0x0  }
0x176: {  	[sflag:s3] =	ssyncadd.s32 $0xFFFFF000  }
0x177: {  	_ =	swait.ge [sflag:s3], $0x1000  }
0x178: {  	[sflag:s3] =	ssyncset.done $0x0  }
0x179: {  	[sflag:s3] =	ssyncadd.s32 $0xFFFFF000  }
0x17a: {  	_ =	swait.ge [sflag:s3], $0x1000  }
0x17b: {  	p1 =	seq.s32 s7, $0x0;
	[sflag:s3] =	ssyncset.done $0x0  }
0x17c: {  	s10 =	simm.s32 @!p1 $0x3;
	[sflag:s3] =	ssyncadd.s32 $0xFFFFF000  }
0x17d: {  	_ =	swait.ge @!p1 [sflag:s10], $0x800  }
0x17e: {  	[sflag:s10] =	ssyncset.done @!p1 $0x0  }
0x17f: {  	s15 =	simm.s32 $0xB500;
	[sflag:s10] =	ssyncadd.s32 @!p1 $0xFFFFF800  }
0x180: {  	v0 =	vld [tilespmem:s15+$0xFFFFFF20]  }
0x181: {  	v1 =	vld [tilespmem:s15+$0xFFFFFF00];
	_ =	sdelay $0x1  }
0x182: {  	v2 =	vld [tilespmem:s15+$0xFFFFFF40];
	_ =	sdelay $0x1  }
0x183: {  	v3 =	vld [tilespmem:s15+$0xFFFFFF60]  }
0x184: {  	v4 =	vunpack.i.l.bf16.f32 v1;
	v5 =	vunpack.i.l.bf16.f32 v0  }
0x185: {  	v34 =	vld [tilespmem:s15+$0xFFFFFF80];
	v0 =	vunpack.i.u.bf16.f32 v0;
	v1 =	vunpack.i.u.bf16.f32 v1;
	v4 =	vadd.f32 v5, v4  }
0x186: {  	v0 =	vadd.f32 v0, v1;
	v1 =	vunpack.i.l.bf16.f32 v2  }
0x187: {  	v35 =	vld [tilespmem:s15+$0xFFFFFFA0];
	v2 =	vunpack.i.u.bf16.f32 v2;
	v1 =	vadd.f32 v1, v4  }
0x188: {  	v0 =	vadd.f32 v2, v0;
	v2 =	vunpack.i.l.bf16.f32 v3  }
0x189: {  	v3 =	vunpack.i.u.bf16.f32 v3;
	v1 =	vadd.f32 v2, v1;
	v2 =	vld [tilespmem:s15+$0xFFFFFFC0]  }
0x18a: {  	v0 =	vadd.f32 v3, v0;
	v3 =	vunpack.i.l.bf16.f32 v34  }
0x18b: {  	v5 =	vunpack.i.u.bf16.f32 v34;
	v1 =	vadd.f32 v3, v1;
	v3 =	vld [tilespmem:s15+$0xFFFFFFE0]  }
0x18c: {  	v36 =	vunpack.i.l.bf16.f32 v35;
	v0 =	vadd.f32 v5, v0  }
0x18d: {  	v37 =	vld [tilespmem:s15+$0x0];
	v4 =	vunpack.i.u.bf16.f32 v35;
	v1 =	vadd.f32 v36, v1  }
0x18e: {  	v0 =	vadd.f32 v4, v0;
	v38 =	vunpack.i.l.bf16.f32 v2  }
0x18f: {  	v39 =	vld [tilespmem:s15+$0x20];
	v2 =	vunpack.i.u.bf16.f32 v2;
	v1 =	vadd.f32 v38, v1  }
0x190: {  	v0 =	vadd.f32 v2, v0;
	v2 =	vunpack.i.l.bf16.f32 v3  }
0x191: {  	v3 =	vunpack.i.u.bf16.f32 v3;
	v1 =	vadd.f32 v2, v1;
	v2 =	vld [tilespmem:s15+$0x40]  }
0x192: {  	v0 =	vadd.f32 v3, v0;
	v3 =	vunpack.i.l.bf16.f32 v37  }
0x193: {  	v5 =	vunpack.i.u.bf16.f32 v37;
	v1 =	vadd.f32 v3, v1;
	v3 =	vld [tilespmem:s15+$0x60]  }
0x194: {  	v40 =	vunpack.i.l.bf16.f32 v39;
	v0 =	vadd.f32 v5, v0  }
0x195: {  	v41 =	vld [tilespmem:s15+$0x80];
	v4 =	vunpack.i.u.bf16.f32 v39;
	v1 =	vadd.f32 v40, v1  }
0x196: {  	v0 =	vadd.f32 v4, v0;
	v42 =	vunpack.i.l.bf16.f32 v2  }
0x197: {  	v43 =	vld [tilespmem:s15+$0xA0];
	v2 =	vunpack.i.u.bf16.f32 v2;
	v1 =	vadd.f32 v42, v1  }
0x198: {  	v0 =	vadd.f32 v2, v0;
	v2 =	vunpack.i.l.bf16.f32 v3  }
0x199: {  	v3 =	vunpack.i.u.bf16.f32 v3;
	v1 =	vadd.f32 v2, v1;
	v2 =	vld [tilespmem:s15+$0xC0]  }
0x19a: {  	v0 =	vadd.f32 v3, v0;
	v3 =	vunpack.i.l.bf16.f32 v41  }
0x19b: {  	v5 =	vunpack.i.u.bf16.f32 v41;
	v1 =	vadd.f32 v3, v1;
	v3 =	vld [tilespmem:s15+$0xE0]  }
0x19c: {  	v44 =	vunpack.i.l.bf16.f32 v43;
	v0 =	vadd.f32 v5, v0  }
0x19d: {  	v4 =	vunpack.i.u.bf16.f32 v43;
	v1 =	vadd.f32 v44, v1  }
0x19e: {  	v0 =	vadd.f32 v4, v0;
	v45 =	vunpack.i.l.bf16.f32 v2  }
0x19f: {  	v2 =	vunpack.i.u.bf16.f32 v2;
	v1 =	vadd.f32 v45, v1  }
0x1a0: {  	v0 =	vadd.f32 v2, v0;
	v2 =	vunpack.i.l.bf16.f32 v3  }
0x1a1: {  	v3 =	vunpack.i.u.bf16.f32 v3;
	v1 =	vadd.f32 v2, v1  }
0x1a2: {  	v0 =	vadd.f32 v3, v0  }
0x1a3: {  	v1 =	vmul.f32 $6.250000000e-02, v1  }
0x1a4: {  	s11 =	simm.s32 $0x0;
	v0 =	vmul.f32 $6.250000000e-02, v0  }
0x1a5: {  	[tilespmem:s11+$0x13400] =	vst v1  }
0x1a6: {  	[tilespmem:s11+$0x13410] =	vst v0  }
0x1a7: {  	v0 =	vld [tilespmem:s15+$0xFFFFFF10]  }
0x1a8: {  	v1 =	vld [tilespmem:s15+$0xFFFFFF30];
	_ =	sdelay $0x1  }
0x1a9: {  	v2 =	vld [tilespmem:s15+$0xFFFFFF50];
	_ =	sdelay $0x1  }
0x1aa: {  	v46 =	vld [tilespmem:s15+$0xFFFFFF70];
	v3 =	vunpack.i.u.bf16.f32 v0  }
0x1ab: {  	v0 =	vunpack.i.l.bf16.f32 v0;
	v47 =	vunpack.i.u.bf16.f32 v1;
	v1 =	vunpack.i.l.bf16.f32 v1  }
0x1ac: {  	v0 =	vadd.f32 v1, v0;
	v1 =	vadd.f32 v47, v3;
	v3 =	vld [tilespmem:s15+$0xFFFFFF90]  }
0x1ad: {  	v48 =	vunpack.i.u.bf16.f32 v2;
	v2 =	vunpack.i.l.bf16.f32 v2  }
0x1ae: {  	v0 =	vadd.f32 v2, v0;
	v1 =	vadd.f32 v48, v1;
	v2 =	vld [tilespmem:s15+$0xFFFFFFB0]  }
0x1af: {  	v49 =	vunpack.i.u.bf16.f32 v46;
	v4 =	vunpack.i.l.bf16.f32 v46  }
0x1b0: {  	v50 =	vld [tilespmem:s15+$0xFFFFFFD0];
	v0 =	vadd.f32 v4, v0;
	v1 =	vadd.f32 v49, v1  }
0x1b1: {  	v51 =	vunpack.i.u.bf16.f32 v3;
	v3 =	vunpack.i.l.bf16.f32 v3  }
0x1b2: {  	v0 =	vadd.f32 v3, v0;
	v1 =	vadd.f32 v51, v1;
	v3 =	vld [tilespmem:s15+$0xFFFFFFF0]  }
0x1b3: {  	v52 =	vunpack.i.u.bf16.f32 v2;
	v2 =	vunpack.i.l.bf16.f32 v2  }
0x1b4: {  	v0 =	vadd.f32 v2, v0;
	v1 =	vadd.f32 v52, v1;
	v2 =	vld [tilespmem:s15+$0x10]  }
0x1b5: {  	v53 =	vunpack.i.u.bf16.f32 v50;
	v4 =	vunpack.i.l.bf16.f32 v50  }
0x1b6: {  	v54 =	vld [tilespmem:s15+$0x30];
	v0 =	vadd.f32 v4, v0;
	v1 =	vadd.f32 v53, v1  }
0x1b7: {  	v55 =	vunpack.i.u.bf16.f32 v3;
	v3 =	vunpack.i.l.bf16.f32 v3  }
0x1b8: {  	v0 =	vadd.f32 v3, v0;
	v1 =	vadd.f32 v55, v1;
	v3 =	vld [tilespmem:s15+$0x50]  }
0x1b9: {  	v56 =	vunpack.i.u.bf16.f32 v2;
	v2 =	vunpack.i.l.bf16.f32 v2  }
0x1ba: {  	v0 =	vadd.f32 v2, v0;
	v1 =	vadd.f32 v56, v1;
	v2 =	vld [tilespmem:s15+$0x70]  }
0x1bb: {  	v57 =	vunpack.i.u.bf16.f32 v54;
	v4 =	vunpack.i.l.bf16.f32 v54  }
0x1bc: {  	v58 =	vld [tilespmem:s15+$0x90];
	v0 =	vadd.f32 v4, v0;
	v1 =	vadd.f32 v57, v1  }
0x1bd: {  	v59 =	vunpack.i.u.bf16.f32 v3;
	v3 =	vunpack.i.l.bf16.f32 v3  }
0x1be: {  	v0 =	vadd.f32 v3, v0;
	v1 =	vadd.f32 v59, v1;
	v3 =	vld [tilespmem:s15+$0xB0]  }
0x1bf: {  	v60 =	vunpack.i.u.bf16.f32 v2;
	v2 =	vunpack.i.l.bf16.f32 v2  }
0x1c0: {  	v0 =	vadd.f32 v2, v0;
	v1 =	vadd.f32 v60, v1;
	v2 =	vld [tilespmem:s15+$0xD0]  }
0x1c1: {  	v61 =	vunpack.i.u.bf16.f32 v58;
	v4 =	vunpack.i.l.bf16.f32 v58  }
0x1c2: {  	v62 =	vld [tilespmem:s15+$0xF0];
	v0 =	vadd.f32 v4, v0;
	v1 =	vadd.f32 v61, v1  }
0x1c3: {  	v63 =	vunpack.i.u.bf16.f32 v3;
	v3 =	vunpack.i.l.bf16.f32 v3  }
0x1c4: {  	v0 =	vadd.f32 v3, v0;
	v1 =	vadd.f32 v63, v1  }
0x1c5: {  	v3 =	vunpack.i.u.bf16.f32 v2;
	v2 =	vunpack.i.l.bf16.f32 v2  }
0x1c6: {  	v0 =	vadd.f32 v2, v0;
	v2 =	vadd.f32 v3, v1  }
0x1c7: {  	v3 =	vunpack.i.u.bf16.f32 v62;
	v1 =	vunpack.i.l.bf16.f32 v62  }
0x1c8: {  	s13 =	sshll.u32 s7, $0x1;
	s10 =	simm.s32 $0x100;
	v1 =	vadd.f32 v1, v0;
	v0 =	vadd.f32 v3, v2  }
.LBB2_26:
0x1c9: {  	p2 =	sne.s32 s10, $0x1F00  }
0x1ca: {  	s15 =	sadd.s32 $0x200, s15;
	s16 =	smov.u32 s10;
	s10 =	sadd.s32 $0x100, s10  }
0x1cb: {  	v1 =	vmul.f32 $6.250000000e-02, v1;
	v0 =	vmul.f32 $6.250000000e-02, v0;
	_ =	sdelay $0x1  }
0x1cc: {  	[tilespmem:s11+$0x13420] =	vst v1  }
0x1cd: {  	[tilespmem:s11+$0x13430] =	vst v0  }
0x1ce: {  	v0 =	vld [tilespmem:s15+$0xFFFFFF20]  }
0x1cf: {  	v1 =	vld [tilespmem:s15+$0xFFFFFF00]  }
0x1d0: {  	v2 =	vld [tilespmem:s15+$0xFFFFFF40];
	_ =	sdelay $0x2  }
0x1d1: {  	v3 =	vunpack.i.u.bf16.f32 v0;
	v4 =	vld [tilespmem:s15+$0xFFFFFF60]  }
0x1d2: {  	v0 =	vunpack.i.l.bf16.f32 v0;
	v5 =	vunpack.i.u.bf16.f32 v1;
	v1 =	vunpack.i.l.bf16.f32 v1  }
0x1d3: {  	v0 =	vadd.f32 v0, v1;
	v1 =	vadd.f32 v3, v5;
	v3 =	vld [tilespmem:s15+$0xFFFFFF80]  }
0x1d4: {  	v5 =	vunpack.i.u.bf16.f32 v2;
	v2 =	vunpack.i.l.bf16.f32 v2  }
0x1d5: {  	v0 =	vadd.f32 v2, v0;
	v1 =	vadd.f32 v5, v1;
	v2 =	vld [tilespmem:s15+$0xFFFFFFA0]  }
0x1d6: {  	v5 =	vunpack.i.u.bf16.f32 v4;
	v4 =	vunpack.i.l.bf16.f32 v4  }
0x1d7: {  	v0 =	vadd.f32 v4, v0;
	v1 =	vadd.f32 v5, v1;
	v4 =	vld [tilespmem:s15+$0xFFFFFFC0]  }
0x1d8: {  	v5 =	vunpack.i.u.bf16.f32 v3;
	v3 =	vunpack.i.l.bf16.f32 v3  }
0x1d9: {  	v0 =	vadd.f32 v3, v0;
	v1 =	vadd.f32 v5, v1;
	v3 =	vld [tilespmem:s15+$0xFFFFFFE0]  }
0x1da: {  	v5 =	vunpack.i.u.bf16.f32 v2;
	v2 =	vunpack.i.l.bf16.f32 v2  }
0x1db: {  	v0 =	vadd.f32 v2, v0;
	v1 =	vadd.f32 v5, v1;
	v2 =	vld [tilespmem:s15+$0x0]  }
0x1dc: {  	v5 =	vunpack.i.u.bf16.f32 v4;
	v4 =	vunpack.i.l.bf16.f32 v4  }
0x1dd: {  	v0 =	vadd.f32 v4, v0;
	v1 =	vadd.f32 v5, v1;
	v4 =	vld [tilespmem:s15+$0x20]  }
0x1de: {  	v5 =	vunpack.i.u.bf16.f32 v3;
	v3 =	vunpack.i.l.bf16.f32 v3  }
0x1df: {  	v0 =	vadd.f32 v3, v0;
	v1 =	vadd.f32 v5, v1;
	v3 =	vld [tilespmem:s15+$0x40]  }
0x1e0: {  	v5 =	vunpack.i.u.bf16.f32 v2;
	v2 =	vunpack.i.l.bf16.f32 v2  }
0x1e1: {  	v0 =	vadd.f32 v2, v0;
	v1 =	vadd.f32 v5, v1;
	v2 =	vld [tilespmem:s15+$0x60]  }
0x1e2: {  	v5 =	vunpack.i.u.bf16.f32 v4;
	v4 =	vunpack.i.l.bf16.f32 v4  }
0x1e3: {  	v0 =	vadd.f32 v4, v0;
	v1 =	vadd.f32 v5, v1;
	v4 =	vld [tilespmem:s15+$0x80]  }
0x1e4: {  	v5 =	vunpack.i.u.bf16.f32 v3;
	v3 =	vunpack.i.l.bf16.f32 v3  }
0x1e5: {  	v0 =	vadd.f32 v3, v0;
	v1 =	vadd.f32 v5, v1;
	v3 =	vld [tilespmem:s15+$0xA0]  }
0x1e6: {  	v5 =	vunpack.i.u.bf16.f32 v2;
	v2 =	vunpack.i.l.bf16.f32 v2  }
0x1e7: {  	v0 =	vadd.f32 v2, v0;
	v1 =	vadd.f32 v5, v1;
	v2 =	vld [tilespmem:s15+$0xC0]  }
0x1e8: {  	v5 =	vunpack.i.u.bf16.f32 v4;
	v4 =	vunpack.i.l.bf16.f32 v4  }
0x1e9: {  	v0 =	vadd.f32 v4, v0;
	v1 =	vadd.f32 v5, v1;
	v4 =	vld [tilespmem:s15+$0xE0]  }
0x1ea: {  	v5 =	vunpack.i.u.bf16.f32 v3;
	v3 =	vunpack.i.l.bf16.f32 v3  }
0x1eb: {  	v0 =	vadd.f32 v3, v0;
	v1 =	vadd.f32 v5, v1  }
0x1ec: {  	v3 =	vunpack.i.u.bf16.f32 v2;
	v2 =	vunpack.i.l.bf16.f32 v2  }
0x1ed: {  	v0 =	vadd.f32 v2, v0;
	v1 =	vadd.f32 v3, v1  }
0x1ee: {  	v2 =	vunpack.i.u.bf16.f32 v4;
	v3 =	vunpack.i.l.bf16.f32 v4  }
0x1ef: {  	v0 =	vadd.f32 v3, v0;
	v1 =	vadd.f32 v2, v1;
	_ =	sdelay $0x1  }
0x1f0: {  	v0 =	vmul.f32 $6.250000000e-02, v0;
	v1 =	vmul.f32 $6.250000000e-02, v1  }
0x1f1: {  	s11 =	sshra.s32 s16, $0x2  }
0x1f2: {  	[tilespmem:s11+$0x13400] =	vst v0  }
0x1f3: {  	[tilespmem:s11+$0x13410] =	vst v1  }
0x1f4: {  	v0 =	vld [tilespmem:s15+$0xFFFFFF10]  }
0x1f5: {  	v1 =	vld [tilespmem:s15+$0xFFFFFF30];
	_ =	sdelay $0x1  }
0x1f6: {  	v2 =	vld [tilespmem:s15+$0xFFFFFF50];
	_ =	sdelay $0x1  }
0x1f7: {  	v3 =	vunpack.i.u.bf16.f32 v0;
	v0 =	vunpack.i.l.bf16.f32 v0;
	v4 =	vld [tilespmem:s15+$0xFFFFFF70]  }
0x1f8: {  	v5 =	vunpack.i.u.bf16.f32 v1;
	v1 =	vunpack.i.l.bf16.f32 v1  }
0x1f9: {  	v0 =	vadd.f32 v1, v0;
	v1 =	vadd.f32 v5, v3;
	v3 =	vld [tilespmem:s15+$0xFFFFFF90]  }
0x1fa: {  	v5 =	vunpack.i.u.bf16.f32 v2;
	v2 =	vunpack.i.l.bf16.f32 v2  }
0x1fb: {  	v0 =	vadd.f32 v2, v0;
	v1 =	vadd.f32 v5, v1;
	v2 =	vld [tilespmem:s15+$0xFFFFFFB0]  }
0x1fc: {  	v5 =	vunpack.i.u.bf16.f32 v4;
	v4 =	vunpack.i.l.bf16.f32 v4  }
0x1fd: {  	v0 =	vadd.f32 v4, v0;
	v1 =	vadd.f32 v5, v1;
	v4 =	vld [tilespmem:s15+$0xFFFFFFD0]  }
0x1fe: {  	v5 =	vunpack.i.u.bf16.f32 v3;
	v3 =	vunpack.i.l.bf16.f32 v3  }
0x1ff: {  	v0 =	vadd.f32 v3, v0;
	v1 =	vadd.f32 v5, v1;
	v3 =	vld [tilespmem:s15+$0xFFFFFFF0]  }
0x200: {  	v5 =	vunpack.i.u.bf16.f32 v2;
	v2 =	vunpack.i.l.bf16.f32 v2  }
0x201: {  	v0 =	vadd.f32 v2, v0;
	v1 =	vadd.f32 v5, v1;
	v2 =	vld [tilespmem:s15+$0x10]  }
0x202: {  	v5 =	vunpack.i.u.bf16.f32 v4;
	v4 =	vunpack.i.l.bf16.f32 v4  }
0x203: {  	v0 =	vadd.f32 v4, v0;
	v1 =	vadd.f32 v5, v1;
	v4 =	vld [tilespmem:s15+$0x30]  }
0x204: {  	v5 =	vunpack.i.u.bf16.f32 v3;
	v3 =	vunpack.i.l.bf16.f32 v3  }
0x205: {  	v0 =	vadd.f32 v3, v0;
	v1 =	vadd.f32 v5, v1;
	v3 =	vld [tilespmem:s15+$0x50]  }
0x206: {  	v5 =	vunpack.i.u.bf16.f32 v2;
	v2 =	vunpack.i.l.bf16.f32 v2  }
0x207: {  	v0 =	vadd.f32 v2, v0;
	v1 =	vadd.f32 v5, v1;
	v2 =	vld [tilespmem:s15+$0x70]  }
0x208: {  	v5 =	vunpack.i.u.bf16.f32 v4;
	v4 =	vunpack.i.l.bf16.f32 v4  }
0x209: {  	v0 =	vadd.f32 v4, v0;
	v1 =	vadd.f32 v5, v1;
	v4 =	vld [tilespmem:s15+$0x90]  }
0x20a: {  	v5 =	vunpack.i.u.bf16.f32 v3;
	v3 =	vunpack.i.l.bf16.f32 v3  }
0x20b: {  	v0 =	vadd.f32 v3, v0;
	v1 =	vadd.f32 v5, v1;
	v3 =	vld [tilespmem:s15+$0xB0]  }
0x20c: {  	v5 =	vunpack.i.u.bf16.f32 v2;
	v2 =	vunpack.i.l.bf16.f32 v2  }
0x20d: {  	v0 =	vadd.f32 v2, v0;
	v1 =	vadd.f32 v5, v1;
	v2 =	vld [tilespmem:s15+$0xD0]  }
0x20e: {  	v5 =	vunpack.i.u.bf16.f32 v4;
	v4 =	vunpack.i.l.bf16.f32 v4  }
0x20f: {  	v0 =	vadd.f32 v4, v0;
	v1 =	vadd.f32 v5, v1;
	v4 =	vld [tilespmem:s15+$0xF0]  }
0x210: {  	v5 =	vunpack.i.u.bf16.f32 v3;
	v3 =	vunpack.i.l.bf16.f32 v3  }
.Ltmp12:
0x211: {  	v0 =	vadd.f32 v3, v0;
	v1 =	vadd.f32 v5, v1;
	(pc) =	sbr.rel @p2 .LBB2_26-.Ltmp12, $4  }
0x212: {  	v3 =	vunpack.i.u.bf16.f32 v2;
	v2 =	vunpack.i.l.bf16.f32 v2  }
0x213: {  	v0 =	vadd.f32 v2, v0;
	v2 =	vadd.f32 v3, v1  }
0x214: {  	v3 =	vunpack.i.u.bf16.f32 v4;
	v1 =	vunpack.i.l.bf16.f32 v4  }
0x215: {  	v1 =	vadd.f32 v1, v0;
	v0 =	vadd.f32 v3, v2  }
0x216: {  	_ = 	snop  }
0x217: {  	s10 =	sshll.u32 s7, $0xC;
	v1 =	vmul.f32 $6.250000000e-02, v1  }
0x218: {  	v0 =	vmul.f32 $6.250000000e-02, v0;
	s10 =	sadd.s32 s20, s10  }
0x219: {  	s10 =	sshrl.u32 s10, $0x3;
	[tilespmem:s11+$0x13420] =	vst v1  }
0x21a: {  	[tilespmem:s11+$0x13430] =	vst v0;
	s10 =	sadd.s32 s25, s10  }
0x21b: {  	[hbm4b:s10+s1] =	stream.linear.scatter [tilespmem:s5], [sflag:$0x3], $0x800, $0x38;
	[tilespmem:$0x14400] =	vst v63  }
0x21c: {  	s10 =	sadd.s32 $0x2, s13  }
0x21d: {  	p2 =	sge.u32 s10, s26  }
0x21e: {  	s10 =	sshll.u32 @!p2 s10, $0x9  }
0x21f: {  	s10 =	sand.u32 @!p2 $0x3FFFFE00, s10  }
0x220: {  	s15 =	simm.s32 @!p2 $0x80;
	s16 =	simm.s32 @!p2 $0xB400;
	s11 =	sadd.s32 @!p2 $0x2800, s10  }
0x221: {  	[tilespmem:s16], [sflag:$0x1] =	stream.indirect.gather @!p2 [hbm4b:s24+s15], $0x20, s11, s15, $0xb8;
	[tilespmem:$0x14400] =	vst v63  }
0x222: {  	s11 =	sadd.s32 @!p2 $0x2880, s10;
	s16 =	simm.s32 @!p2 $0xC400  }
0x223: {  	[tilespmem:s16], [sflag:$0x1] =	stream.indirect.gather @!p2 [hbm4b:s24+s15], $0x20, s11, s15, $0xb8;
	[tilespmem:$0x14400] =	vst v63  }
0x224: {  	s11 =	sadd.s32 @!p2 $0x2900, s10;
	s16 =	simm.s32 @!p2 $0xD400  }
0x225: {  	[tilespmem:s16], [sflag:$0x1] =	stream.indirect.gather @!p2 [hbm4b:s24+s15], $0x20, s11, s15, $0xb8;
	[tilespmem:$0x14400] =	vst v63  }
0x226: {  	s10 =	sadd.s32 @!p2 $0x2980, s10;
	s11 =	simm.s32 @!p2 $0xE400  }
0x227: {  	[tilespmem:s11], [sflag:$0x1] =	stream.indirect.gather @!p2 [hbm4b:s24+s15], $0x20, s10, s15, $0xb8;
	[tilespmem:$0x14400] =	vst v63  }
0x228: {  	_ =	swait.ge [sflag:s8], $0x1000  }
0x229: {  	[sflag:s8] =	ssyncset.done $0x0  }
0x22a: {  	[sflag:s8] =	ssyncadd.s32 $0xFFFFF000  }
0x22b: {  	_ =	swait.ge [sflag:s8], $0x1000  }
0x22c: {  	[sflag:s8] =	ssyncset.done $0x0  }
0x22d: {  	[sflag:s8] =	ssyncadd.s32 $0xFFFFF000  }
0x22e: {  	_ =	swait.ge [sflag:s8], $0x1000  }
0x22f: {  	[sflag:s8] =	ssyncset.done $0x0  }
0x230: {  	[sflag:s8] =	ssyncadd.s32 $0xFFFFF000  }
0x231: {  	_ =	swait.ge [sflag:s8], $0x1000  }
0x232: {  	[sflag:s8] =	ssyncset.done $0x0  }
0x233: {  	s10 =	simm.s32 @!p1 $0x4;
	[sflag:s8] =	ssyncadd.s32 $0xFFFFF000  }
0x234: {  	_ =	swait.ge @!p1 [sflag:s10], $0x800  }
0x235: {  	[sflag:s10] =	ssyncset.done @!p1 $0x0  }
0x236: {  	s22 =	simm.s32 $0x0;
	[sflag:s10] =	ssyncadd.s32 @!p1 $0xFFFFF800  }
0x237: {  	v0 =	vld [tilespmem:s22+$0xF400]  }
0x238: {  	v1 =	vld [tilespmem:s22+$0xF420];
	_ =	sdelay $0x1  }
0x239: {  	v2 =	vld [tilespmem:s22+$0xF440];
	_ =	sdelay $0x1  }
0x23a: {  	v3 =	vld [tilespmem:s22+$0xF460]  }
0x23b: {  	v4 =	vunpack.i.l.bf16.f32 v0;
	v5 =	vunpack.i.l.bf16.f32 v1  }
0x23c: {  	v0 =	vunpack.i.u.bf16.f32 v0;
	v1 =	vunpack.i.u.bf16.f32 v1;
	v4 =	vadd.f32 v5, v4;
	v5 =	vld [tilespmem:s22+$0xF480]  }
0x23d: {  	v0 =	vadd.f32 v1, v0;
	v1 =	vunpack.i.l.bf16.f32 v2  }
0x23e: {  	v2 =	vunpack.i.u.bf16.f32 v2;
	v1 =	vadd.f32 v1, v4;
	v4 =	vld [tilespmem:s22+$0xF4A0]  }
0x23f: {  	v0 =	vadd.f32 v2, v0;
	v2 =	vunpack.i.l.bf16.f32 v3  }
0x240: {  	v3 =	vunpack.i.u.bf16.f32 v3;
	v1 =	vadd.f32 v2, v1;
	v2 =	vld [tilespmem:s22+$0xF4C0]  }
0x241: {  	v0 =	vadd.f32 v3, v0;
	v3 =	vunpack.i.l.bf16.f32 v5  }
0x242: {  	v5 =	vunpack.i.u.bf16.f32 v5;
	v1 =	vadd.f32 v3, v1;
	v3 =	vld [tilespmem:s22+$0xF4E0]  }
0x243: {  	v0 =	vadd.f32 v5, v0;
	v5 =	vunpack.i.l.bf16.f32 v4  }
0x244: {  	v4 =	vunpack.i.u.bf16.f32 v4;
	v1 =	vadd.f32 v5, v1;
	v5 =	vld [tilespmem:s22+$0xF500]  }
0x245: {  	v0 =	vadd.f32 v4, v0;
	v4 =	vunpack.i.l.bf16.f32 v2  }
0x246: {  	v2 =	vunpack.i.u.bf16.f32 v2;
	v1 =	vadd.f32 v4, v1;
	v4 =	vld [tilespmem:s22+$0xF520]  }
0x247: {  	v0 =	vadd.f32 v2, v0;
	v2 =	vunpack.i.l.bf16.f32 v3  }
0x248: {  	v3 =	vunpack.i.u.bf16.f32 v3;
	v1 =	vadd.f32 v2, v1;
	v2 =	vld [tilespmem:s22+$0xF540]  }
0x249: {  	v0 =	vadd.f32 v3, v0;
	v3 =	vunpack.i.l.bf16.f32 v5  }
0x24a: {  	v5 =	vunpack.i.u.bf16.f32 v5;
	v1 =	vadd.f32 v3, v1;
	v3 =	vld [tilespmem:s22+$0xF560]  }
0x24b: {  	v0 =	vadd.f32 v5, v0;
	v5 =	vunpack.i.l.bf16.f32 v4  }
0x24c: {  	v4 =	vunpack.i.u.bf16.f32 v4;
	v1 =	vadd.f32 v5, v1;
	v5 =	vld [tilespmem:s22+$0xF580]  }
0x24d: {  	v0 =	vadd.f32 v4, v0;
	v4 =	vunpack.i.l.bf16.f32 v2  }
0x24e: {  	v2 =	vunpack.i.u.bf16.f32 v2;
	v1 =	vadd.f32 v4, v1;
	v4 =	vld [tilespmem:s22+$0xF5A0]  }
0x24f: {  	v0 =	vadd.f32 v2, v0;
	v2 =	vunpack.i.l.bf16.f32 v3  }
0x250: {  	v3 =	vunpack.i.u.bf16.f32 v3;
	v1 =	vadd.f32 v2, v1;
	v2 =	vld [tilespmem:s22+$0xF5C0]  }
0x251: {  	v0 =	vadd.f32 v3, v0;
	v3 =	vunpack.i.l.bf16.f32 v5  }
0x252: {  	v5 =	vunpack.i.u.bf16.f32 v5;
	v1 =	vadd.f32 v3, v1;
	v3 =	vld [tilespmem:s22+$0xF5E0]  }
0x253: {  	v0 =	vadd.f32 v5, v0;
	v5 =	vunpack.i.l.bf16.f32 v4  }
0x254: {  	v4 =	vunpack.i.u.bf16.f32 v4;
	v1 =	vadd.f32 v5, v1  }
0x255: {  	v0 =	vadd.f32 v4, v0;
	v4 =	vunpack.i.l.bf16.f32 v2  }
0x256: {  	v2 =	vunpack.i.u.bf16.f32 v2;
	v1 =	vadd.f32 v4, v1  }
0x257: {  	v0 =	vadd.f32 v2, v0;
	v2 =	vunpack.i.l.bf16.f32 v3  }
0x258: {  	v3 =	vunpack.i.u.bf16.f32 v3;
	v1 =	vadd.f32 v2, v1  }
0x259: {  	v0 =	vadd.f32 v3, v0  }
0x25a: {  	v1 =	vmul.f32 $6.250000000e-02, v1  }
0x25b: {  	s15 =	simm.s32 $0x13C30;
	v0 =	vmul.f32 $6.250000000e-02, v0  }
0x25c: {  	[tilespmem:s15+$0xFFFFFFD0] =	vst v1  }
0x25d: {  	[tilespmem:s15+$0xFFFFFFE0] =	vst v0  }
0x25e: {  	v0 =	vld [tilespmem:s22+$0xF410]  }
0x25f: {  	v1 =	vld [tilespmem:s22+$0xF430];
	_ =	sdelay $0x1  }
0x260: {  	v2 =	vld [tilespmem:s22+$0xF450];
	_ =	sdelay $0x1  }
0x261: {  	v3 =	vld [tilespmem:s22+$0xF470];
	v4 =	vunpack.i.u.bf16.f32 v0  }
0x262: {  	v0 =	vunpack.i.l.bf16.f32 v0;
	v5 =	vunpack.i.u.bf16.f32 v1;
	v1 =	vunpack.i.l.bf16.f32 v1  }
0x263: {  	v6 =	vld [tilespmem:s22+$0xF490];
	v0 =	vadd.f32 v1, v0;
	v1 =	vadd.f32 v5, v4  }
0x264: {  	v4 =	vunpack.i.u.bf16.f32 v2;
	v2 =	vunpack.i.l.bf16.f32 v2  }
0x265: {  	v5 =	vld [tilespmem:s22+$0xF4B0];
	v0 =	vadd.f32 v2, v0;
	v1 =	vadd.f32 v4, v1  }
0x266: {  	v2 =	vunpack.i.u.bf16.f32 v3;
	v3 =	vunpack.i.l.bf16.f32 v3  }
0x267: {  	v4 =	vld [tilespmem:s22+$0xF4D0];
	v0 =	vadd.f32 v3, v0;
	v1 =	vadd.f32 v2, v1  }
0x268: {  	v2 =	vunpack.i.u.bf16.f32 v6;
	v3 =	vunpack.i.l.bf16.f32 v6  }
0x269: {  	v61 =	vld [tilespmem:s22+$0xF4F0];
	v0 =	vadd.f32 v3, v0;
	v1 =	vadd.f32 v2, v1  }
0x26a: {  	v2 =	vunpack.i.u.bf16.f32 v5;
	v3 =	vunpack.i.l.bf16.f32 v5  }
0x26b: {  	v5 =	vld [tilespmem:s22+$0xF510];
	v0 =	vadd.f32 v3, v0;
	v1 =	vadd.f32 v2, v1  }
0x26c: {  	v2 =	vunpack.i.u.bf16.f32 v4;
	v3 =	vunpack.i.l.bf16.f32 v4  }
0x26d: {  	v4 =	vld [tilespmem:s22+$0xF530];
	v0 =	vadd.f32 v3, v0;
	v1 =	vadd.f32 v2, v1  }
0x26e: {  	v2 =	vunpack.i.u.bf16.f32 v61;
	v3 =	vunpack.i.l.bf16.f32 v61  }
0x26f: {  	v62 =	vld [tilespmem:s22+$0xF550];
	v0 =	vadd.f32 v3, v0;
	v1 =	vadd.f32 v2, v1  }
0x270: {  	v2 =	vunpack.i.u.bf16.f32 v5;
	v3 =	vunpack.i.l.bf16.f32 v5  }
0x271: {  	v5 =	vld [tilespmem:s22+$0xF570];
	v0 =	vadd.f32 v3, v0;
	v1 =	vadd.f32 v2, v1  }
0x272: {  	v2 =	vunpack.i.u.bf16.f32 v4;
	v3 =	vunpack.i.l.bf16.f32 v4  }
0x273: {  	v4 =	vld [tilespmem:s22+$0xF590];
	v0 =	vadd.f32 v3, v0;
	v1 =	vadd.f32 v2, v1  }
0x274: {  	v2 =	vunpack.i.u.bf16.f32 v62;
	v3 =	vunpack.i.l.bf16.f32 v62  }
0x275: {  	v63 =	vld [tilespmem:s22+$0xF5B0];
	v0 =	vadd.f32 v3, v0;
	v1 =	vadd.f32 v2, v1  }
0x276: {  	v7 =	vld [tilespmem:s22+$0xF5F0];
	v3 =	vunpack.i.u.bf16.f32 v5;
	v5 =	vunpack.i.l.bf16.f32 v5  }
0x277: {  	v2 =	vld [tilespmem:s22+$0xF5D0];
	v0 =	vadd.f32 v5, v0;
	v1 =	vadd.f32 v3, v1  }
0x278: {  	v3 =	vunpack.i.u.bf16.f32 v4;
	v4 =	vunpack.i.l.bf16.f32 v4  }
0x279: {  	v0 =	vadd.f32 v4, v0;
	v1 =	vadd.f32 v3, v1  }
0x27a: {  	v3 =	vunpack.i.u.bf16.f32 v63;
	v4 =	vunpack.i.l.bf16.f32 v63  }
0x27b: {  	v4 =	vadd.f32 v4, v0;
	v3 =	vadd.f32 v3, v1  }
0x27c: {  	v5 =	vunpack.i.u.bf16.f32 v2;
	v2 =	vunpack.i.l.bf16.f32 v2;
	v0 =	vunpack.i.u.bf16.f32 v7  }
0x27d: {  	s11 =	simm.s32 $0x800;
	s10 =	simm.s32 $0x13C30;
	v1 =	vunpack.i.l.bf16.f32 v7;
	v2 =	vadd.f32 v2, v4;
	v3 =	vadd.f32 v5, v3  }
.LBB2_28:
0x27e: {  	p1 =	sne.s32 s11, $0xF800  }
0x27f: {  	s15 =	sadd.s32 $0x40, s15;
	s16 =	smov.u32 s11;
	s11 =	sadd.s32 $0x800, s11  }
0x280: {  	v1 =	vadd.f32 v1, v2;
	v0 =	vadd.f32 v0, v3;
	_ =	sdelay $0x1  }
0x281: {  	v1 =	vmul.f32 $6.250000000e-02, v1;
	v0 =	vmul.f32 $6.250000000e-02, v0  }
0x282: {  	s16 =	sshra.s32 s16, $0x2  }
0x283: {  	[tilespmem:s10+$0xFFFFFFF0] =	vst v1  }
0x284: {  	[tilespmem:s10+$0x0] =	vst v0;
	s10 =	smov.u32 s15  }
0x285: {  	v0 =	vld [tilespmem:s16+$0xF400]  }
0x286: {  	v1 =	vld [tilespmem:s16+$0xF420];
	_ =	sdelay $0x1  }
0x287: {  	v2 =	vld [tilespmem:s16+$0xF440];
	_ =	sdelay $0x1  }
0x288: {  	v3 =	vunpack.i.l.bf16.f32 v0;
	v4 =	vld [tilespmem:s16+$0xF460]  }
0x289: {  	v0 =	vunpack.i.u.bf16.f32 v0;
	v5 =	vunpack.i.u.bf16.f32 v1;
	v1 =	vunpack.i.l.bf16.f32 v1  }
0x28a: {  	v1 =	vadd.f32 v1, v3;
	v0 =	vadd.f32 v5, v0;
	v3 =	vld [tilespmem:s16+$0xF480]  }
0x28b: {  	v5 =	vunpack.i.u.bf16.f32 v2;
	v2 =	vunpack.i.l.bf16.f32 v2  }
0x28c: {  	v1 =	vadd.f32 v2, v1;
	v0 =	vadd.f32 v5, v0;
	v2 =	vld [tilespmem:s16+$0xF4A0]  }
0x28d: {  	v5 =	vunpack.i.u.bf16.f32 v4;
	v4 =	vunpack.i.l.bf16.f32 v4  }
0x28e: {  	v1 =	vadd.f32 v4, v1;
	v0 =	vadd.f32 v5, v0;
	v4 =	vld [tilespmem:s16+$0xF4C0]  }
0x28f: {  	v5 =	vunpack.i.u.bf16.f32 v3;
	v3 =	vunpack.i.l.bf16.f32 v3  }
0x290: {  	v1 =	vadd.f32 v3, v1;
	v0 =	vadd.f32 v5, v0;
	v3 =	vld [tilespmem:s16+$0xF4E0]  }
0x291: {  	v5 =	vunpack.i.u.bf16.f32 v2;
	v2 =	vunpack.i.l.bf16.f32 v2  }
0x292: {  	v1 =	vadd.f32 v2, v1;
	v0 =	vadd.f32 v5, v0;
	v2 =	vld [tilespmem:s16+$0xF500]  }
0x293: {  	v5 =	vunpack.i.u.bf16.f32 v4;
	v4 =	vunpack.i.l.bf16.f32 v4  }
0x294: {  	v1 =	vadd.f32 v4, v1;
	v0 =	vadd.f32 v5, v0;
	v4 =	vld [tilespmem:s16+$0xF520]  }
0x295: {  	v5 =	vunpack.i.u.bf16.f32 v3;
	v3 =	vunpack.i.l.bf16.f32 v3  }
0x296: {  	v1 =	vadd.f32 v3, v1;
	v0 =	vadd.f32 v5, v0;
	v3 =	vld [tilespmem:s16+$0xF540]  }
0x297: {  	v5 =	vunpack.i.u.bf16.f32 v2;
	v2 =	vunpack.i.l.bf16.f32 v2  }
0x298: {  	v1 =	vadd.f32 v2, v1;
	v0 =	vadd.f32 v5, v0;
	v2 =	vld [tilespmem:s16+$0xF560]  }
0x299: {  	v5 =	vunpack.i.u.bf16.f32 v4;
	v4 =	vunpack.i.l.bf16.f32 v4  }
0x29a: {  	v1 =	vadd.f32 v4, v1;
	v0 =	vadd.f32 v5, v0;
	v4 =	vld [tilespmem:s16+$0xF580]  }
0x29b: {  	v5 =	vunpack.i.u.bf16.f32 v3;
	v3 =	vunpack.i.l.bf16.f32 v3  }
0x29c: {  	v1 =	vadd.f32 v3, v1;
	v0 =	vadd.f32 v5, v0;
	v3 =	vld [tilespmem:s16+$0xF5A0]  }
0x29d: {  	v5 =	vunpack.i.u.bf16.f32 v2;
	v2 =	vunpack.i.l.bf16.f32 v2  }
0x29e: {  	v1 =	vadd.f32 v2, v1;
	v0 =	vadd.f32 v5, v0;
	v2 =	vld [tilespmem:s16+$0xF5C0]  }
0x29f: {  	v5 =	vunpack.i.u.bf16.f32 v4;
	v4 =	vunpack.i.l.bf16.f32 v4  }
0x2a0: {  	v1 =	vadd.f32 v4, v1;
	v0 =	vadd.f32 v5, v0;
	v4 =	vld [tilespmem:s16+$0xF5E0]  }
0x2a1: {  	v5 =	vunpack.i.u.bf16.f32 v3;
	v3 =	vunpack.i.l.bf16.f32 v3  }
0x2a2: {  	v1 =	vadd.f32 v3, v1;
	v0 =	vadd.f32 v5, v0  }
0x2a3: {  	v3 =	vunpack.i.u.bf16.f32 v2;
	v2 =	vunpack.i.l.bf16.f32 v2  }
0x2a4: {  	v1 =	vadd.f32 v2, v1;
	v0 =	vadd.f32 v3, v0  }
0x2a5: {  	v2 =	vunpack.i.u.bf16.f32 v4;
	v3 =	vunpack.i.l.bf16.f32 v4  }
0x2a6: {  	v1 =	vadd.f32 v3, v1;
	v0 =	vadd.f32 v2, v0;
	_ =	sdelay $0x1  }
0x2a7: {  	v1 =	vmul.f32 $6.250000000e-02, v1;
	v0 =	vmul.f32 $6.250000000e-02, v0;
	_ =	sdelay $0x1  }
0x2a8: {  	[tilespmem:s15+$0xFFFFFFD0] =	vst v1  }
0x2a9: {  	[tilespmem:s15+$0xFFFFFFE0] =	vst v0  }
0x2aa: {  	v0 =	vld [tilespmem:s16+$0xF410]  }
0x2ab: {  	v1 =	vld [tilespmem:s16+$0xF430]  }
0x2ac: {  	v2 =	vld [tilespmem:s16+$0xF450]  }
0x2ad: {  	v3 =	vld [tilespmem:s16+$0xF470]  }
0x2ae: {  	v4 =	vld [tilespmem:s16+$0xF490]  }
0x2af: {  	v5 =	vunpack.i.u.bf16.f32 v0;
	v0 =	vunpack.i.l.bf16.f32 v0;
	v6 =	vld [tilespmem:s16+$0xF4B0]  }
0x2b0: {  	v7 =	vunpack.i.u.bf16.f32 v1;
	v1 =	vunpack.i.l.bf16.f32 v1;
	v8 =	vld [tilespmem:s16+$0xF4D0]  }
0x2b1: {  	v0 =	vadd.f32 v1, v0;
	v1 =	vadd.f32 v7, v5;
	v5 =	vld [tilespmem:s16+$0xF4F0]  }
0x2b2: {  	v7 =	vunpack.i.u.bf16.f32 v2;
	v2 =	vunpack.i.l.bf16.f32 v2;
	v9 =	vld [tilespmem:s16+$0xF510]  }
0x2b3: {  	v0 =	vadd.f32 v2, v0;
	v1 =	vadd.f32 v7, v1;
	v2 =	vld [tilespmem:s16+$0xF530]  }
0x2b4: {  	v7 =	vunpack.i.u.bf16.f32 v3;
	v3 =	vunpack.i.l.bf16.f32 v3;
	v10 =	vld [tilespmem:s16+$0xF550]  }
0x2b5: {  	v0 =	vadd.f32 v3, v0;
	v1 =	vadd.f32 v7, v1;
	v3 =	vld [tilespmem:s16+$0xF570]  }
0x2b6: {  	v7 =	vunpack.i.u.bf16.f32 v4;
	v4 =	vunpack.i.l.bf16.f32 v4;
	v11 =	vld [tilespmem:s16+$0xF590]  }
0x2b7: {  	v0 =	vadd.f32 v4, v0;
	v1 =	vadd.f32 v7, v1;
	v4 =	vld [tilespmem:s16+$0xF5B0]  }
0x2b8: {  	v7 =	vunpack.i.u.bf16.f32 v6;
	v6 =	vunpack.i.l.bf16.f32 v6;
	v12 =	vld [tilespmem:s16+$0xF5D0]  }
0x2b9: {  	v0 =	vadd.f32 v6, v0;
	v1 =	vadd.f32 v7, v1;
	v6 =	vld [tilespmem:s16+$0xF5F0]  }
0x2ba: {  	v7 =	vunpack.i.u.bf16.f32 v8;
	v8 =	vunpack.i.l.bf16.f32 v8  }
0x2bb: {  	v0 =	vadd.f32 v8, v0;
	v1 =	vadd.f32 v7, v1  }
0x2bc: {  	v7 =	vunpack.i.u.bf16.f32 v5;
	v5 =	vunpack.i.l.bf16.f32 v5  }
0x2bd: {  	v5 =	vadd.f32 v5, v0;
	v1 =	vadd.f32 v7, v1  }
0x2be: {  	v8 =	vunpack.i.l.bf16.f32 v9;
	v7 =	vunpack.i.u.bf16.f32 v9;
	v0 =	vunpack.i.u.bf16.f32 v6  }
0x2bf: {  	v5 =	vadd.f32 v8, v5;
	v7 =	vadd.f32 v7, v1;
	v1 =	vunpack.i.l.bf16.f32 v6  }
0x2c0: {  	v6 =	vunpack.i.u.bf16.f32 v2;
	v2 =	vunpack.i.l.bf16.f32 v2  }
0x2c1: {  	v2 =	vadd.f32 v2, v5;
	v5 =	vadd.f32 v6, v7  }
0x2c2: {  	v6 =	vunpack.i.u.bf16.f32 v10;
	v7 =	vunpack.i.l.bf16.f32 v10  }
0x2c3: {  	v2 =	vadd.f32 v7, v2;
	v5 =	vadd.f32 v6, v5  }
0x2c4: {  	v6 =	vunpack.i.u.bf16.f32 v3;
	v3 =	vunpack.i.l.bf16.f32 v3  }
0x2c5: {  	v2 =	vadd.f32 v3, v2;
	v3 =	vadd.f32 v6, v5  }
0x2c6: {  	v5 =	vunpack.i.u.bf16.f32 v11;
	v6 =	vunpack.i.l.bf16.f32 v11  }
.Ltmp13:
0x2c7: {  	v2 =	vadd.f32 v6, v2;
	v3 =	vadd.f32 v5, v3;
	(pc) =	sbr.rel @p1 .LBB2_28-.Ltmp13, $4  }
0x2c8: {  	v5 =	vunpack.i.u.bf16.f32 v4;
	v4 =	vunpack.i.l.bf16.f32 v4  }
0x2c9: {  	v2 =	vadd.f32 v4, v2;
	v3 =	vadd.f32 v5, v3  }
0x2ca: {  	v4 =	vunpack.i.u.bf16.f32 v12;
	v5 =	vunpack.i.l.bf16.f32 v12  }
0x2cb: {  	v2 =	vadd.f32 v5, v2;
	v3 =	vadd.f32 v4, v3  }
0x2cc: {  	_ = 	snop  }
0x2cd: {  	v1 =	vadd.f32 v1, v2  }
0x2ce: {  	v0 =	vadd.f32 v0, v3  }
0x2cf: {  	v1 =	vmul.f32 $6.250000000e-02, v1  }
0x2d0: {  	v0 =	vmul.f32 $6.250000000e-02, v0  }
0x2d1: {  	s11 =	sshll.u32 s7, $0x9;
	[tilespmem:s10+$0xFFFFFFF0] =	vst v1  }
0x2d2: {  	s22 =	sadd.s32 s29, s11;
	[tilespmem:s10+$0x0] =	vst v0;
	s10 =	sadd.s32 $0x3, s13  }
0x2d3: {  	[hbm4b:s22+s1] =	stream.linear.scatter [tilespmem:s9], [sflag:$0x4], $0x800, $0x38;
	[tilespmem:$0x14400] =	vst v63  }
0x2d4: {  	p1 =	sge.u32 s10, s26  }
0x2d5: {  	s10 =	sshll.u32 @!p1 s10, $0x9  }
0x2d6: {  	s10 =	sand.u32 @!p1 $0x3FFFFE00, s10  }
0x2d7: {  	s13 =	simm.s32 @!p1 $0x80;
	s15 =	simm.s32 @!p1 $0xF400;
	s11 =	sadd.s32 @!p1 $0x2800, s10  }
0x2d8: {  	[tilespmem:s15], [sflag:$0x2] =	stream.indirect.gather @!p1 [hbm4b:s24+s13], $0x20, s11, s13, $0xb8;
	[tilespmem:$0x14400] =	vst v63  }
0x2d9: {  	s11 =	sadd.s32 @!p1 $0x2880, s10;
	s15 =	simm.s32 @!p1 $0x10400  }
0x2da: {  	[tilespmem:s15], [sflag:$0x2] =	stream.indirect.gather @!p1 [hbm4b:s24+s13], $0x20, s11, s13, $0xb8;
	[tilespmem:$0x14400] =	vst v63  }
0x2db: {  	s11 =	sadd.s32 @!p1 $0x2900, s10;
	s15 =	simm.s32 @!p1 $0x11400  }
0x2dc: {  	[tilespmem:s15], [sflag:$0x2] =	stream.indirect.gather @!p1 [hbm4b:s24+s13], $0x20, s11, s13, $0xb8;
	[tilespmem:$0x14400] =	vst v63  }
0x2dd: {  	s7 =	sadd.s32 $0x1, s7;
	s10 =	sadd.s32 @!p1 $0x2980, s10;
	s11 =	simm.s32 @!p1 $0x12400  }
0x2de: {  	[tilespmem:s11], [sflag:$0x2] =	stream.indirect.gather @!p1 [hbm4b:s24+s13], $0x20, s10, s13, $0xb8;
	[tilespmem:$0x14400] =	vst v63  }
0x2df: {  	p1 =	sne.s32 s7, s19  }
.Ltmp14:
0x2e0: {  	_ = 	snop;
	(pc) =	sbr.rel @p1 .LBB2_25-.Ltmp14, $1  }
0x2e1: {  	_ =	sdelay $0x3  }
0x2e2: {  	s7 =	simm.s32 $0x3  }
0x2e3: {  	_ =	swait.ge [sflag:s7], $0x800  }
0x2e4: {  	[sflag:s7] =	ssyncset.done $0x0  }
0x2e5: {  	s10 =	simm.s32 $0x4;
	[sflag:s7] =	ssyncadd.s32 $0xFFFFF800  }
0x2e6: {  	_ =	swait.ge [sflag:s10], $0x800  }
0x2e7: {  	s28 =	sadd.s32 $0x1, s28;
	s22 =	rddreg [dreg:$0x14]  }
0x2e8: {  	p1 =	sne.s32 s28, s22  }
.Ltmp15:
0x2e9: {  	_ = 	snop;
	(pc) =	sbr.rel @p1 .LBB2_1-.Ltmp15, $3  }
0x2ea: {  	_ =	sdelay $0x1  }
0x2eb: {  	[sflag:s10] =	ssyncset.done $0x0  }
0x2ec: {  	[sflag:s10] =	ssyncadd.s32 $0xFFFFF800  }
0x2ed: {  	_ =	sfence.sel $0x180000  }
0x2ee: {  	[bflag:$0x0] =	sbarrier.arrive $0xFFFF  }
0x2ef: {  	_ =	strace $0x90000047  }
0x2f0: {  	s0 =	stileid.u32;
	[bflag:$0x2] =	sbarrier.arrive $0xFFFF  }
0x2f1: {  	p0 =	sne.s32 s0, $0x0;
	s0 =	rddreg [dreg:$0x1]  }
0x2f2: {  	s0 =	sadd.s32 @!p0 $0x100000, s0  }
0x2f3: {  	[sflag:s0] =	ssyncadd.tile.s32 @!p0 $0x1;
	_ =	shalt  }
.Lfunc_end2:
_tile_overlayer_lowered:
.L_overlay_start_2:
0x2f4: {  	(tag) =	ssettag $0x2  }
0x2f5: {  	s0 =	rddreg [dreg:$0x0];
	s2 =	stileid.u32  }
0x2f6: {  	s1 =	rddreg [dreg:$0x1];
	p0 =	sne.s32 s2, $0x0  }
0x2f7: {  	s3 =	rddreg [dreg:$0x2];
	[bflag:$0x3] =	sbarrier.arrive $0xFFFF;
	s2 =	simm.s32 @!p0 $0x1C05  }
0x2f8: {  	[timem:s3], [sflag:s2] =	dma.local @!p0 [hbm:s0], s1  }
0x2f9: {  	s0 =	simm.s32 @!p0 $0x5  }
0x2fa: {  	_ =	swait.ge @!p0 [sflag:s0], s1  }
0x2fb: {  	s1 =	ssub.s32 @!p0 $0x0, s1;
	[sflag:s0] =	ssyncset.done @!p0 $0x0  }
0x2fc: {  	[sflag:s0] =	ssyncadd.s32 @!p0 s1  }
0x2fd: {  	[bflag:$0x3] =	sbarrier.arrive $0xFFFF  }
0x2fe: {  	_ =	shalt  }

</sc_bundles>
